<compile_context>
chip_gen: v7x
topology: tpu7x:2x2x1
jax: 0.10.2.dev20260603
libtpu: 0.0.44.dev20260713+nightly
codegen_flags: <defaults>
</compile_context>

<pallas_src>
import functools

import jax
import jax.numpy as jnp
from jax import lax
from jax.experimental import pallas as pl
from jax.experimental.pallas import tpu as pltpu
from jax.experimental.pallas import tpu_sc as plsc

KNB = 20
NGR = 8
_R = 256
_C = 640
_RP = 128


def _knn_body(lo_ref, nt_ref, xr_ref, rlo_ref, rhi_ref, n2r_ref, xf_ref,
              n2t_ref, idx_ref):
    r = pl.program_id(0)
    xr = xr_ref[...]
    R = xr.shape[0]
    n2r = n2r_ref[...]
    rlo = rlo_ref[...]
    rhi = rhi_ref[...]
    lo = lo_ref[r]
    nt = nt_ref[r]
    INF = jnp.float32(jnp.inf)
    sv0 = jnp.full((R, KNB), INF, jnp.float32)
    si0 = lax.broadcasted_iota(jnp.int32, (R, KNB), 1).astype(jnp.float32)
    W2 = (_C + KNB + KNB) // 2

    def tile(t, S):
        sv, si = S
        j0 = pl.multiple_of(lo + t * _C, 128)
        xc = xf_ref[pl.ds(j0, _C), :]
        n2c = n2t_ref[:, pl.ds(j0, _C)]
        mm = lax.dot_general(xr, xc, (((1,), (1,)), ((), ())),
                             preferred_element_type=jnp.float32)
        d = (n2r + n2c) - 2.0 * mm
        ci = lax.broadcasted_iota(jnp.int32, (R, _C), 1) + j0
        ok = (ci >= rlo) & (ci < rhi)
        d = jnp.where(ok, d, INF)
        cif = ci.astype(jnp.float32)
        V = jnp.concatenate([d, sv, jnp.full((R, KNB), INF, jnp.float32)],
                            axis=1)
        I = jnp.concatenate([cif, si, jnp.full((R, KNB), 3.0e7, jnp.float32)],
                            axis=1)
        A, B = V[:, :W2], V[:, W2:]
        IA, IB = I[:, :W2], I[:, W2:]
        P = A <= B
        M = jnp.where(P, A, B)
        IM = jnp.where(P, IA, IB)
        L = jnp.where(P, B, A)
        IL = jnp.where(P, IB, IA)
        vs, ixs = [], []
        for _ in range(KNB):
            v = jnp.min(M, axis=1, keepdims=True)
            eq = M == v
            ix = jnp.min(jnp.where(eq, IM, 3.0e7), axis=1, keepdims=True)
            kill = IM == ix
            M = jnp.where(kill, L, M)
            IM = jnp.where(kill, IL, IM)
            L = jnp.where(kill, INF, L)
            vs.append(v)
            ixs.append(ix)
        return jnp.concatenate(vs, axis=1), jnp.concatenate(ixs, axis=1)

    _, si = lax.fori_loop(0, nt, tile, (sv0, si0))
    idx_ref[...] = si.astype(jnp.int32)


def _knn_call(x, xrows, rlo, rhi, lo128, nt):
    NP, D = x.shape
    NR = xrows.shape[0]
    G = NR // _R
    n2 = jnp.sum(x * x, axis=1)
    n2r = jnp.sum(xrows * xrows, axis=1)[:, None]
    n2t = n2[None, :]
    grid_spec = pltpu.PrefetchScalarGridSpec(
        num_scalar_prefetch=2,
        grid=(G,),
        in_specs=[
            pl.BlockSpec((_R, D), lambda r, lo_, nt_: (r, 0)),
            pl.BlockSpec((_R, 1), lambda r, lo_, nt_: (r, 0)),
            pl.BlockSpec((_R, 1), lambda r, lo_, nt_: (r, 0)),
            pl.BlockSpec((_R, 1), lambda r, lo_, nt_: (r, 0)),
            pl.BlockSpec((NP, D), lambda r, lo_, nt_: (0, 0)),
            pl.BlockSpec((1, NP), lambda r, lo_, nt_: (0, 0)),
        ],
        out_specs=[
            pl.BlockSpec((_R, KNB), lambda r, lo_, nt_: (r, 0)),
        ],
    )
    return pl.pallas_call(
        _knn_body,
        grid_spec=grid_spec,
        out_shape=[
            jax.ShapeDtypeStruct((NR, KNB), jnp.int32),
        ],
    )(lo128, nt, xrows, rlo, rhi, n2r, x, n2t)[0]


def _sc_gather(tab, idx_flat):
    (E,) = idx_flat.shape
    _, D = tab.shape
    NW = 32
    epw = E // NW
    CH = 128
    nch = epw // CH
    mesh = plsc.VectorSubcoreMesh(core_axis_name="c", subcore_axis_name="s")

    NBUF = 6 if D <= 64 else 5
    while nch % NBUF:
        NBUF -= 1
    ngrp = nch // NBUF

    @functools.partial(
        pl.kernel,
        out_type=jax.ShapeDtypeStruct((E, D), jnp.float32),
        mesh=mesh,
        scratch_types=[
            pltpu.VMEM((epw,), jnp.int32),
            pltpu.VMEM((NBUF, CH, D), jnp.float32),
            pltpu.SemaphoreType.DMA,
        ],
    )
    def gk(idx_hbm, tab_hbm, out_hbm, idx_v, rows_v, sem):
        wid = lax.axis_index("s") * 2 + lax.axis_index("c")
        base = wid * epw
        pltpu.sync_copy(idx_hbm.at[pl.ds(base, epw)], idx_v)

        def body(g, carry):
            ch0 = g * NBUF
            copies = [
                pltpu.async_copy(
                    tab_hbm.at[idx_v.at[pl.ds((ch0 + b) * CH, CH)]],
                    rows_v.at[b], sem)
                for b in range(NBUF)
            ]
            for b in range(NBUF):
                copies[b].wait()
            for b in range(NBUF):
                pltpu.sync_copy(rows_v.at[b],
                                out_hbm.at[pl.ds(base + (ch0 + b) * CH, CH)])
            return carry

        lax.fori_loop(0, ngrp, body, 0)

    return gk(idx_flat, tab)


def _edge1_body(e_ref, xi_ref, w1_ref, b1_ref, w2_ref, b2_ref, w3a_ref,
                b3_ref, w3u_ref, x1_ref, c2_ref, y2_ref):
    xi = xi_ref[...]
    RP = xi.shape[0]
    feats = []
    for k in range(KNB):
        xj = e_ref[k][:, :3]
        feats.append(jnp.concatenate([xi, xj - xi], axis=1))
    F = jnp.concatenate(feats, axis=0)
    H1 = jnp.maximum(
        jnp.dot(F, w1_ref[...], preferred_element_type=jnp.float32)
        + b1_ref[...], 0.0)
    H = jnp.dot(H1, w2_ref[...], preferred_element_type=jnp.float32)
    m = H[0:RP]
    for k in range(1, KNB):
        m = jnp.maximum(m, H[k * RP:(k + 1) * RP])
    x1 = m + b2_ref[...]
    x1_ref[...] = x1
    c2_ref[...] = (jnp.dot(x1, w3a_ref[...], preferred_element_type=jnp.float32)
                   + b3_ref[...])
    y2_ref[...] = jnp.dot(x1, w3u_ref[...], preferred_element_type=jnp.float32)


def _final_body(g2_ref, c_ref, x1_ref, br_ref, wla_ref, wlb_ref, bl_ref, out_ref):
    p = pl.program_id(0)
    m = g2_ref[0]
    for k in range(1, KNB):
        m = jnp.maximum(m, g2_ref[k])
    x2 = c_ref[...] + m
    h = (jnp.dot(x1_ref[...], wla_ref[...], preferred_element_type=jnp.float32)
         + jnp.dot(x2, wlb_ref[...], preferred_element_type=jnp.float32)
         + bl_ref[...])
    NINF = jnp.float32(-jnp.inf)

    @pl.when(p == 0)
    def _():
        out_ref[...] = jnp.full(out_ref.shape, NINF, jnp.float32)

    b = br_ref[...]
    rows = [jnp.max(jnp.where(b == g, h, NINF), axis=0, keepdims=True)
            for g in range(NGR)]
    out_ref[...] = jnp.maximum(out_ref[...], jnp.concatenate(rows, axis=0))


def _edge1_call(e1_h, pos_h, W1, b1, W2, b2, W3a, b3, W3u):
    NH = pos_h.shape[0]
    return pl.pallas_call(
        _edge1_body,
        grid=(NH // _RP,),
        in_specs=[
            pl.BlockSpec((KNB, _RP, 128), lambda p: (0, p, 0)),
            pl.BlockSpec((_RP, 3), lambda p: (p, 0)),
            pl.BlockSpec((6, 64), lambda p: (0, 0)),
            pl.BlockSpec((1, 64), lambda p: (0, 0)),
            pl.BlockSpec((64, 64), lambda p: (0, 0)),
            pl.BlockSpec((1, 64), lambda p: (0, 0)),
            pl.BlockSpec((64, 128), lambda p: (0, 0)),
            pl.BlockSpec((1, 128), lambda p: (0, 0)),
            pl.BlockSpec((64, 128), lambda p: (0, 0)),
        ],
        out_specs=[
            pl.BlockSpec((_RP, 64), lambda p: (p, 0)),
            pl.BlockSpec((_RP, 128), lambda p: (p, 0)),
            pl.BlockSpec((_RP, 128), lambda p: (p, 0)),
        ],
        out_shape=[
            jax.ShapeDtypeStruct((NH, 64), jnp.float32),
            jax.ShapeDtypeStruct((NH, 128), jnp.float32),
            jax.ShapeDtypeStruct((NH, 128), jnp.float32),
        ],
    )(e1_h.reshape(KNB, NH, 128), pos_h, W1, b1[None, :], W2, b2[None, :],
      W3a, b3[None, :], W3u)


def _final_call(g2_h, c2_h, x1_h, batch_h, Wl, bl):
    NH = x1_h.shape[0]
    return pl.pallas_call(
        _final_body,
        grid=(NH // _RP,),
        in_specs=[
            pl.BlockSpec((KNB, _RP, 128), lambda p: (0, p, 0)),
            pl.BlockSpec((_RP, 128), lambda p: (p, 0)),
            pl.BlockSpec((_RP, 64), lambda p: (p, 0)),
            pl.BlockSpec((_RP, 1), lambda p: (p, 0)),
            pl.BlockSpec((64, 128), lambda p: (0, 0)),
            pl.BlockSpec((128, 128), lambda p: (0, 0)),
            pl.BlockSpec((1, 128), lambda p: (0, 0)),
        ],
        out_specs=pl.BlockSpec((NGR, 128), lambda p: (0, 0)),
        out_shape=jax.ShapeDtypeStruct((NGR, 128), jnp.float32),
    )(g2_h.reshape(KNB, NH, 128), c2_h, x1_h, batch_h[:, None], Wl[:64],
      Wl[64:], bl[None, :])


def kernel(pos, batch, W1, b1, W2, b2, W3, b3, Wl, bl, train=0):
    N = pos.shape[0]
    NS = 2
    H = N // NS
    batch = batch.astype(jnp.int32)
    starts = jnp.searchsorted(
        batch, jnp.arange(NGR + 1, dtype=jnp.int32), side="left").astype(jnp.int32)
    rlo = starts[batch][:, None]
    rhi = starts[batch + 1][:, None]
    lo_blk = starts[batch[::_R]]
    hi_blk = starts[batch[_R - 1::_R] + 1]
    lo128 = (lo_blk // 128) * 128
    nt = (hi_blk - lo128 + _C - 1) // _C
    GH = (N // _R) // NS

    def hsl(a, h):
        return a[h * H:(h + 1) * H]


    W1a = W1[:3] - W1[3:]
    W3a = W3[:64] - W3[64:]
    W3u = W3[64:]
    xpad1 = jnp.concatenate([pos, jnp.zeros((_C, 3), pos.dtype)], axis=0)
    pos_pad = jnp.concatenate([pos, jnp.zeros((N, 125), pos.dtype)], axis=1)

    idx1 = [_knn_call(xpad1, hsl(pos, h), hsl(rlo, h), hsl(rhi, h),
                      lo128[h * GH:(h + 1) * GH], nt[h * GH:(h + 1) * GH])
            for h in range(NS)]
    e1 = [_sc_gather(pos_pad, idx1[h].T.reshape(-1)) for h in range(NS)]
    ed = [_edge1_call(e1[h], hsl(pos, h), W1, b1, W2, b2, W3a, b3, W3u)
          for h in range(NS)]
    x1 = jnp.concatenate([ed[h][0] for h in range(NS)], axis=0)
    y2 = jnp.concatenate([ed[h][2] for h in range(NS)], axis=0)

    xpad2 = jnp.concatenate([x1, jnp.zeros((_C, 64), x1.dtype)], axis=0)
    idx2 = [_knn_call(xpad2, hsl(x1, h), hsl(rlo, h), hsl(rhi, h),
                      lo128[h * GH:(h + 1) * GH], nt[h * GH:(h + 1) * GH])
            for h in range(NS)]
    g2 = [_sc_gather(y2, idx2[h].T.reshape(-1)) for h in range(NS)]

    outs = [_final_call(g2[h], ed[h][1], ed[h][0], hsl(batch, h), Wl, bl)
            for h in range(NS)]
    out = outs[0]
    for h in range(1, NS):
        out = jnp.maximum(out, outs[h])
    return out

# --- scband reference (transcript-rebuilt; emitter-appended) ---
"""Pipeline reference for scband-sim-clrpoint-cloud-47528108098109 (READ-ONLY COPY).

The authoritative reference and input builder live on the scoring server;
editing this copy changes nothing except your own understanding.
"""

import jax, jax.numpy as jnp
import numpy as np

K = 20
NUM_GRAPHS = 8


def _mlp2(x, W1, b1, W2, b2):
    # PyG MLP([6,64,64]) with plain_last=True: Linear->ReLU, Linear (norm omitted)
    h = jnp.maximum(x @ W1 + b1, 0.0)
    return h @ W2 + b2


def setup_inputs(seed: int = 0) -> dict:
    key = jax.random.key(seed)
    ks = jax.random.split(key, 12)
    N = 8192
    pos = jax.random.normal(ks[0], (N, 3), dtype=jnp.float32)
    batch = jnp.sort(jax.random.randint(ks[1], (N,), 0, NUM_GRAPHS)).astype(jnp.int32)

    def lin_init(k_, fan_in, fan_out):
        s = 1.0 / np.sqrt(fan_in)
        return jax.random.uniform(k_, (fan_in, fan_out), jnp.float32, -s, s)

    # conv1: MLP([2*3, 64, 64])
    W1 = lin_init(ks[2], 6, 64)
    b1 = jnp.zeros((64,), jnp.float32)
    W2 = lin_init(ks[3], 64, 64)
    b2 = jnp.zeros((64,), jnp.float32)
    # conv2: MLP([2*64, 128]) -> single plain linear
    W3 = lin_init(ks[4], 128, 128)
    b3 = jnp.zeros((128,), jnp.float32)
    # lin: Linear(128+64, 128)
    Wl = lin_init(ks[5], 192, 128)
    bl = jnp.zeros((128,), jnp.float32)
    return {"pos": pos, "batch": batch, "W1": W1, "b1": b1, "W2": W2, "b2": b2,
            "W3": W3, "b3": b3, "Wl": Wl, "bl": bl, "train": 0}


def reference(pos, batch, W1, b1, W2, b2, W3, b3, Wl, bl, train=0):
    # eval path of SimCLRPointCloud.forward (train=False):
    # x1 = DynamicEdgeConv(MLP([6,64,64]), k=20, 'max')(pos, batch)
    # x2 = DynamicEdgeConv(MLP([128,128]), k=20, 'max')(x1, batch)
    # h  = Linear(192,128)(cat[x1,x2]); return global_max_pool(h, batch)
    same_graph = batch[:, None] == batch[None, :]

    def knn_idx(x):
        n2 = jnp.sum(x * x, axis=1)
        d = n2[:, None] + n2[None, :] - 2.0 * (x @ x.T)
        d = jnp.where(same_graph, d, jnp.inf)
        _, idx = jax.lax.top_k(-d, K)  # includes self (distance 0), as PyG knn(x, x)
        return idx

    def edge_conv(x, f):
        idx = knn_idx(x)               # [N, K] gather indices (SparseCore gather)
        xj = x[idx]                    # [N, K, d]
        xi = jnp.broadcast_to(x[:, None, :], xj.shape)
        feat = jnp.concatenate([xi, xj - xi], axis=-1)
        return jnp.max(f(feat), axis=1)  # 'max' aggregation over neighbors

    x1 = edge_conv(pos, lambda t: _mlp2(t, W1, b1, W2, b2))
    x2 = edge_conv(x1, lambda t: t @ W3 + b3)
    h_points = jnp.concatenate([x1, x2], axis=1) @ Wl + bl
    out = jax.ops.segment_max(h_points, batch, num_segments=NUM_GRAPHS)
    return out

if __name__ == "__main__":
    import jax
    _d = setup_inputs()
    print(jax.jit(kernel)(*tuple(_d.values())))

</pallas_src>

<mosaic_0001>
#map = affine_map<(d0, d1) -> (0)>
#map1 = affine_map<(d0, d1) -> (0, 0)>
module attributes {stable_mosaic.version = 14 : i64} {
  func.func @gk(%arg0: i32, %arg1: i32, %arg2: memref<81920xi32, #tpu.memory_space<hbm>>, %arg3: memref<8192x128xf32, #tpu.memory_space<hbm>>, %arg4: memref<81920x128xf32, #tpu.memory_space<hbm>>, %arg5: memref<2560xi32, #tpu.memory_space<vmem>>, %arg6: memref<5x128x128xf32, #tpu.memory_space<vmem>>, %arg7: memref<!tpu.dma_semaphore, #tpu.memory_space<semaphore_mem>>) attributes {dimension_semantics = [#tpu.dimension_semantics<core_parallel>, #tpu.dimension_semantics<subcore_parallel>], iteration_bounds = array<i64: 2, 16>, scalar_prefetch = 0 : i64, scratch_operands = 3 : i64, tpu.core_type = #tpu.core_type<sc_vector_subcore>, window_params = [{transform_indices = #map}, {transform_indices = #map1}, {transform_indices = #map1}]} {
    %mul3A = arith.constant 2 : i32
    %mul3A_0 = arith.muli %arg1, %mul3A : i32
    %add3A = arith.addi %mul3A_0, %arg0 : i32
    %mul3A_1 = arith.constant 2560 : i32
    %mul3A_2 = arith.muli %add3A, %mul3A_1 : i32
    "tpu.region"() ({
      %run_scoped3A = tpu.sem_alloc : memref<!tpu.dma_semaphore, #tpu.memory_space<semaphore_mem>>
      %dma_start3A = tpu.memref_slice %arg2[%mul3A_2] : memref<81920xi32, #tpu.memory_space<hbm>> -> memref<2560xi32, #tpu.memory_space<hbm>>
      %dma_start3A_8 = tpu.memref_slice %arg2[%mul3A_2] : memref<81920xi32, #tpu.memory_space<hbm>> -> memref<2560xi32, #tpu.memory_space<hbm>>
      tpu.enqueue_dma source(%dma_start3A_8 : memref<2560xi32, #tpu.memory_space<hbm>>) target(%arg5 : memref<2560xi32, #tpu.memory_space<vmem>>) target_semaphore(%run_scoped3A : memref<!tpu.dma_semaphore, #tpu.memory_space<semaphore_mem>>)
      %dma_wait3A = tpu.memref_slice %arg2[%mul3A_2] : memref<81920xi32, #tpu.memory_space<hbm>> -> memref<2560xi32, #tpu.memory_space<hbm>>
      %dma_wait3A_9 = tpu.memref_slice %arg2[%mul3A_2] : memref<81920xi32, #tpu.memory_space<hbm>> -> memref<2560xi32, #tpu.memory_space<hbm>>
      tpu.wait_dma2 semaphore(%run_scoped3A : memref<!tpu.dma_semaphore, #tpu.memory_space<semaphore_mem>>) src(%dma_wait3A_9 : memref<2560xi32, #tpu.memory_space<hbm>>) dst(%arg5 : memref<2560xi32, #tpu.memory_space<vmem>>)
      tpu.yield
    }) : () -> ()
    %scan3A = arith.constant 0 : i32
    %scan3A_3 = arith.constant 0 : i32
    %scan3A_4 = arith.constant 4 : i32
    %scan3A_5 = arith.addi %scan3A_3, %scan3A_4 : i32
    %scan3A_6 = arith.constant 1 : i32
    scf.for %scan3A_8 = %scan3A_3 to %scan3A_5 step %scan3A_6  : i32 {
      %mul3A_9 = arith.constant 5 : i32
      %mul3A_10 = arith.muli %scan3A_8, %mul3A_9 : i32
      %add3A_11 = arith.constant 0 : i32
      %add3A_12 = arith.addi %mul3A_10, %add3A_11 : i32
      %mul3A_13 = arith.constant 128 : i32
      %mul3A_14 = arith.muli %add3A_12, %mul3A_13 : i32
      %dma_start3A = arith.constant 0 : i32
      %dma_start3A_15 = arith.constant 0 : i32
      %dma_start3A_16 = arith.constant 0 : i32
      %dma_start3A_17 = tpu.memref_slice %arg6[%dma_start3A, %dma_start3A_15, %dma_start3A_16] : memref<5x128x128xf32, #tpu.memory_space<vmem>> -> memref<1x128x128xf32, #tpu.memory_space<vmem>>
      %dma_start3A_18 = tpu.memref_squeeze %dma_start3A_17 : memref<1x128x128xf32, #tpu.memory_space<vmem>> -> memref<128x128xf32, #tpu.memory_space<vmem>>
      %dma_start3A_19 = tpu.memref_slice %arg5[%mul3A_14] : memref<2560xi32, #tpu.memory_space<vmem>> -> memref<128xi32, #tpu.memory_space<vmem>>
      %dma_start3A_20 = arith.constant 0 : i32
      %dma_start3A_21 = arith.constant 0 : i32
      %dma_start3A_22 = tpu.memref_slice %arg3[%dma_start3A_20, %dma_start3A_21] : memref<8192x128xf32, #tpu.memory_space<hbm>> -> memref<8192x128xf32, #tpu.memory_space<hbm>>
      tpu.enqueue_indirect_dma source(%dma_start3A_22 : memref<8192x128xf32, #tpu.memory_space<hbm>>) target(%dma_start3A_18 : memref<128x128xf32, #tpu.memory_space<vmem>>) offsets(%dma_start3A_19 : memref<128xi32, #tpu.memory_space<vmem>>) semaphore(%arg7 : memref<!tpu.dma_semaphore, #tpu.memory_space<semaphore_mem>>)
      %add3A_23 = arith.constant 1 : i32
      %add3A_24 = arith.addi %mul3A_10, %add3A_23 : i32
      %mul3A_25 = arith.constant 128 : i32
      %mul3A_26 = arith.muli %add3A_24, %mul3A_25 : i32
      %dma_start3A_27 = arith.constant 1 : i32
      %dma_start3A_28 = arith.constant 0 : i32
      %dma_start3A_29 = arith.constant 0 : i32
      %dma_start3A_30 = tpu.memref_slice %arg6[%dma_start3A_27, %dma_start3A_28, %dma_start3A_29] : memref<5x128x128xf32, #tpu.memory_space<vmem>> -> memref<1x128x128xf32, #tpu.memory_space<vmem>>
      %dma_start3A_31 = tpu.memref_squeeze %dma_start3A_30 : memref<1x128x128xf32, #tpu.memory_space<vmem>> -> memref<128x128xf32, #tpu.memory_space<vmem>>
      %dma_start3A_32 = tpu.memref_slice %arg5[%mul3A_26] : memref<2560xi32, #tpu.memory_space<vmem>> -> memref<128xi32, #tpu.memory_space<vmem>>
      %dma_start3A_33 = arith.constant 0 : i32
      %dma_start3A_34 = arith.constant 0 : i32
      %dma_start3A_35 = tpu.memref_slice %arg3[%dma_start3A_33, %dma_start3A_34] : memref<8192x128xf32, #tpu.memory_space<hbm>> -> memref<8192x128xf32, #tpu.memory_space<hbm>>
      tpu.enqueue_indirect_dma source(%dma_start3A_35 : memref<8192x128xf32, #tpu.memory_space<hbm>>) target(%dma_start3A_31 : memref<128x128xf32, #tpu.memory_space<vmem>>) offsets(%dma_start3A_32 : memref<128xi32, #tpu.memory_space<vmem>>) semaphore(%arg7 : memref<!tpu.dma_semaphore, #tpu.memory_space<semaphore_mem>>)
      %add3A_36 = arith.constant 2 : i32
      %add3A_37 = arith.addi %mul3A_10, %add3A_36 : i32
      %mul3A_38 = arith.constant 128 : i32
      %mul3A_39 = arith.muli %add3A_37, %mul3A_38 : i32
      %dma_start3A_40 = arith.constant 2 : i32
      %dma_start3A_41 = arith.constant 0 : i32
      %dma_start3A_42 = arith.constant 0 : i32
      %dma_start3A_43 = tpu.memref_slice %arg6[%dma_start3A_40, %dma_start3A_41, %dma_start3A_42] : memref<5x128x128xf32, #tpu.memory_space<vmem>> -> memref<1x128x128xf32, #tpu.memory_space<vmem>>
      %dma_start3A_44 = tpu.memref_squeeze %dma_start3A_43 : memref<1x128x128xf32, #tpu.memory_space<vmem>> -> memref<128x128xf32, #tpu.memory_space<vmem>>
      %dma_start3A_45 = tpu.memref_slice %arg5[%mul3A_39] : memref<2560xi32, #tpu.memory_space<vmem>> -> memref<128xi32, #tpu.memory_space<vmem>>
      %dma_start3A_46 = arith.constant 0 : i32
      %dma_start3A_47 = arith.constant 0 : i32
      %dma_start3A_48 = tpu.memref_slice %arg3[%dma_start3A_46, %dma_start3A_47] : memref<8192x128xf32, #tpu.memory_space<hbm>> -> memref<8192x128xf32, #tpu.memory_space<hbm>>
      tpu.enqueue_indirect_dma source(%dma_start3A_48 : memref<8192x128xf32, #tpu.memory_space<hbm>>) target(%dma_start3A_44 : memref<128x128xf32, #tpu.memory_space<vmem>>) offsets(%dma_start3A_45 : memref<128xi32, #tpu.memory_space<vmem>>) semaphore(%arg7 : memref<!tpu.dma_semaphore, #tpu.memory_space<semaphore_mem>>)
      %add3A_49 = arith.constant 3 : i32
      %add3A_50 = arith.addi %mul3A_10, %add3A_49 : i32
      %mul3A_51 = arith.constant 128 : i32
      %mul3A_52 = arith.muli %add3A_50, %mul3A_51 : i32
      %dma_start3A_53 = arith.constant 3 : i32
      %dma_start3A_54 = arith.constant 0 : i32
      %dma_start3A_55 = arith.constant 0 : i32
      %dma_start3A_56 = tpu.memref_slice %arg6[%dma_start3A_53, %dma_start3A_54, %dma_start3A_55] : memref<5x128x128xf32, #tpu.memory_space<vmem>> -> memref<1x128x128xf32, #tpu.memory_space<vmem>>
      %dma_start3A_57 = tpu.memref_squeeze %dma_start3A_56 : memref<1x128x128xf32, #tpu.memory_space<vmem>> -> memref<128x128xf32, #tpu.memory_space<vmem>>
      %dma_start3A_58 = tpu.memref_slice %arg5[%mul3A_52] : memref<2560xi32, #tpu.memory_space<vmem>> -> memref<128xi32, #tpu.memory_space<vmem>>
      %dma_start3A_59 = arith.constant 0 : i32
      %dma_start3A_60 = arith.constant 0 : i32
      %dma_start3A_61 = tpu.memref_slice %arg3[%dma_start3A_59, %dma_start3A_60] : memref<8192x128xf32, #tpu.memory_space<hbm>> -> memref<8192x128xf32, #tpu.memory_space<hbm>>
      tpu.enqueue_indirect_dma source(%dma_start3A_61 : memref<8192x128xf32, #tpu.memory_space<hbm>>) target(%dma_start3A_57 : memref<128x128xf32, #tpu.memory_space<vmem>>) offsets(%dma_start3A_58 : memref<128xi32, #tpu.memory_space<vmem>>) semaphore(%arg7 : memref<!tpu.dma_semaphore, #tpu.memory_space<semaphore_mem>>)
      %add3A_62 = arith.constant 4 : i32
      %add3A_63 = arith.addi %mul3A_10, %add3A_62 : i32
      %mul3A_64 = arith.constant 128 : i32
      %mul3A_65 = arith.muli %add3A_63, %mul3A_64 : i32
      %dma_start3A_66 = arith.constant 4 : i32
      %dma_start3A_67 = arith.constant 0 : i32
      %dma_start3A_68 = arith.constant 0 : i32
      %dma_start3A_69 = tpu.memref_slice %arg6[%dma_start3A_66, %dma_start3A_67, %dma_start3A_68] : memref<5x128x128xf32, #tpu.memory_space<vmem>> -> memref<1x128x128xf32, #tpu.memory_space<vmem>>
      %dma_start3A_70 = tpu.memref_squeeze %dma_start3A_69 : memref<1x128x128xf32, #tpu.memory_space<vmem>> -> memref<128x128xf32, #tpu.memory_space<vmem>>
      %dma_start3A_71 = tpu.memref_slice %arg5[%mul3A_65] : memref<2560xi32, #tpu.memory_space<vmem>> -> memref<128xi32, #tpu.memory_space<vmem>>
      %dma_start3A_72 = arith.constant 0 : i32
      %dma_start3A_73 = arith.constant 0 : i32
      %dma_start3A_74 = tpu.memref_slice %arg3[%dma_start3A_72, %dma_start3A_73] : memref<8192x128xf32, #tpu.memory_space<hbm>> -> memref<8192x128xf32, #tpu.memory_space<hbm>>
      tpu.enqueue_indirect_dma source(%dma_start3A_74 : memref<8192x128xf32, #tpu.memory_space<hbm>>) target(%dma_start3A_70 : memref<128x128xf32, #tpu.memory_space<vmem>>) offsets(%dma_start3A_71 : memref<128xi32, #tpu.memory_space<vmem>>) semaphore(%arg7 : memref<!tpu.dma_semaphore, #tpu.memory_space<semaphore_mem>>)
      %dma_wait3A = arith.constant 0 : i32
      %dma_wait3A_75 = arith.constant 0 : i32
      %dma_wait3A_76 = arith.constant 0 : i32
      %dma_wait3A_77 = tpu.memref_slice %arg6[%dma_wait3A, %dma_wait3A_75, %dma_wait3A_76] : memref<5x128x128xf32, #tpu.memory_space<vmem>> -> memref<1x128x128xf32, #tpu.memory_space<vmem>>
      %dma_wait3A_78 = tpu.memref_squeeze %dma_wait3A_77 : memref<1x128x128xf32, #tpu.memory_space<vmem>> -> memref<128x128xf32, #tpu.memory_space<vmem>>
      %dma_wait3A_79 = tpu.memref_slice %arg5[%mul3A_14] : memref<2560xi32, #tpu.memory_space<vmem>> -> memref<128xi32, #tpu.memory_space<vmem>>
      %dma_wait3A_80 = arith.constant 0 : i32
      %dma_wait3A_81 = arith.constant 0 : i32
      %dma_wait3A_82 = tpu.memref_slice %arg3[%dma_wait3A_80, %dma_wait3A_81] : memref<8192x128xf32, #tpu.memory_space<hbm>> -> memref<8192x128xf32, #tpu.memory_space<hbm>>
      tpu.wait_indirect_dma semaphore(%arg7 : memref<!tpu.dma_semaphore, #tpu.memory_space<semaphore_mem>>) src(%dma_wait3A_82 : memref<8192x128xf32, #tpu.memory_space<hbm>>) dst(%dma_wait3A_78 : memref<128x128xf32, #tpu.memory_space<vmem>>)
      %dma_wait3A_83 = arith.constant 1 : i32
      %dma_wait3A_84 = arith.constant 0 : i32
      %dma_wait3A_85 = arith.constant 0 : i32
      %dma_wait3A_86 = tpu.memref_slice %arg6[%dma_wait3A_83, %dma_wait3A_84, %dma_wait3A_85] : memref<5x128x128xf32, #tpu.memory_space<vmem>> -> memref<1x128x128xf32, #tpu.memory_space<vmem>>
      %dma_wait3A_87 = tpu.memref_squeeze %dma_wait3A_86 : memref<1x128x128xf32, #tpu.memory_space<vmem>> -> memref<128x128xf32, #tpu.memory_space<vmem>>
      %dma_wait3A_88 = tpu.memref_slice %arg5[%mul3A_26] : memref<2560xi32, #tpu.memory_space<vmem>> -> memref<128xi32, #tpu.memory_space<vmem>>
      %dma_wait3A_89 = arith.constant 0 : i32
      %dma_wait3A_90 = arith.constant 0 : i32
      %dma_wait3A_91 = tpu.memref_slice %arg3[%dma_wait3A_89, %dma_wait3A_90] : memref<8192x128xf32, #tpu.memory_space<hbm>> -> memref<8192x128xf32, #tpu.memory_space<hbm>>
      tpu.wait_indirect_dma semaphore(%arg7 : memref<!tpu.dma_semaphore, #tpu.memory_space<semaphore_mem>>) src(%dma_wait3A_91 : memref<8192x128xf32, #tpu.memory_space<hbm>>) dst(%dma_wait3A_87 : memref<128x128xf32, #tpu.memory_space<vmem>>)
      %dma_wait3A_92 = arith.constant 2 : i32
      %dma_wait3A_93 = arith.constant 0 : i32
      %dma_wait3A_94 = arith.constant 0 : i32
      %dma_wait3A_95 = tpu.memref_slice %arg6[%dma_wait3A_92, %dma_wait3A_93, %dma_wait3A_94] : memref<5x128x128xf32, #tpu.memory_space<vmem>> -> memref<1x128x128xf32, #tpu.memory_space<vmem>>
      %dma_wait3A_96 = tpu.memref_squeeze %dma_wait3A_95 : memref<1x128x128xf32, #tpu.memory_space<vmem>> -> memref<128x128xf32, #tpu.memory_space<vmem>>
      %dma_wait3A_97 = tpu.memref_slice %arg5[%mul3A_39] : memref<2560xi32, #tpu.memory_space<vmem>> -> memref<128xi32, #tpu.memory_space<vmem>>
      %dma_wait3A_98 = arith.constant 0 : i32
      %dma_wait3A_99 = arith.constant 0 : i32
      %dma_wait3A_100 = tpu.memref_slice %arg3[%dma_wait3A_98, %dma_wait3A_99] : memref<8192x128xf32, #tpu.memory_space<hbm>> -> memref<8192x128xf32, #tpu.memory_space<hbm>>
      tpu.wait_indirect_dma semaphore(%arg7 : memref<!tpu.dma_semaphore, #tpu.memory_space<semaphore_mem>>) src(%dma_wait3A_100 : memref<8192x128xf32, #tpu.memory_space<hbm>>) dst(%dma_wait3A_96 : memref<128x128xf32, #tpu.memory_space<vmem>>)
      %dma_wait3A_101 = arith.constant 3 : i32
      %dma_wait3A_102 = arith.constant 0 : i32
      %dma_wait3A_103 = arith.constant 0 : i32
      %dma_wait3A_104 = tpu.memref_slice %arg6[%dma_wait3A_101, %dma_wait3A_102, %dma_wait3A_103] : memref<5x128x128xf32, #tpu.memory_space<vmem>> -> memref<1x128x128xf32, #tpu.memory_space<vmem>>
      %dma_wait3A_105 = tpu.memref_squeeze %dma_wait3A_104 : memref<1x128x128xf32, #tpu.memory_space<vmem>> -> memref<128x128xf32, #tpu.memory_space<vmem>>
      %dma_wait3A_106 = tpu.memref_slice %arg5[%mul3A_52] : memref<2560xi32, #tpu.memory_space<vmem>> -> memref<128xi32, #tpu.memory_space<vmem>>
      %dma_wait3A_107 = arith.constant 0 : i32
      %dma_wait3A_108 = arith.constant 0 : i32
      %dma_wait3A_109 = tpu.memref_slice %arg3[%dma_wait3A_107, %dma_wait3A_108] : memref<8192x128xf32, #tpu.memory_space<hbm>> -> memref<8192x128xf32, #tpu.memory_space<hbm>>
      tpu.wait_indirect_dma semaphore(%arg7 : memref<!tpu.dma_semaphore, #tpu.memory_space<semaphore_mem>>) src(%dma_wait3A_109 : memref<8192x128xf32, #tpu.memory_space<hbm>>) dst(%dma_wait3A_105 : memref<128x128xf32, #tpu.memory_space<vmem>>)
      %dma_wait3A_110 = arith.constant 4 : i32
      %dma_wait3A_111 = arith.constant 0 : i32
      %dma_wait3A_112 = arith.constant 0 : i32
      %dma_wait3A_113 = tpu.memref_slice %arg6[%dma_wait3A_110, %dma_wait3A_111, %dma_wait3A_112] : memref<5x128x128xf32, #tpu.memory_space<vmem>> -> memref<1x128x128xf32, #tpu.memory_space<vmem>>
      %dma_wait3A_114 = tpu.memref_squeeze %dma_wait3A_113 : memref<1x128x128xf32, #tpu.memory_space<vmem>> -> memref<128x128xf32, #tpu.memory_space<vmem>>
      %dma_wait3A_115 = tpu.memref_slice %arg5[%mul3A_65] : memref<2560xi32, #tpu.memory_space<vmem>> -> memref<128xi32, #tpu.memory_space<vmem>>
      %dma_wait3A_116 = arith.constant 0 : i32
      %dma_wait3A_117 = arith.constant 0 : i32
      %dma_wait3A_118 = tpu.memref_slice %arg3[%dma_wait3A_116, %dma_wait3A_117] : memref<8192x128xf32, #tpu.memory_space<hbm>> -> memref<8192x128xf32, #tpu.memory_space<hbm>>
      tpu.wait_indirect_dma semaphore(%arg7 : memref<!tpu.dma_semaphore, #tpu.memory_space<semaphore_mem>>) src(%dma_wait3A_118 : memref<8192x128xf32, #tpu.memory_space<hbm>>) dst(%dma_wait3A_114 : memref<128x128xf32, #tpu.memory_space<vmem>>)
      %add3A_119 = arith.constant 0 : i32
      %add3A_120 = arith.addi %mul3A_10, %add3A_119 : i32
      %mul3A_121 = arith.constant 128 : i32
      %mul3A_122 = arith.muli %add3A_120, %mul3A_121 : i32
      %add3A_123 = arith.addi %mul3A_2, %mul3A_122 : i32
      %run_scoped3A = arith.constant 0 : i32
      "tpu.region"() ({
        %run_scoped3A_148 = tpu.sem_alloc : memref<!tpu.dma_semaphore, #tpu.memory_space<semaphore_mem>>
        %dma_start3A_149 = arith.constant 0 : i32
        %dma_start3A_150 = arith.constant 0 : i32
        %dma_start3A_151 = tpu.memref_slice %arg6[%run_scoped3A, %dma_start3A_149, %dma_start3A_150] : memref<5x128x128xf32, #tpu.memory_space<vmem>> -> memref<1x128x128xf32, #tpu.memory_space<vmem>>
        %dma_start3A_152 = tpu.memref_squeeze %dma_start3A_151 : memref<1x128x128xf32, #tpu.memory_space<vmem>> -> memref<128x128xf32, #tpu.memory_space<vmem>>
        %dma_start3A_153 = arith.constant 0 : i32
        %dma_start3A_154 = tpu.memref_slice %arg4[%add3A_123, %dma_start3A_153] : memref<81920x128xf32, #tpu.memory_space<hbm>> -> memref<128x128xf32, #tpu.memory_space<hbm>>
        %dma_start3A_155 = arith.constant 0 : i32
        %dma_start3A_156 = tpu.memref_slice %arg4[%add3A_123, %dma_start3A_155] : memref<81920x128xf32, #tpu.memory_space<hbm>> -> memref<128x128xf32, #tpu.memory_space<hbm>>
        %dma_start3A_157 = arith.constant 0 : i32
        %dma_start3A_158 = arith.constant 0 : i32
        %dma_start3A_159 = tpu.memref_slice %arg6[%run_scoped3A, %dma_start3A_157, %dma_start3A_158] : memref<5x128x128xf32, #tpu.memory_space<vmem>> -> memref<1x128x128xf32, #tpu.memory_space<vmem>>
        %dma_start3A_160 = tpu.memref_squeeze %dma_start3A_159 : memref<1x128x128xf32, #tpu.memory_space<vmem>> -> memref<128x128xf32, #tpu.memory_space<vmem>>
        tpu.enqueue_dma source(%dma_start3A_160 : memref<128x128xf32, #tpu.memory_space<vmem>>) target(%dma_start3A_156 : memref<128x128xf32, #tpu.memory_space<hbm>>) target_semaphore(%run_scoped3A_148 : memref<!tpu.dma_semaphore, #tpu.memory_space<semaphore_mem>>)
        %dma_wait3A_161 = arith.constant 0 : i32
        %dma_wait3A_162 = arith.constant 0 : i32
        %dma_wait3A_163 = tpu.memref_slice %arg6[%run_scoped3A, %dma_wait3A_161, %dma_wait3A_162] : memref<5x128x128xf32, #tpu.memory_space<vmem>> -> memref<1x128x128xf32, #tpu.memory_space<vmem>>
        %dma_wait3A_164 = tpu.memref_squeeze %dma_wait3A_163 : memref<1x128x128xf32, #tpu.memory_space<vmem>> -> memref<128x128xf32, #tpu.memory_space<vmem>>
        %dma_wait3A_165 = arith.constant 0 : i32
        %dma_wait3A_166 = tpu.memref_slice %arg4[%add3A_123, %dma_wait3A_165] : memref<81920x128xf32, #tpu.memory_space<hbm>> -> memref<128x128xf32, #tpu.memory_space<hbm>>
        %dma_wait3A_167 = arith.constant 0 : i32
        %dma_wait3A_168 = tpu.memref_slice %arg4[%add3A_123, %dma_wait3A_167] : memref<81920x128xf32, #tpu.memory_space<hbm>> -> memref<128x128xf32, #tpu.memory_space<hbm>>
        %dma_wait3A_169 = arith.constant 0 : i32
        %dma_wait3A_170 = arith.constant 0 : i32
        %dma_wait3A_171 = tpu.memref_slice %arg6[%run_scoped3A, %dma_wait3A_169, %dma_wait3A_170] : memref<5x128x128xf32, #tpu.memory_space<vmem>> -> memref<1x128x128xf32, #tpu.memory_space<vmem>>
        %dma_wait3A_172 = tpu.memref_squeeze %dma_wait3A_171 : memref<1x128x128xf32, #tpu.memory_space<vmem>> -> memref<128x128xf32, #tpu.memory_space<vmem>>
        tpu.wait_dma2 semaphore(%run_scoped3A_148 : memref<!tpu.dma_semaphore, #tpu.memory_space<semaphore_mem>>) src(%dma_wait3A_172 : memref<128x128xf32, #tpu.memory_space<vmem>>) dst(%dma_wait3A_168 : memref<128x128xf32, #tpu.memory_space<hbm>>)
        tpu.yield
      }) : () -> ()
      %add3A_124 = arith.constant 1 : i32
      %add3A_125 = arith.addi %mul3A_10, %add3A_124 : i32
      %mul3A_126 = arith.constant 128 : i32
      %mul3A_127 = arith.muli %add3A_125, %mul3A_126 : i32
      %add3A_128 = arith.addi %mul3A_2, %mul3A_127 : i32
      %run_scoped3A_129 = arith.constant 1 : i32
      "tpu.region"() ({
        %run_scoped3A_148 = tpu.sem_alloc : memref<!tpu.dma_semaphore, #tpu.memory_space<semaphore_mem>>
        %dma_start3A_149 = arith.constant 0 : i32
        %dma_start3A_150 = arith.constant 0 : i32
        %dma_start3A_151 = tpu.memref_slice %arg6[%run_scoped3A_129, %dma_start3A_149, %dma_start3A_150] : memref<5x128x128xf32, #tpu.memory_space<vmem>> -> memref<1x128x128xf32, #tpu.memory_space<vmem>>
        %dma_start3A_152 = tpu.memref_squeeze %dma_start3A_151 : memref<1x128x128xf32, #tpu.memory_space<vmem>> -> memref<128x128xf32, #tpu.memory_space<vmem>>
        %dma_start3A_153 = arith.constant 0 : i32
        %dma_start3A_154 = tpu.memref_slice %arg4[%add3A_128, %dma_start3A_153] : memref<81920x128xf32, #tpu.memory_space<hbm>> -> memref<128x128xf32, #tpu.memory_space<hbm>>
        %dma_start3A_155 = arith.constant 0 : i32
        %dma_start3A_156 = tpu.memref_slice %arg4[%add3A_128, %dma_start3A_155] : memref<81920x128xf32, #tpu.memory_space<hbm>> -> memref<128x128xf32, #tpu.memory_space<hbm>>
        %dma_start3A_157 = arith.constant 0 : i32
        %dma_start3A_158 = arith.constant 0 : i32
        %dma_start3A_159 = tpu.memref_slice %arg6[%run_scoped3A_129, %dma_start3A_157, %dma_start3A_158] : memref<5x128x128xf32, #tpu.memory_space<vmem>> -> memref<1x128x128xf32, #tpu.memory_space<vmem>>
        %dma_start3A_160 = tpu.memref_squeeze %dma_start3A_159 : memref<1x128x128xf32, #tpu.memory_space<vmem>> -> memref<128x128xf32, #tpu.memory_space<vmem>>
        tpu.enqueue_dma source(%dma_start3A_160 : memref<128x128xf32, #tpu.memory_space<vmem>>) target(%dma_start3A_156 : memref<128x128xf32, #tpu.memory_space<hbm>>) target_semaphore(%run_scoped3A_148 : memref<!tpu.dma_semaphore, #tpu.memory_space<semaphore_mem>>)
        %dma_wait3A_161 = arith.constant 0 : i32
        %dma_wait3A_162 = arith.constant 0 : i32
        %dma_wait3A_163 = tpu.memref_slice %arg6[%run_scoped3A_129, %dma_wait3A_161, %dma_wait3A_162] : memref<5x128x128xf32, #tpu.memory_space<vmem>> -> memref<1x128x128xf32, #tpu.memory_space<vmem>>
        %dma_wait3A_164 = tpu.memref_squeeze %dma_wait3A_163 : memref<1x128x128xf32, #tpu.memory_space<vmem>> -> memref<128x128xf32, #tpu.memory_space<vmem>>
        %dma_wait3A_165 = arith.constant 0 : i32
        %dma_wait3A_166 = tpu.memref_slice %arg4[%add3A_128, %dma_wait3A_165] : memref<81920x128xf32, #tpu.memory_space<hbm>> -> memref<128x128xf32, #tpu.memory_space<hbm>>
        %dma_wait3A_167 = arith.constant 0 : i32
        %dma_wait3A_168 = tpu.memref_slice %arg4[%add3A_128, %dma_wait3A_167] : memref<81920x128xf32, #tpu.memory_space<hbm>> -> memref<128x128xf32, #tpu.memory_space<hbm>>
        %dma_wait3A_169 = arith.constant 0 : i32
        %dma_wait3A_170 = arith.constant 0 : i32
        %dma_wait3A_171 = tpu.memref_slice %arg6[%run_scoped3A_129, %dma_wait3A_169, %dma_wait3A_170] : memref<5x128x128xf32, #tpu.memory_space<vmem>> -> memref<1x128x128xf32, #tpu.memory_space<vmem>>
        %dma_wait3A_172 = tpu.memref_squeeze %dma_wait3A_171 : memref<1x128x128xf32, #tpu.memory_space<vmem>> -> memref<128x128xf32, #tpu.memory_space<vmem>>
        tpu.wait_dma2 semaphore(%run_scoped3A_148 : memref<!tpu.dma_semaphore, #tpu.memory_space<semaphore_mem>>) src(%dma_wait3A_172 : memref<128x128xf32, #tpu.memory_space<vmem>>) dst(%dma_wait3A_168 : memref<128x128xf32, #tpu.memory_space<hbm>>)
        tpu.yield
      }) : () -> ()
      %add3A_130 = arith.constant 2 : i32
      %add3A_131 = arith.addi %mul3A_10, %add3A_130 : i32
      %mul3A_132 = arith.constant 128 : i32
      %mul3A_133 = arith.muli %add3A_131, %mul3A_132 : i32
      %add3A_134 = arith.addi %mul3A_2, %mul3A_133 : i32
      %run_scoped3A_135 = arith.constant 2 : i32
      "tpu.region"() ({
        %run_scoped3A_148 = tpu.sem_alloc : memref<!tpu.dma_semaphore, #tpu.memory_space<semaphore_mem>>
        %dma_start3A_149 = arith.constant 0 : i32
        %dma_start3A_150 = arith.constant 0 : i32
        %dma_start3A_151 = tpu.memref_slice %arg6[%run_scoped3A_135, %dma_start3A_149, %dma_start3A_150] : memref<5x128x128xf32, #tpu.memory_space<vmem>> -> memref<1x128x128xf32, #tpu.memory_space<vmem>>
        %dma_start3A_152 = tpu.memref_squeeze %dma_start3A_151 : memref<1x128x128xf32, #tpu.memory_space<vmem>> -> memref<128x128xf32, #tpu.memory_space<vmem>>
        %dma_start3A_153 = arith.constant 0 : i32
        %dma_start3A_154 = tpu.memref_slice %arg4[%add3A_134, %dma_start3A_153] : memref<81920x128xf32, #tpu.memory_space<hbm>> -> memref<128x128xf32, #tpu.memory_space<hbm>>
        %dma_start3A_155 = arith.constant 0 : i32
        %dma_start3A_156 = tpu.memref_slice %arg4[%add3A_134, %dma_start3A_155] : memref<81920x128xf32, #tpu.memory_space<hbm>> -> memref<128x128xf32, #tpu.memory_space<hbm>>
        %dma_start3A_157 = arith.constant 0 : i32
        %dma_start3A_158 = arith.constant 0 : i32
        %dma_start3A_159 = tpu.memref_slice %arg6[%run_scoped3A_135, %dma_start3A_157, %dma_start3A_158] : memref<5x128x128xf32, #tpu.memory_space<vmem>> -> memref<1x128x128xf32, #tpu.memory_space<vmem>>
        %dma_start3A_160 = tpu.memref_squeeze %dma_start3A_159 : memref<1x128x128xf32, #tpu.memory_space<vmem>> -> memref<128x128xf32, #tpu.memory_space<vmem>>
        tpu.enqueue_dma source(%dma_start3A_160 : memref<128x128xf32, #tpu.memory_space<vmem>>) target(%dma_start3A_156 : memref<128x128xf32, #tpu.memory_space<hbm>>) target_semaphore(%run_scoped3A_148 : memref<!tpu.dma_semaphore, #tpu.memory_space<semaphore_mem>>)
        %dma_wait3A_161 = arith.constant 0 : i32
        %dma_wait3A_162 = arith.constant 0 : i32
        %dma_wait3A_163 = tpu.memref_slice %arg6[%run_scoped3A_135, %dma_wait3A_161, %dma_wait3A_162] : memref<5x128x128xf32, #tpu.memory_space<vmem>> -> memref<1x128x128xf32, #tpu.memory_space<vmem>>
        %dma_wait3A_164 = tpu.memref_squeeze %dma_wait3A_163 : memref<1x128x128xf32, #tpu.memory_space<vmem>> -> memref<128x128xf32, #tpu.memory_space<vmem>>
        %dma_wait3A_165 = arith.constant 0 : i32
        %dma_wait3A_166 = tpu.memref_slice %arg4[%add3A_134, %dma_wait3A_165] : memref<81920x128xf32, #tpu.memory_space<hbm>> -> memref<128x128xf32, #tpu.memory_space<hbm>>
        %dma_wait3A_167 = arith.constant 0 : i32
        %dma_wait3A_168 = tpu.memref_slice %arg4[%add3A_134, %dma_wait3A_167] : memref<81920x128xf32, #tpu.memory_space<hbm>> -> memref<128x128xf32, #tpu.memory_space<hbm>>
        %dma_wait3A_169 = arith.constant 0 : i32
        %dma_wait3A_170 = arith.constant 0 : i32
        %dma_wait3A_171 = tpu.memref_slice %arg6[%run_scoped3A_135, %dma_wait3A_169, %dma_wait3A_170] : memref<5x128x128xf32, #tpu.memory_space<vmem>> -> memref<1x128x128xf32, #tpu.memory_space<vmem>>
        %dma_wait3A_172 = tpu.memref_squeeze %dma_wait3A_171 : memref<1x128x128xf32, #tpu.memory_space<vmem>> -> memref<128x128xf32, #tpu.memory_space<vmem>>
        tpu.wait_dma2 semaphore(%run_scoped3A_148 : memref<!tpu.dma_semaphore, #tpu.memory_space<semaphore_mem>>) src(%dma_wait3A_172 : memref<128x128xf32, #tpu.memory_space<vmem>>) dst(%dma_wait3A_168 : memref<128x128xf32, #tpu.memory_space<hbm>>)
        tpu.yield
      }) : () -> ()
      %add3A_136 = arith.constant 3 : i32
      %add3A_137 = arith.addi %mul3A_10, %add3A_136 : i32
      %mul3A_138 = arith.constant 128 : i32
      %mul3A_139 = arith.muli %add3A_137, %mul3A_138 : i32
      %add3A_140 = arith.addi %mul3A_2, %mul3A_139 : i32
      %run_scoped3A_141 = arith.constant 3 : i32
      "tpu.region"() ({
        %run_scoped3A_148 = tpu.sem_alloc : memref<!tpu.dma_semaphore, #tpu.memory_space<semaphore_mem>>
        %dma_start3A_149 = arith.constant 0 : i32
        %dma_start3A_150 = arith.constant 0 : i32
        %dma_start3A_151 = tpu.memref_slice %arg6[%run_scoped3A_141, %dma_start3A_149, %dma_start3A_150] : memref<5x128x128xf32, #tpu.memory_space<vmem>> -> memref<1x128x128xf32, #tpu.memory_space<vmem>>
        %dma_start3A_152 = tpu.memref_squeeze %dma_start3A_151 : memref<1x128x128xf32, #tpu.memory_space<vmem>> -> memref<128x128xf32, #tpu.memory_space<vmem>>
        %dma_start3A_153 = arith.constant 0 : i32
        %dma_start3A_154 = tpu.memref_slice %arg4[%add3A_140, %dma_start3A_153] : memref<81920x128xf32, #tpu.memory_space<hbm>> -> memref<128x128xf32, #tpu.memory_space<hbm>>
        %dma_start3A_155 = arith.constant 0 : i32
        %dma_start3A_156 = tpu.memref_slice %arg4[%add3A_140, %dma_start3A_155] : memref<81920x128xf32, #tpu.memory_space<hbm>> -> memref<128x128xf32, #tpu.memory_space<hbm>>
        %dma_start3A_157 = arith.constant 0 : i32
        %dma_start3A_158 = arith.constant 0 : i32
        %dma_start3A_159 = tpu.memref_slice %arg6[%run_scoped3A_141, %dma_start3A_157, %dma_start3A_158] : memref<5x128x128xf32, #tpu.memory_space<vmem>> -> memref<1x128x128xf32, #tpu.memory_space<vmem>>
        %dma_start3A_160 = tpu.memref_squeeze %dma_start3A_159 : memref<1x128x128xf32, #tpu.memory_space<vmem>> -> memref<128x128xf32, #tpu.memory_space<vmem>>
        tpu.enqueue_dma source(%dma_start3A_160 : memref<128x128xf32, #tpu.memory_space<vmem>>) target(%dma_start3A_156 : memref<128x128xf32, #tpu.memory_space<hbm>>) target_semaphore(%run_scoped3A_148 : memref<!tpu.dma_semaphore, #tpu.memory_space<semaphore_mem>>)
        %dma_wait3A_161 = arith.constant 0 : i32
        %dma_wait3A_162 = arith.constant 0 : i32
        %dma_wait3A_163 = tpu.memref_slice %arg6[%run_scoped3A_141, %dma_wait3A_161, %dma_wait3A_162] : memref<5x128x128xf32, #tpu.memory_space<vmem>> -> memref<1x128x128xf32, #tpu.memory_space<vmem>>
        %dma_wait3A_164 = tpu.memref_squeeze %dma_wait3A_163 : memref<1x128x128xf32, #tpu.memory_space<vmem>> -> memref<128x128xf32, #tpu.memory_space<vmem>>
        %dma_wait3A_165 = arith.constant 0 : i32
        %dma_wait3A_166 = tpu.memref_slice %arg4[%add3A_140, %dma_wait3A_165] : memref<81920x128xf32, #tpu.memory_space<hbm>> -> memref<128x128xf32, #tpu.memory_space<hbm>>
        %dma_wait3A_167 = arith.constant 0 : i32
        %dma_wait3A_168 = tpu.memref_slice %arg4[%add3A_140, %dma_wait3A_167] : memref<81920x128xf32, #tpu.memory_space<hbm>> -> memref<128x128xf32, #tpu.memory_space<hbm>>
        %dma_wait3A_169 = arith.constant 0 : i32
        %dma_wait3A_170 = arith.constant 0 : i32
        %dma_wait3A_171 = tpu.memref_slice %arg6[%run_scoped3A_141, %dma_wait3A_169, %dma_wait3A_170] : memref<5x128x128xf32, #tpu.memory_space<vmem>> -> memref<1x128x128xf32, #tpu.memory_space<vmem>>
        %dma_wait3A_172 = tpu.memref_squeeze %dma_wait3A_171 : memref<1x128x128xf32, #tpu.memory_space<vmem>> -> memref<128x128xf32, #tpu.memory_space<vmem>>
        tpu.wait_dma2 semaphore(%run_scoped3A_148 : memref<!tpu.dma_semaphore, #tpu.memory_space<semaphore_mem>>) src(%dma_wait3A_172 : memref<128x128xf32, #tpu.memory_space<vmem>>) dst(%dma_wait3A_168 : memref<128x128xf32, #tpu.memory_space<hbm>>)
        tpu.yield
      }) : () -> ()
      %add3A_142 = arith.constant 4 : i32
      %add3A_143 = arith.addi %mul3A_10, %add3A_142 : i32
      %mul3A_144 = arith.constant 128 : i32
      %mul3A_145 = arith.muli %add3A_143, %mul3A_144 : i32
      %add3A_146 = arith.addi %mul3A_2, %mul3A_145 : i32
      %run_scoped3A_147 = arith.constant 4 : i32
      "tpu.region"() ({
        %run_scoped3A_148 = tpu.sem_alloc : memref<!tpu.dma_semaphore, #tpu.memory_space<semaphore_mem>>
        %dma_start3A_149 = arith.constant 0 : i32
        %dma_start3A_150 = arith.constant 0 : i32
        %dma_start3A_151 = tpu.memref_slice %arg6[%run_scoped3A_147, %dma_start3A_149, %dma_start3A_150] : memref<5x128x128xf32, #tpu.memory_space<vmem>> -> memref<1x128x128xf32, #tpu.memory_space<vmem>>
        %dma_start3A_152 = tpu.memref_squeeze %dma_start3A_151 : memref<1x128x128xf32, #tpu.memory_space<vmem>> -> memref<128x128xf32, #tpu.memory_space<vmem>>
        %dma_start3A_153 = arith.constant 0 : i32
        %dma_start3A_154 = tpu.memref_slice %arg4[%add3A_146, %dma_start3A_153] : memref<81920x128xf32, #tpu.memory_space<hbm>> -> memref<128x128xf32, #tpu.memory_space<hbm>>
        %dma_start3A_155 = arith.constant 0 : i32
        %dma_start3A_156 = tpu.memref_slice %arg4[%add3A_146, %dma_start3A_155] : memref<81920x128xf32, #tpu.memory_space<hbm>> -> memref<128x128xf32, #tpu.memory_space<hbm>>
        %dma_start3A_157 = arith.constant 0 : i32
        %dma_start3A_158 = arith.constant 0 : i32
        %dma_start3A_159 = tpu.memref_slice %arg6[%run_scoped3A_147, %dma_start3A_157, %dma_start3A_158] : memref<5x128x128xf32, #tpu.memory_space<vmem>> -> memref<1x128x128xf32, #tpu.memory_space<vmem>>
        %dma_start3A_160 = tpu.memref_squeeze %dma_start3A_159 : memref<1x128x128xf32, #tpu.memory_space<vmem>> -> memref<128x128xf32, #tpu.memory_space<vmem>>
        tpu.enqueue_dma source(%dma_start3A_160 : memref<128x128xf32, #tpu.memory_space<vmem>>) target(%dma_start3A_156 : memref<128x128xf32, #tpu.memory_space<hbm>>) target_semaphore(%run_scoped3A_148 : memref<!tpu.dma_semaphore, #tpu.memory_space<semaphore_mem>>)
        %dma_wait3A_161 = arith.constant 0 : i32
        %dma_wait3A_162 = arith.constant 0 : i32
        %dma_wait3A_163 = tpu.memref_slice %arg6[%run_scoped3A_147, %dma_wait3A_161, %dma_wait3A_162] : memref<5x128x128xf32, #tpu.memory_space<vmem>> -> memref<1x128x128xf32, #tpu.memory_space<vmem>>
        %dma_wait3A_164 = tpu.memref_squeeze %dma_wait3A_163 : memref<1x128x128xf32, #tpu.memory_space<vmem>> -> memref<128x128xf32, #tpu.memory_space<vmem>>
        %dma_wait3A_165 = arith.constant 0 : i32
        %dma_wait3A_166 = tpu.memref_slice %arg4[%add3A_146, %dma_wait3A_165] : memref<81920x128xf32, #tpu.memory_space<hbm>> -> memref<128x128xf32, #tpu.memory_space<hbm>>
        %dma_wait3A_167 = arith.constant 0 : i32
        %dma_wait3A_168 = tpu.memref_slice %arg4[%add3A_146, %dma_wait3A_167] : memref<81920x128xf32, #tpu.memory_space<hbm>> -> memref<128x128xf32, #tpu.memory_space<hbm>>
        %dma_wait3A_169 = arith.constant 0 : i32
        %dma_wait3A_170 = arith.constant 0 : i32
        %dma_wait3A_171 = tpu.memref_slice %arg6[%run_scoped3A_147, %dma_wait3A_169, %dma_wait3A_170] : memref<5x128x128xf32, #tpu.memory_space<vmem>> -> memref<1x128x128xf32, #tpu.memory_space<vmem>>
        %dma_wait3A_172 = tpu.memref_squeeze %dma_wait3A_171 : memref<1x128x128xf32, #tpu.memory_space<vmem>> -> memref<128x128xf32, #tpu.memory_space<vmem>>
        tpu.wait_dma2 semaphore(%run_scoped3A_148 : memref<!tpu.dma_semaphore, #tpu.memory_space<semaphore_mem>>) src(%dma_wait3A_172 : memref<128x128xf32, #tpu.memory_space<vmem>>) dst(%dma_wait3A_168 : memref<128x128xf32, #tpu.memory_space<hbm>>)
        tpu.yield
      }) : () -> ()
    }
    %scan3A_7 = arith.constant 4 : i32
    return
  }
}

#map = affine_map<(d0, d1) -> (0)>
#map1 = affine_map<(d0, d1) -> (0, 0)>
module attributes {stable_mosaic.version = 14 : i64} {
  func.func @gk(%arg0: i32, %arg1: i32, %arg2: memref<81920xi32, #tpu.memory_space<hbm>>, %arg3: memref<8192x128xf32, #tpu.memory_space<hbm>>, %arg4: memref<81920x128xf32, #tpu.memory_space<hbm>>, %arg5: memref<2560xi32, #tpu.memory_space<vmem>>, %arg6: memref<5x128x128xf32, #tpu.memory_space<vmem>>, %arg7: memref<!tpu.dma_semaphore, #tpu.memory_space<semaphore_mem>>) attributes {dimension_semantics = [#tpu.dimension_semantics<core_parallel>, #tpu.dimension_semantics<subcore_parallel>], iteration_bounds = array<i64: 2, 16>, scalar_prefetch = 0 : i64, scratch_operands = 3 : i64, tpu.core_type = #tpu.core_type<sc_vector_subcore>, window_params = [{transform_indices = #map}, {transform_indices = #map1}, {transform_indices = #map1}]} {
    %mul3A = arith.constant 2 : i32
    %mul3A_0 = arith.muli %arg1, %mul3A : i32
    %add3A = arith.addi %mul3A_0, %arg0 : i32
    %mul3A_1 = arith.constant 2560 : i32
    %mul3A_2 = arith.muli %add3A, %mul3A_1 : i32
    "tpu.region"() ({
      %run_scoped3A = tpu.sem_alloc : memref<!tpu.dma_semaphore, #tpu.memory_space<semaphore_mem>>
      %dma_start3A = tpu.memref_slice %arg2[%mul3A_2] : memref<81920xi32, #tpu.memory_space<hbm>> -> memref<2560xi32, #tpu.memory_space<hbm>>
      %dma_start3A_8 = tpu.memref_slice %arg2[%mul3A_2] : memref<81920xi32, #tpu.memory_space<hbm>> -> memref<2560xi32, #tpu.memory_space<hbm>>
      tpu.enqueue_dma source(%dma_start3A_8 : memref<2560xi32, #tpu.memory_space<hbm>>) target(%arg5 : memref<2560xi32, #tpu.memory_space<vmem>>) target_semaphore(%run_scoped3A : memref<!tpu.dma_semaphore, #tpu.memory_space<semaphore_mem>>)
      %dma_wait3A = tpu.memref_slice %arg2[%mul3A_2] : memref<81920xi32, #tpu.memory_space<hbm>> -> memref<2560xi32, #tpu.memory_space<hbm>>
      %dma_wait3A_9 = tpu.memref_slice %arg2[%mul3A_2] : memref<81920xi32, #tpu.memory_space<hbm>> -> memref<2560xi32, #tpu.memory_space<hbm>>
      tpu.wait_dma2 semaphore(%run_scoped3A : memref<!tpu.dma_semaphore, #tpu.memory_space<semaphore_mem>>) src(%dma_wait3A_9 : memref<2560xi32, #tpu.memory_space<hbm>>) dst(%arg5 : memref<2560xi32, #tpu.memory_space<vmem>>)
      tpu.yield
    }) : () -> ()
    %scan3A = arith.constant 0 : i32
    %scan3A_3 = arith.constant 0 : i32
    %scan3A_4 = arith.constant 4 : i32
    %scan3A_5 = arith.addi %scan3A_3, %scan3A_4 : i32
    %scan3A_6 = arith.constant 1 : i32
    scf.for %scan3A_8 = %scan3A_3 to %scan3A_5 step %scan3A_6  : i32 {
      %mul3A_9 = arith.constant 5 : i32
      %mul3A_10 = arith.muli %scan3A_8, %mul3A_9 : i32
      %add3A_11 = arith.constant 0 : i32
      %add3A_12 = arith.addi %mul3A_10, %add3A_11 : i32
      %mul3A_13 = arith.constant 128 : i32
      %mul3A_14 = arith.muli %add3A_12, %mul3A_13 : i32
      %dma_start3A = arith.constant 0 : i32
      %dma_start3A_15 = arith.constant 0 : i32
      %dma_start3A_16 = arith.constant 0 : i32
      %dma_start3A_17 = tpu.memref_slice %arg6[%dma_start3A, %dma_start3A_15, %dma_start3A_16] : memref<5x128x128xf32, #tpu.memory_space<vmem>> -> memref<1x128x128xf32, #tpu.memory_space<vmem>>
      %dma_start3A_18 = tpu.memref_squeeze %dma_start3A_17 : memref<1x128x128xf32, #tpu.memory_space<vmem>> -> memref<128x128xf32, #tpu.memory_space<vmem>>
      %dma_start3A_19 = tpu.memref_slice %arg5[%mul3A_14] : memref<2560xi32, #tpu.memory_space<vmem>> -> memref<128xi32, #tpu.memory_space<vmem>>
      %dma_start3A_20 = arith.constant 0 : i32
      %dma_start3A_21 = arith.constant 0 : i32
      %dma_start3A_22 = tpu.memref_slice %arg3[%dma_start3A_20, %dma_start3A_21] : memref<8192x128xf32, #tpu.memory_space<hbm>> -> memref<8192x128xf32, #tpu.memory_space<hbm>>
      tpu.enqueue_indirect_dma source(%dma_start3A_22 : memref<8192x128xf32, #tpu.memory_space<hbm>>) target(%dma_start3A_18 : memref<128x128xf32, #tpu.memory_space<vmem>>) offsets(%dma_start3A_19 : memref<128xi32, #tpu.memory_space<vmem>>) semaphore(%arg7 : memref<!tpu.dma_semaphore, #tpu.memory_space<semaphore_mem>>)
      %add3A_23 = arith.constant 1 : i32
      %add3A_24 = arith.addi %mul3A_10, %add3A_23 : i32
      %mul3A_25 = arith.constant 128 : i32
      %mul3A_26 = arith.muli %add3A_24, %mul3A_25 : i32
      %dma_start3A_27 = arith.constant 1 : i32
      %dma_start3A_28 = arith.constant 0 : i32
      %dma_start3A_29 = arith.constant 0 : i32
      %dma_start3A_30 = tpu.memref_slice %arg6[%dma_start3A_27, %dma_start3A_28, %dma_start3A_29] : memref<5x128x128xf32, #tpu.memory_space<vmem>> -> memref<1x128x128xf32, #tpu.memory_space<vmem>>
      %dma_start3A_31 = tpu.memref_squeeze %dma_start3A_30 : memref<1x128x128xf32, #tpu.memory_space<vmem>> -> memref<128x128xf32, #tpu.memory_space<vmem>>
      %dma_start3A_32 = tpu.memref_slice %arg5[%mul3A_26] : memref<2560xi32, #tpu.memory_space<vmem>> -> memref<128xi32, #tpu.memory_space<vmem>>
      %dma_start3A_33 = arith.constant 0 : i32
      %dma_start3A_34 = arith.constant 0 : i32
      %dma_start3A_35 = tpu.memref_slice %arg3[%dma_start3A_33, %dma_start3A_34] : memref<8192x128xf32, #tpu.memory_space<hbm>> -> memref<8192x128xf32, #tpu.memory_space<hbm>>
      tpu.enqueue_indirect_dma source(%dma_start3A_35 : memref<8192x128xf32, #tpu.memory_space<hbm>>) target(%dma_start3A_31 : memref<128x128xf32, #tpu.memory_space<vmem>>) offsets(%dma_start3A_32 : memref<128xi32, #tpu.memory_space<vmem>>) semaphore(%arg7 : memref<!tpu.dma_semaphore, #tpu.memory_space<semaphore_mem>>)
      %add3A_36 = arith.constant 2 : i32
      %add3A_37 = arith.addi %mul3A_10, %add3A_36 : i32
      %mul3A_38 = arith.constant 128 : i32
      %mul3A_39 = arith.muli %add3A_37, %mul3A_38 : i32
      %dma_start3A_40 = arith.constant 2 : i32
      %dma_start3A_41 = arith.constant 0 : i32
      %dma_start3A_42 = arith.constant 0 : i32
      %dma_start3A_43 = tpu.memref_slice %arg6[%dma_start3A_40, %dma_start3A_41, %dma_start3A_42] : memref<5x128x128xf32, #tpu.memory_space<vmem>> -> memref<1x128x128xf32, #tpu.memory_space<vmem>>
      %dma_start3A_44 = tpu.memref_squeeze %dma_start3A_43 : memref<1x128x128xf32, #tpu.memory_space<vmem>> -> memref<128x128xf32, #tpu.memory_space<vmem>>
      %dma_start3A_45 = tpu.memref_slice %arg5[%mul3A_39] : memref<2560xi32, #tpu.memory_space<vmem>> -> memref<128xi32, #tpu.memory_space<vmem>>
      %dma_start3A_46 = arith.constant 0 : i32
      %dma_start3A_47 = arith.constant 0 : i32
      %dma_start3A_48 = tpu.memref_slice %arg3[%dma_start3A_46, %dma_start3A_47] : memref<8192x128xf32, #tpu.memory_space<hbm>> -> memref<8192x128xf32, #tpu.memory_space<hbm>>
      tpu.enqueue_indirect_dma source(%dma_start3A_48 : memref<8192x128xf32, #tpu.memory_space<hbm>>) target(%dma_start3A_44 : memref<128x128xf32, #tpu.memory_space<vmem>>) offsets(%dma_start3A_45 : memref<128xi32, #tpu.memory_space<vmem>>) semaphore(%arg7 : memref<!tpu.dma_semaphore, #tpu.memory_space<semaphore_mem>>)
      %add3A_49 = arith.constant 3 : i32
      %add3A_50 = arith.addi %mul3A_10, %add3A_49 : i32
      %mul3A_51 = arith.constant 128 : i32
      %mul3A_52 = arith.muli %add3A_50, %mul3A_51 : i32
      %dma_start3A_53 = arith.constant 3 : i32
      %dma_start3A_54 = arith.constant 0 : i32
      %dma_start3A_55 = arith.constant 0 : i32
      %dma_start3A_56 = tpu.memref_slice %arg6[%dma_start3A_53, %dma_start3A_54, %dma_start3A_55] : memref<5x128x128xf32, #tpu.memory_space<vmem>> -> memref<1x128x128xf32, #tpu.memory_space<vmem>>
      %dma_start3A_57 = tpu.memref_squeeze %dma_start3A_56 : memref<1x128x128xf32, #tpu.memory_space<vmem>> -> memref<128x128xf32, #tpu.memory_space<vmem>>
      %dma_start3A_58 = tpu.memref_slice %arg5[%mul3A_52] : memref<2560xi32, #tpu.memory_space<vmem>> -> memref<128xi32, #tpu.memory_space<vmem>>
      %dma_start3A_59 = arith.constant 0 : i32
      %dma_start3A_60 = arith.constant 0 : i32
      %dma_start3A_61 = tpu.memref_slice %arg3[%dma_start3A_59, %dma_start3A_60] : memref<8192x128xf32, #tpu.memory_space<hbm>> -> memref<8192x128xf32, #tpu.memory_space<hbm>>
      tpu.enqueue_indirect_dma source(%dma_start3A_61 : memref<8192x128xf32, #tpu.memory_space<hbm>>) target(%dma_start3A_57 : memref<128x128xf32, #tpu.memory_space<vmem>>) offsets(%dma_start3A_58 : memref<128xi32, #tpu.memory_space<vmem>>) semaphore(%arg7 : memref<!tpu.dma_semaphore, #tpu.memory_space<semaphore_mem>>)
      %add3A_62 = arith.constant 4 : i32
      %add3A_63 = arith.addi %mul3A_10, %add3A_62 : i32
      %mul3A_64 = arith.constant 128 : i32
      %mul3A_65 = arith.muli %add3A_63, %mul3A_64 : i32
      %dma_start3A_66 = arith.constant 4 : i32
      %dma_start3A_67 = arith.constant 0 : i32
      %dma_start3A_68 = arith.constant 0 : i32
      %dma_start3A_69 = tpu.memref_slice %arg6[%dma_start3A_66, %dma_start3A_67, %dma_start3A_68] : memref<5x128x128xf32, #tpu.memory_space<vmem>> -> memref<1x128x128xf32, #tpu.memory_space<vmem>>
      %dma_start3A_70 = tpu.memref_squeeze %dma_start3A_69 : memref<1x128x128xf32, #tpu.memory_space<vmem>> -> memref<128x128xf32, #tpu.memory_space<vmem>>
      %dma_start3A_71 = tpu.memref_slice %arg5[%mul3A_65] : memref<2560xi32, #tpu.memory_space<vmem>> -> memref<128xi32, #tpu.memory_space<vmem>>
      %dma_start3A_72 = arith.constant 0 : i32
      %dma_start3A_73 = arith.constant 0 : i32
      %dma_start3A_74 = tpu.memref_slice %arg3[%dma_start3A_72, %dma_start3A_73] : memref<8192x128xf32, #tpu.memory_space<hbm>> -> memref<8192x128xf32, #tpu.memory_space<hbm>>
      tpu.enqueue_indirect_dma source(%dma_start3A_74 : memref<8192x128xf32, #tpu.memory_space<hbm>>) target(%dma_start3A_70 : memref<128x128xf32, #tpu.memory_space<vmem>>) offsets(%dma_start3A_71 : memref<128xi32, #tpu.memory_space<vmem>>) semaphore(%arg7 : memref<!tpu.dma_semaphore, #tpu.memory_space<semaphore_mem>>)
      %dma_wait3A = arith.constant 0 : i32
      %dma_wait3A_75 = arith.constant 0 : i32
      %dma_wait3A_76 = arith.constant 0 : i32
      %dma_wait3A_77 = tpu.memref_slice %arg6[%dma_wait3A, %dma_wait3A_75, %dma_wait3A_76] : memref<5x128x128xf32, #tpu.memory_space<vmem>> -> memref<1x128x128xf32, #tpu.memory_space<vmem>>
      %dma_wait3A_78 = tpu.memref_squeeze %dma_wait3A_77 : memref<1x128x128xf32, #tpu.memory_space<vmem>> -> memref<128x128xf32, #tpu.memory_space<vmem>>
      %dma_wait3A_79 = tpu.memref_slice %arg5[%mul3A_14] : memref<2560xi32, #tpu.memory_space<vmem>> -> memref<128xi32, #tpu.memory_space<vmem>>
      %dma_wait3A_80 = arith.constant 0 : i32
      %dma_wait3A_81 = arith.constant 0 : i32
      %dma_wait3A_82 = tpu.memref_slice %arg3[%dma_wait3A_80, %dma_wait3A_81] : memref<8192x128xf32, #tpu.memory_space<hbm>> -> memref<8192x128xf32, #tpu.memory_space<hbm>>
      tpu.wait_indirect_dma semaphore(%arg7 : memref<!tpu.dma_semaphore, #tpu.memory_space<semaphore_mem>>) src(%dma_wait3A_82 : memref<8192x128xf32, #tpu.memory_space<hbm>>) dst(%dma_wait3A_78 : memref<128x128xf32, #tpu.memory_space<vmem>>)
      %dma_wait3A_83 = arith.constant 1 : i32
      %dma_wait3A_84 = arith.constant 0 : i32
      %dma_wait3A_85 = arith.constant 0 : i32
      %dma_wait3A_86 = tpu.memref_slice %arg6[%dma_wait3A_83, %dma_wait3A_84, %dma_wait3A_85] : memref<5x128x128xf32, #tpu.memory_space<vmem>> -> memref<1x128x128xf32, #tpu.memory_space<vmem>>
      %dma_wait3A_87 = tpu.memref_squeeze %dma_wait3A_86 : memref<1x128x128xf32, #tpu.memory_space<vmem>> -> memref<128x128xf32, #tpu.memory_space<vmem>>
      %dma_wait3A_88 = tpu.memref_slice %arg5[%mul3A_26] : memref<2560xi32, #tpu.memory_space<vmem>> -> memref<128xi32, #tpu.memory_space<vmem>>
      %dma_wait3A_89 = arith.constant 0 : i32
      %dma_wait3A_90 = arith.constant 0 : i32
      %dma_wait3A_91 = tpu.memref_slice %arg3[%dma_wait3A_89, %dma_wait3A_90] : memref<8192x128xf32, #tpu.memory_space<hbm>> -> memref<8192x128xf32, #tpu.memory_space<hbm>>
      tpu.wait_indirect_dma semaphore(%arg7 : memref<!tpu.dma_semaphore, #tpu.memory_space<semaphore_mem>>) src(%dma_wait3A_91 : memref<8192x128xf32, #tpu.memory_space<hbm>>) dst(%dma_wait3A_87 : memref<128x128xf32, #tpu.memory_space<vmem>>)
      %dma_wait3A_92 = arith.constant 2 : i32
      %dma_wait3A_93 = arith.constant 0 : i32
      %dma_wait3A_94 = arith.constant 0 : i32
      %dma_wait3A_95 = tpu.memref_slice %arg6[%dma_wait3A_92, %dma_wait3A_93, %dma_wait3A_94] : memref<5x128x128xf32, #tpu.memory_space<vmem>> -> memref<1x128x128xf32, #tpu.memory_space<vmem>>
      %dma_wait3A_96 = tpu.memref_squeeze %dma_wait3A_95 : memref<1x128x128xf32, #tpu.memory_space<vmem>> -> memref<128x128xf32, #tpu.memory_space<vmem>>
      %dma_wait3A_97 = tpu.memref_slice %arg5[%mul3A_39] : memref<2560xi32, #tpu.memory_space<vmem>> -> memref<128xi32, #tpu.memory_space<vmem>>
      %dma_wait3A_98 = arith.constant 0 : i32
      %dma_wait3A_99 = arith.constant 0 : i32
      %dma_wait3A_100 = tpu.memref_slice %arg3[%dma_wait3A_98, %dma_wait3A_99] : memref<8192x128xf32, #tpu.memory_space<hbm>> -> memref<8192x128xf32, #tpu.memory_space<hbm>>
      tpu.wait_indirect_dma semaphore(%arg7 : memref<!tpu.dma_semaphore, #tpu.memory_space<semaphore_mem>>) src(%dma_wait3A_100 : memref<8192x128xf32, #tpu.memory_space<hbm>>) dst(%dma_wait3A_96 : memref<128x128xf32, #tpu.memory_space<vmem>>)
      %dma_wait3A_101 = arith.constant 3 : i32
      %dma_wait3A_102 = arith.constant 0 : i32
      %dma_wait3A_103 = arith.constant 0 : i32
      %dma_wait3A_104 = tpu.memref_slice %arg6[%dma_wait3A_101, %dma_wait3A_102, %dma_wait3A_103] : memref<5x128x128xf32, #tpu.memory_space<vmem>> -> memref<1x128x128xf32, #tpu.memory_space<vmem>>
      %dma_wait3A_105 = tpu.memref_squeeze %dma_wait3A_104 : memref<1x128x128xf32, #tpu.memory_space<vmem>> -> memref<128x128xf32, #tpu.memory_space<vmem>>
      %dma_wait3A_106 = tpu.memref_slice %arg5[%mul3A_52] : memref<2560xi32, #tpu.memory_space<vmem>> -> memref<128xi32, #tpu.memory_space<vmem>>
      %dma_wait3A_107 = arith.constant 0 : i32
      %dma_wait3A_108 = arith.constant 0 : i32
      %dma_wait3A_109 = tpu.memref_slice %arg3[%dma_wait3A_107, %dma_wait3A_108] : memref<8192x128xf32, #tpu.memory_space<hbm>> -> memref<8192x128xf32, #tpu.memory_space<hbm>>
      tpu.wait_indirect_dma semaphore(%arg7 : memref<!tpu.dma_semaphore, #tpu.memory_space<semaphore_mem>>) src(%dma_wait3A_109 : memref<8192x128xf32, #tpu.memory_space<hbm>>) dst(%dma_wait3A_105 : memref<128x128xf32, #tpu.memory_space<vmem>>)
      %dma_wait3A_110 = arith.constant 4 : i32
      %dma_wait3A_111 = arith.constant 0 : i32
      %dma_wait3A_112 = arith.constant 0 : i32
      %dma_wait3A_113 = tpu.memref_slice %arg6[%dma_wait3A_110, %dma_wait3A_111, %dma_wait3A_112] : memref<5x128x128xf32, #tpu.memory_space<vmem>> -> memref<1x128x128xf32, #tpu.memory_space<vmem>>
      %dma_wait3A_114 = tpu.memref_squeeze %dma_wait3A_113 : memref<1x128x128xf32, #tpu.memory_space<vmem>> -> memref<128x128xf32, #tpu.memory_space<vmem>>
      %dma_wait3A_115 = tpu.memref_slice %arg5[%mul3A_65] : memref<2560xi32, #tpu.memory_space<vmem>> -> memref<128xi32, #tpu.memory_space<vmem>>
      %dma_wait3A_116 = arith.constant 0 : i32
      %dma_wait3A_117 = arith.constant 0 : i32
      %dma_wait3A_118 = tpu.memref_slice %arg3[%dma_wait3A_116, %dma_wait3A_117] : memref<8192x128xf32, #tpu.memory_space<hbm>> -> memref<8192x128xf32, #tpu.memory_space<hbm>>
      tpu.wait_indirect_dma semaphore(%arg7 : memref<!tpu.dma_semaphore, #tpu.memory_space<semaphore_mem>>) src(%dma_wait3A_118 : memref<8192x128xf32, #tpu.memory_space<hbm>>) dst(%dma_wait3A_114 : memref<128x128xf32, #tpu.memory_space<vmem>>)
      %add3A_119 = arith.constant 0 : i32
      %add3A_120 = arith.addi %mul3A_10, %add3A_119 : i32
      %mul3A_121 = arith.constant 128 : i32
      %mul3A_122 = arith.muli %add3A_120, %mul3A_121 : i32
      %add3A_123 = arith.addi %mul3A_2, %mul3A_122 : i32
      %run_scoped3A = arith.constant 0 : i32
      "tpu.region"() ({
        %run_scoped3A_148 = tpu.sem_alloc : memref<!tpu.dma_semaphore, #tpu.memory_space<semaphore_mem>>
        %dma_start3A_149 = arith.constant 0 : i32
        %dma_start3A_150 = arith.constant 0 : i32
        %dma_start3A_151 = tpu.memref_slice %arg6[%run_scoped3A, %dma_start3A_149, %dma_start3A_150] : memref<5x128x128xf32, #tpu.memory_space<vmem>> -> memref<1x128x128xf32, #tpu.memory_space<vmem>>
        %dma_start3A_152 = tpu.memref_squeeze %dma_start3A_151 : memref<1x128x128xf32, #tpu.memory_space<vmem>> -> memref<128x128xf32, #tpu.memory_space<vmem>>
        %dma_start3A_153 = arith.constant 0 : i32
        %dma_start3A_154 = tpu.memref_slice %arg4[%add3A_123, %dma_start3A_153] : memref<81920x128xf32, #tpu.memory_space<hbm>> -> memref<128x128xf32, #tpu.memory_space<hbm>>
        %dma_start3A_155 = arith.constant 0 : i32
        %dma_start3A_156 = tpu.memref_slice %arg4[%add3A_123, %dma_start3A_155] : memref<81920x128xf32, #tpu.memory_space<hbm>> -> memref<128x128xf32, #tpu.memory_space<hbm>>
        %dma_start3A_157 = arith.constant 0 : i32
        %dma_start3A_158 = arith.constant 0 : i32
        %dma_start3A_159 = tpu.memref_slice %arg6[%run_scoped3A, %dma_start3A_157, %dma_start3A_158] : memref<5x128x128xf32, #tpu.memory_space<vmem>> -> memref<1x128x128xf32, #tpu.memory_space<vmem>>
        %dma_start3A_160 = tpu.memref_squeeze %dma_start3A_159 : memref<1x128x128xf32, #tpu.memory_space<vmem>> -> memref<128x128xf32, #tpu.memory_space<vmem>>
        tpu.enqueue_dma source(%dma_start3A_160 : memref<128x128xf32, #tpu.memory_space<vmem>>) target(%dma_start3A_156 : memref<128x128xf32, #tpu.memory_space<hbm>>) target_semaphore(%run_scoped3A_148 : memref<!tpu.dma_semaphore, #tpu.memory_space<semaphore_mem>>)
        %dma_wait3A_161 = arith.constant 0 : i32
        %dma_wait3A_162 = arith.constant 0 : i32
        %dma_wait3A_163 = tpu.memref_slice %arg6[%run_scoped3A, %dma_wait3A_161, %dma_wait3A_162] : memref<5x128x128xf32, #tpu.memory_space<vmem>> -> memref<1x128x128xf32, #tpu.memory_space<vmem>>
        %dma_wait3A_164 = tpu.memref_squeeze %dma_wait3A_163 : memref<1x128x128xf32, #tpu.memory_space<vmem>> -> memref<128x128xf32, #tpu.memory_space<vmem>>
        %dma_wait3A_165 = arith.constant 0 : i32
        %dma_wait3A_166 = tpu.memref_slice %arg4[%add3A_123, %dma_wait3A_165] : memref<81920x128xf32, #tpu.memory_space<hbm>> -> memref<128x128xf32, #tpu.memory_space<hbm>>
        %dma_wait3A_167 = arith.constant 0 : i32
        %dma_wait3A_168 = tpu.memref_slice %arg4[%add3A_123, %dma_wait3A_167] : memref<81920x128xf32, #tpu.memory_space<hbm>> -> memref<128x128xf32, #tpu.memory_space<hbm>>
        %dma_wait3A_169 = arith.constant 0 : i32
        %dma_wait3A_170 = arith.constant 0 : i32
        %dma_wait3A_171 = tpu.memref_slice %arg6[%run_scoped3A, %dma_wait3A_169, %dma_wait3A_170] : memref<5x128x128xf32, #tpu.memory_space<vmem>> -> memref<1x128x128xf32, #tpu.memory_space<vmem>>
        %dma_wait3A_172 = tpu.memref_squeeze %dma_wait3A_171 : memref<1x128x128xf32, #tpu.memory_space<vmem>> -> memref<128x128xf32, #tpu.memory_space<vmem>>
        tpu.wait_dma2 semaphore(%run_scoped3A_148 : memref<!tpu.dma_semaphore, #tpu.memory_space<semaphore_mem>>) src(%dma_wait3A_172 : memref<128x128xf32, #tpu.memory_space<vmem>>) dst(%dma_wait3A_168 : memref<128x128xf32, #tpu.memory_space<hbm>>)
        tpu.yield
      }) : () -> ()
      %add3A_124 = arith.constant 1 : i32
      %add3A_125 = arith.addi %mul3A_10, %add3A_124 : i32
      %mul3A_126 = arith.constant 128 : i32
      %mul3A_127 = arith.muli %add3A_125, %mul3A_126 : i32
      %add3A_128 = arith.addi %mul3A_2, %mul3A_127 : i32
      %run_scoped3A_129 = arith.constant 1 : i32
      "tpu.region"() ({
        %run_scoped3A_148 = tpu.sem_alloc : memref<!tpu.dma_semaphore, #tpu.memory_space<semaphore_mem>>
        %dma_start3A_149 = arith.constant 0 : i32
        %dma_start3A_150 = arith.constant 0 : i32
        %dma_start3A_151 = tpu.memref_slice %arg6[%run_scoped3A_129, %dma_start3A_149, %dma_start3A_150] : memref<5x128x128xf32, #tpu.memory_space<vmem>> -> memref<1x128x128xf32, #tpu.memory_space<vmem>>
        %dma_start3A_152 = tpu.memref_squeeze %dma_start3A_151 : memref<1x128x128xf32, #tpu.memory_space<vmem>> -> memref<128x128xf32, #tpu.memory_space<vmem>>
        %dma_start3A_153 = arith.constant 0 : i32
        %dma_start3A_154 = tpu.memref_slice %arg4[%add3A_128, %dma_start3A_153] : memref<81920x128xf32, #tpu.memory_space<hbm>> -> memref<128x128xf32, #tpu.memory_space<hbm>>
        %dma_start3A_155 = arith.constant 0 : i32
        %dma_start3A_156 = tpu.memref_slice %arg4[%add3A_128, %dma_start3A_155] : memref<81920x128xf32, #tpu.memory_space<hbm>> -> memref<128x128xf32, #tpu.memory_space<hbm>>
        %dma_start3A_157 = arith.constant 0 : i32
        %dma_start3A_158 = arith.constant 0 : i32
        %dma_start3A_159 = tpu.memref_slice %arg6[%run_scoped3A_129, %dma_start3A_157, %dma_start3A_158] : memref<5x128x128xf32, #tpu.memory_space<vmem>> -> memref<1x128x128xf32, #tpu.memory_space<vmem>>
        %dma_start3A_160 = tpu.memref_squeeze %dma_start3A_159 : memref<1x128x128xf32, #tpu.memory_space<vmem>> -> memref<128x128xf32, #tpu.memory_space<vmem>>
        tpu.enqueue_dma source(%dma_start3A_160 : memref<128x128xf32, #tpu.memory_space<vmem>>) target(%dma_start3A_156 : memref<128x128xf32, #tpu.memory_space<hbm>>) target_semaphore(%run_scoped3A_148 : memref<!tpu.dma_semaphore, #tpu.memory_space<semaphore_mem>>)
        %dma_wait3A_161 = arith.constant 0 : i32
        %dma_wait3A_162 = arith.constant 0 : i32
        %dma_wait3A_163 = tpu.memref_slice %arg6[%run_scoped3A_129, %dma_wait3A_161, %dma_wait3A_162] : memref<5x128x128xf32, #tpu.memory_space<vmem>> -> memref<1x128x128xf32, #tpu.memory_space<vmem>>
        %dma_wait3A_164 = tpu.memref_squeeze %dma_wait3A_163 : memref<1x128x128xf32, #tpu.memory_space<vmem>> -> memref<128x128xf32, #tpu.memory_space<vmem>>
        %dma_wait3A_165 = arith.constant 0 : i32
        %dma_wait3A_166 = tpu.memref_slice %arg4[%add3A_128, %dma_wait3A_165] : memref<81920x128xf32, #tpu.memory_space<hbm>> -> memref<128x128xf32, #tpu.memory_space<hbm>>
        %dma_wait3A_167 = arith.constant 0 : i32
        %dma_wait3A_168 = tpu.memref_slice %arg4[%add3A_128, %dma_wait3A_167] : memref<81920x128xf32, #tpu.memory_space<hbm>> -> memref<128x128xf32, #tpu.memory_space<hbm>>
        %dma_wait3A_169 = arith.constant 0 : i32
        %dma_wait3A_170 = arith.constant 0 : i32
        %dma_wait3A_171 = tpu.memref_slice %arg6[%run_scoped3A_129, %dma_wait3A_169, %dma_wait3A_170] : memref<5x128x128xf32, #tpu.memory_space<vmem>> -> memref<1x128x128xf32, #tpu.memory_space<vmem>>
        %dma_wait3A_172 = tpu.memref_squeeze %dma_wait3A_171 : memref<1x128x128xf32, #tpu.memory_space<vmem>> -> memref<128x128xf32, #tpu.memory_space<vmem>>
        tpu.wait_dma2 semaphore(%run_scoped3A_148 : memref<!tpu.dma_semaphore, #tpu.memory_space<semaphore_mem>>) src(%dma_wait3A_172 : memref<128x128xf32, #tpu.memory_space<vmem>>) dst(%dma_wait3A_168 : memref<128x128xf32, #tpu.memory_space<hbm>>)
        tpu.yield
      }) : () -> ()
      %add3A_130 = arith.constant 2 : i32
      %add3A_131 = arith.addi %mul3A_10, %add3A_130 : i32
      %mul3A_132 = arith.constant 128 : i32
      %mul3A_133 = arith.muli %add3A_131, %mul3A_132 : i32
      %add3A_134 = arith.addi %mul3A_2, %mul3A_133 : i32
      %run_scoped3A_135 = arith.constant 2 : i32
      "tpu.region"() ({
        %run_scoped3A_148 = tpu.sem_alloc : memref<!tpu.dma_semaphore, #tpu.memory_space<semaphore_mem>>
        %dma_start3A_149 = arith.constant 0 : i32
        %dma_start3A_150 = arith.constant 0 : i32
        %dma_start3A_151 = tpu.memref_slice %arg6[%run_scoped3A_135, %dma_start3A_149, %dma_start3A_150] : memref<5x128x128xf32, #tpu.memory_space<vmem>> -> memref<1x128x128xf32, #tpu.memory_space<vmem>>
        %dma_start3A_152 = tpu.memref_squeeze %dma_start3A_151 : memref<1x128x128xf32, #tpu.memory_space<vmem>> -> memref<128x128xf32, #tpu.memory_space<vmem>>
        %dma_start3A_153 = arith.constant 0 : i32
        %dma_start3A_154 = tpu.memref_slice %arg4[%add3A_134, %dma_start3A_153] : memref<81920x128xf32, #tpu.memory_space<hbm>> -> memref<128x128xf32, #tpu.memory_space<hbm>>
        %dma_start3A_155 = arith.constant 0 : i32
        %dma_start3A_156 = tpu.memref_slice %arg4[%add3A_134, %dma_start3A_155] : memref<81920x128xf32, #tpu.memory_space<hbm>> -> memref<128x128xf32, #tpu.memory_space<hbm>>
        %dma_start3A_157 = arith.constant 0 : i32
        %dma_start3A_158 = arith.constant 0 : i32
        %dma_start3A_159 = tpu.memref_slice %arg6[%run_scoped3A_135, %dma_start3A_157, %dma_start3A_158] : memref<5x128x128xf32, #tpu.memory_space<vmem>> -> memref<1x128x128xf32, #tpu.memory_space<vmem>>
        %dma_start3A_160 = tpu.memref_squeeze %dma_start3A_159 : memref<1x128x128xf32, #tpu.memory_space<vmem>> -> memref<128x128xf32, #tpu.memory_space<vmem>>
        tpu.enqueue_dma source(%dma_start3A_160 : memref<128x128xf32, #tpu.memory_space<vmem>>) target(%dma_start3A_156 : memref<128x128xf32, #tpu.memory_space<hbm>>) target_semaphore(%run_scoped3A_148 : memref<!tpu.dma_semaphore, #tpu.memory_space<semaphore_mem>>)
        %dma_wait3A_161 = arith.constant 0 : i32
        %dma_wait3A_162 = arith.constant 0 : i32
        %dma_wait3A_163 = tpu.memref_slice %arg6[%run_scoped3A_135, %dma_wait3A_161, %dma_wait3A_162] : memref<5x128x128xf32, #tpu.memory_space<vmem>> -> memref<1x128x128xf32, #tpu.memory_space<vmem>>
        %dma_wait3A_164 = tpu.memref_squeeze %dma_wait3A_163 : memref<1x128x128xf32, #tpu.memory_space<vmem>> -> memref<128x128xf32, #tpu.memory_space<vmem>>
        %dma_wait3A_165 = arith.constant 0 : i32
        %dma_wait3A_166 = tpu.memref_slice %arg4[%add3A_134, %dma_wait3A_165] : memref<81920x128xf32, #tpu.memory_space<hbm>> -> memref<128x128xf32, #tpu.memory_space<hbm>>
        %dma_wait3A_167 = arith.constant 0 : i32
        %dma_wait3A_168 = tpu.memref_slice %arg4[%add3A_134, %dma_wait3A_167] : memref<81920x128xf32, #tpu.memory_space<hbm>> -> memref<128x128xf32, #tpu.memory_space<hbm>>
        %dma_wait3A_169 = arith.constant 0 : i32
        %dma_wait3A_170 = arith.constant 0 : i32
        %dma_wait3A_171 = tpu.memref_slice %arg6[%run_scoped3A_135, %dma_wait3A_169, %dma_wait3A_170] : memref<5x128x128xf32, #tpu.memory_space<vmem>> -> memref<1x128x128xf32, #tpu.memory_space<vmem>>
        %dma_wait3A_172 = tpu.memref_squeeze %dma_wait3A_171 : memref<1x128x128xf32, #tpu.memory_space<vmem>> -> memref<128x128xf32, #tpu.memory_space<vmem>>
        tpu.wait_dma2 semaphore(%run_scoped3A_148 : memref<!tpu.dma_semaphore, #tpu.memory_space<semaphore_mem>>) src(%dma_wait3A_172 : memref<128x128xf32, #tpu.memory_space<vmem>>) dst(%dma_wait3A_168 : memref<128x128xf32, #tpu.memory_space<hbm>>)
        tpu.yield
      }) : () -> ()
      %add3A_136 = arith.constant 3 : i32
      %add3A_137 = arith.addi %mul3A_10, %add3A_136 : i32
      %mul3A_138 = arith.constant 128 : i32
      %mul3A_139 = arith.muli %add3A_137, %mul3A_138 : i32
      %add3A_140 = arith.addi %mul3A_2, %mul3A_139 : i32
      %run_scoped3A_141 = arith.constant 3 : i32
      "tpu.region"() ({
        %run_scoped3A_148 = tpu.sem_alloc : memref<!tpu.dma_semaphore, #tpu.memory_space<semaphore_mem>>
        %dma_start3A_149 = arith.constant 0 : i32
        %dma_start3A_150 = arith.constant 0 : i32
        %dma_start3A_151 = tpu.memref_slice %arg6[%run_scoped3A_141, %dma_start3A_149, %dma_start3A_150] : memref<5x128x128xf32, #tpu.memory_space<vmem>> -> memref<1x128x128xf32, #tpu.memory_space<vmem>>
        %dma_start3A_152 = tpu.memref_squeeze %dma_start3A_151 : memref<1x128x128xf32, #tpu.memory_space<vmem>> -> memref<128x128xf32, #tpu.memory_space<vmem>>
        %dma_start3A_153 = arith.constant 0 : i32
        %dma_start3A_154 = tpu.memref_slice %arg4[%add3A_140, %dma_start3A_153] : memref<81920x128xf32, #tpu.memory_space<hbm>> -> memref<128x128xf32, #tpu.memory_space<hbm>>
        %dma_start3A_155 = arith.constant 0 : i32
        %dma_start3A_156 = tpu.memref_slice %arg4[%add3A_140, %dma_start3A_155] : memref<81920x128xf32, #tpu.memory_space<hbm>> -> memref<128x128xf32, #tpu.memory_space<hbm>>
        %dma_start3A_157 = arith.constant 0 : i32
        %dma_start3A_158 = arith.constant 0 : i32
        %dma_start3A_159 = tpu.memref_slice %arg6[%run_scoped3A_141, %dma_start3A_157, %dma_start3A_158] : memref<5x128x128xf32, #tpu.memory_space<vmem>> -> memref<1x128x128xf32, #tpu.memory_space<vmem>>
        %dma_start3A_160 = tpu.memref_squeeze %dma_start3A_159 : memref<1x128x128xf32, #tpu.memory_space<vmem>> -> memref<128x128xf32, #tpu.memory_space<vmem>>
        tpu.enqueue_dma source(%dma_start3A_160 : memref<128x128xf32, #tpu.memory_space<vmem>>) target(%dma_start3A_156 : memref<128x128xf32, #tpu.memory_space<hbm>>) target_semaphore(%run_scoped3A_148 : memref<!tpu.dma_semaphore, #tpu.memory_space<semaphore_mem>>)
        %dma_wait3A_161 = arith.constant 0 : i32
        %dma_wait3A_162 = arith.constant 0 : i32
        %dma_wait3A_163 = tpu.memref_slice %arg6[%run_scoped3A_141, %dma_wait3A_161, %dma_wait3A_162] : memref<5x128x128xf32, #tpu.memory_space<vmem>> -> memref<1x128x128xf32, #tpu.memory_space<vmem>>
        %dma_wait3A_164 = tpu.memref_squeeze %dma_wait3A_163 : memref<1x128x128xf32, #tpu.memory_space<vmem>> -> memref<128x128xf32, #tpu.memory_space<vmem>>
        %dma_wait3A_165 = arith.constant 0 : i32
        %dma_wait3A_166 = tpu.memref_slice %arg4[%add3A_140, %dma_wait3A_165] : memref<81920x128xf32, #tpu.memory_space<hbm>> -> memref<128x128xf32, #tpu.memory_space<hbm>>
        %dma_wait3A_167 = arith.constant 0 : i32
        %dma_wait3A_168 = tpu.memref_slice %arg4[%add3A_140, %dma_wait3A_167] : memref<81920x128xf32, #tpu.memory_space<hbm>> -> memref<128x128xf32, #tpu.memory_space<hbm>>
        %dma_wait3A_169 = arith.constant 0 : i32
        %dma_wait3A_170 = arith.constant 0 : i32
        %dma_wait3A_171 = tpu.memref_slice %arg6[%run_scoped3A_141, %dma_wait3A_169, %dma_wait3A_170] : memref<5x128x128xf32, #tpu.memory_space<vmem>> -> memref<1x128x128xf32, #tpu.memory_space<vmem>>
        %dma_wait3A_172 = tpu.memref_squeeze %dma_wait3A_171 : memref<1x128x128xf32, #tpu.memory_space<vmem>> -> memref<128x128xf32, #tpu.memory_space<vmem>>
        tpu.wait_dma2 semaphore(%run_scoped3A_148 : memref<!tpu.dma_semaphore, #tpu.memory_space<semaphore_mem>>) src(%dma_wait3A_172 : memref<128x128xf32, #tpu.memory_space<vmem>>) dst(%dma_wait3A_168 : memref<128x128xf32, #tpu.memory_space<hbm>>)
        tpu.yield
      }) : () -> ()
      %add3A_142 = arith.constant 4 : i32
      %add3A_143 = arith.addi %mul3A_10, %add3A_142 : i32
      %mul3A_144 = arith.constant 128 : i32
      %mul3A_145 = arith.muli %add3A_143, %mul3A_144 : i32
      %add3A_146 = arith.addi %mul3A_2, %mul3A_145 : i32
      %run_scoped3A_147 = arith.constant 4 : i32
      "tpu.region"() ({
        %run_scoped3A_148 = tpu.sem_alloc : memref<!tpu.dma_semaphore, #tpu.memory_space<semaphore_mem>>
        %dma_start3A_149 = arith.constant 0 : i32
        %dma_start3A_150 = arith.constant 0 : i32
        %dma_start3A_151 = tpu.memref_slice %arg6[%run_scoped3A_147, %dma_start3A_149, %dma_start3A_150] : memref<5x128x128xf32, #tpu.memory_space<vmem>> -> memref<1x128x128xf32, #tpu.memory_space<vmem>>
        %dma_start3A_152 = tpu.memref_squeeze %dma_start3A_151 : memref<1x128x128xf32, #tpu.memory_space<vmem>> -> memref<128x128xf32, #tpu.memory_space<vmem>>
        %dma_start3A_153 = arith.constant 0 : i32
        %dma_start3A_154 = tpu.memref_slice %arg4[%add3A_146, %dma_start3A_153] : memref<81920x128xf32, #tpu.memory_space<hbm>> -> memref<128x128xf32, #tpu.memory_space<hbm>>
        %dma_start3A_155 = arith.constant 0 : i32
        %dma_start3A_156 = tpu.memref_slice %arg4[%add3A_146, %dma_start3A_155] : memref<81920x128xf32, #tpu.memory_space<hbm>> -> memref<128x128xf32, #tpu.memory_space<hbm>>
        %dma_start3A_157 = arith.constant 0 : i32
        %dma_start3A_158 = arith.constant 0 : i32
        %dma_start3A_159 = tpu.memref_slice %arg6[%run_scoped3A_147, %dma_start3A_157, %dma_start3A_158] : memref<5x128x128xf32, #tpu.memory_space<vmem>> -> memref<1x128x128xf32, #tpu.memory_space<vmem>>
        %dma_start3A_160 = tpu.memref_squeeze %dma_start3A_159 : memref<1x128x128xf32, #tpu.memory_space<vmem>> -> memref<128x128xf32, #tpu.memory_space<vmem>>
        tpu.enqueue_dma source(%dma_start3A_160 : memref<128x128xf32, #tpu.memory_space<vmem>>) target(%dma_start3A_156 : memref<128x128xf32, #tpu.memory_space<hbm>>) target_semaphore(%run_scoped3A_148 : memref<!tpu.dma_semaphore, #tpu.memory_space<semaphore_mem>>)
        %dma_wait3A_161 = arith.constant 0 : i32
        %dma_wait3A_162 = arith.constant 0 : i32
        %dma_wait3A_163 = tpu.memref_slice %arg6[%run_scoped3A_147, %dma_wait3A_161, %dma_wait3A_162] : memref<5x128x128xf32, #tpu.memory_space<vmem>> -> memref<1x128x128xf32, #tpu.memory_space<vmem>>
        %dma_wait3A_164 = tpu.memref_squeeze %dma_wait3A_163 : memref<1x128x128xf32, #tpu.memory_space<vmem>> -> memref<128x128xf32, #tpu.memory_space<vmem>>
        %dma_wait3A_165 = arith.constant 0 : i32
        %dma_wait3A_166 = tpu.memref_slice %arg4[%add3A_146, %dma_wait3A_165] : memref<81920x128xf32, #tpu.memory_space<hbm>> -> memref<128x128xf32, #tpu.memory_space<hbm>>
        %dma_wait3A_167 = arith.constant 0 : i32
        %dma_wait3A_168 = tpu.memref_slice %arg4[%add3A_146, %dma_wait3A_167] : memref<81920x128xf32, #tpu.memory_space<hbm>> -> memref<128x128xf32, #tpu.memory_space<hbm>>
        %dma_wait3A_169 = arith.constant 0 : i32
        %dma_wait3A_170 = arith.constant 0 : i32
        %dma_wait3A_171 = tpu.memref_slice %arg6[%run_scoped3A_147, %dma_wait3A_169, %dma_wait3A_170] : memref<5x128x128xf32, #tpu.memory_space<vmem>> -> memref<1x128x128xf32, #tpu.memory_space<vmem>>
        %dma_wait3A_172 = tpu.memref_squeeze %dma_wait3A_171 : memref<1x128x128xf32, #tpu.memory_space<vmem>> -> memref<128x128xf32, #tpu.memory_space<vmem>>
        tpu.wait_dma2 semaphore(%run_scoped3A_148 : memref<!tpu.dma_semaphore, #tpu.memory_space<semaphore_mem>>) src(%dma_wait3A_172 : memref<128x128xf32, #tpu.memory_space<vmem>>) dst(%dma_wait3A_168 : memref<128x128xf32, #tpu.memory_space<hbm>>)
        tpu.yield
      }) : () -> ()
    }
    %scan3A_7 = arith.constant 4 : i32
    return
  }
}

#map = affine_map<(d0, d1) -> (0)>
#map1 = affine_map<(d0, d1) -> (0, 0)>
module attributes {stable_mosaic.version = 14 : i64} {
  func.func @gk(%arg0: i32, %arg1: i32, %arg2: memref<81920xi32, #tpu.memory_space<hbm>>, %arg3: memref<8192x128xf32, #tpu.memory_space<hbm>>, %arg4: memref<81920x128xf32, #tpu.memory_space<hbm>>, %arg5: memref<2560xi32, #tpu.memory_space<vmem>>, %arg6: memref<5x128x128xf32, #tpu.memory_space<vmem>>, %arg7: memref<!tpu.dma_semaphore, #tpu.memory_space<semaphore_mem>>) attributes {dimension_semantics = [#tpu.dimension_semantics<core_parallel>, #tpu.dimension_semantics<subcore_parallel>], iteration_bounds = array<i64: 2, 16>, scalar_prefetch = 0 : i64, scratch_operands = 3 : i64, tpu.core_type = #tpu.core_type<sc_vector_subcore>, window_params = [{transform_indices = #map}, {transform_indices = #map1}, {transform_indices = #map1}]} {
    %mul3A = arith.constant 2 : i32
    %mul3A_0 = arith.muli %arg1, %mul3A : i32
    %add3A = arith.addi %mul3A_0, %arg0 : i32
    %mul3A_1 = arith.constant 2560 : i32
    %mul3A_2 = arith.muli %add3A, %mul3A_1 : i32
    "tpu.region"() ({
      %run_scoped3A = tpu.sem_alloc : memref<!tpu.dma_semaphore, #tpu.memory_space<semaphore_mem>>
      %dma_start3A = tpu.memref_slice %arg2[%mul3A_2] : memref<81920xi32, #tpu.memory_space<hbm>> -> memref<2560xi32, #tpu.memory_space<hbm>>
      %dma_start3A_8 = tpu.memref_slice %arg2[%mul3A_2] : memref<81920xi32, #tpu.memory_space<hbm>> -> memref<2560xi32, #tpu.memory_space<hbm>>
      tpu.enqueue_dma source(%dma_start3A_8 : memref<2560xi32, #tpu.memory_space<hbm>>) target(%arg5 : memref<2560xi32, #tpu.memory_space<vmem>>) target_semaphore(%run_scoped3A : memref<!tpu.dma_semaphore, #tpu.memory_space<semaphore_mem>>)
      %dma_wait3A = tpu.memref_slice %arg2[%mul3A_2] : memref<81920xi32, #tpu.memory_space<hbm>> -> memref<2560xi32, #tpu.memory_space<hbm>>
      %dma_wait3A_9 = tpu.memref_slice %arg2[%mul3A_2] : memref<81920xi32, #tpu.memory_space<hbm>> -> memref<2560xi32, #tpu.memory_space<hbm>>
      tpu.wait_dma2 semaphore(%run_scoped3A : memref<!tpu.dma_semaphore, #tpu.memory_space<semaphore_mem>>) src(%dma_wait3A_9 : memref<2560xi32, #tpu.memory_space<hbm>>) dst(%arg5 : memref<2560xi32, #tpu.memory_space<vmem>>)
      tpu.yield
    }) : () -> ()
    %scan3A = arith.constant 0 : i32
    %scan3A_3 = arith.constant 0 : i32
    %scan3A_4 = arith.constant 4 : i32
    %scan3A_5 = arith.addi %scan3A_3, %scan3A_4 : i32
    %scan3A_6 = arith.constant 1 : i32
    scf.for %scan3A_8 = %scan3A_3 to %scan3A_5 step %scan3A_6  : i32 {
      %mul3A_9 = arith.constant 5 : i32
      %mul3A_10 = arith.muli %scan3A_8, %mul3A_9 : i32
      %add3A_11 = arith.constant 0 : i32
      %add3A_12 = arith.addi %mul3A_10, %add3A_11 : i32
      %mul3A_13 = arith.constant 128 : i32
      %mul3A_14 = arith.muli %add3A_12, %mul3A_13 : i32
      %dma_start3A = arith.constant 0 : i32
      %dma_start3A_15 = arith.constant 0 : i32
      %dma_start3A_16 = arith.constant 0 : i32
      %dma_start3A_17 = tpu.memref_slice %arg6[%dma_start3A, %dma_start3A_15, %dma_start3A_16] : memref<5x128x128xf32, #tpu.memory_space<vmem>> -> memref<1x128x128xf32, #tpu.memory_space<vmem>>
      %dma_start3A_18 = tpu.memref_squeeze %dma_start3A_17 : memref<1x128x128xf32, #tpu.memory_space<vmem>> -> memref<128x128xf32, #tpu.memory_space<vmem>>
      %dma_start3A_19 = tpu.memref_slice %arg5[%mul3A_14] : memref<2560xi32, #tpu.memory_space<vmem>> -> memref<128xi32, #tpu.memory_space<vmem>>
      %dma_start3A_20 = arith.constant 0 : i32
      %dma_start3A_21 = arith.constant 0 : i32
      %dma_start3A_22 = tpu.memref_slice %arg3[%dma_start3A_20, %dma_start3A_21] : memref<8192x128xf32, #tpu.memory_space<hbm>> -> memref<8192x128xf32, #tpu.memory_space<hbm>>
      tpu.enqueue_indirect_dma source(%dma_start3A_22 : memref<8192x128xf32, #tpu.memory_space<hbm>>) target(%dma_start3A_18 : memref<128x128xf32, #tpu.memory_space<vmem>>) offsets(%dma_start3A_19 : memref<128xi32, #tpu.memory_space<vmem>>) semaphore(%arg7 : memref<!tpu.dma_semaphore, #tpu.memory_space<semaphore_mem>>)
      %add3A_23 = arith.constant 1 : i32
      %add3A_24 = arith.addi %mul3A_10, %add3A_23 : i32
      %mul3A_25 = arith.constant 128 : i32
      %mul3A_26 = arith.muli %add3A_24, %mul3A_25 : i32
      %dma_start3A_27 = arith.constant 1 : i32
      %dma_start3A_28 = arith.constant 0 : i32
      %dma_start3A_29 = arith.constant 0 : i32
      %dma_start3A_30 = tpu.memref_slice %arg6[%dma_start3A_27, %dma_start3A_28, %dma_start3A_29] : memref<5x128x128xf32, #tpu.memory_space<vmem>> -> memref<1x128x128xf32, #tpu.memory_space<vmem>>
      %dma_start3A_31 = tpu.memref_squeeze %dma_start3A_30 : memref<1x128x128xf32, #tpu.memory_space<vmem>> -> memref<128x128xf32, #tpu.memory_space<vmem>>
      %dma_start3A_32 = tpu.memref_slice %arg5[%mul3A_26] : memref<2560xi32, #tpu.memory_space<vmem>> -> memref<128xi32, #tpu.memory_space<vmem>>
      %dma_start3A_33 = arith.constant 0 : i32
      %dma_start3A_34 = arith.constant 0 : i32
      %dma_start3A_35 = tpu.memref_slice %arg3[%dma_start3A_33, %dma_start3A_34] : memref<8192x128xf32, #tpu.memory_space<hbm>> -> memref<8192x128xf32, #tpu.memory_space<hbm>>
      tpu.enqueue_indirect_dma source(%dma_start3A_35 : memref<8192x128xf32, #tpu.memory_space<hbm>>) target(%dma_start3A_31 : memref<128x128xf32, #tpu.memory_space<vmem>>) offsets(%dma_start3A_32 : memref<128xi32, #tpu.memory_space<vmem>>) semaphore(%arg7 : memref<!tpu.dma_semaphore, #tpu.memory_space<semaphore_mem>>)
      %add3A_36 = arith.constant 2 : i32
      %add3A_37 = arith.addi %mul3A_10, %add3A_36 : i32
      %mul3A_38 = arith.constant 128 : i32
      %mul3A_39 = arith.muli %add3A_37, %mul3A_38 : i32
      %dma_start3A_40 = arith.constant 2 : i32
      %dma_start3A_41 = arith.constant 0 : i32
      %dma_start3A_42 = arith.constant 0 : i32
      %dma_start3A_43 = tpu.memref_slice %arg6[%dma_start3A_40, %dma_start3A_41, %dma_start3A_42] : memref<5x128x128xf32, #tpu.memory_space<vmem>> -> memref<1x128x128xf32, #tpu.memory_space<vmem>>
      %dma_start3A_44 = tpu.memref_squeeze %dma_start3A_43 : memref<1x128x128xf32, #tpu.memory_space<vmem>> -> memref<128x128xf32, #tpu.memory_space<vmem>>
      %dma_start3A_45 = tpu.memref_slice %arg5[%mul3A_39] : memref<2560xi32, #tpu.memory_space<vmem>> -> memref<128xi32, #tpu.memory_space<vmem>>
      %dma_start3A_46 = arith.constant 0 : i32
      %dma_start3A_47 = arith.constant 0 : i32
      %dma_start3A_48 = tpu.memref_slice %arg3[%dma_start3A_46, %dma_start3A_47] : memref<8192x128xf32, #tpu.memory_space<hbm>> -> memref<8192x128xf32, #tpu.memory_space<hbm>>
      tpu.enqueue_indirect_dma source(%dma_start3A_48 : memref<8192x128xf32, #tpu.memory_space<hbm>>) target(%dma_start3A_44 : memref<128x128xf32, #tpu.memory_space<vmem>>) offsets(%dma_start3A_45 : memref<128xi32, #tpu.memory_space<vmem>>) semaphore(%arg7 : memref<!tpu.dma_semaphore, #tpu.memory_space<semaphore_mem>>)
      %add3A_49 = arith.constant 3 : i32
      %add3A_50 = arith.addi %mul3A_10, %add3A_49 : i32
      %mul3A_51 = arith.constant 128 : i32
      %mul3A_52 = arith.muli %add3A_50, %mul3A_51 : i32
      %dma_start3A_53 = arith.constant 3 : i32
      %dma_start3A_54 = arith.constant 0 : i32
      %dma_start3A_55 = arith.constant 0 : i32
      %dma_start3A_56 = tpu.memref_slice %arg6[%dma_start3A_53, %dma_start3A_54, %dma_start3A_55] : memref<5x128x128xf32, #tpu.memory_space<vmem>> -> memref<1x128x128xf32, #tpu.memory_space<vmem>>
      %dma_start3A_57 = tpu.memref_squeeze %dma_start3A_56 : memref<1x128x128xf32, #tpu.memory_space<vmem>> -> memref<128x128xf32, #tpu.memory_space<vmem>>
      %dma_start3A_58 = tpu.memref_slice %arg5[%mul3A_52] : memref<2560xi32, #tpu.memory_space<vmem>> -> memref<128xi32, #tpu.memory_space<vmem>>
      %dma_start3A_59 = arith.constant 0 : i32
      %dma_start3A_60 = arith.constant 0 : i32
      %dma_start3A_61 = tpu.memref_slice %arg3[%dma_start3A_59, %dma_start3A_60] : memref<8192x128xf32, #tpu.memory_space<hbm>> -> memref<8192x128xf32, #tpu.memory_space<hbm>>
      tpu.enqueue_indirect_dma source(%dma_start3A_61 : memref<8192x128xf32, #tpu.memory_space<hbm>>) target(%dma_start3A_57 : memref<128x128xf32, #tpu.memory_space<vmem>>) offsets(%dma_start3A_58 : memref<128xi32, #tpu.memory_space<vmem>>) semaphore(%arg7 : memref<!tpu.dma_semaphore, #tpu.memory_space<semaphore_mem>>)
      %add3A_62 = arith.constant 4 : i32
      %add3A_63 = arith.addi %mul3A_10, %add3A_62 : i32
      %mul3A_64 = arith.constant 128 : i32
      %mul3A_65 = arith.muli %add3A_63, %mul3A_64 : i32
      %dma_start3A_66 = arith.constant 4 : i32
      %dma_start3A_67 = arith.constant 0 : i32
      %dma_start3A_68 = arith.constant 0 : i32
      %dma_start3A_69 = tpu.memref_slice %arg6[%dma_start3A_66, %dma_start3A_67, %dma_start3A_68] : memref<5x128x128xf32, #tpu.memory_space<vmem>> -> memref<1x128x128xf32, #tpu.memory_space<vmem>>
      %dma_start3A_70 = tpu.memref_squeeze %dma_start3A_69 : memref<1x128x128xf32, #tpu.memory_space<vmem>> -> memref<128x128xf32, #tpu.memory_space<vmem>>
      %dma_start3A_71 = tpu.memref_slice %arg5[%mul3A_65] : memref<2560xi32, #tpu.memory_space<vmem>> -> memref<128xi32, #tpu.memory_space<vmem>>
      %dma_start3A_72 = arith.constant 0 : i32
      %dma_start3A_73 = arith.constant 0 : i32
      %dma_start3A_74 = tpu.memref_slice %arg3[%dma_start3A_72, %dma_start3A_73] : memref<8192x128xf32, #tpu.memory_space<hbm>> -> memref<8192x128xf32, #tpu.memory_space<hbm>>
      tpu.enqueue_indirect_dma source(%dma_start3A_74 : memref<8192x128xf32, #tpu.memory_space<hbm>>) target(%dma_start3A_70 : memref<128x128xf32, #tpu.memory_space<vmem>>) offsets(%dma_start3A_71 : memref<128xi32, #tpu.memory_space<vmem>>) semaphore(%arg7 : memref<!tpu.dma_semaphore, #tpu.memory_space<semaphore_mem>>)
      %dma_wait3A = arith.constant 0 : i32
      %dma_wait3A_75 = arith.constant 0 : i32
      %dma_wait3A_76 = arith.constant 0 : i32
      %dma_wait3A_77 = tpu.memref_slice %arg6[%dma_wait3A, %dma_wait3A_75, %dma_wait3A_76] : memref<5x128x128xf32, #tpu.memory_space<vmem>> -> memref<1x128x128xf32, #tpu.memory_space<vmem>>
      %dma_wait3A_78 = tpu.memref_squeeze %dma_wait3A_77 : memref<1x128x128xf32, #tpu.memory_space<vmem>> -> memref<128x128xf32, #tpu.memory_space<vmem>>
      %dma_wait3A_79 = tpu.memref_slice %arg5[%mul3A_14] : memref<2560xi32, #tpu.memory_space<vmem>> -> memref<128xi32, #tpu.memory_space<vmem>>
      %dma_wait3A_80 = arith.constant 0 : i32
      %dma_wait3A_81 = arith.constant 0 : i32
      %dma_wait3A_82 = tpu.memref_slice %arg3[%dma_wait3A_80, %dma_wait3A_81] : memref<8192x128xf32, #tpu.memory_space<hbm>> -> memref<8192x128xf32, #tpu.memory_space<hbm>>
      tpu.wait_indirect_dma semaphore(%arg7 : memref<!tpu.dma_semaphore, #tpu.memory_space<semaphore_mem>>) src(%dma_wait3A_82 : memref<8192x128xf32, #tpu.memory_space<hbm>>) dst(%dma_wait3A_78 : memref<128x128xf32, #tpu.memory_space<vmem>>)
      %dma_wait3A_83 = arith.constant 1 : i32
      %dma_wait3A_84 = arith.constant 0 : i32
      %dma_wait3A_85 = arith.constant 0 : i32
      %dma_wait3A_86 = tpu.memref_slice %arg6[%dma_wait3A_83, %dma_wait3A_84, %dma_wait3A_85] : memref<5x128x128xf32, #tpu.memory_space<vmem>> -> memref<1x128x128xf32, #tpu.memory_space<vmem>>
      %dma_wait3A_87 = tpu.memref_squeeze %dma_wait3A_86 : memref<1x128x128xf32, #tpu.memory_space<vmem>> -> memref<128x128xf32, #tpu.memory_space<vmem>>
      %dma_wait3A_88 = tpu.memref_slice %arg5[%mul3A_26] : memref<2560xi32, #tpu.memory_space<vmem>> -> memref<128xi32, #tpu.memory_space<vmem>>
      %dma_wait3A_89 = arith.constant 0 : i32
      %dma_wait3A_90 = arith.constant 0 : i32
      %dma_wait3A_91 = tpu.memref_slice %arg3[%dma_wait3A_89, %dma_wait3A_90] : memref<8192x128xf32, #tpu.memory_space<hbm>> -> memref<8192x128xf32, #tpu.memory_space<hbm>>
      tpu.wait_indirect_dma semaphore(%arg7 : memref<!tpu.dma_semaphore, #tpu.memory_space<semaphore_mem>>) src(%dma_wait3A_91 : memref<8192x128xf32, #tpu.memory_space<hbm>>) dst(%dma_wait3A_87 : memref<128x128xf32, #tpu.memory_space<vmem>>)
      %dma_wait3A_92 = arith.constant 2 : i32
      %dma_wait3A_93 = arith.constant 0 : i32
      %dma_wait3A_94 = arith.constant 0 : i32
      %dma_wait3A_95 = tpu.memref_slice %arg6[%dma_wait3A_92, %dma_wait3A_93, %dma_wait3A_94] : memref<5x128x128xf32, #tpu.memory_space<vmem>> -> memref<1x128x128xf32, #tpu.memory_space<vmem>>
      %dma_wait3A_96 = tpu.memref_squeeze %dma_wait3A_95 : memref<1x128x128xf32, #tpu.memory_space<vmem>> -> memref<128x128xf32, #tpu.memory_space<vmem>>
      %dma_wait3A_97 = tpu.memref_slice %arg5[%mul3A_39] : memref<2560xi32, #tpu.memory_space<vmem>> -> memref<128xi32, #tpu.memory_space<vmem>>
      %dma_wait3A_98 = arith.constant 0 : i32
      %dma_wait3A_99 = arith.constant 0 : i32
      %dma_wait3A_100 = tpu.memref_slice %arg3[%dma_wait3A_98, %dma_wait3A_99] : memref<8192x128xf32, #tpu.memory_space<hbm>> -> memref<8192x128xf32, #tpu.memory_space<hbm>>
      tpu.wait_indirect_dma semaphore(%arg7 : memref<!tpu.dma_semaphore, #tpu.memory_space<semaphore_mem>>) src(%dma_wait3A_100 : memref<8192x128xf32, #tpu.memory_space<hbm>>) dst(%dma_wait3A_96 : memref<128x128xf32, #tpu.memory_space<vmem>>)
      %dma_wait3A_101 = arith.constant 3 : i32
      %dma_wait3A_102 = arith.constant 0 : i32
      %dma_wait3A_103 = arith.constant 0 : i32
      %dma_wait3A_104 = tpu.memref_slice %arg6[%dma_wait3A_101, %dma_wait3A_102, %dma_wait3A_103] : memref<5x128x128xf32, #tpu.memory_space<vmem>> -> memref<1x128x128xf32, #tpu.memory_space<vmem>>
      %dma_wait3A_105 = tpu.memref_squeeze %dma_wait3A_104 : memref<1x128x128xf32, #tpu.memory_space<vmem>> -> memref<128x128xf32, #tpu.memory_space<vmem>>
      %dma_wait3A_106 = tpu.memref_slice %arg5[%mul3A_52] : memref<2560xi32, #tpu.memory_space<vmem>> -> memref<128xi32, #tpu.memory_space<vmem>>
      %dma_wait3A_107 = arith.constant 0 : i32
      %dma_wait3A_108 = arith.constant 0 : i32
      %dma_wait3A_109 = tpu.memref_slice %arg3[%dma_wait3A_107, %dma_wait3A_108] : memref<8192x128xf32, #tpu.memory_space<hbm>> -> memref<8192x128xf32, #tpu.memory_space<hbm>>
      tpu.wait_indirect_dma semaphore(%arg7 : memref<!tpu.dma_semaphore, #tpu.memory_space<semaphore_mem>>) src(%dma_wait3A_109 : memref<8192x128xf32, #tpu.memory_space<hbm>>) dst(%dma_wait3A_105 : memref<128x128xf32, #tpu.memory_space<vmem>>)
      %dma_wait3A_110 = arith.constant 4 : i32
      %dma_wait3A_111 = arith.constant 0 : i32
      %dma_wait3A_112 = arith.constant 0 : i32
      %dma_wait3A_113 = tpu.memref_slice %arg6[%dma_wait3A_110, %dma_wait3A_111, %dma_wait3A_112] : memref<5x128x128xf32, #tpu.memory_space<vmem>> -> memref<1x128x128xf32, #tpu.memory_space<vmem>>
      %dma_wait3A_114 = tpu.memref_squeeze %dma_wait3A_113 : memref<1x128x128xf32, #tpu.memory_space<vmem>> -> memref<128x128xf32, #tpu.memory_space<vmem>>
      %dma_wait3A_115 = tpu.memref_slice %arg5[%mul3A_65] : memref<2560xi32, #tpu.memory_space<vmem>> -> memref<128xi32, #tpu.memory_space<vmem>>
      %dma_wait3A_116 = arith.constant 0 : i32
      %dma_wait3A_117 = arith.constant 0 : i32
      %dma_wait3A_118 = tpu.memref_slice %arg3[%dma_wait3A_116, %dma_wait3A_117] : memref<8192x128xf32, #tpu.memory_space<hbm>> -> memref<8192x128xf32, #tpu.memory_space<hbm>>
      tpu.wait_indirect_dma semaphore(%arg7 : memref<!tpu.dma_semaphore, #tpu.memory_space<semaphore_mem>>) src(%dma_wait3A_118 : memref<8192x128xf32, #tpu.memory_space<hbm>>) dst(%dma_wait3A_114 : memref<128x128xf32, #tpu.memory_space<vmem>>)
      %add3A_119 = arith.constant 0 : i32
      %add3A_120 = arith.addi %mul3A_10, %add3A_119 : i32
      %mul3A_121 = arith.constant 128 : i32
      %mul3A_122 = arith.muli %add3A_120, %mul3A_121 : i32
      %add3A_123 = arith.addi %mul3A_2, %mul3A_122 : i32
      %run_scoped3A = arith.constant 0 : i32
      "tpu.region"() ({
        %run_scoped3A_148 = tpu.sem_alloc : memref<!tpu.dma_semaphore, #tpu.memory_space<semaphore_mem>>
        %dma_start3A_149 = arith.constant 0 : i32
        %dma_start3A_150 = arith.constant 0 : i32
        %dma_start3A_151 = tpu.memref_slice %arg6[%run_scoped3A, %dma_start3A_149, %dma_start3A_150] : memref<5x128x128xf32, #tpu.memory_space<vmem>> -> memref<1x128x128xf32, #tpu.memory_space<vmem>>
        %dma_start3A_152 = tpu.memref_squeeze %dma_start3A_151 : memref<1x128x128xf32, #tpu.memory_space<vmem>> -> memref<128x128xf32, #tpu.memory_space<vmem>>
        %dma_start3A_153 = arith.constant 0 : i32
        %dma_start3A_154 = tpu.memref_slice %arg4[%add3A_123, %dma_start3A_153] : memref<81920x128xf32, #tpu.memory_space<hbm>> -> memref<128x128xf32, #tpu.memory_space<hbm>>
        %dma_start3A_155 = arith.constant 0 : i32
        %dma_start3A_156 = tpu.memref_slice %arg4[%add3A_123, %dma_start3A_155] : memref<81920x128xf32, #tpu.memory_space<hbm>> -> memref<128x128xf32, #tpu.memory_space<hbm>>
        %dma_start3A_157 = arith.constant 0 : i32
        %dma_start3A_158 = arith.constant 0 : i32
        %dma_start3A_159 = tpu.memref_slice %arg6[%run_scoped3A, %dma_start3A_157, %dma_start3A_158] : memref<5x128x128xf32, #tpu.memory_space<vmem>> -> memref<1x128x128xf32, #tpu.memory_space<vmem>>
        %dma_start3A_160 = tpu.memref_squeeze %dma_start3A_159 : memref<1x128x128xf32, #tpu.memory_space<vmem>> -> memref<128x128xf32, #tpu.memory_space<vmem>>
        tpu.enqueue_dma source(%dma_start3A_160 : memref<128x128xf32, #tpu.memory_space<vmem>>) target(%dma_start3A_156 : memref<128x128xf32, #tpu.memory_space<hbm>>) target_semaphore(%run_scoped3A_148 : memref<!tpu.dma_semaphore, #tpu.memory_space<semaphore_mem>>)
        %dma_wait3A_161 = arith.constant 0 : i32
        %dma_wait3A_162 = arith.constant 0 : i32
        %dma_wait3A_163 = tpu.memref_slice %arg6[%run_scoped3A, %dma_wait3A_161, %dma_wait3A_162] : memref<5x128x128xf32, #tpu.memory_space<vmem>> -> memref<1x128x128xf32, #tpu.memory_space<vmem>>
        %dma_wait3A_164 = tpu.memref_squeeze %dma_wait3A_163 : memref<1x128x128xf32, #tpu.memory_space<vmem>> -> memref<128x128xf32, #tpu.memory_space<vmem>>
        %dma_wait3A_165 = arith.constant 0 : i32
        %dma_wait3A_166 = tpu.memref_slice %arg4[%add3A_123, %dma_wait3A_165] : memref<81920x128xf32, #tpu.memory_space<hbm>> -> memref<128x128xf32, #tpu.memory_space<hbm>>
        %dma_wait3A_167 = arith.constant 0 : i32
        %dma_wait3A_168 = tpu.memref_slice %arg4[%add3A_123, %dma_wait3A_167] : memref<81920x128xf32, #tpu.memory_space<hbm>> -> memref<128x128xf32, #tpu.memory_space<hbm>>
        %dma_wait3A_169 = arith.constant 0 : i32
        %dma_wait3A_170 = arith.constant 0 : i32
        %dma_wait3A_171 = tpu.memref_slice %arg6[%run_scoped3A, %dma_wait3A_169, %dma_wait3A_170] : memref<5x128x128xf32, #tpu.memory_space<vmem>> -> memref<1x128x128xf32, #tpu.memory_space<vmem>>
        %dma_wait3A_172 = tpu.memref_squeeze %dma_wait3A_171 : memref<1x128x128xf32, #tpu.memory_space<vmem>> -> memref<128x128xf32, #tpu.memory_space<vmem>>
        tpu.wait_dma2 semaphore(%run_scoped3A_148 : memref<!tpu.dma_semaphore, #tpu.memory_space<semaphore_mem>>) src(%dma_wait3A_172 : memref<128x128xf32, #tpu.memory_space<vmem>>) dst(%dma_wait3A_168 : memref<128x128xf32, #tpu.memory_space<hbm>>)
        tpu.yield
      }) : () -> ()
      %add3A_124 = arith.constant 1 : i32
      %add3A_125 = arith.addi %mul3A_10, %add3A_124 : i32
      %mul3A_126 = arith.constant 128 : i32
      %mul3A_127 = arith.muli %add3A_125, %mul3A_126 : i32
      %add3A_128 = arith.addi %mul3A_2, %mul3A_127 : i32
      %run_scoped3A_129 = arith.constant 1 : i32
      "tpu.region"() ({
        %run_scoped3A_148 = tpu.sem_alloc : memref<!tpu.dma_semaphore, #tpu.memory_space<semaphore_mem>>
        %dma_start3A_149 = arith.constant 0 : i32
        %dma_start3A_150 = arith.constant 0 : i32
        %dma_start3A_151 = tpu.memref_slice %arg6[%run_scoped3A_129, %dma_start3A_149, %dma_start3A_150] : memref<5x128x128xf32, #tpu.memory_space<vmem>> -> memref<1x128x128xf32, #tpu.memory_space<vmem>>
        %dma_start3A_152 = tpu.memref_squeeze %dma_start3A_151 : memref<1x128x128xf32, #tpu.memory_space<vmem>> -> memref<128x128xf32, #tpu.memory_space<vmem>>
        %dma_start3A_153 = arith.constant 0 : i32
        %dma_start3A_154 = tpu.memref_slice %arg4[%add3A_128, %dma_start3A_153] : memref<81920x128xf32, #tpu.memory_space<hbm>> -> memref<128x128xf32, #tpu.memory_space<hbm>>
        %dma_start3A_155 = arith.constant 0 : i32
        %dma_start3A_156 = tpu.memref_slice %arg4[%add3A_128, %dma_start3A_155] : memref<81920x128xf32, #tpu.memory_space<hbm>> -> memref<128x128xf32, #tpu.memory_space<hbm>>
        %dma_start3A_157 = arith.constant 0 : i32
        %dma_start3A_158 = arith.constant 0 : i32
        %dma_start3A_159 = tpu.memref_slice %arg6[%run_scoped3A_129, %dma_start3A_157, %dma_start3A_158] : memref<5x128x128xf32, #tpu.memory_space<vmem>> -> memref<1x128x128xf32, #tpu.memory_space<vmem>>
        %dma_start3A_160 = tpu.memref_squeeze %dma_start3A_159 : memref<1x128x128xf32, #tpu.memory_space<vmem>> -> memref<128x128xf32, #tpu.memory_space<vmem>>
        tpu.enqueue_dma source(%dma_start3A_160 : memref<128x128xf32, #tpu.memory_space<vmem>>) target(%dma_start3A_156 : memref<128x128xf32, #tpu.memory_space<hbm>>) target_semaphore(%run_scoped3A_148 : memref<!tpu.dma_semaphore, #tpu.memory_space<semaphore_mem>>)
        %dma_wait3A_161 = arith.constant 0 : i32
        %dma_wait3A_162 = arith.constant 0 : i32
        %dma_wait3A_163 = tpu.memref_slice %arg6[%run_scoped3A_129, %dma_wait3A_161, %dma_wait3A_162] : memref<5x128x128xf32, #tpu.memory_space<vmem>> -> memref<1x128x128xf32, #tpu.memory_space<vmem>>
        %dma_wait3A_164 = tpu.memref_squeeze %dma_wait3A_163 : memref<1x128x128xf32, #tpu.memory_space<vmem>> -> memref<128x128xf32, #tpu.memory_space<vmem>>
        %dma_wait3A_165 = arith.constant 0 : i32
        %dma_wait3A_166 = tpu.memref_slice %arg4[%add3A_128, %dma_wait3A_165] : memref<81920x128xf32, #tpu.memory_space<hbm>> -> memref<128x128xf32, #tpu.memory_space<hbm>>
        %dma_wait3A_167 = arith.constant 0 : i32
        %dma_wait3A_168 = tpu.memref_slice %arg4[%add3A_128, %dma_wait3A_167] : memref<81920x128xf32, #tpu.memory_space<hbm>> -> memref<128x128xf32, #tpu.memory_space<hbm>>
        %dma_wait3A_169 = arith.constant 0 : i32
        %dma_wait3A_170 = arith.constant 0 : i32
        %dma_wait3A_171 = tpu.memref_slice %arg6[%run_scoped3A_129, %dma_wait3A_169, %dma_wait3A_170] : memref<5x128x128xf32, #tpu.memory_space<vmem>> -> memref<1x128x128xf32, #tpu.memory_space<vmem>>
        %dma_wait3A_172 = tpu.memref_squeeze %dma_wait3A_171 : memref<1x128x128xf32, #tpu.memory_space<vmem>> -> memref<128x128xf32, #tpu.memory_space<vmem>>
        tpu.wait_dma2 semaphore(%run_scoped3A_148 : memref<!tpu.dma_semaphore, #tpu.memory_space<semaphore_mem>>) src(%dma_wait3A_172 : memref<128x128xf32, #tpu.memory_space<vmem>>) dst(%dma_wait3A_168 : memref<128x128xf32, #tpu.memory_space<hbm>>)
        tpu.yield
      }) : () -> ()
      %add3A_130 = arith.constant 2 : i32
      %add3A_131 = arith.addi %mul3A_10, %add3A_130 : i32
      %mul3A_132 = arith.constant 128 : i32
      %mul3A_133 = arith.muli %add3A_131, %mul3A_132 : i32
      %add3A_134 = arith.addi %mul3A_2, %mul3A_133 : i32
      %run_scoped3A_135 = arith.constant 2 : i32
      "tpu.region"() ({
        %run_scoped3A_148 = tpu.sem_alloc : memref<!tpu.dma_semaphore, #tpu.memory_space<semaphore_mem>>
        %dma_start3A_149 = arith.constant 0 : i32
        %dma_start3A_150 = arith.constant 0 : i32
        %dma_start3A_151 = tpu.memref_slice %arg6[%run_scoped3A_135, %dma_start3A_149, %dma_start3A_150] : memref<5x128x128xf32, #tpu.memory_space<vmem>> -> memref<1x128x128xf32, #tpu.memory_space<vmem>>
        %dma_start3A_152 = tpu.memref_squeeze %dma_start3A_151 : memref<1x128x128xf32, #tpu.memory_space<vmem>> -> memref<128x128xf32, #tpu.memory_space<vmem>>
        %dma_start3A_153 = arith.constant 0 : i32
        %dma_start3A_154 = tpu.memref_slice %arg4[%add3A_134, %dma_start3A_153] : memref<81920x128xf32, #tpu.memory_space<hbm>> -> memref<128x128xf32, #tpu.memory_space<hbm>>
        %dma_start3A_155 = arith.constant 0 : i32
        %dma_start3A_156 = tpu.memref_slice %arg4[%add3A_134, %dma_start3A_155] : memref<81920x128xf32, #tpu.memory_space<hbm>> -> memref<128x128xf32, #tpu.memory_space<hbm>>
        %dma_start3A_157 = arith.constant 0 : i32
        %dma_start3A_158 = arith.constant 0 : i32
        %dma_start3A_159 = tpu.memref_slice %arg6[%run_scoped3A_135, %dma_start3A_157, %dma_start3A_158] : memref<5x128x128xf32, #tpu.memory_space<vmem>> -> memref<1x128x128xf32, #tpu.memory_space<vmem>>
        %dma_start3A_160 = tpu.memref_squeeze %dma_start3A_159 : memref<1x128x128xf32, #tpu.memory_space<vmem>> -> memref<128x128xf32, #tpu.memory_space<vmem>>
        tpu.enqueue_dma source(%dma_start3A_160 : memref<128x128xf32, #tpu.memory_space<vmem>>) target(%dma_start3A_156 : memref<128x128xf32, #tpu.memory_space<hbm>>) target_semaphore(%run_scoped3A_148 : memref<!tpu.dma_semaphore, #tpu.memory_space<semaphore_mem>>)
        %dma_wait3A_161 = arith.constant 0 : i32
        %dma_wait3A_162 = arith.constant 0 : i32
        %dma_wait3A_163 = tpu.memref_slice %arg6[%run_scoped3A_135, %dma_wait3A_161, %dma_wait3A_162] : memref<5x128x128xf32, #tpu.memory_space<vmem>> -> memref<1x128x128xf32, #tpu.memory_space<vmem>>
        %dma_wait3A_164 = tpu.memref_squeeze %dma_wait3A_163 : memref<1x128x128xf32, #tpu.memory_space<vmem>> -> memref<128x128xf32, #tpu.memory_space<vmem>>
        %dma_wait3A_165 = arith.constant 0 : i32
        %dma_wait3A_166 = tpu.memref_slice %arg4[%add3A_134, %dma_wait3A_165] : memref<81920x128xf32, #tpu.memory_space<hbm>> -> memref<128x128xf32, #tpu.memory_space<hbm>>
        %dma_wait3A_167 = arith.constant 0 : i32
        %dma_wait3A_168 = tpu.memref_slice %arg4[%add3A_134, %dma_wait3A_167] : memref<81920x128xf32, #tpu.memory_space<hbm>> -> memref<128x128xf32, #tpu.memory_space<hbm>>
        %dma_wait3A_169 = arith.constant 0 : i32
        %dma_wait3A_170 = arith.constant 0 : i32
        %dma_wait3A_171 = tpu.memref_slice %arg6[%run_scoped3A_135, %dma_wait3A_169, %dma_wait3A_170] : memref<5x128x128xf32, #tpu.memory_space<vmem>> -> memref<1x128x128xf32, #tpu.memory_space<vmem>>
        %dma_wait3A_172 = tpu.memref_squeeze %dma_wait3A_171 : memref<1x128x128xf32, #tpu.memory_space<vmem>> -> memref<128x128xf32, #tpu.memory_space<vmem>>
        tpu.wait_dma2 semaphore(%run_scoped3A_148 : memref<!tpu.dma_semaphore, #tpu.memory_space<semaphore_mem>>) src(%dma_wait3A_172 : memref<128x128xf32, #tpu.memory_space<vmem>>) dst(%dma_wait3A_168 : memref<128x128xf32, #tpu.memory_space<hbm>>)
        tpu.yield
      }) : () -> ()
      %add3A_136 = arith.constant 3 : i32
      %add3A_137 = arith.addi %mul3A_10, %add3A_136 : i32
      %mul3A_138 = arith.constant 128 : i32
      %mul3A_139 = arith.muli %add3A_137, %mul3A_138 : i32
      %add3A_140 = arith.addi %mul3A_2, %mul3A_139 : i32
      %run_scoped3A_141 = arith.constant 3 : i32
      "tpu.region"() ({
        %run_scoped3A_148 = tpu.sem_alloc : memref<!tpu.dma_semaphore, #tpu.memory_space<semaphore_mem>>
        %dma_start3A_149 = arith.constant 0 : i32
        %dma_start3A_150 = arith.constant 0 : i32
        %dma_start3A_151 = tpu.memref_slice %arg6[%run_scoped3A_141, %dma_start3A_149, %dma_start3A_150] : memref<5x128x128xf32, #tpu.memory_space<vmem>> -> memref<1x128x128xf32, #tpu.memory_space<vmem>>
        %dma_start3A_152 = tpu.memref_squeeze %dma_start3A_151 : memref<1x128x128xf32, #tpu.memory_space<vmem>> -> memref<128x128xf32, #tpu.memory_space<vmem>>
        %dma_start3A_153 = arith.constant 0 : i32
        %dma_start3A_154 = tpu.memref_slice %arg4[%add3A_140, %dma_start3A_153] : memref<81920x128xf32, #tpu.memory_space<hbm>> -> memref<128x128xf32, #tpu.memory_space<hbm>>
        %dma_start3A_155 = arith.constant 0 : i32
        %dma_start3A_156 = tpu.memref_slice %arg4[%add3A_140, %dma_start3A_155] : memref<81920x128xf32, #tpu.memory_space<hbm>> -> memref<128x128xf32, #tpu.memory_space<hbm>>
        %dma_start3A_157 = arith.constant 0 : i32
        %dma_start3A_158 = arith.constant 0 : i32
        %dma_start3A_159 = tpu.memref_slice %arg6[%run_scoped3A_141, %dma_start3A_157, %dma_start3A_158] : memref<5x128x128xf32, #tpu.memory_space<vmem>> -> memref<1x128x128xf32, #tpu.memory_space<vmem>>
        %dma_start3A_160 = tpu.memref_squeeze %dma_start3A_159 : memref<1x128x128xf32, #tpu.memory_space<vmem>> -> memref<128x128xf32, #tpu.memory_space<vmem>>
        tpu.enqueue_dma source(%dma_start3A_160 : memref<128x128xf32, #tpu.memory_space<vmem>>) target(%dma_start3A_156 : memref<128x128xf32, #tpu.memory_space<hbm>>) target_semaphore(%run_scoped3A_148 : memref<!tpu.dma_semaphore, #tpu.memory_space<semaphore_mem>>)
        %dma_wait3A_161 = arith.constant 0 : i32
        %dma_wait3A_162 = arith.constant 0 : i32
        %dma_wait3A_163 = tpu.memref_slice %arg6[%run_scoped3A_141, %dma_wait3A_161, %dma_wait3A_162] : memref<5x128x128xf32, #tpu.memory_space<vmem>> -> memref<1x128x128xf32, #tpu.memory_space<vmem>>
        %dma_wait3A_164 = tpu.memref_squeeze %dma_wait3A_163 : memref<1x128x128xf32, #tpu.memory_space<vmem>> -> memref<128x128xf32, #tpu.memory_space<vmem>>
        %dma_wait3A_165 = arith.constant 0 : i32
        %dma_wait3A_166 = tpu.memref_slice %arg4[%add3A_140, %dma_wait3A_165] : memref<81920x128xf32, #tpu.memory_space<hbm>> -> memref<128x128xf32, #tpu.memory_space<hbm>>
        %dma_wait3A_167 = arith.constant 0 : i32
        %dma_wait3A_168 = tpu.memref_slice %arg4[%add3A_140, %dma_wait3A_167] : memref<81920x128xf32, #tpu.memory_space<hbm>> -> memref<128x128xf32, #tpu.memory_space<hbm>>
        %dma_wait3A_169 = arith.constant 0 : i32
        %dma_wait3A_170 = arith.constant 0 : i32
        %dma_wait3A_171 = tpu.memref_slice %arg6[%run_scoped3A_141, %dma_wait3A_169, %dma_wait3A_170] : memref<5x128x128xf32, #tpu.memory_space<vmem>> -> memref<1x128x128xf32, #tpu.memory_space<vmem>>
        %dma_wait3A_172 = tpu.memref_squeeze %dma_wait3A_171 : memref<1x128x128xf32, #tpu.memory_space<vmem>> -> memref<128x128xf32, #tpu.memory_space<vmem>>
        tpu.wait_dma2 semaphore(%run_scoped3A_148 : memref<!tpu.dma_semaphore, #tpu.memory_space<semaphore_mem>>) src(%dma_wait3A_172 : memref<128x128xf32, #tpu.memory_space<vmem>>) dst(%dma_wait3A_168 : memref<128x128xf32, #tpu.memory_space<hbm>>)
        tpu.yield
      }) : () -> ()
      %add3A_142 = arith.constant 4 : i32
      %add3A_143 = arith.addi %mul3A_10, %add3A_142 : i32
      %mul3A_144 = arith.constant 128 : i32
      %mul3A_145 = arith.muli %add3A_143, %mul3A_144 : i32
      %add3A_146 = arith.addi %mul3A_2, %mul3A_145 : i32
      %run_scoped3A_147 = arith.constant 4 : i32
      "tpu.region"() ({
        %run_scoped3A_148 = tpu.sem_alloc : memref<!tpu.dma_semaphore, #tpu.memory_space<semaphore_mem>>
        %dma_start3A_149 = arith.constant 0 : i32
        %dma_start3A_150 = arith.constant 0 : i32
        %dma_start3A_151 = tpu.memref_slice %arg6[%run_scoped3A_147, %dma_start3A_149, %dma_start3A_150] : memref<5x128x128xf32, #tpu.memory_space<vmem>> -> memref<1x128x128xf32, #tpu.memory_space<vmem>>
        %dma_start3A_152 = tpu.memref_squeeze %dma_start3A_151 : memref<1x128x128xf32, #tpu.memory_space<vmem>> -> memref<128x128xf32, #tpu.memory_space<vmem>>
        %dma_start3A_153 = arith.constant 0 : i32
        %dma_start3A_154 = tpu.memref_slice %arg4[%add3A_146, %dma_start3A_153] : memref<81920x128xf32, #tpu.memory_space<hbm>> -> memref<128x128xf32, #tpu.memory_space<hbm>>
        %dma_start3A_155 = arith.constant 0 : i32
        %dma_start3A_156 = tpu.memref_slice %arg4[%add3A_146, %dma_start3A_155] : memref<81920x128xf32, #tpu.memory_space<hbm>> -> memref<128x128xf32, #tpu.memory_space<hbm>>
        %dma_start3A_157 = arith.constant 0 : i32
        %dma_start3A_158 = arith.constant 0 : i32
        %dma_start3A_159 = tpu.memref_slice %arg6[%run_scoped3A_147, %dma_start3A_157, %dma_start3A_158] : memref<5x128x128xf32, #tpu.memory_space<vmem>> -> memref<1x128x128xf32, #tpu.memory_space<vmem>>
        %dma_start3A_160 = tpu.memref_squeeze %dma_start3A_159 : memref<1x128x128xf32, #tpu.memory_space<vmem>> -> memref<128x128xf32, #tpu.memory_space<vmem>>
        tpu.enqueue_dma source(%dma_start3A_160 : memref<128x128xf32, #tpu.memory_space<vmem>>) target(%dma_start3A_156 : memref<128x128xf32, #tpu.memory_space<hbm>>) target_semaphore(%run_scoped3A_148 : memref<!tpu.dma_semaphore, #tpu.memory_space<semaphore_mem>>)
        %dma_wait3A_161 = arith.constant 0 : i32
        %dma_wait3A_162 = arith.constant 0 : i32
        %dma_wait3A_163 = tpu.memref_slice %arg6[%run_scoped3A_147, %dma_wait3A_161, %dma_wait3A_162] : memref<5x128x128xf32, #tpu.memory_space<vmem>> -> memref<1x128x128xf32, #tpu.memory_space<vmem>>
        %dma_wait3A_164 = tpu.memref_squeeze %dma_wait3A_163 : memref<1x128x128xf32, #tpu.memory_space<vmem>> -> memref<128x128xf32, #tpu.memory_space<vmem>>
        %dma_wait3A_165 = arith.constant 0 : i32
        %dma_wait3A_166 = tpu.memref_slice %arg4[%add3A_146, %dma_wait3A_165] : memref<81920x128xf32, #tpu.memory_space<hbm>> -> memref<128x128xf32, #tpu.memory_space<hbm>>
        %dma_wait3A_167 = arith.constant 0 : i32
        %dma_wait3A_168 = tpu.memref_slice %arg4[%add3A_146, %dma_wait3A_167] : memref<81920x128xf32, #tpu.memory_space<hbm>> -> memref<128x128xf32, #tpu.memory_space<hbm>>
        %dma_wait3A_169 = arith.constant 0 : i32
        %dma_wait3A_170 = arith.constant 0 : i32
        %dma_wait3A_171 = tpu.memref_slice %arg6[%run_scoped3A_147, %dma_wait3A_169, %dma_wait3A_170] : memref<5x128x128xf32, #tpu.memory_space<vmem>> -> memref<1x128x128xf32, #tpu.memory_space<vmem>>
        %dma_wait3A_172 = tpu.memref_squeeze %dma_wait3A_171 : memref<1x128x128xf32, #tpu.memory_space<vmem>> -> memref<128x128xf32, #tpu.memory_space<vmem>>
        tpu.wait_dma2 semaphore(%run_scoped3A_148 : memref<!tpu.dma_semaphore, #tpu.memory_space<semaphore_mem>>) src(%dma_wait3A_172 : memref<128x128xf32, #tpu.memory_space<vmem>>) dst(%dma_wait3A_168 : memref<128x128xf32, #tpu.memory_space<hbm>>)
        tpu.yield
      }) : () -> ()
    }
    %scan3A_7 = arith.constant 4 : i32
    return
  }
}

#map = affine_map<(d0, d1) -> (0)>
#map1 = affine_map<(d0, d1) -> (0, 0)>
module attributes {stable_mosaic.version = 14 : i64} {
  func.func @gk(%arg0: i32, %arg1: i32, %arg2: memref<81920xi32, #tpu.memory_space<hbm>>, %arg3: memref<8192x128xf32, #tpu.memory_space<hbm>>, %arg4: memref<81920x128xf32, #tpu.memory_space<hbm>>, %arg5: memref<2560xi32, #tpu.memory_space<vmem>>, %arg6: memref<5x128x128xf32, #tpu.memory_space<vmem>>, %arg7: memref<!tpu.dma_semaphore, #tpu.memory_space<semaphore_mem>>) attributes {dimension_semantics = [#tpu.dimension_semantics<core_parallel>, #tpu.dimension_semantics<subcore_parallel>], iteration_bounds = array<i64: 2, 16>, scalar_prefetch = 0 : i64, scratch_operands = 3 : i64, tpu.core_type = #tpu.core_type<sc_vector_subcore>, window_params = [{transform_indices = #map}, {transform_indices = #map1}, {transform_indices = #map1}]} {
    %mul3A = arith.constant 2 : i32
    %mul3A_0 = arith.muli %arg1, %mul3A : i32
    %add3A = arith.addi %mul3A_0, %arg0 : i32
    %mul3A_1 = arith.constant 2560 : i32
    %mul3A_2 = arith.muli %add3A, %mul3A_1 : i32
    "tpu.region"() ({
      %run_scoped3A = tpu.sem_alloc : memref<!tpu.dma_semaphore, #tpu.memory_space<semaphore_mem>>
      %dma_start3A = tpu.memref_slice %arg2[%mul3A_2] : memref<81920xi32, #tpu.memory_space<hbm>> -> memref<2560xi32, #tpu.memory_space<hbm>>
      %dma_start3A_8 = tpu.memref_slice %arg2[%mul3A_2] : memref<81920xi32, #tpu.memory_space<hbm>> -> memref<2560xi32, #tpu.memory_space<hbm>>
      tpu.enqueue_dma source(%dma_start3A_8 : memref<2560xi32, #tpu.memory_space<hbm>>) target(%arg5 : memref<2560xi32, #tpu.memory_space<vmem>>) target_semaphore(%run_scoped3A : memref<!tpu.dma_semaphore, #tpu.memory_space<semaphore_mem>>)
      %dma_wait3A = tpu.memref_slice %arg2[%mul3A_2] : memref<81920xi32, #tpu.memory_space<hbm>> -> memref<2560xi32, #tpu.memory_space<hbm>>
      %dma_wait3A_9 = tpu.memref_slice %arg2[%mul3A_2] : memref<81920xi32, #tpu.memory_space<hbm>> -> memref<2560xi32, #tpu.memory_space<hbm>>
      tpu.wait_dma2 semaphore(%run_scoped3A : memref<!tpu.dma_semaphore, #tpu.memory_space<semaphore_mem>>) src(%dma_wait3A_9 : memref<2560xi32, #tpu.memory_space<hbm>>) dst(%arg5 : memref<2560xi32, #tpu.memory_space<vmem>>)
      tpu.yield
    }) : () -> ()
    %scan3A = arith.constant 0 : i32
    %scan3A_3 = arith.constant 0 : i32
    %scan3A_4 = arith.constant 4 : i32
    %scan3A_5 = arith.addi %scan3A_3, %scan3A_4 : i32
    %scan3A_6 = arith.constant 1 : i32
    scf.for %scan3A_8 = %scan3A_3 to %scan3A_5 step %scan3A_6  : i32 {
      %mul3A_9 = arith.constant 5 : i32
      %mul3A_10 = arith.muli %scan3A_8, %mul3A_9 : i32
      %add3A_11 = arith.constant 0 : i32
      %add3A_12 = arith.addi %mul3A_10, %add3A_11 : i32
      %mul3A_13 = arith.constant 128 : i32
      %mul3A_14 = arith.muli %add3A_12, %mul3A_13 : i32
      %dma_start3A = arith.constant 0 : i32
      %dma_start3A_15 = arith.constant 0 : i32
      %dma_start3A_16 = arith.constant 0 : i32
      %dma_start3A_17 = tpu.memref_slice %arg6[%dma_start3A, %dma_start3A_15, %dma_start3A_16] : memref<5x128x128xf32, #tpu.memory_space<vmem>> -> memref<1x128x128xf32, #tpu.memory_space<vmem>>
      %dma_start3A_18 = tpu.memref_squeeze %dma_start3A_17 : memref<1x128x128xf32, #tpu.memory_space<vmem>> -> memref<128x128xf32, #tpu.memory_space<vmem>>
      %dma_start3A_19 = tpu.memref_slice %arg5[%mul3A_14] : memref<2560xi32, #tpu.memory_space<vmem>> -> memref<128xi32, #tpu.memory_space<vmem>>
      %dma_start3A_20 = arith.constant 0 : i32
      %dma_start3A_21 = arith.constant 0 : i32
      %dma_start3A_22 = tpu.memref_slice %arg3[%dma_start3A_20, %dma_start3A_21] : memref<8192x128xf32, #tpu.memory_space<hbm>> -> memref<8192x128xf32, #tpu.memory_space<hbm>>
      tpu.enqueue_indirect_dma source(%dma_start3A_22 : memref<8192x128xf32, #tpu.memory_space<hbm>>) target(%dma_start3A_18 : memref<128x128xf32, #tpu.memory_space<vmem>>) offsets(%dma_start3A_19 : memref<128xi32, #tpu.memory_space<vmem>>) semaphore(%arg7 : memref<!tpu.dma_semaphore, #tpu.memory_space<semaphore_mem>>)
      %add3A_23 = arith.constant 1 : i32
      %add3A_24 = arith.addi %mul3A_10, %add3A_23 : i32
      %mul3A_25 = arith.constant 128 : i32
      %mul3A_26 = arith.muli %add3A_24, %mul3A_25 : i32
      %dma_start3A_27 = arith.constant 1 : i32
      %dma_start3A_28 = arith.constant 0 : i32
      %dma_start3A_29 = arith.constant 0 : i32
      %dma_start3A_30 = tpu.memref_slice %arg6[%dma_start3A_27, %dma_start3A_28, %dma_start3A_29] : memref<5x128x128xf32, #tpu.memory_space<vmem>> -> memref<1x128x128xf32, #tpu.memory_space<vmem>>
      %dma_start3A_31 = tpu.memref_squeeze %dma_start3A_30 : memref<1x128x128xf32, #tpu.memory_space<vmem>> -> memref<128x128xf32, #tpu.memory_space<vmem>>
      %dma_start3A_32 = tpu.memref_slice %arg5[%mul3A_26] : memref<2560xi32, #tpu.memory_space<vmem>> -> memref<128xi32, #tpu.memory_space<vmem>>
      %dma_start3A_33 = arith.constant 0 : i32
      %dma_start3A_34 = arith.constant 0 : i32
      %dma_start3A_35 = tpu.memref_slice %arg3[%dma_start3A_33, %dma_start3A_34] : memref<8192x128xf32, #tpu.memory_space<hbm>> -> memref<8192x128xf32, #tpu.memory_space<hbm>>
      tpu.enqueue_indirect_dma source(%dma_start3A_35 : memref<8192x128xf32, #tpu.memory_space<hbm>>) target(%dma_start3A_31 : memref<128x128xf32, #tpu.memory_space<vmem>>) offsets(%dma_start3A_32 : memref<128xi32, #tpu.memory_space<vmem>>) semaphore(%arg7 : memref<!tpu.dma_semaphore, #tpu.memory_space<semaphore_mem>>)
      %add3A_36 = arith.constant 2 : i32
      %add3A_37 = arith.addi %mul3A_10, %add3A_36 : i32
      %mul3A_38 = arith.constant 128 : i32
      %mul3A_39 = arith.muli %add3A_37, %mul3A_38 : i32
      %dma_start3A_40 = arith.constant 2 : i32
      %dma_start3A_41 = arith.constant 0 : i32
      %dma_start3A_42 = arith.constant 0 : i32
      %dma_start3A_43 = tpu.memref_slice %arg6[%dma_start3A_40, %dma_start3A_41, %dma_start3A_42] : memref<5x128x128xf32, #tpu.memory_space<vmem>> -> memref<1x128x128xf32, #tpu.memory_space<vmem>>
      %dma_start3A_44 = tpu.memref_squeeze %dma_start3A_43 : memref<1x128x128xf32, #tpu.memory_space<vmem>> -> memref<128x128xf32, #tpu.memory_space<vmem>>
      %dma_start3A_45 = tpu.memref_slice %arg5[%mul3A_39] : memref<2560xi32, #tpu.memory_space<vmem>> -> memref<128xi32, #tpu.memory_space<vmem>>
      %dma_start3A_46 = arith.constant 0 : i32
      %dma_start3A_47 = arith.constant 0 : i32
      %dma_start3A_48 = tpu.memref_slice %arg3[%dma_start3A_46, %dma_start3A_47] : memref<8192x128xf32, #tpu.memory_space<hbm>> -> memref<8192x128xf32, #tpu.memory_space<hbm>>
      tpu.enqueue_indirect_dma source(%dma_start3A_48 : memref<8192x128xf32, #tpu.memory_space<hbm>>) target(%dma_start3A_44 : memref<128x128xf32, #tpu.memory_space<vmem>>) offsets(%dma_start3A_45 : memref<128xi32, #tpu.memory_space<vmem>>) semaphore(%arg7 : memref<!tpu.dma_semaphore, #tpu.memory_space<semaphore_mem>>)
      %add3A_49 = arith.constant 3 : i32
      %add3A_50 = arith.addi %mul3A_10, %add3A_49 : i32
      %mul3A_51 = arith.constant 128 : i32
      %mul3A_52 = arith.muli %add3A_50, %mul3A_51 : i32
      %dma_start3A_53 = arith.constant 3 : i32
      %dma_start3A_54 = arith.constant 0 : i32
      %dma_start3A_55 = arith.constant 0 : i32
      %dma_start3A_56 = tpu.memref_slice %arg6[%dma_start3A_53, %dma_start3A_54, %dma_start3A_55] : memref<5x128x128xf32, #tpu.memory_space<vmem>> -> memref<1x128x128xf32, #tpu.memory_space<vmem>>
      %dma_start3A_57 = tpu.memref_squeeze %dma_start3A_56 : memref<1x128x128xf32, #tpu.memory_space<vmem>> -> memref<128x128xf32, #tpu.memory_space<vmem>>
      %dma_start3A_58 = tpu.memref_slice %arg5[%mul3A_52] : memref<2560xi32, #tpu.memory_space<vmem>> -> memref<128xi32, #tpu.memory_space<vmem>>
      %dma_start3A_59 = arith.constant 0 : i32
      %dma_start3A_60 = arith.constant 0 : i32
      %dma_start3A_61 = tpu.memref_slice %arg3[%dma_start3A_59, %dma_start3A_60] : memref<8192x128xf32, #tpu.memory_space<hbm>> -> memref<8192x128xf32, #tpu.memory_space<hbm>>
      tpu.enqueue_indirect_dma source(%dma_start3A_61 : memref<8192x128xf32, #tpu.memory_space<hbm>>) target(%dma_start3A_57 : memref<128x128xf32, #tpu.memory_space<vmem>>) offsets(%dma_start3A_58 : memref<128xi32, #tpu.memory_space<vmem>>) semaphore(%arg7 : memref<!tpu.dma_semaphore, #tpu.memory_space<semaphore_mem>>)
      %add3A_62 = arith.constant 4 : i32
      %add3A_63 = arith.addi %mul3A_10, %add3A_62 : i32
      %mul3A_64 = arith.constant 128 : i32
      %mul3A_65 = arith.muli %add3A_63, %mul3A_64 : i32
      %dma_start3A_66 = arith.constant 4 : i32
      %dma_start3A_67 = arith.constant 0 : i32
      %dma_start3A_68 = arith.constant 0 : i32
      %dma_start3A_69 = tpu.memref_slice %arg6[%dma_start3A_66, %dma_start3A_67, %dma_start3A_68] : memref<5x128x128xf32, #tpu.memory_space<vmem>> -> memref<1x128x128xf32, #tpu.memory_space<vmem>>
      %dma_start3A_70 = tpu.memref_squeeze %dma_start3A_69 : memref<1x128x128xf32, #tpu.memory_space<vmem>> -> memref<128x128xf32, #tpu.memory_space<vmem>>
      %dma_start3A_71 = tpu.memref_slice %arg5[%mul3A_65] : memref<2560xi32, #tpu.memory_space<vmem>> -> memref<128xi32, #tpu.memory_space<vmem>>
      %dma_start3A_72 = arith.constant 0 : i32
      %dma_start3A_73 = arith.constant 0 : i32
      %dma_start3A_74 = tpu.memref_slice %arg3[%dma_start3A_72, %dma_start3A_73] : memref<8192x128xf32, #tpu.memory_space<hbm>> -> memref<8192x128xf32, #tpu.memory_space<hbm>>
      tpu.enqueue_indirect_dma source(%dma_start3A_74 : memref<8192x128xf32, #tpu.memory_space<hbm>>) target(%dma_start3A_70 : memref<128x128xf32, #tpu.memory_space<vmem>>) offsets(%dma_start3A_71 : memref<128xi32, #tpu.memory_space<vmem>>) semaphore(%arg7 : memref<!tpu.dma_semaphore, #tpu.memory_space<semaphore_mem>>)
      %dma_wait3A = arith.constant 0 : i32
      %dma_wait3A_75 = arith.constant 0 : i32
      %dma_wait3A_76 = arith.constant 0 : i32
      %dma_wait3A_77 = tpu.memref_slice %arg6[%dma_wait3A, %dma_wait3A_75, %dma_wait3A_76] : memref<5x128x128xf32, #tpu.memory_space<vmem>> -> memref<1x128x128xf32, #tpu.memory_space<vmem>>
      %dma_wait3A_78 = tpu.memref_squeeze %dma_wait3A_77 : memref<1x128x128xf32, #tpu.memory_space<vmem>> -> memref<128x128xf32, #tpu.memory_space<vmem>>
      %dma_wait3A_79 = tpu.memref_slice %arg5[%mul3A_14] : memref<2560xi32, #tpu.memory_space<vmem>> -> memref<128xi32, #tpu.memory_space<vmem>>
      %dma_wait3A_80 = arith.constant 0 : i32
      %dma_wait3A_81 = arith.constant 0 : i32
      %dma_wait3A_82 = tpu.memref_slice %arg3[%dma_wait3A_80, %dma_wait3A_81] : memref<8192x128xf32, #tpu.memory_space<hbm>> -> memref<8192x128xf32, #tpu.memory_space<hbm>>
      tpu.wait_indirect_dma semaphore(%arg7 : memref<!tpu.dma_semaphore, #tpu.memory_space<semaphore_mem>>) src(%dma_wait3A_82 : memref<8192x128xf32, #tpu.memory_space<hbm>>) dst(%dma_wait3A_78 : memref<128x128xf32, #tpu.memory_space<vmem>>)
      %dma_wait3A_83 = arith.constant 1 : i32
      %dma_wait3A_84 = arith.constant 0 : i32
      %dma_wait3A_85 = arith.constant 0 : i32
      %dma_wait3A_86 = tpu.memref_slice %arg6[%dma_wait3A_83, %dma_wait3A_84, %dma_wait3A_85] : memref<5x128x128xf32, #tpu.memory_space<vmem>> -> memref<1x128x128xf32, #tpu.memory_space<vmem>>
      %dma_wait3A_87 = tpu.memref_squeeze %dma_wait3A_86 : memref<1x128x128xf32, #tpu.memory_space<vmem>> -> memref<128x128xf32, #tpu.memory_space<vmem>>
      %dma_wait3A_88 = tpu.memref_slice %arg5[%mul3A_26] : memref<2560xi32, #tpu.memory_space<vmem>> -> memref<128xi32, #tpu.memory_space<vmem>>
      %dma_wait3A_89 = arith.constant 0 : i32
      %dma_wait3A_90 = arith.constant 0 : i32
      %dma_wait3A_91 = tpu.memref_slice %arg3[%dma_wait3A_89, %dma_wait3A_90] : memref<8192x128xf32, #tpu.memory_space<hbm>> -> memref<8192x128xf32, #tpu.memory_space<hbm>>
      tpu.wait_indirect_dma semaphore(%arg7 : memref<!tpu.dma_semaphore, #tpu.memory_space<semaphore_mem>>) src(%dma_wait3A_91 : memref<8192x128xf32, #tpu.memory_space<hbm>>) dst(%dma_wait3A_87 : memref<128x128xf32, #tpu.memory_space<vmem>>)
      %dma_wait3A_92 = arith.constant 2 : i32
      %dma_wait3A_93 = arith.constant 0 : i32
      %dma_wait3A_94 = arith.constant 0 : i32
      %dma_wait3A_95 = tpu.memref_slice %arg6[%dma_wait3A_92, %dma_wait3A_93, %dma_wait3A_94] : memref<5x128x128xf32, #tpu.memory_space<vmem>> -> memref<1x128x128xf32, #tpu.memory_space<vmem>>
      %dma_wait3A_96 = tpu.memref_squeeze %dma_wait3A_95 : memref<1x128x128xf32, #tpu.memory_space<vmem>> -> memref<128x128xf32, #tpu.memory_space<vmem>>
      %dma_wait3A_97 = tpu.memref_slice %arg5[%mul3A_39] : memref<2560xi32, #tpu.memory_space<vmem>> -> memref<128xi32, #tpu.memory_space<vmem>>
      %dma_wait3A_98 = arith.constant 0 : i32
      %dma_wait3A_99 = arith.constant 0 : i32
      %dma_wait3A_100 = tpu.memref_slice %arg3[%dma_wait3A_98, %dma_wait3A_99] : memref<8192x128xf32, #tpu.memory_space<hbm>> -> memref<8192x128xf32, #tpu.memory_space<hbm>>
      tpu.wait_indirect_dma semaphore(%arg7 : memref<!tpu.dma_semaphore, #tpu.memory_space<semaphore_mem>>) src(%dma_wait3A_100 : memref<8192x128xf32, #tpu.memory_space<hbm>>) dst(%dma_wait3A_96 : memref<128x128xf32, #tpu.memory_space<vmem>>)
      %dma_wait3A_101 = arith.constant 3 : i32
      %dma_wait3A_102 = arith.constant 0 : i32
      %dma_wait3A_103 = arith.constant 0 : i32
      %dma_wait3A_104 = tpu.memref_slice %arg6[%dma_wait3A_101, %dma_wait3A_102, %dma_wait3A_103] : memref<5x128x128xf32, #tpu.memory_space<vmem>> -> memref<1x128x128xf32, #tpu.memory_space<vmem>>
      %dma_wait3A_105 = tpu.memref_squeeze %dma_wait3A_104 : memref<1x128x128xf32, #tpu.memory_space<vmem>> -> memref<128x128xf32, #tpu.memory_space<vmem>>
      %dma_wait3A_106 = tpu.memref_slice %arg5[%mul3A_52] : memref<2560xi32, #tpu.memory_space<vmem>> -> memref<128xi32, #tpu.memory_space<vmem>>
      %dma_wait3A_107 = arith.constant 0 : i32
      %dma_wait3A_108 = arith.constant 0 : i32
      %dma_wait3A_109 = tpu.memref_slice %arg3[%dma_wait3A_107, %dma_wait3A_108] : memref<8192x128xf32, #tpu.memory_space<hbm>> -> memref<8192x128xf32, #tpu.memory_space<hbm>>
      tpu.wait_indirect_dma semaphore(%arg7 : memref<!tpu.dma_semaphore, #tpu.memory_space<semaphore_mem>>) src(%dma_wait3A_109 : memref<8192x128xf32, #tpu.memory_space<hbm>>) dst(%dma_wait3A_105 : memref<128x128xf32, #tpu.memory_space<vmem>>)
      %dma_wait3A_110 = arith.constant 4 : i32
      %dma_wait3A_111 = arith.constant 0 : i32
      %dma_wait3A_112 = arith.constant 0 : i32
      %dma_wait3A_113 = tpu.memref_slice %arg6[%dma_wait3A_110, %dma_wait3A_111, %dma_wait3A_112] : memref<5x128x128xf32, #tpu.memory_space<vmem>> -> memref<1x128x128xf32, #tpu.memory_space<vmem>>
      %dma_wait3A_114 = tpu.memref_squeeze %dma_wait3A_113 : memref<1x128x128xf32, #tpu.memory_space<vmem>> -> memref<128x128xf32, #tpu.memory_space<vmem>>
      %dma_wait3A_115 = tpu.memref_slice %arg5[%mul3A_65] : memref<2560xi32, #tpu.memory_space<vmem>> -> memref<128xi32, #tpu.memory_space<vmem>>
      %dma_wait3A_116 = arith.constant 0 : i32
      %dma_wait3A_117 = arith.constant 0 : i32
      %dma_wait3A_118 = tpu.memref_slice %arg3[%dma_wait3A_116, %dma_wait3A_117] : memref<8192x128xf32, #tpu.memory_space<hbm>> -> memref<8192x128xf32, #tpu.memory_space<hbm>>
      tpu.wait_indirect_dma semaphore(%arg7 : memref<!tpu.dma_semaphore, #tpu.memory_space<semaphore_mem>>) src(%dma_wait3A_118 : memref<8192x128xf32, #tpu.memory_space<hbm>>) dst(%dma_wait3A_114 : memref<128x128xf32, #tpu.memory_space<vmem>>)
      %add3A_119 = arith.constant 0 : i32
      %add3A_120 = arith.addi %mul3A_10, %add3A_119 : i32
      %mul3A_121 = arith.constant 128 : i32
      %mul3A_122 = arith.muli %add3A_120, %mul3A_121 : i32
      %add3A_123 = arith.addi %mul3A_2, %mul3A_122 : i32
      %run_scoped3A = arith.constant 0 : i32
      "tpu.region"() ({
        %run_scoped3A_148 = tpu.sem_alloc : memref<!tpu.dma_semaphore, #tpu.memory_space<semaphore_mem>>
        %dma_start3A_149 = arith.constant 0 : i32
        %dma_start3A_150 = arith.constant 0 : i32
        %dma_start3A_151 = tpu.memref_slice %arg6[%run_scoped3A, %dma_start3A_149, %dma_start3A_150] : memref<5x128x128xf32, #tpu.memory_space<vmem>> -> memref<1x128x128xf32, #tpu.memory_space<vmem>>
        %dma_start3A_152 = tpu.memref_squeeze %dma_start3A_151 : memref<1x128x128xf32, #tpu.memory_space<vmem>> -> memref<128x128xf32, #tpu.memory_space<vmem>>
        %dma_start3A_153 = arith.constant 0 : i32
        %dma_start3A_154 = tpu.memref_slice %arg4[%add3A_123, %dma_start3A_153] : memref<81920x128xf32, #tpu.memory_space<hbm>> -> memref<128x128xf32, #tpu.memory_space<hbm>>
        %dma_start3A_155 = arith.constant 0 : i32
        %dma_start3A_156 = tpu.memref_slice %arg4[%add3A_123, %dma_start3A_155] : memref<81920x128xf32, #tpu.memory_space<hbm>> -> memref<128x128xf32, #tpu.memory_space<hbm>>
        %dma_start3A_157 = arith.constant 0 : i32
        %dma_start3A_158 = arith.constant 0 : i32
        %dma_start3A_159 = tpu.memref_slice %arg6[%run_scoped3A, %dma_start3A_157, %dma_start3A_158] : memref<5x128x128xf32, #tpu.memory_space<vmem>> -> memref<1x128x128xf32, #tpu.memory_space<vmem>>
        %dma_start3A_160 = tpu.memref_squeeze %dma_start3A_159 : memref<1x128x128xf32, #tpu.memory_space<vmem>> -> memref<128x128xf32, #tpu.memory_space<vmem>>
        tpu.enqueue_dma source(%dma_start3A_160 : memref<128x128xf32, #tpu.memory_space<vmem>>) target(%dma_start3A_156 : memref<128x128xf32, #tpu.memory_space<hbm>>) target_semaphore(%run_scoped3A_148 : memref<!tpu.dma_semaphore, #tpu.memory_space<semaphore_mem>>)
        %dma_wait3A_161 = arith.constant 0 : i32
        %dma_wait3A_162 = arith.constant 0 : i32
        %dma_wait3A_163 = tpu.memref_slice %arg6[%run_scoped3A, %dma_wait3A_161, %dma_wait3A_162] : memref<5x128x128xf32, #tpu.memory_space<vmem>> -> memref<1x128x128xf32, #tpu.memory_space<vmem>>
        %dma_wait3A_164 = tpu.memref_squeeze %dma_wait3A_163 : memref<1x128x128xf32, #tpu.memory_space<vmem>> -> memref<128x128xf32, #tpu.memory_space<vmem>>
        %dma_wait3A_165 = arith.constant 0 : i32
        %dma_wait3A_166 = tpu.memref_slice %arg4[%add3A_123, %dma_wait3A_165] : memref<81920x128xf32, #tpu.memory_space<hbm>> -> memref<128x128xf32, #tpu.memory_space<hbm>>
        %dma_wait3A_167 = arith.constant 0 : i32
        %dma_wait3A_168 = tpu.memref_slice %arg4[%add3A_123, %dma_wait3A_167] : memref<81920x128xf32, #tpu.memory_space<hbm>> -> memref<128x128xf32, #tpu.memory_space<hbm>>
        %dma_wait3A_169 = arith.constant 0 : i32
        %dma_wait3A_170 = arith.constant 0 : i32
        %dma_wait3A_171 = tpu.memref_slice %arg6[%run_scoped3A, %dma_wait3A_169, %dma_wait3A_170] : memref<5x128x128xf32, #tpu.memory_space<vmem>> -> memref<1x128x128xf32, #tpu.memory_space<vmem>>
        %dma_wait3A_172 = tpu.memref_squeeze %dma_wait3A_171 : memref<1x128x128xf32, #tpu.memory_space<vmem>> -> memref<128x128xf32, #tpu.memory_space<vmem>>
        tpu.wait_dma2 semaphore(%run_scoped3A_148 : memref<!tpu.dma_semaphore, #tpu.memory_space<semaphore_mem>>) src(%dma_wait3A_172 : memref<128x128xf32, #tpu.memory_space<vmem>>) dst(%dma_wait3A_168 : memref<128x128xf32, #tpu.memory_space<hbm>>)
        tpu.yield
      }) : () -> ()
      %add3A_124 = arith.constant 1 : i32
      %add3A_125 = arith.addi %mul3A_10, %add3A_124 : i32
      %mul3A_126 = arith.constant 128 : i32
      %mul3A_127 = arith.muli %add3A_125, %mul3A_126 : i32
      %add3A_128 = arith.addi %mul3A_2, %mul3A_127 : i32
      %run_scoped3A_129 = arith.constant 1 : i32
      "tpu.region"() ({
        %run_scoped3A_148 = tpu.sem_alloc : memref<!tpu.dma_semaphore, #tpu.memory_space<semaphore_mem>>
        %dma_start3A_149 = arith.constant 0 : i32
        %dma_start3A_150 = arith.constant 0 : i32
        %dma_start3A_151 = tpu.memref_slice %arg6[%run_scoped3A_129, %dma_start3A_149, %dma_start3A_150] : memref<5x128x128xf32, #tpu.memory_space<vmem>> -> memref<1x128x128xf32, #tpu.memory_space<vmem>>
        %dma_start3A_152 = tpu.memref_squeeze %dma_start3A_151 : memref<1x128x128xf32, #tpu.memory_space<vmem>> -> memref<128x128xf32, #tpu.memory_space<vmem>>
        %dma_start3A_153 = arith.constant 0 : i32
        %dma_start3A_154 = tpu.memref_slice %arg4[%add3A_128, %dma_start3A_153] : memref<81920x128xf32, #tpu.memory_space<hbm>> -> memref<128x128xf32, #tpu.memory_space<hbm>>
        %dma_start3A_155 = arith.constant 0 : i32
        %dma_start3A_156 = tpu.memref_slice %arg4[%add3A_128, %dma_start3A_155] : memref<81920x128xf32, #tpu.memory_space<hbm>> -> memref<128x128xf32, #tpu.memory_space<hbm>>
        %dma_start3A_157 = arith.constant 0 : i32
        %dma_start3A_158 = arith.constant 0 : i32
        %dma_start3A_159 = tpu.memref_slice %arg6[%run_scoped3A_129, %dma_start3A_157, %dma_start3A_158] : memref<5x128x128xf32, #tpu.memory_space<vmem>> -> memref<1x128x128xf32, #tpu.memory_space<vmem>>
        %dma_start3A_160 = tpu.memref_squeeze %dma_start3A_159 : memref<1x128x128xf32, #tpu.memory_space<vmem>> -> memref<128x128xf32, #tpu.memory_space<vmem>>
        tpu.enqueue_dma source(%dma_start3A_160 : memref<128x128xf32, #tpu.memory_space<vmem>>) target(%dma_start3A_156 : memref<128x128xf32, #tpu.memory_space<hbm>>) target_semaphore(%run_scoped3A_148 : memref<!tpu.dma_semaphore, #tpu.memory_space<semaphore_mem>>)
        %dma_wait3A_161 = arith.constant 0 : i32
        %dma_wait3A_162 = arith.constant 0 : i32
        %dma_wait3A_163 = tpu.memref_slice %arg6[%run_scoped3A_129, %dma_wait3A_161, %dma_wait3A_162] : memref<5x128x128xf32, #tpu.memory_space<vmem>> -> memref<1x128x128xf32, #tpu.memory_space<vmem>>
        %dma_wait3A_164 = tpu.memref_squeeze %dma_wait3A_163 : memref<1x128x128xf32, #tpu.memory_space<vmem>> -> memref<128x128xf32, #tpu.memory_space<vmem>>
        %dma_wait3A_165 = arith.constant 0 : i32
        %dma_wait3A_166 = tpu.memref_slice %arg4[%add3A_128, %dma_wait3A_165] : memref<81920x128xf32, #tpu.memory_space<hbm>> -> memref<128x128xf32, #tpu.memory_space<hbm>>
        %dma_wait3A_167 = arith.constant 0 : i32
        %dma_wait3A_168 = tpu.memref_slice %arg4[%add3A_128, %dma_wait3A_167] : memref<81920x128xf32, #tpu.memory_space<hbm>> -> memref<128x128xf32, #tpu.memory_space<hbm>>
        %dma_wait3A_169 = arith.constant 0 : i32
        %dma_wait3A_170 = arith.constant 0 : i32
        %dma_wait3A_171 = tpu.memref_slice %arg6[%run_scoped3A_129, %dma_wait3A_169, %dma_wait3A_170] : memref<5x128x128xf32, #tpu.memory_space<vmem>> -> memref<1x128x128xf32, #tpu.memory_space<vmem>>
        %dma_wait3A_172 = tpu.memref_squeeze %dma_wait3A_171 : memref<1x128x128xf32, #tpu.memory_space<vmem>> -> memref<128x128xf32, #tpu.memory_space<vmem>>
        tpu.wait_dma2 semaphore(%run_scoped3A_148 : memref<!tpu.dma_semaphore, #tpu.memory_space<semaphore_mem>>) src(%dma_wait3A_172 : memref<128x128xf32, #tpu.memory_space<vmem>>) dst(%dma_wait3A_168 : memref<128x128xf32, #tpu.memory_space<hbm>>)
        tpu.yield
      }) : () -> ()
      %add3A_130 = arith.constant 2 : i32
      %add3A_131 = arith.addi %mul3A_10, %add3A_130 : i32
      %mul3A_132 = arith.constant 128 : i32
      %mul3A_133 = arith.muli %add3A_131, %mul3A_132 : i32
      %add3A_134 = arith.addi %mul3A_2, %mul3A_133 : i32
      %run_scoped3A_135 = arith.constant 2 : i32
      "tpu.region"() ({
        %run_scoped3A_148 = tpu.sem_alloc : memref<!tpu.dma_semaphore, #tpu.memory_space<semaphore_mem>>
        %dma_start3A_149 = arith.constant 0 : i32
        %dma_start3A_150 = arith.constant 0 : i32
        %dma_start3A_151 = tpu.memref_slice %arg6[%run_scoped3A_135, %dma_start3A_149, %dma_start3A_150] : memref<5x128x128xf32, #tpu.memory_space<vmem>> -> memref<1x128x128xf32, #tpu.memory_space<vmem>>
        %dma_start3A_152 = tpu.memref_squeeze %dma_start3A_151 : memref<1x128x128xf32, #tpu.memory_space<vmem>> -> memref<128x128xf32, #tpu.memory_space<vmem>>
        %dma_start3A_153 = arith.constant 0 : i32
        %dma_start3A_154 = tpu.memref_slice %arg4[%add3A_134, %dma_start3A_153] : memref<81920x128xf32, #tpu.memory_space<hbm>> -> memref<128x128xf32, #tpu.memory_space<hbm>>
        %dma_start3A_155 = arith.constant 0 : i32
        %dma_start3A_156 = tpu.memref_slice %arg4[%add3A_134, %dma_start3A_155] : memref<81920x128xf32, #tpu.memory_space<hbm>> -> memref<128x128xf32, #tpu.memory_space<hbm>>
        %dma_start3A_157 = arith.constant 0 : i32
        %dma_start3A_158 = arith.constant 0 : i32
        %dma_start3A_159 = tpu.memref_slice %arg6[%run_scoped3A_135, %dma_start3A_157, %dma_start3A_158] : memref<5x128x128xf32, #tpu.memory_space<vmem>> -> memref<1x128x128xf32, #tpu.memory_space<vmem>>
        %dma_start3A_160 = tpu.memref_squeeze %dma_start3A_159 : memref<1x128x128xf32, #tpu.memory_space<vmem>> -> memref<128x128xf32, #tpu.memory_space<vmem>>
        tpu.enqueue_dma source(%dma_start3A_160 : memref<128x128xf32, #tpu.memory_space<vmem>>) target(%dma_start3A_156 : memref<128x128xf32, #tpu.memory_space<hbm>>) target_semaphore(%run_scoped3A_148 : memref<!tpu.dma_semaphore, #tpu.memory_space<semaphore_mem>>)
        %dma_wait3A_161 = arith.constant 0 : i32
        %dma_wait3A_162 = arith.constant 0 : i32
        %dma_wait3A_163 = tpu.memref_slice %arg6[%run_scoped3A_135, %dma_wait3A_161, %dma_wait3A_162] : memref<5x128x128xf32, #tpu.memory_space<vmem>> -> memref<1x128x128xf32, #tpu.memory_space<vmem>>
        %dma_wait3A_164 = tpu.memref_squeeze %dma_wait3A_163 : memref<1x128x128xf32, #tpu.memory_space<vmem>> -> memref<128x128xf32, #tpu.memory_space<vmem>>
        %dma_wait3A_165 = arith.constant 0 : i32
        %dma_wait3A_166 = tpu.memref_slice %arg4[%add3A_134, %dma_wait3A_165] : memref<81920x128xf32, #tpu.memory_space<hbm>> -> memref<128x128xf32, #tpu.memory_space<hbm>>
        %dma_wait3A_167 = arith.constant 0 : i32
        %dma_wait3A_168 = tpu.memref_slice %arg4[%add3A_134, %dma_wait3A_167] : memref<81920x128xf32, #tpu.memory_space<hbm>> -> memref<128x128xf32, #tpu.memory_space<hbm>>
        %dma_wait3A_169 = arith.constant 0 : i32
        %dma_wait3A_170 = arith.constant 0 : i32
        %dma_wait3A_171 = tpu.memref_slice %arg6[%run_scoped3A_135, %dma_wait3A_169, %dma_wait3A_170] : memref<5x128x128xf32, #tpu.memory_space<vmem>> -> memref<1x128x128xf32, #tpu.memory_space<vmem>>
        %dma_wait3A_172 = tpu.memref_squeeze %dma_wait3A_171 : memref<1x128x128xf32, #tpu.memory_space<vmem>> -> memref<128x128xf32, #tpu.memory_space<vmem>>
        tpu.wait_dma2 semaphore(%run_scoped3A_148 : memref<!tpu.dma_semaphore, #tpu.memory_space<semaphore_mem>>) src(%dma_wait3A_172 : memref<128x128xf32, #tpu.memory_space<vmem>>) dst(%dma_wait3A_168 : memref<128x128xf32, #tpu.memory_space<hbm>>)
        tpu.yield
      }) : () -> ()
      %add3A_136 = arith.constant 3 : i32
      %add3A_137 = arith.addi %mul3A_10, %add3A_136 : i32
      %mul3A_138 = arith.constant 128 : i32
      %mul3A_139 = arith.muli %add3A_137, %mul3A_138 : i32
      %add3A_140 = arith.addi %mul3A_2, %mul3A_139 : i32
      %run_scoped3A_141 = arith.constant 3 : i32
      "tpu.region"() ({
        %run_scoped3A_148 = tpu.sem_alloc : memref<!tpu.dma_semaphore, #tpu.memory_space<semaphore_mem>>
        %dma_start3A_149 = arith.constant 0 : i32
        %dma_start3A_150 = arith.constant 0 : i32
        %dma_start3A_151 = tpu.memref_slice %arg6[%run_scoped3A_141, %dma_start3A_149, %dma_start3A_150] : memref<5x128x128xf32, #tpu.memory_space<vmem>> -> memref<1x128x128xf32, #tpu.memory_space<vmem>>
        %dma_start3A_152 = tpu.memref_squeeze %dma_start3A_151 : memref<1x128x128xf32, #tpu.memory_space<vmem>> -> memref<128x128xf32, #tpu.memory_space<vmem>>
        %dma_start3A_153 = arith.constant 0 : i32
        %dma_start3A_154 = tpu.memref_slice %arg4[%add3A_140, %dma_start3A_153] : memref<81920x128xf32, #tpu.memory_space<hbm>> -> memref<128x128xf32, #tpu.memory_space<hbm>>
        %dma_start3A_155 = arith.constant 0 : i32
        %dma_start3A_156 = tpu.memref_slice %arg4[%add3A_140, %dma_start3A_155] : memref<81920x128xf32, #tpu.memory_space<hbm>> -> memref<128x128xf32, #tpu.memory_space<hbm>>
        %dma_start3A_157 = arith.constant 0 : i32
        %dma_start3A_158 = arith.constant 0 : i32
        %dma_start3A_159 = tpu.memref_slice %arg6[%run_scoped3A_141, %dma_start3A_157, %dma_start3A_158] : memref<5x128x128xf32, #tpu.memory_space<vmem>> -> memref<1x128x128xf32, #tpu.memory_space<vmem>>
        %dma_start3A_160 = tpu.memref_squeeze %dma_start3A_159 : memref<1x128x128xf32, #tpu.memory_space<vmem>> -> memref<128x128xf32, #tpu.memory_space<vmem>>
        tpu.enqueue_dma source(%dma_start3A_160 : memref<128x128xf32, #tpu.memory_space<vmem>>) target(%dma_start3A_156 : memref<128x128xf32, #tpu.memory_space<hbm>>) target_semaphore(%run_scoped3A_148 : memref<!tpu.dma_semaphore, #tpu.memory_space<semaphore_mem>>)
        %dma_wait3A_161 = arith.constant 0 : i32
        %dma_wait3A_162 = arith.constant 0 : i32
        %dma_wait3A_163 = tpu.memref_slice %arg6[%run_scoped3A_141, %dma_wait3A_161, %dma_wait3A_162] : memref<5x128x128xf32, #tpu.memory_space<vmem>> -> memref<1x128x128xf32, #tpu.memory_space<vmem>>
        %dma_wait3A_164 = tpu.memref_squeeze %dma_wait3A_163 : memref<1x128x128xf32, #tpu.memory_space<vmem>> -> memref<128x128xf32, #tpu.memory_space<vmem>>
        %dma_wait3A_165 = arith.constant 0 : i32
        %dma_wait3A_166 = tpu.memref_slice %arg4[%add3A_140, %dma_wait3A_165] : memref<81920x128xf32, #tpu.memory_space<hbm>> -> memref<128x128xf32, #tpu.memory_space<hbm>>
        %dma_wait3A_167 = arith.constant 0 : i32
        %dma_wait3A_168 = tpu.memref_slice %arg4[%add3A_140, %dma_wait3A_167] : memref<81920x128xf32, #tpu.memory_space<hbm>> -> memref<128x128xf32, #tpu.memory_space<hbm>>
        %dma_wait3A_169 = arith.constant 0 : i32
        %dma_wait3A_170 = arith.constant 0 : i32
        %dma_wait3A_171 = tpu.memref_slice %arg6[%run_scoped3A_141, %dma_wait3A_169, %dma_wait3A_170] : memref<5x128x128xf32, #tpu.memory_space<vmem>> -> memref<1x128x128xf32, #tpu.memory_space<vmem>>
        %dma_wait3A_172 = tpu.memref_squeeze %dma_wait3A_171 : memref<1x128x128xf32, #tpu.memory_space<vmem>> -> memref<128x128xf32, #tpu.memory_space<vmem>>
        tpu.wait_dma2 semaphore(%run_scoped3A_148 : memref<!tpu.dma_semaphore, #tpu.memory_space<semaphore_mem>>) src(%dma_wait3A_172 : memref<128x128xf32, #tpu.memory_space<vmem>>) dst(%dma_wait3A_168 : memref<128x128xf32, #tpu.memory_space<hbm>>)
        tpu.yield
      }) : () -> ()
      %add3A_142 = arith.constant 4 : i32
      %add3A_143 = arith.addi %mul3A_10, %add3A_142 : i32
      %mul3A_144 = arith.constant 128 : i32
      %mul3A_145 = arith.muli %add3A_143, %mul3A_144 : i32
      %add3A_146 = arith.addi %mul3A_2, %mul3A_145 : i32
      %run_scoped3A_147 = arith.constant 4 : i32
      "tpu.region"() ({
        %run_scoped3A_148 = tpu.sem_alloc : memref<!tpu.dma_semaphore, #tpu.memory_space<semaphore_mem>>
        %dma_start3A_149 = arith.constant 0 : i32
        %dma_start3A_150 = arith.constant 0 : i32
        %dma_start3A_151 = tpu.memref_slice %arg6[%run_scoped3A_147, %dma_start3A_149, %dma_start3A_150] : memref<5x128x128xf32, #tpu.memory_space<vmem>> -> memref<1x128x128xf32, #tpu.memory_space<vmem>>
        %dma_start3A_152 = tpu.memref_squeeze %dma_start3A_151 : memref<1x128x128xf32, #tpu.memory_space<vmem>> -> memref<128x128xf32, #tpu.memory_space<vmem>>
        %dma_start3A_153 = arith.constant 0 : i32
        %dma_start3A_154 = tpu.memref_slice %arg4[%add3A_146, %dma_start3A_153] : memref<81920x128xf32, #tpu.memory_space<hbm>> -> memref<128x128xf32, #tpu.memory_space<hbm>>
        %dma_start3A_155 = arith.constant 0 : i32
        %dma_start3A_156 = tpu.memref_slice %arg4[%add3A_146, %dma_start3A_155] : memref<81920x128xf32, #tpu.memory_space<hbm>> -> memref<128x128xf32, #tpu.memory_space<hbm>>
        %dma_start3A_157 = arith.constant 0 : i32
        %dma_start3A_158 = arith.constant 0 : i32
        %dma_start3A_159 = tpu.memref_slice %arg6[%run_scoped3A_147, %dma_start3A_157, %dma_start3A_158] : memref<5x128x128xf32, #tpu.memory_space<vmem>> -> memref<1x128x128xf32, #tpu.memory_space<vmem>>
        %dma_start3A_160 = tpu.memref_squeeze %dma_start3A_159 : memref<1x128x128xf32, #tpu.memory_space<vmem>> -> memref<128x128xf32, #tpu.memory_space<vmem>>
        tpu.enqueue_dma source(%dma_start3A_160 : memref<128x128xf32, #tpu.memory_space<vmem>>) target(%dma_start3A_156 : memref<128x128xf32, #tpu.memory_space<hbm>>) target_semaphore(%run_scoped3A_148 : memref<!tpu.dma_semaphore, #tpu.memory_space<semaphore_mem>>)
        %dma_wait3A_161 = arith.constant 0 : i32
        %dma_wait3A_162 = arith.constant 0 : i32
        %dma_wait3A_163 = tpu.memref_slice %arg6[%run_scoped3A_147, %dma_wait3A_161, %dma_wait3A_162] : memref<5x128x128xf32, #tpu.memory_space<vmem>> -> memref<1x128x128xf32, #tpu.memory_space<vmem>>
        %dma_wait3A_164 = tpu.memref_squeeze %dma_wait3A_163 : memref<1x128x128xf32, #tpu.memory_space<vmem>> -> memref<128x128xf32, #tpu.memory_space<vmem>>
        %dma_wait3A_165 = arith.constant 0 : i32
        %dma_wait3A_166 = tpu.memref_slice %arg4[%add3A_146, %dma_wait3A_165] : memref<81920x128xf32, #tpu.memory_space<hbm>> -> memref<128x128xf32, #tpu.memory_space<hbm>>
        %dma_wait3A_167 = arith.constant 0 : i32
        %dma_wait3A_168 = tpu.memref_slice %arg4[%add3A_146, %dma_wait3A_167] : memref<81920x128xf32, #tpu.memory_space<hbm>> -> memref<128x128xf32, #tpu.memory_space<hbm>>
        %dma_wait3A_169 = arith.constant 0 : i32
        %dma_wait3A_170 = arith.constant 0 : i32
        %dma_wait3A_171 = tpu.memref_slice %arg6[%run_scoped3A_147, %dma_wait3A_169, %dma_wait3A_170] : memref<5x128x128xf32, #tpu.memory_space<vmem>> -> memref<1x128x128xf32, #tpu.memory_space<vmem>>
        %dma_wait3A_172 = tpu.memref_squeeze %dma_wait3A_171 : memref<1x128x128xf32, #tpu.memory_space<vmem>> -> memref<128x128xf32, #tpu.memory_space<vmem>>
        tpu.wait_dma2 semaphore(%run_scoped3A_148 : memref<!tpu.dma_semaphore, #tpu.memory_space<semaphore_mem>>) src(%dma_wait3A_172 : memref<128x128xf32, #tpu.memory_space<vmem>>) dst(%dma_wait3A_168 : memref<128x128xf32, #tpu.memory_space<hbm>>)
        tpu.yield
      }) : () -> ()
    }
    %scan3A_7 = arith.constant 4 : i32
    return
  }
}

module attributes {stable_mosaic.version = 14 : i64} {
  func.func @_knn_body(%arg0: i32, %arg1: memref<16xi32, #tpu.memory_space<smem>>, %arg2: memref<16xi32, #tpu.memory_space<smem>>, %arg3: memref<256x3xf32, #tpu.memory_space<vmem>>, %arg4: memref<256x1xi32, #tpu.memory_space<vmem>>, %arg5: memref<256x1xi32, #tpu.memory_space<vmem>>, %arg6: memref<256x1xf32, #tpu.memory_space<vmem>>, %arg7: memref<8832x3xf32, #tpu.memory_space<vmem>>, %arg8: memref<1x8832xf32, #tpu.memory_space<vmem>>, %arg9: memref<256x20xi32, #tpu.memory_space<vmem>>) attributes {dimension_semantics = [#tpu.dimension_semantics<arbitrary>], iteration_bounds = array<i64: 16>, scalar_prefetch = 2 : i64, scratch_operands = 0 : i64, tpu.core_type = #tpu.core_type<tc>, window_params = [{transform_indices = @transform_0, window_bounds = array<i64: 256, 3>}, {transform_indices = @transform_1, window_bounds = array<i64: 256, 1>}, {transform_indices = @transform_2, window_bounds = array<i64: 256, 1>}, {transform_indices = @transform_3, window_bounds = array<i64: 256, 1>}, {pipeline_mode = #tpu.pipeline_mode<synchronous>, transform_indices = @transform_4, window_bounds = array<i64: 8832, 3>}, {pipeline_mode = #tpu.pipeline_mode<synchronous>, transform_indices = @transform_5, window_bounds = array<i64: 1, 8832>}, {transform_indices = @transform_6, window_bounds = array<i64: 256, 20>}]} {
    %get3A = arith.constant 0 : index
    %get3A_0 = arith.constant 0 : index
    %get3A_1 = vector.load %arg3[%get3A, %get3A_0] : memref<256x3xf32, #tpu.memory_space<vmem>>, vector<256x3xf32>
    %get3A_2 = arith.constant 0 : index
    %get3A_3 = arith.constant 0 : index
    %get3A_4 = vector.load %arg6[%get3A_2, %get3A_3] : memref<256x1xf32, #tpu.memory_space<vmem>>, vector<256x1xf32>
    %get3A_5 = arith.constant 0 : index
    %get3A_6 = arith.constant 0 : index
    %get3A_7 = vector.load %arg4[%get3A_5, %get3A_6] : memref<256x1xi32, #tpu.memory_space<vmem>>, vector<256x1xi32>
    %get3A_8 = arith.constant 0 : index
    %get3A_9 = arith.constant 0 : index
    %get3A_10 = vector.load %arg5[%get3A_8, %get3A_9] : memref<256x1xi32, #tpu.memory_space<vmem>>, vector<256x1xi32>
    %get3A_11 = arith.index_cast %arg0 : i32 to index
    %get3A_12 = memref.load %arg1[%get3A_11] : memref<16xi32, #tpu.memory_space<smem>>
    %get3A_13 = arith.index_cast %arg0 : i32 to index
    %get3A_14 = memref.load %arg2[%get3A_13] : memref<16xi32, #tpu.memory_space<smem>>
    %broadcast_in_dim3A = arith.constant 0x7F800000 : f32
    %broadcast_in_dim3A_15 = vector.broadcast %broadcast_in_dim3A : f32 to vector<256x20xf32>
    %iota3A = tpu.iota {dimensions = array<i32: 1>} : vector<256x20xi32>
    %convert_element_type3A = arith.sitofp %iota3A : vector<256x20xi32> to vector<256x20xf32>
    %while3A = arith.constant 0x7F800000 : f32
    %while3A_16 = arith.constant 0 : i32
    %while3A_17 = arith.subi %get3A_14, %while3A_16 : i32
    %while3A_18 = arith.addi %while3A_16, %while3A_17 : i32
    %while3A_19 = arith.constant 1 : i32
    %while3A_20 = arith.divsi %while3A_17, %while3A_19 : i32
    %while3A_21 = arith.muli %while3A_20, %while3A_19 : i32
    %while3A_22 = arith.addi %while3A_16, %while3A_21 : i32
    %while3A_23 = arith.constant 1 : i32
    %while3A_24:2 = scf.for %while3A_30 = %while3A_16 to %while3A_22 step %while3A_23 iter_args(%while3A_31 = %broadcast_in_dim3A_15, %while3A_32 = %convert_element_type3A) -> (vector<256x20xf32>, vector<256x20xf32>)  : i32 {
      %mul3A = arith.constant 640 : i32
      %mul3A_33 = arith.muli %while3A_30, %mul3A : i32
      %add3A = arith.addi %get3A_12, %mul3A_33 : i32
      %multiple_of3A = tpu.assume_multiple %add3A, 128 : i32
      %get3A_34 = arith.index_cast %multiple_of3A : i32 to index
      %get3A_35 = arith.constant 0 : index
      %get3A_36 = vector.load %arg7[%get3A_34, %get3A_35] : memref<8832x3xf32, #tpu.memory_space<vmem>>, vector<640x3xf32>
      %get3A_37 = arith.constant 0 : index
      %get3A_38 = arith.index_cast %multiple_of3A : i32 to index
      %get3A_39 = vector.load %arg8[%get3A_37, %get3A_38] : memref<1x8832xf32, #tpu.memory_space<vmem>>, vector<1x640xf32>
      %dot_general3A = arith.constant dense<0.000000e+00> : vector<256x640xf32>
      %dot_general3A_40 = tpu.matmul %get3A_1, %get3A_36, %dot_general3A {dimension_numbers = #tpu.dot_dimension_numbers<[1], [1], [0], [0], [0, 0, 1, 0], [], []>, transpose_lhs_hint = false} : vector<256x3xf32>, vector<640x3xf32>, vector<256x640xf32> -> vector<256x640xf32>
      %add3A_41 = vector.broadcast %get3A_4 : vector<256x1xf32> to vector<256x640xf32>
      %add3A_42 = vector.broadcast %get3A_39 : vector<1x640xf32> to vector<256x640xf32>
      %add3A_43 = arith.addf %add3A_41, %add3A_42 : vector<256x640xf32>
      %mul3A_44 = arith.constant 2.000000e+00 : f32
      %mul3A_45 = vector.broadcast %mul3A_44 : f32 to vector<256x640xf32>
      %mul3A_46 = arith.mulf %mul3A_45, %dot_general3A_40 : vector<256x640xf32>
      %sub3A = arith.subf %add3A_43, %mul3A_46 : vector<256x640xf32>
      %iota3A_47 = tpu.iota {dimensions = array<i32: 1>} : vector<256x640xi32>
      %add3A_48 = vector.broadcast %multiple_of3A : i32 to vector<256x640xi32>
      %add3A_49 = arith.addi %iota3A_47, %add3A_48 : vector<256x640xi32>
      %ge3A = vector.broadcast %get3A_7 : vector<256x1xi32> to vector<256x640xi32>
      %ge3A_50 = arith.cmpi sge, %add3A_49, %ge3A : vector<256x640xi32>
      %lt3A = vector.broadcast %get3A_10 : vector<256x1xi32> to vector<256x640xi32>
      %lt3A_51 = arith.cmpi slt, %add3A_49, %lt3A : vector<256x640xi32>
      %and3A = arith.andi %ge3A_50, %lt3A_51 : vector<256x640xi1>
      %broadcast_in_dim3A_52 = vector.broadcast %while3A : f32 to vector<256x640xf32>
      %select_n3A = arith.select %and3A, %sub3A, %broadcast_in_dim3A_52 : vector<256x640xi1>, vector<256x640xf32>
      %convert_element_type3A_53 = arith.sitofp %add3A_49 : vector<256x640xi32> to vector<256x640xf32>
      %broadcast_in_dim3A_54 = vector.broadcast %while3A : f32 to vector<256x20xf32>
      %concatenate3A = tpu.concatenate %select_n3A, %while3A_31, %broadcast_in_dim3A_54 in 1 : vector<256x640xf32>, vector<256x20xf32>, vector<256x20xf32> -> vector<256x680xf32>
      %broadcast_in_dim3A_55 = arith.constant 3.000000e+07 : f32
      %broadcast_in_dim3A_56 = vector.broadcast %broadcast_in_dim3A_55 : f32 to vector<256x20xf32>
      %concatenate3A_57 = tpu.concatenate %convert_element_type3A_53, %while3A_32, %broadcast_in_dim3A_56 in 1 : vector<256x640xf32>, vector<256x20xf32>, vector<256x20xf32> -> vector<256x680xf32>
      %slice3A = vector.extract_strided_slice %concatenate3A {offsets = [0, 0], sizes = [256, 340], strides = [1, 1]} : vector<256x680xf32> to vector<256x340xf32>
      %slice3A_58 = vector.extract_strided_slice %concatenate3A {offsets = [0, 340], sizes = [256, 340], strides = [1, 1]} : vector<256x680xf32> to vector<256x340xf32>
      %slice3A_59 = vector.extract_strided_slice %concatenate3A_57 {offsets = [0, 0], sizes = [256, 340], strides = [1, 1]} : vector<256x680xf32> to vector<256x340xf32>
      %slice3A_60 = vector.extract_strided_slice %concatenate3A_57 {offsets = [0, 340], sizes = [256, 340], strides = [1, 1]} : vector<256x680xf32> to vector<256x340xf32>
      %le3A = arith.cmpf ole, %slice3A, %slice3A_58 : vector<256x340xf32>
      %select_n3A_61 = arith.select %le3A, %slice3A, %slice3A_58 : vector<256x340xi1>, vector<256x340xf32>
      %select_n3A_62 = arith.select %le3A, %slice3A_59, %slice3A_60 : vector<256x340xi1>, vector<256x340xf32>
      %select_n3A_63 = arith.select %le3A, %slice3A_58, %slice3A : vector<256x340xi1>, vector<256x340xf32>
      %select_n3A_64 = arith.select %le3A, %slice3A_60, %slice3A_59 : vector<256x340xi1>, vector<256x340xf32>
      %reduce_min3A = arith.constant dense<0x7F800000> : vector<256xf32>
      %reduce_min3A_65 = vector.multi_reduction <minimumf>, %select_n3A_61, %reduce_min3A [1] : vector<256x340xf32> to vector<256xf32>
      %broadcast_in_dim3A_66 = vector.shape_cast %reduce_min3A_65 : vector<256xf32> to vector<256x1xf32>
      %eq3A = vector.broadcast %broadcast_in_dim3A_66 : vector<256x1xf32> to vector<256x340xf32>
      %eq3A_67 = arith.cmpf oeq, %select_n3A_61, %eq3A : vector<256x340xf32>
      %jit3A = arith.constant 3.000000e+07 : f32
      %broadcast_in_dim3A_68 = vector.broadcast %jit3A : f32 to vector<256x340xf32>
      %select_n3A_69 = arith.select %eq3A_67, %select_n3A_62, %broadcast_in_dim3A_68 : vector<256x340xi1>, vector<256x340xf32>
      %reduce_min3A_70 = arith.constant dense<0x7F800000> : vector<256xf32>
      %reduce_min3A_71 = vector.multi_reduction <minimumf>, %select_n3A_69, %reduce_min3A_70 [1] : vector<256x340xf32> to vector<256xf32>
      %broadcast_in_dim3A_72 = vector.shape_cast %reduce_min3A_71 : vector<256xf32> to vector<256x1xf32>
      %eq3A_73 = vector.broadcast %broadcast_in_dim3A_72 : vector<256x1xf32> to vector<256x340xf32>
      %eq3A_74 = arith.cmpf oeq, %select_n3A_62, %eq3A_73 : vector<256x340xf32>
      %select_n3A_75 = arith.select %eq3A_74, %select_n3A_63, %select_n3A_61 : vector<256x340xi1>, vector<256x340xf32>
      %select_n3A_76 = arith.select %eq3A_74, %select_n3A_64, %select_n3A_62 : vector<256x340xi1>, vector<256x340xf32>
      %broadcast_in_dim3A_77 = vector.broadcast %while3A : f32 to vector<256x340xf32>
      %select_n3A_78 = arith.select %eq3A_74, %broadcast_in_dim3A_77, %select_n3A_63 : vector<256x340xi1>, vector<256x340xf32>
      %reduce_min3A_79 = arith.constant dense<0x7F800000> : vector<256xf32>
      %reduce_min3A_80 = vector.multi_reduction <minimumf>, %select_n3A_75, %reduce_min3A_79 [1] : vector<256x340xf32> to vector<256xf32>
      %broadcast_in_dim3A_81 = vector.shape_cast %reduce_min3A_80 : vector<256xf32> to vector<256x1xf32>
      %eq3A_82 = vector.broadcast %broadcast_in_dim3A_81 : vector<256x1xf32> to vector<256x340xf32>
      %eq3A_83 = arith.cmpf oeq, %select_n3A_75, %eq3A_82 : vector<256x340xf32>
      %jit3A_84 = arith.constant 3.000000e+07 : f32
      %broadcast_in_dim3A_85 = vector.broadcast %jit3A_84 : f32 to vector<256x340xf32>
      %select_n3A_86 = arith.select %eq3A_83, %select_n3A_76, %broadcast_in_dim3A_85 : vector<256x340xi1>, vector<256x340xf32>
      %reduce_min3A_87 = arith.constant dense<0x7F800000> : vector<256xf32>
      %reduce_min3A_88 = vector.multi_reduction <minimumf>, %select_n3A_86, %reduce_min3A_87 [1] : vector<256x340xf32> to vector<256xf32>
      %broadcast_in_dim3A_89 = vector.shape_cast %reduce_min3A_88 : vector<256xf32> to vector<256x1xf32>
      %eq3A_90 = vector.broadcast %broadcast_in_dim3A_89 : vector<256x1xf32> to vector<256x340xf32>
      %eq3A_91 = arith.cmpf oeq, %select_n3A_76, %eq3A_90 : vector<256x340xf32>
      %select_n3A_92 = arith.select %eq3A_91, %select_n3A_78, %select_n3A_75 : vector<256x340xi1>, vector<256x340xf32>
      %select_n3A_93 = arith.select %eq3A_91, %select_n3A_64, %select_n3A_76 : vector<256x340xi1>, vector<256x340xf32>
      %broadcast_in_dim3A_94 = vector.broadcast %while3A : f32 to vector<256x340xf32>
      %select_n3A_95 = arith.select %eq3A_91, %broadcast_in_dim3A_94, %select_n3A_78 : vector<256x340xi1>, vector<256x340xf32>
      %reduce_min3A_96 = arith.constant dense<0x7F800000> : vector<256xf32>
      %reduce_min3A_97 = vector.multi_reduction <minimumf>, %select_n3A_92, %reduce_min3A_96 [1] : vector<256x340xf32> to vector<256xf32>
      %broadcast_in_dim3A_98 = vector.shape_cast %reduce_min3A_97 : vector<256xf32> to vector<256x1xf32>
      %eq3A_99 = vector.broadcast %broadcast_in_dim3A_98 : vector<256x1xf32> to vector<256x340xf32>
      %eq3A_100 = arith.cmpf oeq, %select_n3A_92, %eq3A_99 : vector<256x340xf32>
      %jit3A_101 = arith.constant 3.000000e+07 : f32
      %broadcast_in_dim3A_102 = vector.broadcast %jit3A_101 : f32 to vector<256x340xf32>
      %select_n3A_103 = arith.select %eq3A_100, %select_n3A_93, %broadcast_in_dim3A_102 : vector<256x340xi1>, vector<256x340xf32>
      %reduce_min3A_104 = arith.constant dense<0x7F800000> : vector<256xf32>
      %reduce_min3A_105 = vector.multi_reduction <minimumf>, %select_n3A_103, %reduce_min3A_104 [1] : vector<256x340xf32> to vector<256xf32>
      %broadcast_in_dim3A_106 = vector.shape_cast %reduce_min3A_105 : vector<256xf32> to vector<256x1xf32>
      %eq3A_107 = vector.broadcast %broadcast_in_dim3A_106 : vector<256x1xf32> to vector<256x340xf32>
      %eq3A_108 = arith.cmpf oeq, %select_n3A_93, %eq3A_107 : vector<256x340xf32>
      %select_n3A_109 = arith.select %eq3A_108, %select_n3A_95, %select_n3A_92 : vector<256x340xi1>, vector<256x340xf32>
      %select_n3A_110 = arith.select %eq3A_108, %select_n3A_64, %select_n3A_93 : vector<256x340xi1>, vector<256x340xf32>
      %broadcast_in_dim3A_111 = vector.broadcast %while3A : f32 to vector<256x340xf32>
      %select_n3A_112 = arith.select %eq3A_108, %broadcast_in_dim3A_111, %select_n3A_95 : vector<256x340xi1>, vector<256x340xf32>
      %reduce_min3A_113 = arith.constant dense<0x7F800000> : vector<256xf32>
      %reduce_min3A_114 = vector.multi_reduction <minimumf>, %select_n3A_109, %reduce_min3A_113 [1] : vector<256x340xf32> to vector<256xf32>
      %broadcast_in_dim3A_115 = vector.shape_cast %reduce_min3A_114 : vector<256xf32> to vector<256x1xf32>
      %eq3A_116 = vector.broadcast %broadcast_in_dim3A_115 : vector<256x1xf32> to vector<256x340xf32>
      %eq3A_117 = arith.cmpf oeq, %select_n3A_109, %eq3A_116 : vector<256x340xf32>
      %jit3A_118 = arith.constant 3.000000e+07 : f32
      %broadcast_in_dim3A_119 = vector.broadcast %jit3A_118 : f32 to vector<256x340xf32>
      %select_n3A_120 = arith.select %eq3A_117, %select_n3A_110, %broadcast_in_dim3A_119 : vector<256x340xi1>, vector<256x340xf32>
      %reduce_min3A_121 = arith.constant dense<0x7F800000> : vector<256xf32>
      %reduce_min3A_122 = vector.multi_reduction <minimumf>, %select_n3A_120, %reduce_min3A_121 [1] : vector<256x340xf32> to vector<256xf32>
      %broadcast_in_dim3A_123 = vector.shape_cast %reduce_min3A_122 : vector<256xf32> to vector<256x1xf32>
      %eq3A_124 = vector.broadcast %broadcast_in_dim3A_123 : vector<256x1xf32> to vector<256x340xf32>
      %eq3A_125 = arith.cmpf oeq, %select_n3A_110, %eq3A_124 : vector<256x340xf32>
      %select_n3A_126 = arith.select %eq3A_125, %select_n3A_112, %select_n3A_109 : vector<256x340xi1>, vector<256x340xf32>
      %select_n3A_127 = arith.select %eq3A_125, %select_n3A_64, %select_n3A_110 : vector<256x340xi1>, vector<256x340xf32>
      %broadcast_in_dim3A_128 = vector.broadcast %while3A : f32 to vector<256x340xf32>
      %select_n3A_129 = arith.select %eq3A_125, %broadcast_in_dim3A_128, %select_n3A_112 : vector<256x340xi1>, vector<256x340xf32>
      %reduce_min3A_130 = arith.constant dense<0x7F800000> : vector<256xf32>
      %reduce_min3A_131 = vector.multi_reduction <minimumf>, %select_n3A_126, %reduce_min3A_130 [1] : vector<256x340xf32> to vector<256xf32>
      %broadcast_in_dim3A_132 = vector.shape_cast %reduce_min3A_131 : vector<256xf32> to vector<256x1xf32>
      %eq3A_133 = vector.broadcast %broadcast_in_dim3A_132 : vector<256x1xf32> to vector<256x340xf32>
      %eq3A_134 = arith.cmpf oeq, %select_n3A_126, %eq3A_133 : vector<256x340xf32>
      %jit3A_135 = arith.constant 3.000000e+07 : f32
      %broadcast_in_dim3A_136 = vector.broadcast %jit3A_135 : f32 to vector<256x340xf32>
      %select_n3A_137 = arith.select %eq3A_134, %select_n3A_127, %broadcast_in_dim3A_136 : vector<256x340xi1>, vector<256x340xf32>
      %reduce_min3A_138 = arith.constant dense<0x7F800000> : vector<256xf32>
      %reduce_min3A_139 = vector.multi_reduction <minimumf>, %select_n3A_137, %reduce_min3A_138 [1] : vector<256x340xf32> to vector<256xf32>
      %broadcast_in_dim3A_140 = vector.shape_cast %reduce_min3A_139 : vector<256xf32> to vector<256x1xf32>
      %eq3A_141 = vector.broadcast %broadcast_in_dim3A_140 : vector<256x1xf32> to vector<256x340xf32>
      %eq3A_142 = arith.cmpf oeq, %select_n3A_127, %eq3A_141 : vector<256x340xf32>
      %select_n3A_143 = arith.select %eq3A_142, %select_n3A_129, %select_n3A_126 : vector<256x340xi1>, vector<256x340xf32>
      %select_n3A_144 = arith.select %eq3A_142, %select_n3A_64, %select_n3A_127 : vector<256x340xi1>, vector<256x340xf32>
      %broadcast_in_dim3A_145 = vector.broadcast %while3A : f32 to vector<256x340xf32>
      %select_n3A_146 = arith.select %eq3A_142, %broadcast_in_dim3A_145, %select_n3A_129 : vector<256x340xi1>, vector<256x340xf32>
      %reduce_min3A_147 = arith.constant dense<0x7F800000> : vector<256xf32>
      %reduce_min3A_148 = vector.multi_reduction <minimumf>, %select_n3A_143, %reduce_min3A_147 [1] : vector<256x340xf32> to vector<256xf32>
      %broadcast_in_dim3A_149 = vector.shape_cast %reduce_min3A_148 : vector<256xf32> to vector<256x1xf32>
      %eq3A_150 = vector.broadcast %broadcast_in_dim3A_149 : vector<256x1xf32> to vector<256x340xf32>
      %eq3A_151 = arith.cmpf oeq, %select_n3A_143, %eq3A_150 : vector<256x340xf32>
      %jit3A_152 = arith.constant 3.000000e+07 : f32
      %broadcast_in_dim3A_153 = vector.broadcast %jit3A_152 : f32 to vector<256x340xf32>
      %select_n3A_154 = arith.select %eq3A_151, %select_n3A_144, %broadcast_in_dim3A_153 : vector<256x340xi1>, vector<256x340xf32>
      %reduce_min3A_155 = arith.constant dense<0x7F800000> : vector<256xf32>
      %reduce_min3A_156 = vector.multi_reduction <minimumf>, %select_n3A_154, %reduce_min3A_155 [1] : vector<256x340xf32> to vector<256xf32>
      %broadcast_in_dim3A_157 = vector.shape_cast %reduce_min3A_156 : vector<256xf32> to vector<256x1xf32>
      %eq3A_158 = vector.broadcast %broadcast_in_dim3A_157 : vector<256x1xf32> to vector<256x340xf32>
      %eq3A_159 = arith.cmpf oeq, %select_n3A_144, %eq3A_158 : vector<256x340xf32>
      %select_n3A_160 = arith.select %eq3A_159, %select_n3A_146, %select_n3A_143 : vector<256x340xi1>, vector<256x340xf32>
      %select_n3A_161 = arith.select %eq3A_159, %select_n3A_64, %select_n3A_144 : vector<256x340xi1>, vector<256x340xf32>
      %broadcast_in_dim3A_162 = vector.broadcast %while3A : f32 to vector<256x340xf32>
      %select_n3A_163 = arith.select %eq3A_159, %broadcast_in_dim3A_162, %select_n3A_146 : vector<256x340xi1>, vector<256x340xf32>
      %reduce_min3A_164 = arith.constant dense<0x7F800000> : vector<256xf32>
      %reduce_min3A_165 = vector.multi_reduction <minimumf>, %select_n3A_160, %reduce_min3A_164 [1] : vector<256x340xf32> to vector<256xf32>
      %broadcast_in_dim3A_166 = vector.shape_cast %reduce_min3A_165 : vector<256xf32> to vector<256x1xf32>
      %eq3A_167 = vector.broadcast %broadcast_in_dim3A_166 : vector<256x1xf32> to vector<256x340xf32>
      %eq3A_168 = arith.cmpf oeq, %select_n3A_160, %eq3A_167 : vector<256x340xf32>
      %jit3A_169 = arith.constant 3.000000e+07 : f32
      %broadcast_in_dim3A_170 = vector.broadcast %jit3A_169 : f32 to vector<256x340xf32>
      %select_n3A_171 = arith.select %eq3A_168, %select_n3A_161, %broadcast_in_dim3A_170 : vector<256x340xi1>, vector<256x340xf32>
      %reduce_min3A_172 = arith.constant dense<0x7F800000> : vector<256xf32>
      %reduce_min3A_173 = vector.multi_reduction <minimumf>, %select_n3A_171, %reduce_min3A_172 [1] : vector<256x340xf32> to vector<256xf32>
      %broadcast_in_dim3A_174 = vector.shape_cast %reduce_min3A_173 : vector<256xf32> to vector<256x1xf32>
      %eq3A_175 = vector.broadcast %broadcast_in_dim3A_174 : vector<256x1xf32> to vector<256x340xf32>
      %eq3A_176 = arith.cmpf oeq, %select_n3A_161, %eq3A_175 : vector<256x340xf32>
      %select_n3A_177 = arith.select %eq3A_176, %select_n3A_163, %select_n3A_160 : vector<256x340xi1>, vector<256x340xf32>
      %select_n3A_178 = arith.select %eq3A_176, %select_n3A_64, %select_n3A_161 : vector<256x340xi1>, vector<256x340xf32>
      %broadcast_in_dim3A_179 = vector.broadcast %while3A : f32 to vector<256x340xf32>
      %select_n3A_180 = arith.select %eq3A_176, %broadcast_in_dim3A_179, %select_n3A_163 : vector<256x340xi1>, vector<256x340xf32>
      %reduce_min3A_181 = arith.constant dense<0x7F800000> : vector<256xf32>
      %reduce_min3A_182 = vector.multi_reduction <minimumf>, %select_n3A_177, %reduce_min3A_181 [1] : vector<256x340xf32> to vector<256xf32>
      %broadcast_in_dim3A_183 = vector.shape_cast %reduce_min3A_182 : vector<256xf32> to vector<256x1xf32>
      %eq3A_184 = vector.broadcast %broadcast_in_dim3A_183 : vector<256x1xf32> to vector<256x340xf32>
      %eq3A_185 = arith.cmpf oeq, %select_n3A_177, %eq3A_184 : vector<256x340xf32>
      %jit3A_186 = arith.constant 3.000000e+07 : f32
      %broadcast_in_dim3A_187 = vector.broadcast %jit3A_186 : f32 to vector<256x340xf32>
      %select_n3A_188 = arith.select %eq3A_185, %select_n3A_178, %broadcast_in_dim3A_187 : vector<256x340xi1>, vector<256x340xf32>
      %reduce_min3A_189 = arith.constant dense<0x7F800000> : vector<256xf32>
      %reduce_min3A_190 = vector.multi_reduction <minimumf>, %select_n3A_188, %reduce_min3A_189 [1] : vector<256x340xf32> to vector<256xf32>
      %broadcast_in_dim3A_191 = vector.shape_cast %reduce_min3A_190 : vector<256xf32> to vector<256x1xf32>
      %eq3A_192 = vector.broadcast %broadcast_in_dim3A_191 : vector<256x1xf32> to vector<256x340xf32>
      %eq3A_193 = arith.cmpf oeq, %select_n3A_178, %eq3A_192 : vector<256x340xf32>
      %select_n3A_194 = arith.select %eq3A_193, %select_n3A_180, %select_n3A_177 : vector<256x340xi1>, vector<256x340xf32>
      %select_n3A_195 = arith.select %eq3A_193, %select_n3A_64, %select_n3A_178 : vector<256x340xi1>, vector<256x340xf32>
      %broadcast_in_dim3A_196 = vector.broadcast %while3A : f32 to vector<256x340xf32>
      %select_n3A_197 = arith.select %eq3A_193, %broadcast_in_dim3A_196, %select_n3A_180 : vector<256x340xi1>, vector<256x340xf32>
      %reduce_min3A_198 = arith.constant dense<0x7F800000> : vector<256xf32>
      %reduce_min3A_199 = vector.multi_reduction <minimumf>, %select_n3A_194, %reduce_min3A_198 [1] : vector<256x340xf32> to vector<256xf32>
      %broadcast_in_dim3A_200 = vector.shape_cast %reduce_min3A_199 : vector<256xf32> to vector<256x1xf32>
      %eq3A_201 = vector.broadcast %broadcast_in_dim3A_200 : vector<256x1xf32> to vector<256x340xf32>
      %eq3A_202 = arith.cmpf oeq, %select_n3A_194, %eq3A_201 : vector<256x340xf32>
      %jit3A_203 = arith.constant 3.000000e+07 : f32
      %broadcast_in_dim3A_204 = vector.broadcast %jit3A_203 : f32 to vector<256x340xf32>
      %select_n3A_205 = arith.select %eq3A_202, %select_n3A_195, %broadcast_in_dim3A_204 : vector<256x340xi1>, vector<256x340xf32>
      %reduce_min3A_206 = arith.constant dense<0x7F800000> : vector<256xf32>
      %reduce_min3A_207 = vector.multi_reduction <minimumf>, %select_n3A_205, %reduce_min3A_206 [1] : vector<256x340xf32> to vector<256xf32>
      %broadcast_in_dim3A_208 = vector.shape_cast %reduce_min3A_207 : vector<256xf32> to vector<256x1xf32>
      %eq3A_209 = vector.broadcast %broadcast_in_dim3A_208 : vector<256x1xf32> to vector<256x340xf32>
      %eq3A_210 = arith.cmpf oeq, %select_n3A_195, %eq3A_209 : vector<256x340xf32>
      %select_n3A_211 = arith.select %eq3A_210, %select_n3A_197, %select_n3A_194 : vector<256x340xi1>, vector<256x340xf32>
      %select_n3A_212 = arith.select %eq3A_210, %select_n3A_64, %select_n3A_195 : vector<256x340xi1>, vector<256x340xf32>
      %broadcast_in_dim3A_213 = vector.broadcast %while3A : f32 to vector<256x340xf32>
      %select_n3A_214 = arith.select %eq3A_210, %broadcast_in_dim3A_213, %select_n3A_197 : vector<256x340xi1>, vector<256x340xf32>
      %reduce_min3A_215 = arith.constant dense<0x7F800000> : vector<256xf32>
      %reduce_min3A_216 = vector.multi_reduction <minimumf>, %select_n3A_211, %reduce_min3A_215 [1] : vector<256x340xf32> to vector<256xf32>
      %broadcast_in_dim3A_217 = vector.shape_cast %reduce_min3A_216 : vector<256xf32> to vector<256x1xf32>
      %eq3A_218 = vector.broadcast %broadcast_in_dim3A_217 : vector<256x1xf32> to vector<256x340xf32>
      %eq3A_219 = arith.cmpf oeq, %select_n3A_211, %eq3A_218 : vector<256x340xf32>
      %jit3A_220 = arith.constant 3.000000e+07 : f32
      %broadcast_in_dim3A_221 = vector.broadcast %jit3A_220 : f32 to vector<256x340xf32>
      %select_n3A_222 = arith.select %eq3A_219, %select_n3A_212, %broadcast_in_dim3A_221 : vector<256x340xi1>, vector<256x340xf32>
      %reduce_min3A_223 = arith.constant dense<0x7F800000> : vector<256xf32>
      %reduce_min3A_224 = vector.multi_reduction <minimumf>, %select_n3A_222, %reduce_min3A_223 [1] : vector<256x340xf32> to vector<256xf32>
      %broadcast_in_dim3A_225 = vector.shape_cast %reduce_min3A_224 : vector<256xf32> to vector<256x1xf32>
      %eq3A_226 = vector.broadcast %broadcast_in_dim3A_225 : vector<256x1xf32> to vector<256x340xf32>
      %eq3A_227 = arith.cmpf oeq, %select_n3A_212, %eq3A_226 : vector<256x340xf32>
      %select_n3A_228 = arith.select %eq3A_227, %select_n3A_214, %select_n3A_211 : vector<256x340xi1>, vector<256x340xf32>
      %select_n3A_229 = arith.select %eq3A_227, %select_n3A_64, %select_n3A_212 : vector<256x340xi1>, vector<256x340xf32>
      %broadcast_in_dim3A_230 = vector.broadcast %while3A : f32 to vector<256x340xf32>
      %select_n3A_231 = arith.select %eq3A_227, %broadcast_in_dim3A_230, %select_n3A_214 : vector<256x340xi1>, vector<256x340xf32>
      %reduce_min3A_232 = arith.constant dense<0x7F800000> : vector<256xf32>
      %reduce_min3A_233 = vector.multi_reduction <minimumf>, %select_n3A_228, %reduce_min3A_232 [1] : vector<256x340xf32> to vector<256xf32>
      %broadcast_in_dim3A_234 = vector.shape_cast %reduce_min3A_233 : vector<256xf32> to vector<256x1xf32>
      %eq3A_235 = vector.broadcast %broadcast_in_dim3A_234 : vector<256x1xf32> to vector<256x340xf32>
      %eq3A_236 = arith.cmpf oeq, %select_n3A_228, %eq3A_235 : vector<256x340xf32>
      %jit3A_237 = arith.constant 3.000000e+07 : f32
      %broadcast_in_dim3A_238 = vector.broadcast %jit3A_237 : f32 to vector<256x340xf32>
      %select_n3A_239 = arith.select %eq3A_236, %select_n3A_229, %broadcast_in_dim3A_238 : vector<256x340xi1>, vector<256x340xf32>
      %reduce_min3A_240 = arith.constant dense<0x7F800000> : vector<256xf32>
      %reduce_min3A_241 = vector.multi_reduction <minimumf>, %select_n3A_239, %reduce_min3A_240 [1] : vector<256x340xf32> to vector<256xf32>
      %broadcast_in_dim3A_242 = vector.shape_cast %reduce_min3A_241 : vector<256xf32> to vector<256x1xf32>
      %eq3A_243 = vector.broadcast %broadcast_in_dim3A_242 : vector<256x1xf32> to vector<256x340xf32>
      %eq3A_244 = arith.cmpf oeq, %select_n3A_229, %eq3A_243 : vector<256x340xf32>
      %select_n3A_245 = arith.select %eq3A_244, %select_n3A_231, %select_n3A_228 : vector<256x340xi1>, vector<256x340xf32>
      %select_n3A_246 = arith.select %eq3A_244, %select_n3A_64, %select_n3A_229 : vector<256x340xi1>, vector<256x340xf32>
      %broadcast_in_dim3A_247 = vector.broadcast %while3A : f32 to vector<256x340xf32>
      %select_n3A_248 = arith.select %eq3A_244, %broadcast_in_dim3A_247, %select_n3A_231 : vector<256x340xi1>, vector<256x340xf32>
      %reduce_min3A_249 = arith.constant dense<0x7F800000> : vector<256xf32>
      %reduce_min3A_250 = vector.multi_reduction <minimumf>, %select_n3A_245, %reduce_min3A_249 [1] : vector<256x340xf32> to vector<256xf32>
      %broadcast_in_dim3A_251 = vector.shape_cast %reduce_min3A_250 : vector<256xf32> to vector<256x1xf32>
      %eq3A_252 = vector.broadcast %broadcast_in_dim3A_251 : vector<256x1xf32> to vector<256x340xf32>
      %eq3A_253 = arith.cmpf oeq, %select_n3A_245, %eq3A_252 : vector<256x340xf32>
      %jit3A_254 = arith.constant 3.000000e+07 : f32
      %broadcast_in_dim3A_255 = vector.broadcast %jit3A_254 : f32 to vector<256x340xf32>
      %select_n3A_256 = arith.select %eq3A_253, %select_n3A_246, %broadcast_in_dim3A_255 : vector<256x340xi1>, vector<256x340xf32>
      %reduce_min3A_257 = arith.constant dense<0x7F800000> : vector<256xf32>
      %reduce_min3A_258 = vector.multi_reduction <minimumf>, %select_n3A_256, %reduce_min3A_257 [1] : vector<256x340xf32> to vector<256xf32>
      %broadcast_in_dim3A_259 = vector.shape_cast %reduce_min3A_258 : vector<256xf32> to vector<256x1xf32>
      %eq3A_260 = vector.broadcast %broadcast_in_dim3A_259 : vector<256x1xf32> to vector<256x340xf32>
      %eq3A_261 = arith.cmpf oeq, %select_n3A_246, %eq3A_260 : vector<256x340xf32>
      %select_n3A_262 = arith.select %eq3A_261, %select_n3A_248, %select_n3A_245 : vector<256x340xi1>, vector<256x340xf32>
      %select_n3A_263 = arith.select %eq3A_261, %select_n3A_64, %select_n3A_246 : vector<256x340xi1>, vector<256x340xf32>
      %broadcast_in_dim3A_264 = vector.broadcast %while3A : f32 to vector<256x340xf32>
      %select_n3A_265 = arith.select %eq3A_261, %broadcast_in_dim3A_264, %select_n3A_248 : vector<256x340xi1>, vector<256x340xf32>
      %reduce_min3A_266 = arith.constant dense<0x7F800000> : vector<256xf32>
      %reduce_min3A_267 = vector.multi_reduction <minimumf>, %select_n3A_262, %reduce_min3A_266 [1] : vector<256x340xf32> to vector<256xf32>
      %broadcast_in_dim3A_268 = vector.shape_cast %reduce_min3A_267 : vector<256xf32> to vector<256x1xf32>
      %eq3A_269 = vector.broadcast %broadcast_in_dim3A_268 : vector<256x1xf32> to vector<256x340xf32>
      %eq3A_270 = arith.cmpf oeq, %select_n3A_262, %eq3A_269 : vector<256x340xf32>
      %jit3A_271 = arith.constant 3.000000e+07 : f32
      %broadcast_in_dim3A_272 = vector.broadcast %jit3A_271 : f32 to vector<256x340xf32>
      %select_n3A_273 = arith.select %eq3A_270, %select_n3A_263, %broadcast_in_dim3A_272 : vector<256x340xi1>, vector<256x340xf32>
      %reduce_min3A_274 = arith.constant dense<0x7F800000> : vector<256xf32>
      %reduce_min3A_275 = vector.multi_reduction <minimumf>, %select_n3A_273, %reduce_min3A_274 [1] : vector<256x340xf32> to vector<256xf32>
      %broadcast_in_dim3A_276 = vector.shape_cast %reduce_min3A_275 : vector<256xf32> to vector<256x1xf32>
      %eq3A_277 = vector.broadcast %broadcast_in_dim3A_276 : vector<256x1xf32> to vector<256x340xf32>
      %eq3A_278 = arith.cmpf oeq, %select_n3A_263, %eq3A_277 : vector<256x340xf32>
      %select_n3A_279 = arith.select %eq3A_278, %select_n3A_265, %select_n3A_262 : vector<256x340xi1>, vector<256x340xf32>
      %select_n3A_280 = arith.select %eq3A_278, %select_n3A_64, %select_n3A_263 : vector<256x340xi1>, vector<256x340xf32>
      %broadcast_in_dim3A_281 = vector.broadcast %while3A : f32 to vector<256x340xf32>
      %select_n3A_282 = arith.select %eq3A_278, %broadcast_in_dim3A_281, %select_n3A_265 : vector<256x340xi1>, vector<256x340xf32>
      %reduce_min3A_283 = arith.constant dense<0x7F800000> : vector<256xf32>
      %reduce_min3A_284 = vector.multi_reduction <minimumf>, %select_n3A_279, %reduce_min3A_283 [1] : vector<256x340xf32> to vector<256xf32>
      %broadcast_in_dim3A_285 = vector.shape_cast %reduce_min3A_284 : vector<256xf32> to vector<256x1xf32>
      %eq3A_286 = vector.broadcast %broadcast_in_dim3A_285 : vector<256x1xf32> to vector<256x340xf32>
      %eq3A_287 = arith.cmpf oeq, %select_n3A_279, %eq3A_286 : vector<256x340xf32>
      %jit3A_288 = arith.constant 3.000000e+07 : f32
      %broadcast_in_dim3A_289 = vector.broadcast %jit3A_288 : f32 to vector<256x340xf32>
      %select_n3A_290 = arith.select %eq3A_287, %select_n3A_280, %broadcast_in_dim3A_289 : vector<256x340xi1>, vector<256x340xf32>
      %reduce_min3A_291 = arith.constant dense<0x7F800000> : vector<256xf32>
      %reduce_min3A_292 = vector.multi_reduction <minimumf>, %select_n3A_290, %reduce_min3A_291 [1] : vector<256x340xf32> to vector<256xf32>
      %broadcast_in_dim3A_293 = vector.shape_cast %reduce_min3A_292 : vector<256xf32> to vector<256x1xf32>
      %eq3A_294 = vector.broadcast %broadcast_in_dim3A_293 : vector<256x1xf32> to vector<256x340xf32>
      %eq3A_295 = arith.cmpf oeq, %select_n3A_280, %eq3A_294 : vector<256x340xf32>
      %select_n3A_296 = arith.select %eq3A_295, %select_n3A_282, %select_n3A_279 : vector<256x340xi1>, vector<256x340xf32>
      %select_n3A_297 = arith.select %eq3A_295, %select_n3A_64, %select_n3A_280 : vector<256x340xi1>, vector<256x340xf32>
      %broadcast_in_dim3A_298 = vector.broadcast %while3A : f32 to vector<256x340xf32>
      %select_n3A_299 = arith.select %eq3A_295, %broadcast_in_dim3A_298, %select_n3A_282 : vector<256x340xi1>, vector<256x340xf32>
      %reduce_min3A_300 = arith.constant dense<0x7F800000> : vector<256xf32>
      %reduce_min3A_301 = vector.multi_reduction <minimumf>, %select_n3A_296, %reduce_min3A_300 [1] : vector<256x340xf32> to vector<256xf32>
      %broadcast_in_dim3A_302 = vector.shape_cast %reduce_min3A_301 : vector<256xf32> to vector<256x1xf32>
      %eq3A_303 = vector.broadcast %broadcast_in_dim3A_302 : vector<256x1xf32> to vector<256x340xf32>
      %eq3A_304 = arith.cmpf oeq, %select_n3A_296, %eq3A_303 : vector<256x340xf32>
      %jit3A_305 = arith.constant 3.000000e+07 : f32
      %broadcast_in_dim3A_306 = vector.broadcast %jit3A_305 : f32 to vector<256x340xf32>
      %select_n3A_307 = arith.select %eq3A_304, %select_n3A_297, %broadcast_in_dim3A_306 : vector<256x340xi1>, vector<256x340xf32>
      %reduce_min3A_308 = arith.constant dense<0x7F800000> : vector<256xf32>
      %reduce_min3A_309 = vector.multi_reduction <minimumf>, %select_n3A_307, %reduce_min3A_308 [1] : vector<256x340xf32> to vector<256xf32>
      %broadcast_in_dim3A_310 = vector.shape_cast %reduce_min3A_309 : vector<256xf32> to vector<256x1xf32>
      %eq3A_311 = vector.broadcast %broadcast_in_dim3A_310 : vector<256x1xf32> to vector<256x340xf32>
      %eq3A_312 = arith.cmpf oeq, %select_n3A_297, %eq3A_311 : vector<256x340xf32>
      %select_n3A_313 = arith.select %eq3A_312, %select_n3A_299, %select_n3A_296 : vector<256x340xi1>, vector<256x340xf32>
      %select_n3A_314 = arith.select %eq3A_312, %select_n3A_64, %select_n3A_297 : vector<256x340xi1>, vector<256x340xf32>
      %broadcast_in_dim3A_315 = vector.broadcast %while3A : f32 to vector<256x340xf32>
      %select_n3A_316 = arith.select %eq3A_312, %broadcast_in_dim3A_315, %select_n3A_299 : vector<256x340xi1>, vector<256x340xf32>
      %reduce_min3A_317 = arith.constant dense<0x7F800000> : vector<256xf32>
      %reduce_min3A_318 = vector.multi_reduction <minimumf>, %select_n3A_313, %reduce_min3A_317 [1] : vector<256x340xf32> to vector<256xf32>
      %broadcast_in_dim3A_319 = vector.shape_cast %reduce_min3A_318 : vector<256xf32> to vector<256x1xf32>
      %eq3A_320 = vector.broadcast %broadcast_in_dim3A_319 : vector<256x1xf32> to vector<256x340xf32>
      %eq3A_321 = arith.cmpf oeq, %select_n3A_313, %eq3A_320 : vector<256x340xf32>
      %jit3A_322 = arith.constant 3.000000e+07 : f32
      %broadcast_in_dim3A_323 = vector.broadcast %jit3A_322 : f32 to vector<256x340xf32>
      %select_n3A_324 = arith.select %eq3A_321, %select_n3A_314, %broadcast_in_dim3A_323 : vector<256x340xi1>, vector<256x340xf32>
      %reduce_min3A_325 = arith.constant dense<0x7F800000> : vector<256xf32>
      %reduce_min3A_326 = vector.multi_reduction <minimumf>, %select_n3A_324, %reduce_min3A_325 [1] : vector<256x340xf32> to vector<256xf32>
      %broadcast_in_dim3A_327 = vector.shape_cast %reduce_min3A_326 : vector<256xf32> to vector<256x1xf32>
      %eq3A_328 = vector.broadcast %broadcast_in_dim3A_327 : vector<256x1xf32> to vector<256x340xf32>
      %eq3A_329 = arith.cmpf oeq, %select_n3A_314, %eq3A_328 : vector<256x340xf32>
      %select_n3A_330 = arith.select %eq3A_329, %select_n3A_316, %select_n3A_313 : vector<256x340xi1>, vector<256x340xf32>
      %select_n3A_331 = arith.select %eq3A_329, %select_n3A_64, %select_n3A_314 : vector<256x340xi1>, vector<256x340xf32>
      %broadcast_in_dim3A_332 = vector.broadcast %while3A : f32 to vector<256x340xf32>
      %select_n3A_333 = arith.select %eq3A_329, %broadcast_in_dim3A_332, %select_n3A_316 : vector<256x340xi1>, vector<256x340xf32>
      %reduce_min3A_334 = arith.constant dense<0x7F800000> : vector<256xf32>
      %reduce_min3A_335 = vector.multi_reduction <minimumf>, %select_n3A_330, %reduce_min3A_334 [1] : vector<256x340xf32> to vector<256xf32>
      %broadcast_in_dim3A_336 = vector.shape_cast %reduce_min3A_335 : vector<256xf32> to vector<256x1xf32>
      %eq3A_337 = vector.broadcast %broadcast_in_dim3A_336 : vector<256x1xf32> to vector<256x340xf32>
      %eq3A_338 = arith.cmpf oeq, %select_n3A_330, %eq3A_337 : vector<256x340xf32>
      %jit3A_339 = arith.constant 3.000000e+07 : f32
      %broadcast_in_dim3A_340 = vector.broadcast %jit3A_339 : f32 to vector<256x340xf32>
      %select_n3A_341 = arith.select %eq3A_338, %select_n3A_331, %broadcast_in_dim3A_340 : vector<256x340xi1>, vector<256x340xf32>
      %reduce_min3A_342 = arith.constant dense<0x7F800000> : vector<256xf32>
      %reduce_min3A_343 = vector.multi_reduction <minimumf>, %select_n3A_341, %reduce_min3A_342 [1] : vector<256x340xf32> to vector<256xf32>
      %broadcast_in_dim3A_344 = vector.shape_cast %reduce_min3A_343 : vector<256xf32> to vector<256x1xf32>
      %eq3A_345 = vector.broadcast %broadcast_in_dim3A_344 : vector<256x1xf32> to vector<256x340xf32>
      %eq3A_346 = arith.cmpf oeq, %select_n3A_331, %eq3A_345 : vector<256x340xf32>
      %select_n3A_347 = arith.select %eq3A_346, %select_n3A_333, %select_n3A_330 : vector<256x340xi1>, vector<256x340xf32>
      %select_n3A_348 = arith.select %eq3A_346, %select_n3A_64, %select_n3A_331 : vector<256x340xi1>, vector<256x340xf32>
      %broadcast_in_dim3A_349 = vector.broadcast %while3A : f32 to vector<256x340xf32>
      %select_n3A_350 = arith.select %eq3A_346, %broadcast_in_dim3A_349, %select_n3A_333 : vector<256x340xi1>, vector<256x340xf32>
      %reduce_min3A_351 = arith.constant dense<0x7F800000> : vector<256xf32>
      %reduce_min3A_352 = vector.multi_reduction <minimumf>, %select_n3A_347, %reduce_min3A_351 [1] : vector<256x340xf32> to vector<256xf32>
      %broadcast_in_dim3A_353 = vector.shape_cast %reduce_min3A_352 : vector<256xf32> to vector<256x1xf32>
      %eq3A_354 = vector.broadcast %broadcast_in_dim3A_353 : vector<256x1xf32> to vector<256x340xf32>
      %eq3A_355 = arith.cmpf oeq, %select_n3A_347, %eq3A_354 : vector<256x340xf32>
      %jit3A_356 = arith.constant 3.000000e+07 : f32
      %broadcast_in_dim3A_357 = vector.broadcast %jit3A_356 : f32 to vector<256x340xf32>
      %select_n3A_358 = arith.select %eq3A_355, %select_n3A_348, %broadcast_in_dim3A_357 : vector<256x340xi1>, vector<256x340xf32>
      %reduce_min3A_359 = arith.constant dense<0x7F800000> : vector<256xf32>
      %reduce_min3A_360 = vector.multi_reduction <minimumf>, %select_n3A_358, %reduce_min3A_359 [1] : vector<256x340xf32> to vector<256xf32>
      %broadcast_in_dim3A_361 = vector.shape_cast %reduce_min3A_360 : vector<256xf32> to vector<256x1xf32>
      %eq3A_362 = vector.broadcast %broadcast_in_dim3A_361 : vector<256x1xf32> to vector<256x340xf32>
      %eq3A_363 = arith.cmpf oeq, %select_n3A_348, %eq3A_362 : vector<256x340xf32>
      %select_n3A_364 = arith.select %eq3A_363, %select_n3A_350, %select_n3A_347 : vector<256x340xi1>, vector<256x340xf32>
      %select_n3A_365 = arith.select %eq3A_363, %select_n3A_64, %select_n3A_348 : vector<256x340xi1>, vector<256x340xf32>
      %broadcast_in_dim3A_366 = vector.broadcast %while3A : f32 to vector<256x340xf32>
      %select_n3A_367 = arith.select %eq3A_363, %broadcast_in_dim3A_366, %select_n3A_350 : vector<256x340xi1>, vector<256x340xf32>
      %reduce_min3A_368 = arith.constant dense<0x7F800000> : vector<256xf32>
      %reduce_min3A_369 = vector.multi_reduction <minimumf>, %select_n3A_364, %reduce_min3A_368 [1] : vector<256x340xf32> to vector<256xf32>
      %broadcast_in_dim3A_370 = vector.shape_cast %reduce_min3A_369 : vector<256xf32> to vector<256x1xf32>
      %eq3A_371 = vector.broadcast %broadcast_in_dim3A_370 : vector<256x1xf32> to vector<256x340xf32>
      %eq3A_372 = arith.cmpf oeq, %select_n3A_364, %eq3A_371 : vector<256x340xf32>
      %jit3A_373 = arith.constant 3.000000e+07 : f32
      %broadcast_in_dim3A_374 = vector.broadcast %jit3A_373 : f32 to vector<256x340xf32>
      %select_n3A_375 = arith.select %eq3A_372, %select_n3A_365, %broadcast_in_dim3A_374 : vector<256x340xi1>, vector<256x340xf32>
      %reduce_min3A_376 = arith.constant dense<0x7F800000> : vector<256xf32>
      %reduce_min3A_377 = vector.multi_reduction <minimumf>, %select_n3A_375, %reduce_min3A_376 [1] : vector<256x340xf32> to vector<256xf32>
      %broadcast_in_dim3A_378 = vector.shape_cast %reduce_min3A_377 : vector<256xf32> to vector<256x1xf32>
      %eq3A_379 = vector.broadcast %broadcast_in_dim3A_378 : vector<256x1xf32> to vector<256x340xf32>
      %eq3A_380 = arith.cmpf oeq, %select_n3A_365, %eq3A_379 : vector<256x340xf32>
      %select_n3A_381 = arith.select %eq3A_380, %select_n3A_367, %select_n3A_364 : vector<256x340xi1>, vector<256x340xf32>
      %select_n3A_382 = arith.select %eq3A_380, %select_n3A_64, %select_n3A_365 : vector<256x340xi1>, vector<256x340xf32>
      %broadcast_in_dim3A_383 = vector.broadcast %while3A : f32 to vector<256x340xf32>
      %select_n3A_384 = arith.select %eq3A_380, %broadcast_in_dim3A_383, %select_n3A_367 : vector<256x340xi1>, vector<256x340xf32>
      %reduce_min3A_385 = arith.constant dense<0x7F800000> : vector<256xf32>
      %reduce_min3A_386 = vector.multi_reduction <minimumf>, %select_n3A_381, %reduce_min3A_385 [1] : vector<256x340xf32> to vector<256xf32>
      %broadcast_in_dim3A_387 = vector.shape_cast %reduce_min3A_386 : vector<256xf32> to vector<256x1xf32>
      %eq3A_388 = vector.broadcast %broadcast_in_dim3A_387 : vector<256x1xf32> to vector<256x340xf32>
      %eq3A_389 = arith.cmpf oeq, %select_n3A_381, %eq3A_388 : vector<256x340xf32>
      %jit3A_390 = arith.constant 3.000000e+07 : f32
      %broadcast_in_dim3A_391 = vector.broadcast %jit3A_390 : f32 to vector<256x340xf32>
      %select_n3A_392 = arith.select %eq3A_389, %select_n3A_382, %broadcast_in_dim3A_391 : vector<256x340xi1>, vector<256x340xf32>
      %reduce_min3A_393 = arith.constant dense<0x7F800000> : vector<256xf32>
      %reduce_min3A_394 = vector.multi_reduction <minimumf>, %select_n3A_392, %reduce_min3A_393 [1] : vector<256x340xf32> to vector<256xf32>
      %broadcast_in_dim3A_395 = vector.shape_cast %reduce_min3A_394 : vector<256xf32> to vector<256x1xf32>
      %eq3A_396 = vector.broadcast %broadcast_in_dim3A_395 : vector<256x1xf32> to vector<256x340xf32>
      %eq3A_397 = arith.cmpf oeq, %select_n3A_382, %eq3A_396 : vector<256x340xf32>
      %select_n3A_398 = arith.select %eq3A_397, %select_n3A_384, %select_n3A_381 : vector<256x340xi1>, vector<256x340xf32>
      %select_n3A_399 = arith.select %eq3A_397, %select_n3A_64, %select_n3A_382 : vector<256x340xi1>, vector<256x340xf32>
      %broadcast_in_dim3A_400 = vector.broadcast %while3A : f32 to vector<256x340xf32>
      %select_n3A_401 = arith.select %eq3A_397, %broadcast_in_dim3A_400, %select_n3A_384 : vector<256x340xi1>, vector<256x340xf32>
      %concatenate3A_402 = tpu.concatenate %broadcast_in_dim3A_66, %broadcast_in_dim3A_81, %broadcast_in_dim3A_98, %broadcast_in_dim3A_115, %broadcast_in_dim3A_132, %broadcast_in_dim3A_149, %broadcast_in_dim3A_166, %broadcast_in_dim3A_183, %broadcast_in_dim3A_200, %broadcast_in_dim3A_217, %broadcast_in_dim3A_234, %broadcast_in_dim3A_251, %broadcast_in_dim3A_268, %broadcast_in_dim3A_285, %broadcast_in_dim3A_302, %broadcast_in_dim3A_319, %broadcast_in_dim3A_336, %broadcast_in_dim3A_353, %broadcast_in_dim3A_370, %broadcast_in_dim3A_387 in 1 : vector<256x1xf32>, vector<256x1xf32>, vector<256x1xf32>, vector<256x1xf32>, vector<256x1xf32>, vector<256x1xf32>, vector<256x1xf32>, vector<256x1xf32>, vector<256x1xf32>, vector<256x1xf32>, vector<256x1xf32>, vector<256x1xf32>, vector<256x1xf32>, vector<256x1xf32>, vector<256x1xf32>, vector<256x1xf32>, vector<256x1xf32>, vector<256x1xf32>, vector<256x1xf32>, vector<256x1xf32> -> vector<256x20xf32>
      %concatenate3A_403 = tpu.concatenate %broadcast_in_dim3A_72, %broadcast_in_dim3A_89, %broadcast_in_dim3A_106, %broadcast_in_dim3A_123, %broadcast_in_dim3A_140, %broadcast_in_dim3A_157, %broadcast_in_dim3A_174, %broadcast_in_dim3A_191, %broadcast_in_dim3A_208, %broadcast_in_dim3A_225, %broadcast_in_dim3A_242, %broadcast_in_dim3A_259, %broadcast_in_dim3A_276, %broadcast_in_dim3A_293, %broadcast_in_dim3A_310, %broadcast_in_dim3A_327, %broadcast_in_dim3A_344, %broadcast_in_dim3A_361, %broadcast_in_dim3A_378, %broadcast_in_dim3A_395 in 1 : vector<256x1xf32>, vector<256x1xf32>, vector<256x1xf32>, vector<256x1xf32>, vector<256x1xf32>, vector<256x1xf32>, vector<256x1xf32>, vector<256x1xf32>, vector<256x1xf32>, vector<256x1xf32>, vector<256x1xf32>, vector<256x1xf32>, vector<256x1xf32>, vector<256x1xf32>, vector<256x1xf32>, vector<256x1xf32>, vector<256x1xf32>, vector<256x1xf32>, vector<256x1xf32>, vector<256x1xf32> -> vector<256x20xf32>
      scf.yield %concatenate3A_402, %concatenate3A_403 : vector<256x20xf32>, vector<256x20xf32>
    }
    %while3A_25 = arith.constant 1 : i32
    %while3A_26:2 = scf.for %while3A_30 = %while3A_22 to %while3A_18 step %while3A_25 iter_args(%while3A_31 = %while3A_24#0, %while3A_32 = %while3A_24#1) -> (vector<256x20xf32>, vector<256x20xf32>)  : i32 {
      %mul3A = arith.constant 640 : i32
      %mul3A_33 = arith.muli %while3A_30, %mul3A : i32
      %add3A = arith.addi %get3A_12, %mul3A_33 : i32
      %multiple_of3A = tpu.assume_multiple %add3A, 128 : i32
      %get3A_34 = arith.index_cast %multiple_of3A : i32 to index
      %get3A_35 = arith.constant 0 : index
      %get3A_36 = vector.load %arg7[%get3A_34, %get3A_35] : memref<8832x3xf32, #tpu.memory_space<vmem>>, vector<640x3xf32>
      %get3A_37 = arith.constant 0 : index
      %get3A_38 = arith.index_cast %multiple_of3A : i32 to index
      %get3A_39 = vector.load %arg8[%get3A_37, %get3A_38] : memref<1x8832xf32, #tpu.memory_space<vmem>>, vector<1x640xf32>
      %dot_general3A = arith.constant dense<0.000000e+00> : vector<256x640xf32>
      %dot_general3A_40 = tpu.matmul %get3A_1, %get3A_36, %dot_general3A {dimension_numbers = #tpu.dot_dimension_numbers<[1], [1], [0], [0], [0, 0, 1, 0], [], []>, transpose_lhs_hint = false} : vector<256x3xf32>, vector<640x3xf32>, vector<256x640xf32> -> vector<256x640xf32>
      %add3A_41 = vector.broadcast %get3A_4 : vector<256x1xf32> to vector<256x640xf32>
      %add3A_42 = vector.broadcast %get3A_39 : vector<1x640xf32> to vector<256x640xf32>
      %add3A_43 = arith.addf %add3A_41, %add3A_42 : vector<256x640xf32>
      %mul3A_44 = arith.constant 2.000000e+00 : f32
      %mul3A_45 = vector.broadcast %mul3A_44 : f32 to vector<256x640xf32>
      %mul3A_46 = arith.mulf %mul3A_45, %dot_general3A_40 : vector<256x640xf32>
      %sub3A = arith.subf %add3A_43, %mul3A_46 : vector<256x640xf32>
      %iota3A_47 = tpu.iota {dimensions = array<i32: 1>} : vector<256x640xi32>
      %add3A_48 = vector.broadcast %multiple_of3A : i32 to vector<256x640xi32>
      %add3A_49 = arith.addi %iota3A_47, %add3A_48 : vector<256x640xi32>
      %ge3A = vector.broadcast %get3A_7 : vector<256x1xi32> to vector<256x640xi32>
      %ge3A_50 = arith.cmpi sge, %add3A_49, %ge3A : vector<256x640xi32>
      %lt3A = vector.broadcast %get3A_10 : vector<256x1xi32> to vector<256x640xi32>
      %lt3A_51 = arith.cmpi slt, %add3A_49, %lt3A : vector<256x640xi32>
      %and3A = arith.andi %ge3A_50, %lt3A_51 : vector<256x640xi1>
      %broadcast_in_dim3A_52 = vector.broadcast %while3A : f32 to vector<256x640xf32>
      %select_n3A = arith.select %and3A, %sub3A, %broadcast_in_dim3A_52 : vector<256x640xi1>, vector<256x640xf32>
      %convert_element_type3A_53 = arith.sitofp %add3A_49 : vector<256x640xi32> to vector<256x640xf32>
      %broadcast_in_dim3A_54 = vector.broadcast %while3A : f32 to vector<256x20xf32>
      %concatenate3A = tpu.concatenate %select_n3A, %while3A_31, %broadcast_in_dim3A_54 in 1 : vector<256x640xf32>, vector<256x20xf32>, vector<256x20xf32> -> vector<256x680xf32>
      %broadcast_in_dim3A_55 = arith.constant 3.000000e+07 : f32
      %broadcast_in_dim3A_56 = vector.broadcast %broadcast_in_dim3A_55 : f32 to vector<256x20xf32>
      %concatenate3A_57 = tpu.concatenate %convert_element_type3A_53, %while3A_32, %broadcast_in_dim3A_56 in 1 : vector<256x640xf32>, vector<256x20xf32>, vector<256x20xf32> -> vector<256x680xf32>
      %slice3A = vector.extract_strided_slice %concatenate3A {offsets = [0, 0], sizes = [256, 340], strides = [1, 1]} : vector<256x680xf32> to vector<256x340xf32>
      %slice3A_58 = vector.extract_strided_slice %concatenate3A {offsets = [0, 340], sizes = [256, 340], strides = [1, 1]} : vector<256x680xf32> to vector<256x340xf32>
      %slice3A_59 = vector.extract_strided_slice %concatenate3A_57 {offsets = [0, 0], sizes = [256, 340], strides = [1, 1]} : vector<256x680xf32> to vector<256x340xf32>
      %slice3A_60 = vector.extract_strided_slice %concatenate3A_57 {offsets = [0, 340], sizes = [256, 340], strides = [1, 1]} : vector<256x680xf32> to vector<256x340xf32>
      %le3A = arith.cmpf ole, %slice3A, %slice3A_58 : vector<256x340xf32>
      %select_n3A_61 = arith.select %le3A, %slice3A, %slice3A_58 : vector<256x340xi1>, vector<256x340xf32>
      %select_n3A_62 = arith.select %le3A, %slice3A_59, %slice3A_60 : vector<256x340xi1>, vector<256x340xf32>
      %select_n3A_63 = arith.select %le3A, %slice3A_58, %slice3A : vector<256x340xi1>, vector<256x340xf32>
      %select_n3A_64 = arith.select %le3A, %slice3A_60, %slice3A_59 : vector<256x340xi1>, vector<256x340xf32>
      %reduce_min3A = arith.constant dense<0x7F800000> : vector<256xf32>
      %reduce_min3A_65 = vector.multi_reduction <minimumf>, %select_n3A_61, %reduce_min3A [1] : vector<256x340xf32> to vector<256xf32>
      %broadcast_in_dim3A_66 = vector.shape_cast %reduce_min3A_65 : vector<256xf32> to vector<256x1xf32>
      %eq3A = vector.broadcast %broadcast_in_dim3A_66 : vector<256x1xf32> to vector<256x340xf32>
      %eq3A_67 = arith.cmpf oeq, %select_n3A_61, %eq3A : vector<256x340xf32>
      %jit3A = arith.constant 3.000000e+07 : f32
      %broadcast_in_dim3A_68 = vector.broadcast %jit3A : f32 to vector<256x340xf32>
      %select_n3A_69 = arith.select %eq3A_67, %select_n3A_62, %broadcast_in_dim3A_68 : vector<256x340xi1>, vector<256x340xf32>
      %reduce_min3A_70 = arith.constant dense<0x7F800000> : vector<256xf32>
      %reduce_min3A_71 = vector.multi_reduction <minimumf>, %select_n3A_69, %reduce_min3A_70 [1] : vector<256x340xf32> to vector<256xf32>
      %broadcast_in_dim3A_72 = vector.shape_cast %reduce_min3A_71 : vector<256xf32> to vector<256x1xf32>
      %eq3A_73 = vector.broadcast %broadcast_in_dim3A_72 : vector<256x1xf32> to vector<256x340xf32>
      %eq3A_74 = arith.cmpf oeq, %select_n3A_62, %eq3A_73 : vector<256x340xf32>
      %select_n3A_75 = arith.select %eq3A_74, %select_n3A_63, %select_n3A_61 : vector<256x340xi1>, vector<256x340xf32>
      %select_n3A_76 = arith.select %eq3A_74, %select_n3A_64, %select_n3A_62 : vector<256x340xi1>, vector<256x340xf32>
      %broadcast_in_dim3A_77 = vector.broadcast %while3A : f32 to vector<256x340xf32>
      %select_n3A_78 = arith.select %eq3A_74, %broadcast_in_dim3A_77, %select_n3A_63 : vector<256x340xi1>, vector<256x340xf32>
      %reduce_min3A_79 = arith.constant dense<0x7F800000> : vector<256xf32>
      %reduce_min3A_80 = vector.multi_reduction <minimumf>, %select_n3A_75, %reduce_min3A_79 [1] : vector<256x340xf32> to vector<256xf32>
      %broadcast_in_dim3A_81 = vector.shape_cast %reduce_min3A_80 : vector<256xf32> to vector<256x1xf32>
      %eq3A_82 = vector.broadcast %broadcast_in_dim3A_81 : vector<256x1xf32> to vector<256x340xf32>
      %eq3A_83 = arith.cmpf oeq, %select_n3A_75, %eq3A_82 : vector<256x340xf32>
      %jit3A_84 = arith.constant 3.000000e+07 : f32
      %broadcast_in_dim3A_85 = vector.broadcast %jit3A_84 : f32 to vector<256x340xf32>
      %select_n3A_86 = arith.select %eq3A_83, %select_n3A_76, %broadcast_in_dim3A_85 : vector<256x340xi1>, vector<256x340xf32>
      %reduce_min3A_87 = arith.constant dense<0x7F800000> : vector<256xf32>
      %reduce_min3A_88 = vector.multi_reduction <minimumf>, %select_n3A_86, %reduce_min3A_87 [1] : vector<256x340xf32> to vector<256xf32>
      %broadcast_in_dim3A_89 = vector.shape_cast %reduce_min3A_88 : vector<256xf32> to vector<256x1xf32>
      %eq3A_90 = vector.broadcast %broadcast_in_dim3A_89 : vector<256x1xf32> to vector<256x340xf32>
      %eq3A_91 = arith.cmpf oeq, %select_n3A_76, %eq3A_90 : vector<256x340xf32>
      %select_n3A_92 = arith.select %eq3A_91, %select_n3A_78, %select_n3A_75 : vector<256x340xi1>, vector<256x340xf32>
      %select_n3A_93 = arith.select %eq3A_91, %select_n3A_64, %select_n3A_76 : vector<256x340xi1>, vector<256x340xf32>
      %broadcast_in_dim3A_94 = vector.broadcast %while3A : f32 to vector<256x340xf32>
      %select_n3A_95 = arith.select %eq3A_91, %broadcast_in_dim3A_94, %select_n3A_78 : vector<256x340xi1>, vector<256x340xf32>
      %reduce_min3A_96 = arith.constant dense<0x7F800000> : vector<256xf32>
      %reduce_min3A_97 = vector.multi_reduction <minimumf>, %select_n3A_92, %reduce_min3A_96 [1] : vector<256x340xf32> to vector<256xf32>
      %broadcast_in_dim3A_98 = vector.shape_cast %reduce_min3A_97 : vector<256xf32> to vector<256x1xf32>
      %eq3A_99 = vector.broadcast %broadcast_in_dim3A_98 : vector<256x1xf32> to vector<256x340xf32>
      %eq3A_100 = arith.cmpf oeq, %select_n3A_92, %eq3A_99 : vector<256x340xf32>
      %jit3A_101 = arith.constant 3.000000e+07 : f32
      %broadcast_in_dim3A_102 = vector.broadcast %jit3A_101 : f32 to vector<256x340xf32>
      %select_n3A_103 = arith.select %eq3A_100, %select_n3A_93, %broadcast_in_dim3A_102 : vector<256x340xi1>, vector<256x340xf32>
      %reduce_min3A_104 = arith.constant dense<0x7F800000> : vector<256xf32>
      %reduce_min3A_105 = vector.multi_reduction <minimumf>, %select_n3A_103, %reduce_min3A_104 [1] : vector<256x340xf32> to vector<256xf32>
      %broadcast_in_dim3A_106 = vector.shape_cast %reduce_min3A_105 : vector<256xf32> to vector<256x1xf32>
      %eq3A_107 = vector.broadcast %broadcast_in_dim3A_106 : vector<256x1xf32> to vector<256x340xf32>
      %eq3A_108 = arith.cmpf oeq, %select_n3A_93, %eq3A_107 : vector<256x340xf32>
      %select_n3A_109 = arith.select %eq3A_108, %select_n3A_95, %select_n3A_92 : vector<256x340xi1>, vector<256x340xf32>
      %select_n3A_110 = arith.select %eq3A_108, %select_n3A_64, %select_n3A_93 : vector<256x340xi1>, vector<256x340xf32>
      %broadcast_in_dim3A_111 = vector.broadcast %while3A : f32 to vector<256x340xf32>
      %select_n3A_112 = arith.select %eq3A_108, %broadcast_in_dim3A_111, %select_n3A_95 : vector<256x340xi1>, vector<256x340xf32>
      %reduce_min3A_113 = arith.constant dense<0x7F800000> : vector<256xf32>
      %reduce_min3A_114 = vector.multi_reduction <minimumf>, %select_n3A_109, %reduce_min3A_113 [1] : vector<256x340xf32> to vector<256xf32>
      %broadcast_in_dim3A_115 = vector.shape_cast %reduce_min3A_114 : vector<256xf32> to vector<256x1xf32>
      %eq3A_116 = vector.broadcast %broadcast_in_dim3A_115 : vector<256x1xf32> to vector<256x340xf32>
      %eq3A_117 = arith.cmpf oeq, %select_n3A_109, %eq3A_116 : vector<256x340xf32>
      %jit3A_118 = arith.constant 3.000000e+07 : f32
      %broadcast_in_dim3A_119 = vector.broadcast %jit3A_118 : f32 to vector<256x340xf32>
      %select_n3A_120 = arith.select %eq3A_117, %select_n3A_110, %broadcast_in_dim3A_119 : vector<256x340xi1>, vector<256x340xf32>
      %reduce_min3A_121 = arith.constant dense<0x7F800000> : vector<256xf32>
      %reduce_min3A_122 = vector.multi_reduction <minimumf>, %select_n3A_120, %reduce_min3A_121 [1] : vector<256x340xf32> to vector<256xf32>
      %broadcast_in_dim3A_123 = vector.shape_cast %reduce_min3A_122 : vector<256xf32> to vector<256x1xf32>
      %eq3A_124 = vector.broadcast %broadcast_in_dim3A_123 : vector<256x1xf32> to vector<256x340xf32>
      %eq3A_125 = arith.cmpf oeq, %select_n3A_110, %eq3A_124 : vector<256x340xf32>
      %select_n3A_126 = arith.select %eq3A_125, %select_n3A_112, %select_n3A_109 : vector<256x340xi1>, vector<256x340xf32>
      %select_n3A_127 = arith.select %eq3A_125, %select_n3A_64, %select_n3A_110 : vector<256x340xi1>, vector<256x340xf32>
      %broadcast_in_dim3A_128 = vector.broadcast %while3A : f32 to vector<256x340xf32>
      %select_n3A_129 = arith.select %eq3A_125, %broadcast_in_dim3A_128, %select_n3A_112 : vector<256x340xi1>, vector<256x340xf32>
      %reduce_min3A_130 = arith.constant dense<0x7F800000> : vector<256xf32>
      %reduce_min3A_131 = vector.multi_reduction <minimumf>, %select_n3A_126, %reduce_min3A_130 [1] : vector<256x340xf32> to vector<256xf32>
      %broadcast_in_dim3A_132 = vector.shape_cast %reduce_min3A_131 : vector<256xf32> to vector<256x1xf32>
      %eq3A_133 = vector.broadcast %broadcast_in_dim3A_132 : vector<256x1xf32> to vector<256x340xf32>
      %eq3A_134 = arith.cmpf oeq, %select_n3A_126, %eq3A_133 : vector<256x340xf32>
      %jit3A_135 = arith.constant 3.000000e+07 : f32
      %broadcast_in_dim3A_136 = vector.broadcast %jit3A_135 : f32 to vector<256x340xf32>
      %select_n3A_137 = arith.select %eq3A_134, %select_n3A_127, %broadcast_in_dim3A_136 : vector<256x340xi1>, vector<256x340xf32>
      %reduce_min3A_138 = arith.constant dense<0x7F800000> : vector<256xf32>
      %reduce_min3A_139 = vector.multi_reduction <minimumf>, %select_n3A_137, %reduce_min3A_138 [1] : vector<256x340xf32> to vector<256xf32>
      %broadcast_in_dim3A_140 = vector.shape_cast %reduce_min3A_139 : vector<256xf32> to vector<256x1xf32>
      %eq3A_141 = vector.broadcast %broadcast_in_dim3A_140 : vector<256x1xf32> to vector<256x340xf32>
      %eq3A_142 = arith.cmpf oeq, %select_n3A_127, %eq3A_141 : vector<256x340xf32>
      %select_n3A_143 = arith.select %eq3A_142, %select_n3A_129, %select_n3A_126 : vector<256x340xi1>, vector<256x340xf32>
      %select_n3A_144 = arith.select %eq3A_142, %select_n3A_64, %select_n3A_127 : vector<256x340xi1>, vector<256x340xf32>
      %broadcast_in_dim3A_145 = vector.broadcast %while3A : f32 to vector<256x340xf32>
      %select_n3A_146 = arith.select %eq3A_142, %broadcast_in_dim3A_145, %select_n3A_129 : vector<256x340xi1>, vector<256x340xf32>
      %reduce_min3A_147 = arith.constant dense<0x7F800000> : vector<256xf32>
      %reduce_min3A_148 = vector.multi_reduction <minimumf>, %select_n3A_143, %reduce_min3A_147 [1] : vector<256x340xf32> to vector<256xf32>
      %broadcast_in_dim3A_149 = vector.shape_cast %reduce_min3A_148 : vector<256xf32> to vector<256x1xf32>
      %eq3A_150 = vector.broadcast %broadcast_in_dim3A_149 : vector<256x1xf32> to vector<256x340xf32>
      %eq3A_151 = arith.cmpf oeq, %select_n3A_143, %eq3A_150 : vector<256x340xf32>
      %jit3A_152 = arith.constant 3.000000e+07 : f32
      %broadcast_in_dim3A_153 = vector.broadcast %jit3A_152 : f32 to vector<256x340xf32>
      %select_n3A_154 = arith.select %eq3A_151, %select_n3A_144, %broadcast_in_dim3A_153 : vector<256x340xi1>, vector<256x340xf32>
      %reduce_min3A_155 = arith.constant dense<0x7F800000> : vector<256xf32>
      %reduce_min3A_156 = vector.multi_reduction <minimumf>, %select_n3A_154, %reduce_min3A_155 [1] : vector<256x340xf32> to vector<256xf32>
      %broadcast_in_dim3A_157 = vector.shape_cast %reduce_min3A_156 : vector<256xf32> to vector<256x1xf32>
      %eq3A_158 = vector.broadcast %broadcast_in_dim3A_157 : vector<256x1xf32> to vector<256x340xf32>
      %eq3A_159 = arith.cmpf oeq, %select_n3A_144, %eq3A_158 : vector<256x340xf32>
      %select_n3A_160 = arith.select %eq3A_159, %select_n3A_146, %select_n3A_143 : vector<256x340xi1>, vector<256x340xf32>
      %select_n3A_161 = arith.select %eq3A_159, %select_n3A_64, %select_n3A_144 : vector<256x340xi1>, vector<256x340xf32>
      %broadcast_in_dim3A_162 = vector.broadcast %while3A : f32 to vector<256x340xf32>
      %select_n3A_163 = arith.select %eq3A_159, %broadcast_in_dim3A_162, %select_n3A_146 : vector<256x340xi1>, vector<256x340xf32>
      %reduce_min3A_164 = arith.constant dense<0x7F800000> : vector<256xf32>
      %reduce_min3A_165 = vector.multi_reduction <minimumf>, %select_n3A_160, %reduce_min3A_164 [1] : vector<256x340xf32> to vector<256xf32>
      %broadcast_in_dim3A_166 = vector.shape_cast %reduce_min3A_165 : vector<256xf32> to vector<256x1xf32>
      %eq3A_167 = vector.broadcast %broadcast_in_dim3A_166 : vector<256x1xf32> to vector<256x340xf32>
      %eq3A_168 = arith.cmpf oeq, %select_n3A_160, %eq3A_167 : vector<256x340xf32>
      %jit3A_169 = arith.constant 3.000000e+07 : f32
      %broadcast_in_dim3A_170 = vector.broadcast %jit3A_169 : f32 to vector<256x340xf32>
      %select_n3A_171 = arith.select %eq3A_168, %select_n3A_161, %broadcast_in_dim3A_170 : vector<256x340xi1>, vector<256x340xf32>
      %reduce_min3A_172 = arith.constant dense<0x7F800000> : vector<256xf32>
      %reduce_min3A_173 = vector.multi_reduction <minimumf>, %select_n3A_171, %reduce_min3A_172 [1] : vector<256x340xf32> to vector<256xf32>
      %broadcast_in_dim3A_174 = vector.shape_cast %reduce_min3A_173 : vector<256xf32> to vector<256x1xf32>
      %eq3A_175 = vector.broadcast %broadcast_in_dim3A_174 : vector<256x1xf32> to vector<256x340xf32>
      %eq3A_176 = arith.cmpf oeq, %select_n3A_161, %eq3A_175 : vector<256x340xf32>
      %select_n3A_177 = arith.select %eq3A_176, %select_n3A_163, %select_n3A_160 : vector<256x340xi1>, vector<256x340xf32>
      %select_n3A_178 = arith.select %eq3A_176, %select_n3A_64, %select_n3A_161 : vector<256x340xi1>, vector<256x340xf32>
      %broadcast_in_dim3A_179 = vector.broadcast %while3A : f32 to vector<256x340xf32>
      %select_n3A_180 = arith.select %eq3A_176, %broadcast_in_dim3A_179, %select_n3A_163 : vector<256x340xi1>, vector<256x340xf32>
      %reduce_min3A_181 = arith.constant dense<0x7F800000> : vector<256xf32>
      %reduce_min3A_182 = vector.multi_reduction <minimumf>, %select_n3A_177, %reduce_min3A_181 [1] : vector<256x340xf32> to vector<256xf32>
      %broadcast_in_dim3A_183 = vector.shape_cast %reduce_min3A_182 : vector<256xf32> to vector<256x1xf32>
      %eq3A_184 = vector.broadcast %broadcast_in_dim3A_183 : vector<256x1xf32> to vector<256x340xf32>
      %eq3A_185 = arith.cmpf oeq, %select_n3A_177, %eq3A_184 : vector<256x340xf32>
      %jit3A_186 = arith.constant 3.000000e+07 : f32
      %broadcast_in_dim3A_187 = vector.broadcast %jit3A_186 : f32 to vector<256x340xf32>
      %select_n3A_188 = arith.select %eq3A_185, %select_n3A_178, %broadcast_in_dim3A_187 : vector<256x340xi1>, vector<256x340xf32>
      %reduce_min3A_189 = arith.constant dense<0x7F800000> : vector<256xf32>
      %reduce_min3A_190 = vector.multi_reduction <minimumf>, %select_n3A_188, %reduce_min3A_189 [1] : vector<256x340xf32> to vector<256xf32>
      %broadcast_in_dim3A_191 = vector.shape_cast %reduce_min3A_190 : vector<256xf32> to vector<256x1xf32>
      %eq3A_192 = vector.broadcast %broadcast_in_dim3A_191 : vector<256x1xf32> to vector<256x340xf32>
      %eq3A_193 = arith.cmpf oeq, %select_n3A_178, %eq3A_192 : vector<256x340xf32>
      %select_n3A_194 = arith.select %eq3A_193, %select_n3A_180, %select_n3A_177 : vector<256x340xi1>, vector<256x340xf32>
      %select_n3A_195 = arith.select %eq3A_193, %select_n3A_64, %select_n3A_178 : vector<256x340xi1>, vector<256x340xf32>
      %broadcast_in_dim3A_196 = vector.broadcast %while3A : f32 to vector<256x340xf32>
      %select_n3A_197 = arith.select %eq3A_193, %broadcast_in_dim3A_196, %select_n3A_180 : vector<256x340xi1>, vector<256x340xf32>
      %reduce_min3A_198 = arith.constant dense<0x7F800000> : vector<256xf32>
      %reduce_min3A_199 = vector.multi_reduction <minimumf>, %select_n3A_194, %reduce_min3A_198 [1] : vector<256x340xf32> to vector<256xf32>
      %broadcast_in_dim3A_200 = vector.shape_cast %reduce_min3A_199 : vector<256xf32> to vector<256x1xf32>
      %eq3A_201 = vector.broadcast %broadcast_in_dim3A_200 : vector<256x1xf32> to vector<256x340xf32>
      %eq3A_202 = arith.cmpf oeq, %select_n3A_194, %eq3A_201 : vector<256x340xf32>
      %jit3A_203 = arith.constant 3.000000e+07 : f32
      %broadcast_in_dim3A_204 = vector.broadcast %jit3A_203 : f32 to vector<256x340xf32>
      %select_n3A_205 = arith.select %eq3A_202, %select_n3A_195, %broadcast_in_dim3A_204 : vector<256x340xi1>, vector<256x340xf32>
      %reduce_min3A_206 = arith.constant dense<0x7F800000> : vector<256xf32>
      %reduce_min3A_207 = vector.multi_reduction <minimumf>, %select_n3A_205, %reduce_min3A_206 [1] : vector<256x340xf32> to vector<256xf32>
      %broadcast_in_dim3A_208 = vector.shape_cast %reduce_min3A_207 : vector<256xf32> to vector<256x1xf32>
      %eq3A_209 = vector.broadcast %broadcast_in_dim3A_208 : vector<256x1xf32> to vector<256x340xf32>
      %eq3A_210 = arith.cmpf oeq, %select_n3A_195, %eq3A_209 : vector<256x340xf32>
      %select_n3A_211 = arith.select %eq3A_210, %select_n3A_197, %select_n3A_194 : vector<256x340xi1>, vector<256x340xf32>
      %select_n3A_212 = arith.select %eq3A_210, %select_n3A_64, %select_n3A_195 : vector<256x340xi1>, vector<256x340xf32>
      %broadcast_in_dim3A_213 = vector.broadcast %while3A : f32 to vector<256x340xf32>
      %select_n3A_214 = arith.select %eq3A_210, %broadcast_in_dim3A_213, %select_n3A_197 : vector<256x340xi1>, vector<256x340xf32>
      %reduce_min3A_215 = arith.constant dense<0x7F800000> : vector<256xf32>
      %reduce_min3A_216 = vector.multi_reduction <minimumf>, %select_n3A_211, %reduce_min3A_215 [1] : vector<256x340xf32> to vector<256xf32>
      %broadcast_in_dim3A_217 = vector.shape_cast %reduce_min3A_216 : vector<256xf32> to vector<256x1xf32>
      %eq3A_218 = vector.broadcast %broadcast_in_dim3A_217 : vector<256x1xf32> to vector<256x340xf32>
      %eq3A_219 = arith.cmpf oeq, %select_n3A_211, %eq3A_218 : vector<256x340xf32>
      %jit3A_220 = arith.constant 3.000000e+07 : f32
      %broadcast_in_dim3A_221 = vector.broadcast %jit3A_220 : f32 to vector<256x340xf32>
      %select_n3A_222 = arith.select %eq3A_219, %select_n3A_212, %broadcast_in_dim3A_221 : vector<256x340xi1>, vector<256x340xf32>
      %reduce_min3A_223 = arith.constant dense<0x7F800000> : vector<256xf32>
      %reduce_min3A_224 = vector.multi_reduction <minimumf>, %select_n3A_222, %reduce_min3A_223 [1] : vector<256x340xf32> to vector<256xf32>
      %broadcast_in_dim3A_225 = vector.shape_cast %reduce_min3A_224 : vector<256xf32> to vector<256x1xf32>
      %eq3A_226 = vector.broadcast %broadcast_in_dim3A_225 : vector<256x1xf32> to vector<256x340xf32>
      %eq3A_227 = arith.cmpf oeq, %select_n3A_212, %eq3A_226 : vector<256x340xf32>
      %select_n3A_228 = arith.select %eq3A_227, %select_n3A_214, %select_n3A_211 : vector<256x340xi1>, vector<256x340xf32>
      %select_n3A_229 = arith.select %eq3A_227, %select_n3A_64, %select_n3A_212 : vector<256x340xi1>, vector<256x340xf32>
      %broadcast_in_dim3A_230 = vector.broadcast %while3A : f32 to vector<256x340xf32>
      %select_n3A_231 = arith.select %eq3A_227, %broadcast_in_dim3A_230, %select_n3A_214 : vector<256x340xi1>, vector<256x340xf32>
      %reduce_min3A_232 = arith.constant dense<0x7F800000> : vector<256xf32>
      %reduce_min3A_233 = vector.multi_reduction <minimumf>, %select_n3A_228, %reduce_min3A_232 [1] : vector<256x340xf32> to vector<256xf32>
      %broadcast_in_dim3A_234 = vector.shape_cast %reduce_min3A_233 : vector<256xf32> to vector<256x1xf32>
      %eq3A_235 = vector.broadcast %broadcast_in_dim3A_234 : vector<256x1xf32> to vector<256x340xf32>
      %eq3A_236 = arith.cmpf oeq, %select_n3A_228, %eq3A_235 : vector<256x340xf32>
      %jit3A_237 = arith.constant 3.000000e+07 : f32
      %broadcast_in_dim3A_238 = vector.broadcast %jit3A_237 : f32 to vector<256x340xf32>
      %select_n3A_239 = arith.select %eq3A_236, %select_n3A_229, %broadcast_in_dim3A_238 : vector<256x340xi1>, vector<256x340xf32>
      %reduce_min3A_240 = arith.constant dense<0x7F800000> : vector<256xf32>
      %reduce_min3A_241 = vector.multi_reduction <minimumf>, %select_n3A_239, %reduce_min3A_240 [1] : vector<256x340xf32> to vector<256xf32>
      %broadcast_in_dim3A_242 = vector.shape_cast %reduce_min3A_241 : vector<256xf32> to vector<256x1xf32>
      %eq3A_243 = vector.broadcast %broadcast_in_dim3A_242 : vector<256x1xf32> to vector<256x340xf32>
      %eq3A_244 = arith.cmpf oeq, %select_n3A_229, %eq3A_243 : vector<256x340xf32>
      %select_n3A_245 = arith.select %eq3A_244, %select_n3A_231, %select_n3A_228 : vector<256x340xi1>, vector<256x340xf32>
      %select_n3A_246 = arith.select %eq3A_244, %select_n3A_64, %select_n3A_229 : vector<256x340xi1>, vector<256x340xf32>
      %broadcast_in_dim3A_247 = vector.broadcast %while3A : f32 to vector<256x340xf32>
      %select_n3A_248 = arith.select %eq3A_244, %broadcast_in_dim3A_247, %select_n3A_231 : vector<256x340xi1>, vector<256x340xf32>
      %reduce_min3A_249 = arith.constant dense<0x7F800000> : vector<256xf32>
      %reduce_min3A_250 = vector.multi_reduction <minimumf>, %select_n3A_245, %reduce_min3A_249 [1] : vector<256x340xf32> to vector<256xf32>
      %broadcast_in_dim3A_251 = vector.shape_cast %reduce_min3A_250 : vector<256xf32> to vector<256x1xf32>
      %eq3A_252 = vector.broadcast %broadcast_in_dim3A_251 : vector<256x1xf32> to vector<256x340xf32>
      %eq3A_253 = arith.cmpf oeq, %select_n3A_245, %eq3A_252 : vector<256x340xf32>
      %jit3A_254 = arith.constant 3.000000e+07 : f32
      %broadcast_in_dim3A_255 = vector.broadcast %jit3A_254 : f32 to vector<256x340xf32>
      %select_n3A_256 = arith.select %eq3A_253, %select_n3A_246, %broadcast_in_dim3A_255 : vector<256x340xi1>, vector<256x340xf32>
      %reduce_min3A_257 = arith.constant dense<0x7F800000> : vector<256xf32>
      %reduce_min3A_258 = vector.multi_reduction <minimumf>, %select_n3A_256, %reduce_min3A_257 [1] : vector<256x340xf32> to vector<256xf32>
      %broadcast_in_dim3A_259 = vector.shape_cast %reduce_min3A_258 : vector<256xf32> to vector<256x1xf32>
      %eq3A_260 = vector.broadcast %broadcast_in_dim3A_259 : vector<256x1xf32> to vector<256x340xf32>
      %eq3A_261 = arith.cmpf oeq, %select_n3A_246, %eq3A_260 : vector<256x340xf32>
      %select_n3A_262 = arith.select %eq3A_261, %select_n3A_248, %select_n3A_245 : vector<256x340xi1>, vector<256x340xf32>
      %select_n3A_263 = arith.select %eq3A_261, %select_n3A_64, %select_n3A_246 : vector<256x340xi1>, vector<256x340xf32>
      %broadcast_in_dim3A_264 = vector.broadcast %while3A : f32 to vector<256x340xf32>
      %select_n3A_265 = arith.select %eq3A_261, %broadcast_in_dim3A_264, %select_n3A_248 : vector<256x340xi1>, vector<256x340xf32>
      %reduce_min3A_266 = arith.constant dense<0x7F800000> : vector<256xf32>
      %reduce_min3A_267 = vector.multi_reduction <minimumf>, %select_n3A_262, %reduce_min3A_266 [1] : vector<256x340xf32> to vector<256xf32>
      %broadcast_in_dim3A_268 = vector.shape_cast %reduce_min3A_267 : vector<256xf32> to vector<256x1xf32>
      %eq3A_269 = vector.broadcast %broadcast_in_dim3A_268 : vector<256x1xf32> to vector<256x340xf32>
      %eq3A_270 = arith.cmpf oeq, %select_n3A_262, %eq3A_269 : vector<256x340xf32>
      %jit3A_271 = arith.constant 3.000000e+07 : f32
      %broadcast_in_dim3A_272 = vector.broadcast %jit3A_271 : f32 to vector<256x340xf32>
      %select_n3A_273 = arith.select %eq3A_270, %select_n3A_263, %broadcast_in_dim3A_272 : vector<256x340xi1>, vector<256x340xf32>
      %reduce_min3A_274 = arith.constant dense<0x7F800000> : vector<256xf32>
      %reduce_min3A_275 = vector.multi_reduction <minimumf>, %select_n3A_273, %reduce_min3A_274 [1] : vector<256x340xf32> to vector<256xf32>
      %broadcast_in_dim3A_276 = vector.shape_cast %reduce_min3A_275 : vector<256xf32> to vector<256x1xf32>
      %eq3A_277 = vector.broadcast %broadcast_in_dim3A_276 : vector<256x1xf32> to vector<256x340xf32>
      %eq3A_278 = arith.cmpf oeq, %select_n3A_263, %eq3A_277 : vector<256x340xf32>
      %select_n3A_279 = arith.select %eq3A_278, %select_n3A_265, %select_n3A_262 : vector<256x340xi1>, vector<256x340xf32>
      %select_n3A_280 = arith.select %eq3A_278, %select_n3A_64, %select_n3A_263 : vector<256x340xi1>, vector<256x340xf32>
      %broadcast_in_dim3A_281 = vector.broadcast %while3A : f32 to vector<256x340xf32>
      %select_n3A_282 = arith.select %eq3A_278, %broadcast_in_dim3A_281, %select_n3A_265 : vector<256x340xi1>, vector<256x340xf32>
      %reduce_min3A_283 = arith.constant dense<0x7F800000> : vector<256xf32>
      %reduce_min3A_284 = vector.multi_reduction <minimumf>, %select_n3A_279, %reduce_min3A_283 [1] : vector<256x340xf32> to vector<256xf32>
      %broadcast_in_dim3A_285 = vector.shape_cast %reduce_min3A_284 : vector<256xf32> to vector<256x1xf32>
      %eq3A_286 = vector.broadcast %broadcast_in_dim3A_285 : vector<256x1xf32> to vector<256x340xf32>
      %eq3A_287 = arith.cmpf oeq, %select_n3A_279, %eq3A_286 : vector<256x340xf32>
      %jit3A_288 = arith.constant 3.000000e+07 : f32
      %broadcast_in_dim3A_289 = vector.broadcast %jit3A_288 : f32 to vector<256x340xf32>
      %select_n3A_290 = arith.select %eq3A_287, %select_n3A_280, %broadcast_in_dim3A_289 : vector<256x340xi1>, vector<256x340xf32>
      %reduce_min3A_291 = arith.constant dense<0x7F800000> : vector<256xf32>
      %reduce_min3A_292 = vector.multi_reduction <minimumf>, %select_n3A_290, %reduce_min3A_291 [1] : vector<256x340xf32> to vector<256xf32>
      %broadcast_in_dim3A_293 = vector.shape_cast %reduce_min3A_292 : vector<256xf32> to vector<256x1xf32>
      %eq3A_294 = vector.broadcast %broadcast_in_dim3A_293 : vector<256x1xf32> to vector<256x340xf32>
      %eq3A_295 = arith.cmpf oeq, %select_n3A_280, %eq3A_294 : vector<256x340xf32>
      %select_n3A_296 = arith.select %eq3A_295, %select_n3A_282, %select_n3A_279 : vector<256x340xi1>, vector<256x340xf32>
      %select_n3A_297 = arith.select %eq3A_295, %select_n3A_64, %select_n3A_280 : vector<256x340xi1>, vector<256x340xf32>
      %broadcast_in_dim3A_298 = vector.broadcast %while3A : f32 to vector<256x340xf32>
      %select_n3A_299 = arith.select %eq3A_295, %broadcast_in_dim3A_298, %select_n3A_282 : vector<256x340xi1>, vector<256x340xf32>
      %reduce_min3A_300 = arith.constant dense<0x7F800000> : vector<256xf32>
      %reduce_min3A_301 = vector.multi_reduction <minimumf>, %select_n3A_296, %reduce_min3A_300 [1] : vector<256x340xf32> to vector<256xf32>
      %broadcast_in_dim3A_302 = vector.shape_cast %reduce_min3A_301 : vector<256xf32> to vector<256x1xf32>
      %eq3A_303 = vector.broadcast %broadcast_in_dim3A_302 : vector<256x1xf32> to vector<256x340xf32>
      %eq3A_304 = arith.cmpf oeq, %select_n3A_296, %eq3A_303 : vector<256x340xf32>
      %jit3A_305 = arith.constant 3.000000e+07 : f32
      %broadcast_in_dim3A_306 = vector.broadcast %jit3A_305 : f32 to vector<256x340xf32>
      %select_n3A_307 = arith.select %eq3A_304, %select_n3A_297, %broadcast_in_dim3A_306 : vector<256x340xi1>, vector<256x340xf32>
      %reduce_min3A_308 = arith.constant dense<0x7F800000> : vector<256xf32>
      %reduce_min3A_309 = vector.multi_reduction <minimumf>, %select_n3A_307, %reduce_min3A_308 [1] : vector<256x340xf32> to vector<256xf32>
      %broadcast_in_dim3A_310 = vector.shape_cast %reduce_min3A_309 : vector<256xf32> to vector<256x1xf32>
      %eq3A_311 = vector.broadcast %broadcast_in_dim3A_310 : vector<256x1xf32> to vector<256x340xf32>
      %eq3A_312 = arith.cmpf oeq, %select_n3A_297, %eq3A_311 : vector<256x340xf32>
      %select_n3A_313 = arith.select %eq3A_312, %select_n3A_299, %select_n3A_296 : vector<256x340xi1>, vector<256x340xf32>
      %select_n3A_314 = arith.select %eq3A_312, %select_n3A_64, %select_n3A_297 : vector<256x340xi1>, vector<256x340xf32>
      %broadcast_in_dim3A_315 = vector.broadcast %while3A : f32 to vector<256x340xf32>
      %select_n3A_316 = arith.select %eq3A_312, %broadcast_in_dim3A_315, %select_n3A_299 : vector<256x340xi1>, vector<256x340xf32>
      %reduce_min3A_317 = arith.constant dense<0x7F800000> : vector<256xf32>
      %reduce_min3A_318 = vector.multi_reduction <minimumf>, %select_n3A_313, %reduce_min3A_317 [1] : vector<256x340xf32> to vector<256xf32>
      %broadcast_in_dim3A_319 = vector.shape_cast %reduce_min3A_318 : vector<256xf32> to vector<256x1xf32>
      %eq3A_320 = vector.broadcast %broadcast_in_dim3A_319 : vector<256x1xf32> to vector<256x340xf32>
      %eq3A_321 = arith.cmpf oeq, %select_n3A_313, %eq3A_320 : vector<256x340xf32>
      %jit3A_322 = arith.constant 3.000000e+07 : f32
      %broadcast_in_dim3A_323 = vector.broadcast %jit3A_322 : f32 to vector<256x340xf32>
      %select_n3A_324 = arith.select %eq3A_321, %select_n3A_314, %broadcast_in_dim3A_323 : vector<256x340xi1>, vector<256x340xf32>
      %reduce_min3A_325 = arith.constant dense<0x7F800000> : vector<256xf32>
      %reduce_min3A_326 = vector.multi_reduction <minimumf>, %select_n3A_324, %reduce_min3A_325 [1] : vector<256x340xf32> to vector<256xf32>
      %broadcast_in_dim3A_327 = vector.shape_cast %reduce_min3A_326 : vector<256xf32> to vector<256x1xf32>
      %eq3A_328 = vector.broadcast %broadcast_in_dim3A_327 : vector<256x1xf32> to vector<256x340xf32>
      %eq3A_329 = arith.cmpf oeq, %select_n3A_314, %eq3A_328 : vector<256x340xf32>
      %select_n3A_330 = arith.select %eq3A_329, %select_n3A_316, %select_n3A_313 : vector<256x340xi1>, vector<256x340xf32>
      %select_n3A_331 = arith.select %eq3A_329, %select_n3A_64, %select_n3A_314 : vector<256x340xi1>, vector<256x340xf32>
      %broadcast_in_dim3A_332 = vector.broadcast %while3A : f32 to vector<256x340xf32>
      %select_n3A_333 = arith.select %eq3A_329, %broadcast_in_dim3A_332, %select_n3A_316 : vector<256x340xi1>, vector<256x340xf32>
      %reduce_min3A_334 = arith.constant dense<0x7F800000> : vector<256xf32>
      %reduce_min3A_335 = vector.multi_reduction <minimumf>, %select_n3A_330, %reduce_min3A_334 [1] : vector<256x340xf32> to vector<256xf32>
      %broadcast_in_dim3A_336 = vector.shape_cast %reduce_min3A_335 : vector<256xf32> to vector<256x1xf32>
      %eq3A_337 = vector.broadcast %broadcast_in_dim3A_336 : vector<256x1xf32> to vector<256x340xf32>
      %eq3A_338 = arith.cmpf oeq, %select_n3A_330, %eq3A_337 : vector<256x340xf32>
      %jit3A_339 = arith.constant 3.000000e+07 : f32
      %broadcast_in_dim3A_340 = vector.broadcast %jit3A_339 : f32 to vector<256x340xf32>
      %select_n3A_341 = arith.select %eq3A_338, %select_n3A_331, %broadcast_in_dim3A_340 : vector<256x340xi1>, vector<256x340xf32>
      %reduce_min3A_342 = arith.constant dense<0x7F800000> : vector<256xf32>
      %reduce_min3A_343 = vector.multi_reduction <minimumf>, %select_n3A_341, %reduce_min3A_342 [1] : vector<256x340xf32> to vector<256xf32>
      %broadcast_in_dim3A_344 = vector.shape_cast %reduce_min3A_343 : vector<256xf32> to vector<256x1xf32>
      %eq3A_345 = vector.broadcast %broadcast_in_dim3A_344 : vector<256x1xf32> to vector<256x340xf32>
      %eq3A_346 = arith.cmpf oeq, %select_n3A_331, %eq3A_345 : vector<256x340xf32>
      %select_n3A_347 = arith.select %eq3A_346, %select_n3A_333, %select_n3A_330 : vector<256x340xi1>, vector<256x340xf32>
      %select_n3A_348 = arith.select %eq3A_346, %select_n3A_64, %select_n3A_331 : vector<256x340xi1>, vector<256x340xf32>
      %broadcast_in_dim3A_349 = vector.broadcast %while3A : f32 to vector<256x340xf32>
      %select_n3A_350 = arith.select %eq3A_346, %broadcast_in_dim3A_349, %select_n3A_333 : vector<256x340xi1>, vector<256x340xf32>
      %reduce_min3A_351 = arith.constant dense<0x7F800000> : vector<256xf32>
      %reduce_min3A_352 = vector.multi_reduction <minimumf>, %select_n3A_347, %reduce_min3A_351 [1] : vector<256x340xf32> to vector<256xf32>
      %broadcast_in_dim3A_353 = vector.shape_cast %reduce_min3A_352 : vector<256xf32> to vector<256x1xf32>
      %eq3A_354 = vector.broadcast %broadcast_in_dim3A_353 : vector<256x1xf32> to vector<256x340xf32>
      %eq3A_355 = arith.cmpf oeq, %select_n3A_347, %eq3A_354 : vector<256x340xf32>
      %jit3A_356 = arith.constant 3.000000e+07 : f32
      %broadcast_in_dim3A_357 = vector.broadcast %jit3A_356 : f32 to vector<256x340xf32>
      %select_n3A_358 = arith.select %eq3A_355, %select_n3A_348, %broadcast_in_dim3A_357 : vector<256x340xi1>, vector<256x340xf32>
      %reduce_min3A_359 = arith.constant dense<0x7F800000> : vector<256xf32>
      %reduce_min3A_360 = vector.multi_reduction <minimumf>, %select_n3A_358, %reduce_min3A_359 [1] : vector<256x340xf32> to vector<256xf32>
      %broadcast_in_dim3A_361 = vector.shape_cast %reduce_min3A_360 : vector<256xf32> to vector<256x1xf32>
      %eq3A_362 = vector.broadcast %broadcast_in_dim3A_361 : vector<256x1xf32> to vector<256x340xf32>
      %eq3A_363 = arith.cmpf oeq, %select_n3A_348, %eq3A_362 : vector<256x340xf32>
      %select_n3A_364 = arith.select %eq3A_363, %select_n3A_350, %select_n3A_347 : vector<256x340xi1>, vector<256x340xf32>
      %select_n3A_365 = arith.select %eq3A_363, %select_n3A_64, %select_n3A_348 : vector<256x340xi1>, vector<256x340xf32>
      %broadcast_in_dim3A_366 = vector.broadcast %while3A : f32 to vector<256x340xf32>
      %select_n3A_367 = arith.select %eq3A_363, %broadcast_in_dim3A_366, %select_n3A_350 : vector<256x340xi1>, vector<256x340xf32>
      %reduce_min3A_368 = arith.constant dense<0x7F800000> : vector<256xf32>
      %reduce_min3A_369 = vector.multi_reduction <minimumf>, %select_n3A_364, %reduce_min3A_368 [1] : vector<256x340xf32> to vector<256xf32>
      %broadcast_in_dim3A_370 = vector.shape_cast %reduce_min3A_369 : vector<256xf32> to vector<256x1xf32>
      %eq3A_371 = vector.broadcast %broadcast_in_dim3A_370 : vector<256x1xf32> to vector<256x340xf32>
      %eq3A_372 = arith.cmpf oeq, %select_n3A_364, %eq3A_371 : vector<256x340xf32>
      %jit3A_373 = arith.constant 3.000000e+07 : f32
      %broadcast_in_dim3A_374 = vector.broadcast %jit3A_373 : f32 to vector<256x340xf32>
      %select_n3A_375 = arith.select %eq3A_372, %select_n3A_365, %broadcast_in_dim3A_374 : vector<256x340xi1>, vector<256x340xf32>
      %reduce_min3A_376 = arith.constant dense<0x7F800000> : vector<256xf32>
      %reduce_min3A_377 = vector.multi_reduction <minimumf>, %select_n3A_375, %reduce_min3A_376 [1] : vector<256x340xf32> to vector<256xf32>
      %broadcast_in_dim3A_378 = vector.shape_cast %reduce_min3A_377 : vector<256xf32> to vector<256x1xf32>
      %eq3A_379 = vector.broadcast %broadcast_in_dim3A_378 : vector<256x1xf32> to vector<256x340xf32>
      %eq3A_380 = arith.cmpf oeq, %select_n3A_365, %eq3A_379 : vector<256x340xf32>
      %select_n3A_381 = arith.select %eq3A_380, %select_n3A_367, %select_n3A_364 : vector<256x340xi1>, vector<256x340xf32>
      %select_n3A_382 = arith.select %eq3A_380, %select_n3A_64, %select_n3A_365 : vector<256x340xi1>, vector<256x340xf32>
      %broadcast_in_dim3A_383 = vector.broadcast %while3A : f32 to vector<256x340xf32>
      %select_n3A_384 = arith.select %eq3A_380, %broadcast_in_dim3A_383, %select_n3A_367 : vector<256x340xi1>, vector<256x340xf32>
      %reduce_min3A_385 = arith.constant dense<0x7F800000> : vector<256xf32>
      %reduce_min3A_386 = vector.multi_reduction <minimumf>, %select_n3A_381, %reduce_min3A_385 [1] : vector<256x340xf32> to vector<256xf32>
      %broadcast_in_dim3A_387 = vector.shape_cast %reduce_min3A_386 : vector<256xf32> to vector<256x1xf32>
      %eq3A_388 = vector.broadcast %broadcast_in_dim3A_387 : vector<256x1xf32> to vector<256x340xf32>
      %eq3A_389 = arith.cmpf oeq, %select_n3A_381, %eq3A_388 : vector<256x340xf32>
      %jit3A_390 = arith.constant 3.000000e+07 : f32
      %broadcast_in_dim3A_391 = vector.broadcast %jit3A_390 : f32 to vector<256x340xf32>
      %select_n3A_392 = arith.select %eq3A_389, %select_n3A_382, %broadcast_in_dim3A_391 : vector<256x340xi1>, vector<256x340xf32>
      %reduce_min3A_393 = arith.constant dense<0x7F800000> : vector<256xf32>
      %reduce_min3A_394 = vector.multi_reduction <minimumf>, %select_n3A_392, %reduce_min3A_393 [1] : vector<256x340xf32> to vector<256xf32>
      %broadcast_in_dim3A_395 = vector.shape_cast %reduce_min3A_394 : vector<256xf32> to vector<256x1xf32>
      %eq3A_396 = vector.broadcast %broadcast_in_dim3A_395 : vector<256x1xf32> to vector<256x340xf32>
      %eq3A_397 = arith.cmpf oeq, %select_n3A_382, %eq3A_396 : vector<256x340xf32>
      %select_n3A_398 = arith.select %eq3A_397, %select_n3A_384, %select_n3A_381 : vector<256x340xi1>, vector<256x340xf32>
      %select_n3A_399 = arith.select %eq3A_397, %select_n3A_64, %select_n3A_382 : vector<256x340xi1>, vector<256x340xf32>
      %broadcast_in_dim3A_400 = vector.broadcast %while3A : f32 to vector<256x340xf32>
      %select_n3A_401 = arith.select %eq3A_397, %broadcast_in_dim3A_400, %select_n3A_384 : vector<256x340xi1>, vector<256x340xf32>
      %concatenate3A_402 = tpu.concatenate %broadcast_in_dim3A_66, %broadcast_in_dim3A_81, %broadcast_in_dim3A_98, %broadcast_in_dim3A_115, %broadcast_in_dim3A_132, %broadcast_in_dim3A_149, %broadcast_in_dim3A_166, %broadcast_in_dim3A_183, %broadcast_in_dim3A_200, %broadcast_in_dim3A_217, %broadcast_in_dim3A_234, %broadcast_in_dim3A_251, %broadcast_in_dim3A_268, %broadcast_in_dim3A_285, %broadcast_in_dim3A_302, %broadcast_in_dim3A_319, %broadcast_in_dim3A_336, %broadcast_in_dim3A_353, %broadcast_in_dim3A_370, %broadcast_in_dim3A_387 in 1 : vector<256x1xf32>, vector<256x1xf32>, vector<256x1xf32>, vector<256x1xf32>, vector<256x1xf32>, vector<256x1xf32>, vector<256x1xf32>, vector<256x1xf32>, vector<256x1xf32>, vector<256x1xf32>, vector<256x1xf32>, vector<256x1xf32>, vector<256x1xf32>, vector<256x1xf32>, vector<256x1xf32>, vector<256x1xf32>, vector<256x1xf32>, vector<256x1xf32>, vector<256x1xf32>, vector<256x1xf32> -> vector<256x20xf32>
      %concatenate3A_403 = tpu.concatenate %broadcast_in_dim3A_72, %broadcast_in_dim3A_89, %broadcast_in_dim3A_106, %broadcast_in_dim3A_123, %broadcast_in_dim3A_140, %broadcast_in_dim3A_157, %broadcast_in_dim3A_174, %broadcast_in_dim3A_191, %broadcast_in_dim3A_208, %broadcast_in_dim3A_225, %broadcast_in_dim3A_242, %broadcast_in_dim3A_259, %broadcast_in_dim3A_276, %broadcast_in_dim3A_293, %broadcast_in_dim3A_310, %broadcast_in_dim3A_327, %broadcast_in_dim3A_344, %broadcast_in_dim3A_361, %broadcast_in_dim3A_378, %broadcast_in_dim3A_395 in 1 : vector<256x1xf32>, vector<256x1xf32>, vector<256x1xf32>, vector<256x1xf32>, vector<256x1xf32>, vector<256x1xf32>, vector<256x1xf32>, vector<256x1xf32>, vector<256x1xf32>, vector<256x1xf32>, vector<256x1xf32>, vector<256x1xf32>, vector<256x1xf32>, vector<256x1xf32>, vector<256x1xf32>, vector<256x1xf32>, vector<256x1xf32>, vector<256x1xf32>, vector<256x1xf32>, vector<256x1xf32> -> vector<256x20xf32>
      scf.yield %concatenate3A_402, %concatenate3A_403 : vector<256x20xf32>, vector<256x20xf32>
    }
    %convert_element_type3A_27 = arith.fptosi %while3A_26#1 : vector<256x20xf32> to vector<256x20xi32>
    %swap3A = arith.constant 0 : index
    %swap3A_28 = arith.constant 0 : index
    %swap3A_29 = vector.load %arg9[%swap3A, %swap3A_28] : memref<256x20xi32, #tpu.memory_space<vmem>>, vector<256x20xi32>
    tpu.vector_store %arg9[%swap3A, %swap3A_28], %convert_element_type3A_27 {strides = array<i32>} : memref<256x20xi32, #tpu.memory_space<vmem>>, vector<256x20xi32>,
    return
  }
  func.func @transform_0(%arg0: i32, %arg1: memref<16xi32, #tpu.memory_space<smem>>, %arg2: memref<16xi32, #tpu.memory_space<smem>>) -> (i32, i32) {
    %c0_i32 = arith.constant 0 : i32
    %c0_i32_0 = arith.constant 0 : i32
    return %arg0, %c0_i32 : i32, i32
  }
  func.func @transform_1(%arg0: i32, %arg1: memref<16xi32, #tpu.memory_space<smem>>, %arg2: memref<16xi32, #tpu.memory_space<smem>>) -> (i32, i32) {
    %c0_i32 = arith.constant 0 : i32
    %c0_i32_0 = arith.constant 0 : i32
    return %arg0, %c0_i32 : i32, i32
  }
  func.func @transform_2(%arg0: i32, %arg1: memref<16xi32, #tpu.memory_space<smem>>, %arg2: memref<16xi32, #tpu.memory_space<smem>>) -> (i32, i32) {
    %c0_i32 = arith.constant 0 : i32
    %c0_i32_0 = arith.constant 0 : i32
    return %arg0, %c0_i32 : i32, i32
  }
  func.func @transform_3(%arg0: i32, %arg1: memref<16xi32, #tpu.memory_space<smem>>, %arg2: memref<16xi32, #tpu.memory_space<smem>>) -> (i32, i32) {
    %c0_i32 = arith.constant 0 : i32
    %c0_i32_0 = arith.constant 0 : i32
    return %arg0, %c0_i32 : i32, i32
  }
  func.func @transform_4(%arg0: i32, %arg1: memref<16xi32, #tpu.memory_space<smem>>, %arg2: memref<16xi32, #tpu.memory_space<smem>>) -> (i32, i32) {
    %c0_i32 = arith.constant 0 : i32
    %c0_i32_0 = arith.constant 0 : i32
    %c0_i32_1 = arith.constant 0 : i32
    return %c0_i32, %c0_i32_0 : i32, i32
  }
  func.func @transform_5(%arg0: i32, %arg1: memref<16xi32, #tpu.memory_space<smem>>, %arg2: memref<16xi32, #tpu.memory_space<smem>>) -> (i32, i32) {
    %c0_i32 = arith.constant 0 : i32
    %c0_i32_0 = arith.constant 0 : i32
    %c0_i32_1 = arith.constant 0 : i32
    return %c0_i32, %c0_i32_0 : i32, i32
  }
  func.func @transform_6(%arg0: i32, %arg1: memref<16xi32, #tpu.memory_space<smem>>, %arg2: memref<16xi32, #tpu.memory_space<smem>>) -> (i32, i32) {
    %c0_i32 = arith.constant 0 : i32
    %c0_i32_0 = arith.constant 0 : i32
    return %arg0, %c0_i32 : i32, i32
  }
}

module attributes {stable_mosaic.version = 14 : i64} {
  func.func @_edge1_body(%arg0: i32, %arg1: memref<20x128x128xf32, #tpu.memory_space<vmem>>, %arg2: memref<128x3xf32, #tpu.memory_space<vmem>>, %arg3: memref<6x64xf32, #tpu.memory_space<vmem>>, %arg4: memref<1x64xf32, #tpu.memory_space<vmem>>, %arg5: memref<64x64xf32, #tpu.memory_space<vmem>>, %arg6: memref<1x64xf32, #tpu.memory_space<vmem>>, %arg7: memref<64x128xf32, #tpu.memory_space<vmem>>, %arg8: memref<1x128xf32, #tpu.memory_space<vmem>>, %arg9: memref<64x128xf32, #tpu.memory_space<vmem>>, %arg10: memref<128x64xf32, #tpu.memory_space<vmem>>, %arg11: memref<128x128xf32, #tpu.memory_space<vmem>>, %arg12: memref<128x128xf32, #tpu.memory_space<vmem>>) attributes {dimension_semantics = [#tpu.dimension_semantics<arbitrary>], iteration_bounds = array<i64: 32>, scalar_prefetch = 0 : i64, scratch_operands = 0 : i64, tpu.core_type = #tpu.core_type<tc>, window_params = [{transform_indices = @transform_0, window_bounds = array<i64: 20, 128, 128>}, {transform_indices = @transform_1, window_bounds = array<i64: 128, 3>}, {pipeline_mode = #tpu.pipeline_mode<synchronous>, transform_indices = @transform_2, window_bounds = array<i64: 6, 64>}, {pipeline_mode = #tpu.pipeline_mode<synchronous>, transform_indices = @transform_3, window_bounds = array<i64: 1, 64>}, {pipeline_mode = #tpu.pipeline_mode<synchronous>, transform_indices = @transform_4, window_bounds = array<i64: 64, 64>}, {pipeline_mode = #tpu.pipeline_mode<synchronous>, transform_indices = @transform_5, window_bounds = array<i64: 1, 64>}, {pipeline_mode = #tpu.pipeline_mode<synchronous>, transform_indices = @transform_6, window_bounds = array<i64: 64, 128>}, {pipeline_mode = #tpu.pipeline_mode<synchronous>, transform_indices = @transform_7, window_bounds = array<i64: 1, 128>}, {pipeline_mode = #tpu.pipeline_mode<synchronous>, transform_indices = @transform_8, window_bounds = array<i64: 64, 128>}, {transform_indices = @transform_9, window_bounds = array<i64: 128, 64>}, {transform_indices = @transform_10, window_bounds = array<i64: 128, 128>}, {transform_indices = @transform_11, window_bounds = array<i64: 128, 128>}]} {
    %get3A = arith.constant 0 : index
    %get3A_0 = arith.constant 0 : index
    %get3A_1 = vector.load %arg2[%get3A, %get3A_0] : memref<128x3xf32, #tpu.memory_space<vmem>>, vector<128x3xf32>
    %get3A_2 = arith.constant 0 : index
    %get3A_3 = arith.constant 0 : index
    %get3A_4 = arith.constant 0 : index
    %get3A_5 = vector.load %arg1[%get3A_2, %get3A_3, %get3A_4] : memref<20x128x128xf32, #tpu.memory_space<vmem>>, vector<1x128x128xf32>
    %get3A_6 = vector.shape_cast %get3A_5 : vector<1x128x128xf32> to vector<128x128xf32>
    %slice3A = vector.extract_strided_slice %get3A_6 {offsets = [0, 0], sizes = [128, 3], strides = [1, 1]} : vector<128x128xf32> to vector<128x3xf32>
    %sub3A = arith.subf %slice3A, %get3A_1 : vector<128x3xf32>
    %concatenate3A = tpu.concatenate %get3A_1, %sub3A in 1 : vector<128x3xf32>, vector<128x3xf32> -> vector<128x6xf32>
    %get3A_7 = arith.constant 1 : index
    %get3A_8 = arith.constant 0 : index
    %get3A_9 = arith.constant 0 : index
    %get3A_10 = vector.load %arg1[%get3A_7, %get3A_8, %get3A_9] : memref<20x128x128xf32, #tpu.memory_space<vmem>>, vector<1x128x128xf32>
    %get3A_11 = vector.shape_cast %get3A_10 : vector<1x128x128xf32> to vector<128x128xf32>
    %slice3A_12 = vector.extract_strided_slice %get3A_11 {offsets = [0, 0], sizes = [128, 3], strides = [1, 1]} : vector<128x128xf32> to vector<128x3xf32>
    %sub3A_13 = arith.subf %slice3A_12, %get3A_1 : vector<128x3xf32>
    %concatenate3A_14 = tpu.concatenate %get3A_1, %sub3A_13 in 1 : vector<128x3xf32>, vector<128x3xf32> -> vector<128x6xf32>
    %get3A_15 = arith.constant 2 : index
    %get3A_16 = arith.constant 0 : index
    %get3A_17 = arith.constant 0 : index
    %get3A_18 = vector.load %arg1[%get3A_15, %get3A_16, %get3A_17] : memref<20x128x128xf32, #tpu.memory_space<vmem>>, vector<1x128x128xf32>
    %get3A_19 = vector.shape_cast %get3A_18 : vector<1x128x128xf32> to vector<128x128xf32>
    %slice3A_20 = vector.extract_strided_slice %get3A_19 {offsets = [0, 0], sizes = [128, 3], strides = [1, 1]} : vector<128x128xf32> to vector<128x3xf32>
    %sub3A_21 = arith.subf %slice3A_20, %get3A_1 : vector<128x3xf32>
    %concatenate3A_22 = tpu.concatenate %get3A_1, %sub3A_21 in 1 : vector<128x3xf32>, vector<128x3xf32> -> vector<128x6xf32>
    %get3A_23 = arith.constant 3 : index
    %get3A_24 = arith.constant 0 : index
    %get3A_25 = arith.constant 0 : index
    %get3A_26 = vector.load %arg1[%get3A_23, %get3A_24, %get3A_25] : memref<20x128x128xf32, #tpu.memory_space<vmem>>, vector<1x128x128xf32>
    %get3A_27 = vector.shape_cast %get3A_26 : vector<1x128x128xf32> to vector<128x128xf32>
    %slice3A_28 = vector.extract_strided_slice %get3A_27 {offsets = [0, 0], sizes = [128, 3], strides = [1, 1]} : vector<128x128xf32> to vector<128x3xf32>
    %sub3A_29 = arith.subf %slice3A_28, %get3A_1 : vector<128x3xf32>
    %concatenate3A_30 = tpu.concatenate %get3A_1, %sub3A_29 in 1 : vector<128x3xf32>, vector<128x3xf32> -> vector<128x6xf32>
    %get3A_31 = arith.constant 4 : index
    %get3A_32 = arith.constant 0 : index
    %get3A_33 = arith.constant 0 : index
    %get3A_34 = vector.load %arg1[%get3A_31, %get3A_32, %get3A_33] : memref<20x128x128xf32, #tpu.memory_space<vmem>>, vector<1x128x128xf32>
    %get3A_35 = vector.shape_cast %get3A_34 : vector<1x128x128xf32> to vector<128x128xf32>
    %slice3A_36 = vector.extract_strided_slice %get3A_35 {offsets = [0, 0], sizes = [128, 3], strides = [1, 1]} : vector<128x128xf32> to vector<128x3xf32>
    %sub3A_37 = arith.subf %slice3A_36, %get3A_1 : vector<128x3xf32>
    %concatenate3A_38 = tpu.concatenate %get3A_1, %sub3A_37 in 1 : vector<128x3xf32>, vector<128x3xf32> -> vector<128x6xf32>
    %get3A_39 = arith.constant 5 : index
    %get3A_40 = arith.constant 0 : index
    %get3A_41 = arith.constant 0 : index
    %get3A_42 = vector.load %arg1[%get3A_39, %get3A_40, %get3A_41] : memref<20x128x128xf32, #tpu.memory_space<vmem>>, vector<1x128x128xf32>
    %get3A_43 = vector.shape_cast %get3A_42 : vector<1x128x128xf32> to vector<128x128xf32>
    %slice3A_44 = vector.extract_strided_slice %get3A_43 {offsets = [0, 0], sizes = [128, 3], strides = [1, 1]} : vector<128x128xf32> to vector<128x3xf32>
    %sub3A_45 = arith.subf %slice3A_44, %get3A_1 : vector<128x3xf32>
    %concatenate3A_46 = tpu.concatenate %get3A_1, %sub3A_45 in 1 : vector<128x3xf32>, vector<128x3xf32> -> vector<128x6xf32>
    %get3A_47 = arith.constant 6 : index
    %get3A_48 = arith.constant 0 : index
    %get3A_49 = arith.constant 0 : index
    %get3A_50 = vector.load %arg1[%get3A_47, %get3A_48, %get3A_49] : memref<20x128x128xf32, #tpu.memory_space<vmem>>, vector<1x128x128xf32>
    %get3A_51 = vector.shape_cast %get3A_50 : vector<1x128x128xf32> to vector<128x128xf32>
    %slice3A_52 = vector.extract_strided_slice %get3A_51 {offsets = [0, 0], sizes = [128, 3], strides = [1, 1]} : vector<128x128xf32> to vector<128x3xf32>
    %sub3A_53 = arith.subf %slice3A_52, %get3A_1 : vector<128x3xf32>
    %concatenate3A_54 = tpu.concatenate %get3A_1, %sub3A_53 in 1 : vector<128x3xf32>, vector<128x3xf32> -> vector<128x6xf32>
    %get3A_55 = arith.constant 7 : index
    %get3A_56 = arith.constant 0 : index
    %get3A_57 = arith.constant 0 : index
    %get3A_58 = vector.load %arg1[%get3A_55, %get3A_56, %get3A_57] : memref<20x128x128xf32, #tpu.memory_space<vmem>>, vector<1x128x128xf32>
    %get3A_59 = vector.shape_cast %get3A_58 : vector<1x128x128xf32> to vector<128x128xf32>
    %slice3A_60 = vector.extract_strided_slice %get3A_59 {offsets = [0, 0], sizes = [128, 3], strides = [1, 1]} : vector<128x128xf32> to vector<128x3xf32>
    %sub3A_61 = arith.subf %slice3A_60, %get3A_1 : vector<128x3xf32>
    %concatenate3A_62 = tpu.concatenate %get3A_1, %sub3A_61 in 1 : vector<128x3xf32>, vector<128x3xf32> -> vector<128x6xf32>
    %get3A_63 = arith.constant 8 : index
    %get3A_64 = arith.constant 0 : index
    %get3A_65 = arith.constant 0 : index
    %get3A_66 = vector.load %arg1[%get3A_63, %get3A_64, %get3A_65] : memref<20x128x128xf32, #tpu.memory_space<vmem>>, vector<1x128x128xf32>
    %get3A_67 = vector.shape_cast %get3A_66 : vector<1x128x128xf32> to vector<128x128xf32>
    %slice3A_68 = vector.extract_strided_slice %get3A_67 {offsets = [0, 0], sizes = [128, 3], strides = [1, 1]} : vector<128x128xf32> to vector<128x3xf32>
    %sub3A_69 = arith.subf %slice3A_68, %get3A_1 : vector<128x3xf32>
    %concatenate3A_70 = tpu.concatenate %get3A_1, %sub3A_69 in 1 : vector<128x3xf32>, vector<128x3xf32> -> vector<128x6xf32>
    %get3A_71 = arith.constant 9 : index
    %get3A_72 = arith.constant 0 : index
    %get3A_73 = arith.constant 0 : index
    %get3A_74 = vector.load %arg1[%get3A_71, %get3A_72, %get3A_73] : memref<20x128x128xf32, #tpu.memory_space<vmem>>, vector<1x128x128xf32>
    %get3A_75 = vector.shape_cast %get3A_74 : vector<1x128x128xf32> to vector<128x128xf32>
    %slice3A_76 = vector.extract_strided_slice %get3A_75 {offsets = [0, 0], sizes = [128, 3], strides = [1, 1]} : vector<128x128xf32> to vector<128x3xf32>
    %sub3A_77 = arith.subf %slice3A_76, %get3A_1 : vector<128x3xf32>
    %concatenate3A_78 = tpu.concatenate %get3A_1, %sub3A_77 in 1 : vector<128x3xf32>, vector<128x3xf32> -> vector<128x6xf32>
    %get3A_79 = arith.constant 10 : index
    %get3A_80 = arith.constant 0 : index
    %get3A_81 = arith.constant 0 : index
    %get3A_82 = vector.load %arg1[%get3A_79, %get3A_80, %get3A_81] : memref<20x128x128xf32, #tpu.memory_space<vmem>>, vector<1x128x128xf32>
    %get3A_83 = vector.shape_cast %get3A_82 : vector<1x128x128xf32> to vector<128x128xf32>
    %slice3A_84 = vector.extract_strided_slice %get3A_83 {offsets = [0, 0], sizes = [128, 3], strides = [1, 1]} : vector<128x128xf32> to vector<128x3xf32>
    %sub3A_85 = arith.subf %slice3A_84, %get3A_1 : vector<128x3xf32>
    %concatenate3A_86 = tpu.concatenate %get3A_1, %sub3A_85 in 1 : vector<128x3xf32>, vector<128x3xf32> -> vector<128x6xf32>
    %get3A_87 = arith.constant 11 : index
    %get3A_88 = arith.constant 0 : index
    %get3A_89 = arith.constant 0 : index
    %get3A_90 = vector.load %arg1[%get3A_87, %get3A_88, %get3A_89] : memref<20x128x128xf32, #tpu.memory_space<vmem>>, vector<1x128x128xf32>
    %get3A_91 = vector.shape_cast %get3A_90 : vector<1x128x128xf32> to vector<128x128xf32>
    %slice3A_92 = vector.extract_strided_slice %get3A_91 {offsets = [0, 0], sizes = [128, 3], strides = [1, 1]} : vector<128x128xf32> to vector<128x3xf32>
    %sub3A_93 = arith.subf %slice3A_92, %get3A_1 : vector<128x3xf32>
    %concatenate3A_94 = tpu.concatenate %get3A_1, %sub3A_93 in 1 : vector<128x3xf32>, vector<128x3xf32> -> vector<128x6xf32>
    %get3A_95 = arith.constant 12 : index
    %get3A_96 = arith.constant 0 : index
    %get3A_97 = arith.constant 0 : index
    %get3A_98 = vector.load %arg1[%get3A_95, %get3A_96, %get3A_97] : memref<20x128x128xf32, #tpu.memory_space<vmem>>, vector<1x128x128xf32>
    %get3A_99 = vector.shape_cast %get3A_98 : vector<1x128x128xf32> to vector<128x128xf32>
    %slice3A_100 = vector.extract_strided_slice %get3A_99 {offsets = [0, 0], sizes = [128, 3], strides = [1, 1]} : vector<128x128xf32> to vector<128x3xf32>
    %sub3A_101 = arith.subf %slice3A_100, %get3A_1 : vector<128x3xf32>
    %concatenate3A_102 = tpu.concatenate %get3A_1, %sub3A_101 in 1 : vector<128x3xf32>, vector<128x3xf32> -> vector<128x6xf32>
    %get3A_103 = arith.constant 13 : index
    %get3A_104 = arith.constant 0 : index
    %get3A_105 = arith.constant 0 : index
    %get3A_106 = vector.load %arg1[%get3A_103, %get3A_104, %get3A_105] : memref<20x128x128xf32, #tpu.memory_space<vmem>>, vector<1x128x128xf32>
    %get3A_107 = vector.shape_cast %get3A_106 : vector<1x128x128xf32> to vector<128x128xf32>
    %slice3A_108 = vector.extract_strided_slice %get3A_107 {offsets = [0, 0], sizes = [128, 3], strides = [1, 1]} : vector<128x128xf32> to vector<128x3xf32>
    %sub3A_109 = arith.subf %slice3A_108, %get3A_1 : vector<128x3xf32>
    %concatenate3A_110 = tpu.concatenate %get3A_1, %sub3A_109 in 1 : vector<128x3xf32>, vector<128x3xf32> -> vector<128x6xf32>
    %get3A_111 = arith.constant 14 : index
    %get3A_112 = arith.constant 0 : index
    %get3A_113 = arith.constant 0 : index
    %get3A_114 = vector.load %arg1[%get3A_111, %get3A_112, %get3A_113] : memref<20x128x128xf32, #tpu.memory_space<vmem>>, vector<1x128x128xf32>
    %get3A_115 = vector.shape_cast %get3A_114 : vector<1x128x128xf32> to vector<128x128xf32>
    %slice3A_116 = vector.extract_strided_slice %get3A_115 {offsets = [0, 0], sizes = [128, 3], strides = [1, 1]} : vector<128x128xf32> to vector<128x3xf32>
    %sub3A_117 = arith.subf %slice3A_116, %get3A_1 : vector<128x3xf32>
    %concatenate3A_118 = tpu.concatenate %get3A_1, %sub3A_117 in 1 : vector<128x3xf32>, vector<128x3xf32> -> vector<128x6xf32>
    %get3A_119 = arith.constant 15 : index
    %get3A_120 = arith.constant 0 : index
    %get3A_121 = arith.constant 0 : index
    %get3A_122 = vector.load %arg1[%get3A_119, %get3A_120, %get3A_121] : memref<20x128x128xf32, #tpu.memory_space<vmem>>, vector<1x128x128xf32>
    %get3A_123 = vector.shape_cast %get3A_122 : vector<1x128x128xf32> to vector<128x128xf32>
    %slice3A_124 = vector.extract_strided_slice %get3A_123 {offsets = [0, 0], sizes = [128, 3], strides = [1, 1]} : vector<128x128xf32> to vector<128x3xf32>
    %sub3A_125 = arith.subf %slice3A_124, %get3A_1 : vector<128x3xf32>
    %concatenate3A_126 = tpu.concatenate %get3A_1, %sub3A_125 in 1 : vector<128x3xf32>, vector<128x3xf32> -> vector<128x6xf32>
    %get3A_127 = arith.constant 16 : index
    %get3A_128 = arith.constant 0 : index
    %get3A_129 = arith.constant 0 : index
    %get3A_130 = vector.load %arg1[%get3A_127, %get3A_128, %get3A_129] : memref<20x128x128xf32, #tpu.memory_space<vmem>>, vector<1x128x128xf32>
    %get3A_131 = vector.shape_cast %get3A_130 : vector<1x128x128xf32> to vector<128x128xf32>
    %slice3A_132 = vector.extract_strided_slice %get3A_131 {offsets = [0, 0], sizes = [128, 3], strides = [1, 1]} : vector<128x128xf32> to vector<128x3xf32>
    %sub3A_133 = arith.subf %slice3A_132, %get3A_1 : vector<128x3xf32>
    %concatenate3A_134 = tpu.concatenate %get3A_1, %sub3A_133 in 1 : vector<128x3xf32>, vector<128x3xf32> -> vector<128x6xf32>
    %get3A_135 = arith.constant 17 : index
    %get3A_136 = arith.constant 0 : index
    %get3A_137 = arith.constant 0 : index
    %get3A_138 = vector.load %arg1[%get3A_135, %get3A_136, %get3A_137] : memref<20x128x128xf32, #tpu.memory_space<vmem>>, vector<1x128x128xf32>
    %get3A_139 = vector.shape_cast %get3A_138 : vector<1x128x128xf32> to vector<128x128xf32>
    %slice3A_140 = vector.extract_strided_slice %get3A_139 {offsets = [0, 0], sizes = [128, 3], strides = [1, 1]} : vector<128x128xf32> to vector<128x3xf32>
    %sub3A_141 = arith.subf %slice3A_140, %get3A_1 : vector<128x3xf32>
    %concatenate3A_142 = tpu.concatenate %get3A_1, %sub3A_141 in 1 : vector<128x3xf32>, vector<128x3xf32> -> vector<128x6xf32>
    %get3A_143 = arith.constant 18 : index
    %get3A_144 = arith.constant 0 : index
    %get3A_145 = arith.constant 0 : index
    %get3A_146 = vector.load %arg1[%get3A_143, %get3A_144, %get3A_145] : memref<20x128x128xf32, #tpu.memory_space<vmem>>, vector<1x128x128xf32>
    %get3A_147 = vector.shape_cast %get3A_146 : vector<1x128x128xf32> to vector<128x128xf32>
    %slice3A_148 = vector.extract_strided_slice %get3A_147 {offsets = [0, 0], sizes = [128, 3], strides = [1, 1]} : vector<128x128xf32> to vector<128x3xf32>
    %sub3A_149 = arith.subf %slice3A_148, %get3A_1 : vector<128x3xf32>
    %concatenate3A_150 = tpu.concatenate %get3A_1, %sub3A_149 in 1 : vector<128x3xf32>, vector<128x3xf32> -> vector<128x6xf32>
    %get3A_151 = arith.constant 19 : index
    %get3A_152 = arith.constant 0 : index
    %get3A_153 = arith.constant 0 : index
    %get3A_154 = vector.load %arg1[%get3A_151, %get3A_152, %get3A_153] : memref<20x128x128xf32, #tpu.memory_space<vmem>>, vector<1x128x128xf32>
    %get3A_155 = vector.shape_cast %get3A_154 : vector<1x128x128xf32> to vector<128x128xf32>
    %slice3A_156 = vector.extract_strided_slice %get3A_155 {offsets = [0, 0], sizes = [128, 3], strides = [1, 1]} : vector<128x128xf32> to vector<128x3xf32>
    %sub3A_157 = arith.subf %slice3A_156, %get3A_1 : vector<128x3xf32>
    %concatenate3A_158 = tpu.concatenate %get3A_1, %sub3A_157 in 1 : vector<128x3xf32>, vector<128x3xf32> -> vector<128x6xf32>
    %concatenate3A_159 = tpu.concatenate %concatenate3A, %concatenate3A_14, %concatenate3A_22, %concatenate3A_30, %concatenate3A_38, %concatenate3A_46, %concatenate3A_54, %concatenate3A_62, %concatenate3A_70, %concatenate3A_78, %concatenate3A_86, %concatenate3A_94, %concatenate3A_102, %concatenate3A_110, %concatenate3A_118, %concatenate3A_126, %concatenate3A_134, %concatenate3A_142, %concatenate3A_150, %concatenate3A_158 in 0 : vector<128x6xf32>, vector<128x6xf32>, vector<128x6xf32>, vector<128x6xf32>, vector<128x6xf32>, vector<128x6xf32>, vector<128x6xf32>, vector<128x6xf32>, vector<128x6xf32>, vector<128x6xf32>, vector<128x6xf32>, vector<128x6xf32>, vector<128x6xf32>, vector<128x6xf32>, vector<128x6xf32>, vector<128x6xf32>, vector<128x6xf32>, vector<128x6xf32>, vector<128x6xf32>, vector<128x6xf32> -> vector<2560x6xf32>
    %get3A_160 = arith.constant 0 : index
    %get3A_161 = arith.constant 0 : index
    %get3A_162 = vector.load %arg3[%get3A_160, %get3A_161] : memref<6x64xf32, #tpu.memory_space<vmem>>, vector<6x64xf32>
    %dot_general3A = arith.constant dense<0.000000e+00> : vector<2560x64xf32>
    %dot_general3A_163 = tpu.matmul %concatenate3A_159, %get3A_162, %dot_general3A {dimension_numbers = #tpu.dot_dimension_numbers<[1], [0], [0], [1], [0, 0, 1, 1], [], []>, transpose_lhs_hint = false} : vector<2560x6xf32>, vector<6x64xf32>, vector<2560x64xf32> -> vector<2560x64xf32>
    %get3A_164 = arith.constant 0 : index
    %get3A_165 = arith.constant 0 : index
    %get3A_166 = vector.load %arg4[%get3A_164, %get3A_165] : memref<1x64xf32, #tpu.memory_space<vmem>>, vector<1x64xf32>
    %add3A = vector.broadcast %get3A_166 : vector<1x64xf32> to vector<2560x64xf32>
    %add3A_167 = arith.addf %dot_general3A_163, %add3A : vector<2560x64xf32>
    %max3A = arith.constant 0.000000e+00 : f32
    %max3A_168 = vector.broadcast %max3A : f32 to vector<2560x64xf32>
    %max3A_169 = arith.maximumf %add3A_167, %max3A_168 : vector<2560x64xf32>
    %get3A_170 = arith.constant 0 : index
    %get3A_171 = arith.constant 0 : index
    %get3A_172 = vector.load %arg5[%get3A_170, %get3A_171] : memref<64x64xf32, #tpu.memory_space<vmem>>, vector<64x64xf32>
    %dot_general3A_173 = arith.constant dense<0.000000e+00> : vector<2560x64xf32>
    %dot_general3A_174 = tpu.matmul %max3A_169, %get3A_172, %dot_general3A_173 {dimension_numbers = #tpu.dot_dimension_numbers<[1], [0], [0], [1], [0, 0, 1, 1], [], []>, transpose_lhs_hint = false} : vector<2560x64xf32>, vector<64x64xf32>, vector<2560x64xf32> -> vector<2560x64xf32>
    %slice3A_175 = vector.extract_strided_slice %dot_general3A_174 {offsets = [0, 0], sizes = [128, 64], strides = [1, 1]} : vector<2560x64xf32> to vector<128x64xf32>
    %slice3A_176 = vector.extract_strided_slice %dot_general3A_174 {offsets = [128, 0], sizes = [128, 64], strides = [1, 1]} : vector<2560x64xf32> to vector<128x64xf32>
    %max3A_177 = arith.maximumf %slice3A_175, %slice3A_176 : vector<128x64xf32>
    %slice3A_178 = vector.extract_strided_slice %dot_general3A_174 {offsets = [256, 0], sizes = [128, 64], strides = [1, 1]} : vector<2560x64xf32> to vector<128x64xf32>
    %max3A_179 = arith.maximumf %max3A_177, %slice3A_178 : vector<128x64xf32>
    %slice3A_180 = vector.extract_strided_slice %dot_general3A_174 {offsets = [384, 0], sizes = [128, 64], strides = [1, 1]} : vector<2560x64xf32> to vector<128x64xf32>
    %max3A_181 = arith.maximumf %max3A_179, %slice3A_180 : vector<128x64xf32>
    %slice3A_182 = vector.extract_strided_slice %dot_general3A_174 {offsets = [512, 0], sizes = [128, 64], strides = [1, 1]} : vector<2560x64xf32> to vector<128x64xf32>
    %max3A_183 = arith.maximumf %max3A_181, %slice3A_182 : vector<128x64xf32>
    %slice3A_184 = vector.extract_strided_slice %dot_general3A_174 {offsets = [640, 0], sizes = [128, 64], strides = [1, 1]} : vector<2560x64xf32> to vector<128x64xf32>
    %max3A_185 = arith.maximumf %max3A_183, %slice3A_184 : vector<128x64xf32>
    %slice3A_186 = vector.extract_strided_slice %dot_general3A_174 {offsets = [768, 0], sizes = [128, 64], strides = [1, 1]} : vector<2560x64xf32> to vector<128x64xf32>
    %max3A_187 = arith.maximumf %max3A_185, %slice3A_186 : vector<128x64xf32>
    %slice3A_188 = vector.extract_strided_slice %dot_general3A_174 {offsets = [896, 0], sizes = [128, 64], strides = [1, 1]} : vector<2560x64xf32> to vector<128x64xf32>
    %max3A_189 = arith.maximumf %max3A_187, %slice3A_188 : vector<128x64xf32>
    %slice3A_190 = vector.extract_strided_slice %dot_general3A_174 {offsets = [1024, 0], sizes = [128, 64], strides = [1, 1]} : vector<2560x64xf32> to vector<128x64xf32>
    %max3A_191 = arith.maximumf %max3A_189, %slice3A_190 : vector<128x64xf32>
    %slice3A_192 = vector.extract_strided_slice %dot_general3A_174 {offsets = [1152, 0], sizes = [128, 64], strides = [1, 1]} : vector<2560x64xf32> to vector<128x64xf32>
    %max3A_193 = arith.maximumf %max3A_191, %slice3A_192 : vector<128x64xf32>
    %slice3A_194 = vector.extract_strided_slice %dot_general3A_174 {offsets = [1280, 0], sizes = [128, 64], strides = [1, 1]} : vector<2560x64xf32> to vector<128x64xf32>
    %max3A_195 = arith.maximumf %max3A_193, %slice3A_194 : vector<128x64xf32>
    %slice3A_196 = vector.extract_strided_slice %dot_general3A_174 {offsets = [1408, 0], sizes = [128, 64], strides = [1, 1]} : vector<2560x64xf32> to vector<128x64xf32>
    %max3A_197 = arith.maximumf %max3A_195, %slice3A_196 : vector<128x64xf32>
    %slice3A_198 = vector.extract_strided_slice %dot_general3A_174 {offsets = [1536, 0], sizes = [128, 64], strides = [1, 1]} : vector<2560x64xf32> to vector<128x64xf32>
    %max3A_199 = arith.maximumf %max3A_197, %slice3A_198 : vector<128x64xf32>
    %slice3A_200 = vector.extract_strided_slice %dot_general3A_174 {offsets = [1664, 0], sizes = [128, 64], strides = [1, 1]} : vector<2560x64xf32> to vector<128x64xf32>
    %max3A_201 = arith.maximumf %max3A_199, %slice3A_200 : vector<128x64xf32>
    %slice3A_202 = vector.extract_strided_slice %dot_general3A_174 {offsets = [1792, 0], sizes = [128, 64], strides = [1, 1]} : vector<2560x64xf32> to vector<128x64xf32>
    %max3A_203 = arith.maximumf %max3A_201, %slice3A_202 : vector<128x64xf32>
    %slice3A_204 = vector.extract_strided_slice %dot_general3A_174 {offsets = [1920, 0], sizes = [128, 64], strides = [1, 1]} : vector<2560x64xf32> to vector<128x64xf32>
    %max3A_205 = arith.maximumf %max3A_203, %slice3A_204 : vector<128x64xf32>
    %slice3A_206 = vector.extract_strided_slice %dot_general3A_174 {offsets = [2048, 0], sizes = [128, 64], strides = [1, 1]} : vector<2560x64xf32> to vector<128x64xf32>
    %max3A_207 = arith.maximumf %max3A_205, %slice3A_206 : vector<128x64xf32>
    %slice3A_208 = vector.extract_strided_slice %dot_general3A_174 {offsets = [2176, 0], sizes = [128, 64], strides = [1, 1]} : vector<2560x64xf32> to vector<128x64xf32>
    %max3A_209 = arith.maximumf %max3A_207, %slice3A_208 : vector<128x64xf32>
    %slice3A_210 = vector.extract_strided_slice %dot_general3A_174 {offsets = [2304, 0], sizes = [128, 64], strides = [1, 1]} : vector<2560x64xf32> to vector<128x64xf32>
    %max3A_211 = arith.maximumf %max3A_209, %slice3A_210 : vector<128x64xf32>
    %slice3A_212 = vector.extract_strided_slice %dot_general3A_174 {offsets = [2432, 0], sizes = [128, 64], strides = [1, 1]} : vector<2560x64xf32> to vector<128x64xf32>
    %max3A_213 = arith.maximumf %max3A_211, %slice3A_212 : vector<128x64xf32>
    %get3A_214 = arith.constant 0 : index
    %get3A_215 = arith.constant 0 : index
    %get3A_216 = vector.load %arg6[%get3A_214, %get3A_215] : memref<1x64xf32, #tpu.memory_space<vmem>>, vector<1x64xf32>
    %add3A_217 = vector.broadcast %get3A_216 : vector<1x64xf32> to vector<128x64xf32>
    %add3A_218 = arith.addf %max3A_213, %add3A_217 : vector<128x64xf32>
    %swap3A = arith.constant 0 : index
    %swap3A_219 = arith.constant 0 : index
    %swap3A_220 = vector.load %arg10[%swap3A, %swap3A_219] : memref<128x64xf32, #tpu.memory_space<vmem>>, vector<128x64xf32>
    tpu.vector_store %arg10[%swap3A, %swap3A_219], %add3A_218 {strides = array<i32>} : memref<128x64xf32, #tpu.memory_space<vmem>>, vector<128x64xf32>,
    %get3A_221 = arith.constant 0 : index
    %get3A_222 = arith.constant 0 : index
    %get3A_223 = vector.load %arg7[%get3A_221, %get3A_222] : memref<64x128xf32, #tpu.memory_space<vmem>>, vector<64x128xf32>
    %dot_general3A_224 = arith.constant dense<0.000000e+00> : vector<128x128xf32>
    %dot_general3A_225 = tpu.matmul %add3A_218, %get3A_223, %dot_general3A_224 {dimension_numbers = #tpu.dot_dimension_numbers<[1], [0], [0], [1], [0, 0, 1, 1], [], []>, transpose_lhs_hint = false} : vector<128x64xf32>, vector<64x128xf32>, vector<128x128xf32> -> vector<128x128xf32>
    %get3A_226 = arith.constant 0 : index
    %get3A_227 = arith.constant 0 : index
    %get3A_228 = vector.load %arg8[%get3A_226, %get3A_227] : memref<1x128xf32, #tpu.memory_space<vmem>>, vector<1x128xf32>
    %add3A_229 = vector.broadcast %get3A_228 : vector<1x128xf32> to vector<128x128xf32>
    %add3A_230 = arith.addf %dot_general3A_225, %add3A_229 : vector<128x128xf32>
    %swap3A_231 = arith.constant 0 : index
    %swap3A_232 = arith.constant 0 : index
    %swap3A_233 = vector.load %arg11[%swap3A_231, %swap3A_232] : memref<128x128xf32, #tpu.memory_space<vmem>>, vector<128x128xf32>
    tpu.vector_store %arg11[%swap3A_231, %swap3A_232], %add3A_230 {strides = array<i32>} : memref<128x128xf32, #tpu.memory_space<vmem>>, vector<128x128xf32>,
    %get3A_234 = arith.constant 0 : index
    %get3A_235 = arith.constant 0 : index
    %get3A_236 = vector.load %arg9[%get3A_234, %get3A_235] : memref<64x128xf32, #tpu.memory_space<vmem>>, vector<64x128xf32>
    %dot_general3A_237 = arith.constant dense<0.000000e+00> : vector<128x128xf32>
    %dot_general3A_238 = tpu.matmul %add3A_218, %get3A_236, %dot_general3A_237 {dimension_numbers = #tpu.dot_dimension_numbers<[1], [0], [0], [1], [0, 0, 1, 1], [], []>, transpose_lhs_hint = false} : vector<128x64xf32>, vector<64x128xf32>, vector<128x128xf32> -> vector<128x128xf32>
    %swap3A_239 = arith.constant 0 : index
    %swap3A_240 = arith.constant 0 : index
    %swap3A_241 = vector.load %arg12[%swap3A_239, %swap3A_240] : memref<128x128xf32, #tpu.memory_space<vmem>>, vector<128x128xf32>
    tpu.vector_store %arg12[%swap3A_239, %swap3A_240], %dot_general3A_238 {strides = array<i32>} : memref<128x128xf32, #tpu.memory_space<vmem>>, vector<128x128xf32>,
    return
  }
  func.func @transform_0(%arg0: i32) -> (i32, i32, i32) {
    %c0_i32 = arith.constant 0 : i32
    %c0_i32_0 = arith.constant 0 : i32
    %c0_i32_1 = arith.constant 0 : i32
    return %c0_i32, %arg0, %c0_i32_0 : i32, i32, i32
  }
  func.func @transform_1(%arg0: i32) -> (i32, i32) {
    %c0_i32 = arith.constant 0 : i32
    %c0_i32_0 = arith.constant 0 : i32
    return %arg0, %c0_i32 : i32, i32
  }
  func.func @transform_2(%arg0: i32) -> (i32, i32) {
    %c0_i32 = arith.constant 0 : i32
    %c0_i32_0 = arith.constant 0 : i32
    %c0_i32_1 = arith.constant 0 : i32
    return %c0_i32, %c0_i32_0 : i32, i32
  }
  func.func @transform_3(%arg0: i32) -> (i32, i32) {
    %c0_i32 = arith.constant 0 : i32
    %c0_i32_0 = arith.constant 0 : i32
    %c0_i32_1 = arith.constant 0 : i32
    return %c0_i32, %c0_i32_0 : i32, i32
  }
  func.func @transform_4(%arg0: i32) -> (i32, i32) {
    %c0_i32 = arith.constant 0 : i32
    %c0_i32_0 = arith.constant 0 : i32
    %c0_i32_1 = arith.constant 0 : i32
    return %c0_i32, %c0_i32_0 : i32, i32
  }
  func.func @transform_5(%arg0: i32) -> (i32, i32) {
    %c0_i32 = arith.constant 0 : i32
    %c0_i32_0 = arith.constant 0 : i32
    %c0_i32_1 = arith.constant 0 : i32
    return %c0_i32, %c0_i32_0 : i32, i32
  }
  func.func @transform_6(%arg0: i32) -> (i32, i32) {
    %c0_i32 = arith.constant 0 : i32
    %c0_i32_0 = arith.constant 0 : i32
    %c0_i32_1 = arith.constant 0 : i32
    return %c0_i32, %c0_i32_0 : i32, i32
  }
  func.func @transform_7(%arg0: i32) -> (i32, i32) {
    %c0_i32 = arith.constant 0 : i32
    %c0_i32_0 = arith.constant 0 : i32
    %c0_i32_1 = arith.constant 0 : i32
    return %c0_i32, %c0_i32_0 : i32, i32
  }
  func.func @transform_8(%arg0: i32) -> (i32, i32) {
    %c0_i32 = arith.constant 0 : i32
    %c0_i32_0 = arith.constant 0 : i32
    %c0_i32_1 = arith.constant 0 : i32
    return %c0_i32, %c0_i32_0 : i32, i32
  }
  func.func @transform_9(%arg0: i32) -> (i32, i32) {
    %c0_i32 = arith.constant 0 : i32
    %c0_i32_0 = arith.constant 0 : i32
    return %arg0, %c0_i32 : i32, i32
  }
  func.func @transform_10(%arg0: i32) -> (i32, i32) {
    %c0_i32 = arith.constant 0 : i32
    %c0_i32_0 = arith.constant 0 : i32
    return %arg0, %c0_i32 : i32, i32
  }
  func.func @transform_11(%arg0: i32) -> (i32, i32) {
    %c0_i32 = arith.constant 0 : i32
    %c0_i32_0 = arith.constant 0 : i32
    return %arg0, %c0_i32 : i32, i32
  }
}

module attributes {stable_mosaic.version = 14 : i64} {
  func.func @_knn_body(%arg0: i32, %arg1: memref<16xi32, #tpu.memory_space<smem>>, %arg2: memref<16xi32, #tpu.memory_space<smem>>, %arg3: memref<256x64xf32, #tpu.memory_space<vmem>>, %arg4: memref<256x1xi32, #tpu.memory_space<vmem>>, %arg5: memref<256x1xi32, #tpu.memory_space<vmem>>, %arg6: memref<256x1xf32, #tpu.memory_space<vmem>>, %arg7: memref<8832x64xf32, #tpu.memory_space<vmem>>, %arg8: memref<1x8832xf32, #tpu.memory_space<vmem>>, %arg9: memref<256x20xi32, #tpu.memory_space<vmem>>) attributes {dimension_semantics = [#tpu.dimension_semantics<arbitrary>], iteration_bounds = array<i64: 16>, scalar_prefetch = 2 : i64, scratch_operands = 0 : i64, tpu.core_type = #tpu.core_type<tc>, window_params = [{transform_indices = @transform_0, window_bounds = array<i64: 256, 64>}, {transform_indices = @transform_1, window_bounds = array<i64: 256, 1>}, {transform_indices = @transform_2, window_bounds = array<i64: 256, 1>}, {transform_indices = @transform_3, window_bounds = array<i64: 256, 1>}, {pipeline_mode = #tpu.pipeline_mode<synchronous>, transform_indices = @transform_4, window_bounds = array<i64: 8832, 64>}, {pipeline_mode = #tpu.pipeline_mode<synchronous>, transform_indices = @transform_5, window_bounds = array<i64: 1, 8832>}, {transform_indices = @transform_6, window_bounds = array<i64: 256, 20>}]} {
    %get3A = arith.constant 0 : index
    %get3A_0 = arith.constant 0 : index
    %get3A_1 = vector.load %arg3[%get3A, %get3A_0] : memref<256x64xf32, #tpu.memory_space<vmem>>, vector<256x64xf32>
    %get3A_2 = arith.constant 0 : index
    %get3A_3 = arith.constant 0 : index
    %get3A_4 = vector.load %arg6[%get3A_2, %get3A_3] : memref<256x1xf32, #tpu.memory_space<vmem>>, vector<256x1xf32>
    %get3A_5 = arith.constant 0 : index
    %get3A_6 = arith.constant 0 : index
    %get3A_7 = vector.load %arg4[%get3A_5, %get3A_6] : memref<256x1xi32, #tpu.memory_space<vmem>>, vector<256x1xi32>
    %get3A_8 = arith.constant 0 : index
    %get3A_9 = arith.constant 0 : index
    %get3A_10 = vector.load %arg5[%get3A_8, %get3A_9] : memref<256x1xi32, #tpu.memory_space<vmem>>, vector<256x1xi32>
    %get3A_11 = arith.index_cast %arg0 : i32 to index
    %get3A_12 = memref.load %arg1[%get3A_11] : memref<16xi32, #tpu.memory_space<smem>>
    %get3A_13 = arith.index_cast %arg0 : i32 to index
    %get3A_14 = memref.load %arg2[%get3A_13] : memref<16xi32, #tpu.memory_space<smem>>
    %broadcast_in_dim3A = arith.constant 0x7F800000 : f32
    %broadcast_in_dim3A_15 = vector.broadcast %broadcast_in_dim3A : f32 to vector<256x20xf32>
    %iota3A = tpu.iota {dimensions = array<i32: 1>} : vector<256x20xi32>
    %convert_element_type3A = arith.sitofp %iota3A : vector<256x20xi32> to vector<256x20xf32>
    %while3A = arith.constant 0x7F800000 : f32
    %while3A_16 = arith.constant 0 : i32
    %while3A_17 = arith.subi %get3A_14, %while3A_16 : i32
    %while3A_18 = arith.addi %while3A_16, %while3A_17 : i32
    %while3A_19 = arith.constant 1 : i32
    %while3A_20 = arith.divsi %while3A_17, %while3A_19 : i32
    %while3A_21 = arith.muli %while3A_20, %while3A_19 : i32
    %while3A_22 = arith.addi %while3A_16, %while3A_21 : i32
    %while3A_23 = arith.constant 1 : i32
    %while3A_24:2 = scf.for %while3A_30 = %while3A_16 to %while3A_22 step %while3A_23 iter_args(%while3A_31 = %broadcast_in_dim3A_15, %while3A_32 = %convert_element_type3A) -> (vector<256x20xf32>, vector<256x20xf32>)  : i32 {
      %mul3A = arith.constant 640 : i32
      %mul3A_33 = arith.muli %while3A_30, %mul3A : i32
      %add3A = arith.addi %get3A_12, %mul3A_33 : i32
      %multiple_of3A = tpu.assume_multiple %add3A, 128 : i32
      %get3A_34 = arith.index_cast %multiple_of3A : i32 to index
      %get3A_35 = arith.constant 0 : index
      %get3A_36 = vector.load %arg7[%get3A_34, %get3A_35] : memref<8832x64xf32, #tpu.memory_space<vmem>>, vector<640x64xf32>
      %get3A_37 = arith.constant 0 : index
      %get3A_38 = arith.index_cast %multiple_of3A : i32 to index
      %get3A_39 = vector.load %arg8[%get3A_37, %get3A_38] : memref<1x8832xf32, #tpu.memory_space<vmem>>, vector<1x640xf32>
      %dot_general3A = arith.constant dense<0.000000e+00> : vector<256x640xf32>
      %dot_general3A_40 = tpu.matmul %get3A_1, %get3A_36, %dot_general3A {dimension_numbers = #tpu.dot_dimension_numbers<[1], [1], [0], [0], [0, 0, 1, 0], [], []>, transpose_lhs_hint = false} : vector<256x64xf32>, vector<640x64xf32>, vector<256x640xf32> -> vector<256x640xf32>
      %add3A_41 = vector.broadcast %get3A_4 : vector<256x1xf32> to vector<256x640xf32>
      %add3A_42 = vector.broadcast %get3A_39 : vector<1x640xf32> to vector<256x640xf32>
      %add3A_43 = arith.addf %add3A_41, %add3A_42 : vector<256x640xf32>
      %mul3A_44 = arith.constant 2.000000e+00 : f32
      %mul3A_45 = vector.broadcast %mul3A_44 : f32 to vector<256x640xf32>
      %mul3A_46 = arith.mulf %mul3A_45, %dot_general3A_40 : vector<256x640xf32>
      %sub3A = arith.subf %add3A_43, %mul3A_46 : vector<256x640xf32>
      %iota3A_47 = tpu.iota {dimensions = array<i32: 1>} : vector<256x640xi32>
      %add3A_48 = vector.broadcast %multiple_of3A : i32 to vector<256x640xi32>
      %add3A_49 = arith.addi %iota3A_47, %add3A_48 : vector<256x640xi32>
      %ge3A = vector.broadcast %get3A_7 : vector<256x1xi32> to vector<256x640xi32>
      %ge3A_50 = arith.cmpi sge, %add3A_49, %ge3A : vector<256x640xi32>
      %lt3A = vector.broadcast %get3A_10 : vector<256x1xi32> to vector<256x640xi32>
      %lt3A_51 = arith.cmpi slt, %add3A_49, %lt3A : vector<256x640xi32>
      %and3A = arith.andi %ge3A_50, %lt3A_51 : vector<256x640xi1>
      %broadcast_in_dim3A_52 = vector.broadcast %while3A : f32 to vector<256x640xf32>
      %select_n3A = arith.select %and3A, %sub3A, %broadcast_in_dim3A_52 : vector<256x640xi1>, vector<256x640xf32>
      %convert_element_type3A_53 = arith.sitofp %add3A_49 : vector<256x640xi32> to vector<256x640xf32>
      %broadcast_in_dim3A_54 = vector.broadcast %while3A : f32 to vector<256x20xf32>
      %concatenate3A = tpu.concatenate %select_n3A, %while3A_31, %broadcast_in_dim3A_54 in 1 : vector<256x640xf32>, vector<256x20xf32>, vector<256x20xf32> -> vector<256x680xf32>
      %broadcast_in_dim3A_55 = arith.constant 3.000000e+07 : f32
      %broadcast_in_dim3A_56 = vector.broadcast %broadcast_in_dim3A_55 : f32 to vector<256x20xf32>
      %concatenate3A_57 = tpu.concatenate %convert_element_type3A_53, %while3A_32, %broadcast_in_dim3A_56 in 1 : vector<256x640xf32>, vector<256x20xf32>, vector<256x20xf32> -> vector<256x680xf32>
      %slice3A = vector.extract_strided_slice %concatenate3A {offsets = [0, 0], sizes = [256, 340], strides = [1, 1]} : vector<256x680xf32> to vector<256x340xf32>
      %slice3A_58 = vector.extract_strided_slice %concatenate3A {offsets = [0, 340], sizes = [256, 340], strides = [1, 1]} : vector<256x680xf32> to vector<256x340xf32>
      %slice3A_59 = vector.extract_strided_slice %concatenate3A_57 {offsets = [0, 0], sizes = [256, 340], strides = [1, 1]} : vector<256x680xf32> to vector<256x340xf32>
      %slice3A_60 = vector.extract_strided_slice %concatenate3A_57 {offsets = [0, 340], sizes = [256, 340], strides = [1, 1]} : vector<256x680xf32> to vector<256x340xf32>
      %le3A = arith.cmpf ole, %slice3A, %slice3A_58 : vector<256x340xf32>
      %select_n3A_61 = arith.select %le3A, %slice3A, %slice3A_58 : vector<256x340xi1>, vector<256x340xf32>
      %select_n3A_62 = arith.select %le3A, %slice3A_59, %slice3A_60 : vector<256x340xi1>, vector<256x340xf32>
      %select_n3A_63 = arith.select %le3A, %slice3A_58, %slice3A : vector<256x340xi1>, vector<256x340xf32>
      %select_n3A_64 = arith.select %le3A, %slice3A_60, %slice3A_59 : vector<256x340xi1>, vector<256x340xf32>
      %reduce_min3A = arith.constant dense<0x7F800000> : vector<256xf32>
      %reduce_min3A_65 = vector.multi_reduction <minimumf>, %select_n3A_61, %reduce_min3A [1] : vector<256x340xf32> to vector<256xf32>
      %broadcast_in_dim3A_66 = vector.shape_cast %reduce_min3A_65 : vector<256xf32> to vector<256x1xf32>
      %eq3A = vector.broadcast %broadcast_in_dim3A_66 : vector<256x1xf32> to vector<256x340xf32>
      %eq3A_67 = arith.cmpf oeq, %select_n3A_61, %eq3A : vector<256x340xf32>
      %jit3A = arith.constant 3.000000e+07 : f32
      %broadcast_in_dim3A_68 = vector.broadcast %jit3A : f32 to vector<256x340xf32>
      %select_n3A_69 = arith.select %eq3A_67, %select_n3A_62, %broadcast_in_dim3A_68 : vector<256x340xi1>, vector<256x340xf32>
      %reduce_min3A_70 = arith.constant dense<0x7F800000> : vector<256xf32>
      %reduce_min3A_71 = vector.multi_reduction <minimumf>, %select_n3A_69, %reduce_min3A_70 [1] : vector<256x340xf32> to vector<256xf32>
      %broadcast_in_dim3A_72 = vector.shape_cast %reduce_min3A_71 : vector<256xf32> to vector<256x1xf32>
      %eq3A_73 = vector.broadcast %broadcast_in_dim3A_72 : vector<256x1xf32> to vector<256x340xf32>
      %eq3A_74 = arith.cmpf oeq, %select_n3A_62, %eq3A_73 : vector<256x340xf32>
      %select_n3A_75 = arith.select %eq3A_74, %select_n3A_63, %select_n3A_61 : vector<256x340xi1>, vector<256x340xf32>
      %select_n3A_76 = arith.select %eq3A_74, %select_n3A_64, %select_n3A_62 : vector<256x340xi1>, vector<256x340xf32>
      %broadcast_in_dim3A_77 = vector.broadcast %while3A : f32 to vector<256x340xf32>
      %select_n3A_78 = arith.select %eq3A_74, %broadcast_in_dim3A_77, %select_n3A_63 : vector<256x340xi1>, vector<256x340xf32>
      %reduce_min3A_79 = arith.constant dense<0x7F800000> : vector<256xf32>
      %reduce_min3A_80 = vector.multi_reduction <minimumf>, %select_n3A_75, %reduce_min3A_79 [1] : vector<256x340xf32> to vector<256xf32>
      %broadcast_in_dim3A_81 = vector.shape_cast %reduce_min3A_80 : vector<256xf32> to vector<256x1xf32>
      %eq3A_82 = vector.broadcast %broadcast_in_dim3A_81 : vector<256x1xf32> to vector<256x340xf32>
      %eq3A_83 = arith.cmpf oeq, %select_n3A_75, %eq3A_82 : vector<256x340xf32>
      %jit3A_84 = arith.constant 3.000000e+07 : f32
      %broadcast_in_dim3A_85 = vector.broadcast %jit3A_84 : f32 to vector<256x340xf32>
      %select_n3A_86 = arith.select %eq3A_83, %select_n3A_76, %broadcast_in_dim3A_85 : vector<256x340xi1>, vector<256x340xf32>
      %reduce_min3A_87 = arith.constant dense<0x7F800000> : vector<256xf32>
      %reduce_min3A_88 = vector.multi_reduction <minimumf>, %select_n3A_86, %reduce_min3A_87 [1] : vector<256x340xf32> to vector<256xf32>
      %broadcast_in_dim3A_89 = vector.shape_cast %reduce_min3A_88 : vector<256xf32> to vector<256x1xf32>
      %eq3A_90 = vector.broadcast %broadcast_in_dim3A_89 : vector<256x1xf32> to vector<256x340xf32>
      %eq3A_91 = arith.cmpf oeq, %select_n3A_76, %eq3A_90 : vector<256x340xf32>
      %select_n3A_92 = arith.select %eq3A_91, %select_n3A_78, %select_n3A_75 : vector<256x340xi1>, vector<256x340xf32>
      %select_n3A_93 = arith.select %eq3A_91, %select_n3A_64, %select_n3A_76 : vector<256x340xi1>, vector<256x340xf32>
      %broadcast_in_dim3A_94 = vector.broadcast %while3A : f32 to vector<256x340xf32>
      %select_n3A_95 = arith.select %eq3A_91, %broadcast_in_dim3A_94, %select_n3A_78 : vector<256x340xi1>, vector<256x340xf32>
      %reduce_min3A_96 = arith.constant dense<0x7F800000> : vector<256xf32>
      %reduce_min3A_97 = vector.multi_reduction <minimumf>, %select_n3A_92, %reduce_min3A_96 [1] : vector<256x340xf32> to vector<256xf32>
      %broadcast_in_dim3A_98 = vector.shape_cast %reduce_min3A_97 : vector<256xf32> to vector<256x1xf32>
      %eq3A_99 = vector.broadcast %broadcast_in_dim3A_98 : vector<256x1xf32> to vector<256x340xf32>
      %eq3A_100 = arith.cmpf oeq, %select_n3A_92, %eq3A_99 : vector<256x340xf32>
      %jit3A_101 = arith.constant 3.000000e+07 : f32
      %broadcast_in_dim3A_102 = vector.broadcast %jit3A_101 : f32 to vector<256x340xf32>
      %select_n3A_103 = arith.select %eq3A_100, %select_n3A_93, %broadcast_in_dim3A_102 : vector<256x340xi1>, vector<256x340xf32>
      %reduce_min3A_104 = arith.constant dense<0x7F800000> : vector<256xf32>
      %reduce_min3A_105 = vector.multi_reduction <minimumf>, %select_n3A_103, %reduce_min3A_104 [1] : vector<256x340xf32> to vector<256xf32>
      %broadcast_in_dim3A_106 = vector.shape_cast %reduce_min3A_105 : vector<256xf32> to vector<256x1xf32>
      %eq3A_107 = vector.broadcast %broadcast_in_dim3A_106 : vector<256x1xf32> to vector<256x340xf32>
      %eq3A_108 = arith.cmpf oeq, %select_n3A_93, %eq3A_107 : vector<256x340xf32>
      %select_n3A_109 = arith.select %eq3A_108, %select_n3A_95, %select_n3A_92 : vector<256x340xi1>, vector<256x340xf32>
      %select_n3A_110 = arith.select %eq3A_108, %select_n3A_64, %select_n3A_93 : vector<256x340xi1>, vector<256x340xf32>
      %broadcast_in_dim3A_111 = vector.broadcast %while3A : f32 to vector<256x340xf32>
      %select_n3A_112 = arith.select %eq3A_108, %broadcast_in_dim3A_111, %select_n3A_95 : vector<256x340xi1>, vector<256x340xf32>
      %reduce_min3A_113 = arith.constant dense<0x7F800000> : vector<256xf32>
      %reduce_min3A_114 = vector.multi_reduction <minimumf>, %select_n3A_109, %reduce_min3A_113 [1] : vector<256x340xf32> to vector<256xf32>
      %broadcast_in_dim3A_115 = vector.shape_cast %reduce_min3A_114 : vector<256xf32> to vector<256x1xf32>
      %eq3A_116 = vector.broadcast %broadcast_in_dim3A_115 : vector<256x1xf32> to vector<256x340xf32>
      %eq3A_117 = arith.cmpf oeq, %select_n3A_109, %eq3A_116 : vector<256x340xf32>
      %jit3A_118 = arith.constant 3.000000e+07 : f32
      %broadcast_in_dim3A_119 = vector.broadcast %jit3A_118 : f32 to vector<256x340xf32>
      %select_n3A_120 = arith.select %eq3A_117, %select_n3A_110, %broadcast_in_dim3A_119 : vector<256x340xi1>, vector<256x340xf32>
      %reduce_min3A_121 = arith.constant dense<0x7F800000> : vector<256xf32>
      %reduce_min3A_122 = vector.multi_reduction <minimumf>, %select_n3A_120, %reduce_min3A_121 [1] : vector<256x340xf32> to vector<256xf32>
      %broadcast_in_dim3A_123 = vector.shape_cast %reduce_min3A_122 : vector<256xf32> to vector<256x1xf32>
      %eq3A_124 = vector.broadcast %broadcast_in_dim3A_123 : vector<256x1xf32> to vector<256x340xf32>
      %eq3A_125 = arith.cmpf oeq, %select_n3A_110, %eq3A_124 : vector<256x340xf32>
      %select_n3A_126 = arith.select %eq3A_125, %select_n3A_112, %select_n3A_109 : vector<256x340xi1>, vector<256x340xf32>
      %select_n3A_127 = arith.select %eq3A_125, %select_n3A_64, %select_n3A_110 : vector<256x340xi1>, vector<256x340xf32>
      %broadcast_in_dim3A_128 = vector.broadcast %while3A : f32 to vector<256x340xf32>
      %select_n3A_129 = arith.select %eq3A_125, %broadcast_in_dim3A_128, %select_n3A_112 : vector<256x340xi1>, vector<256x340xf32>
      %reduce_min3A_130 = arith.constant dense<0x7F800000> : vector<256xf32>
      %reduce_min3A_131 = vector.multi_reduction <minimumf>, %select_n3A_126, %reduce_min3A_130 [1] : vector<256x340xf32> to vector<256xf32>
      %broadcast_in_dim3A_132 = vector.shape_cast %reduce_min3A_131 : vector<256xf32> to vector<256x1xf32>
      %eq3A_133 = vector.broadcast %broadcast_in_dim3A_132 : vector<256x1xf32> to vector<256x340xf32>
      %eq3A_134 = arith.cmpf oeq, %select_n3A_126, %eq3A_133 : vector<256x340xf32>
      %jit3A_135 = arith.constant 3.000000e+07 : f32
      %broadcast_in_dim3A_136 = vector.broadcast %jit3A_135 : f32 to vector<256x340xf32>
      %select_n3A_137 = arith.select %eq3A_134, %select_n3A_127, %broadcast_in_dim3A_136 : vector<256x340xi1>, vector<256x340xf32>
      %reduce_min3A_138 = arith.constant dense<0x7F800000> : vector<256xf32>
      %reduce_min3A_139 = vector.multi_reduction <minimumf>, %select_n3A_137, %reduce_min3A_138 [1] : vector<256x340xf32> to vector<256xf32>
      %broadcast_in_dim3A_140 = vector.shape_cast %reduce_min3A_139 : vector<256xf32> to vector<256x1xf32>
      %eq3A_141 = vector.broadcast %broadcast_in_dim3A_140 : vector<256x1xf32> to vector<256x340xf32>
      %eq3A_142 = arith.cmpf oeq, %select_n3A_127, %eq3A_141 : vector<256x340xf32>
      %select_n3A_143 = arith.select %eq3A_142, %select_n3A_129, %select_n3A_126 : vector<256x340xi1>, vector<256x340xf32>
      %select_n3A_144 = arith.select %eq3A_142, %select_n3A_64, %select_n3A_127 : vector<256x340xi1>, vector<256x340xf32>
      %broadcast_in_dim3A_145 = vector.broadcast %while3A : f32 to vector<256x340xf32>
      %select_n3A_146 = arith.select %eq3A_142, %broadcast_in_dim3A_145, %select_n3A_129 : vector<256x340xi1>, vector<256x340xf32>
      %reduce_min3A_147 = arith.constant dense<0x7F800000> : vector<256xf32>
      %reduce_min3A_148 = vector.multi_reduction <minimumf>, %select_n3A_143, %reduce_min3A_147 [1] : vector<256x340xf32> to vector<256xf32>
      %broadcast_in_dim3A_149 = vector.shape_cast %reduce_min3A_148 : vector<256xf32> to vector<256x1xf32>
      %eq3A_150 = vector.broadcast %broadcast_in_dim3A_149 : vector<256x1xf32> to vector<256x340xf32>
      %eq3A_151 = arith.cmpf oeq, %select_n3A_143, %eq3A_150 : vector<256x340xf32>
      %jit3A_152 = arith.constant 3.000000e+07 : f32
      %broadcast_in_dim3A_153 = vector.broadcast %jit3A_152 : f32 to vector<256x340xf32>
      %select_n3A_154 = arith.select %eq3A_151, %select_n3A_144, %broadcast_in_dim3A_153 : vector<256x340xi1>, vector<256x340xf32>
      %reduce_min3A_155 = arith.constant dense<0x7F800000> : vector<256xf32>
      %reduce_min3A_156 = vector.multi_reduction <minimumf>, %select_n3A_154, %reduce_min3A_155 [1] : vector<256x340xf32> to vector<256xf32>
      %broadcast_in_dim3A_157 = vector.shape_cast %reduce_min3A_156 : vector<256xf32> to vector<256x1xf32>
      %eq3A_158 = vector.broadcast %broadcast_in_dim3A_157 : vector<256x1xf32> to vector<256x340xf32>
      %eq3A_159 = arith.cmpf oeq, %select_n3A_144, %eq3A_158 : vector<256x340xf32>
      %select_n3A_160 = arith.select %eq3A_159, %select_n3A_146, %select_n3A_143 : vector<256x340xi1>, vector<256x340xf32>
      %select_n3A_161 = arith.select %eq3A_159, %select_n3A_64, %select_n3A_144 : vector<256x340xi1>, vector<256x340xf32>
      %broadcast_in_dim3A_162 = vector.broadcast %while3A : f32 to vector<256x340xf32>
      %select_n3A_163 = arith.select %eq3A_159, %broadcast_in_dim3A_162, %select_n3A_146 : vector<256x340xi1>, vector<256x340xf32>
      %reduce_min3A_164 = arith.constant dense<0x7F800000> : vector<256xf32>
      %reduce_min3A_165 = vector.multi_reduction <minimumf>, %select_n3A_160, %reduce_min3A_164 [1] : vector<256x340xf32> to vector<256xf32>
      %broadcast_in_dim3A_166 = vector.shape_cast %reduce_min3A_165 : vector<256xf32> to vector<256x1xf32>
      %eq3A_167 = vector.broadcast %broadcast_in_dim3A_166 : vector<256x1xf32> to vector<256x340xf32>
      %eq3A_168 = arith.cmpf oeq, %select_n3A_160, %eq3A_167 : vector<256x340xf32>
      %jit3A_169 = arith.constant 3.000000e+07 : f32
      %broadcast_in_dim3A_170 = vector.broadcast %jit3A_169 : f32 to vector<256x340xf32>
      %select_n3A_171 = arith.select %eq3A_168, %select_n3A_161, %broadcast_in_dim3A_170 : vector<256x340xi1>, vector<256x340xf32>
      %reduce_min3A_172 = arith.constant dense<0x7F800000> : vector<256xf32>
      %reduce_min3A_173 = vector.multi_reduction <minimumf>, %select_n3A_171, %reduce_min3A_172 [1] : vector<256x340xf32> to vector<256xf32>
      %broadcast_in_dim3A_174 = vector.shape_cast %reduce_min3A_173 : vector<256xf32> to vector<256x1xf32>
      %eq3A_175 = vector.broadcast %broadcast_in_dim3A_174 : vector<256x1xf32> to vector<256x340xf32>
      %eq3A_176 = arith.cmpf oeq, %select_n3A_161, %eq3A_175 : vector<256x340xf32>
      %select_n3A_177 = arith.select %eq3A_176, %select_n3A_163, %select_n3A_160 : vector<256x340xi1>, vector<256x340xf32>
      %select_n3A_178 = arith.select %eq3A_176, %select_n3A_64, %select_n3A_161 : vector<256x340xi1>, vector<256x340xf32>
      %broadcast_in_dim3A_179 = vector.broadcast %while3A : f32 to vector<256x340xf32>
      %select_n3A_180 = arith.select %eq3A_176, %broadcast_in_dim3A_179, %select_n3A_163 : vector<256x340xi1>, vector<256x340xf32>
      %reduce_min3A_181 = arith.constant dense<0x7F800000> : vector<256xf32>
      %reduce_min3A_182 = vector.multi_reduction <minimumf>, %select_n3A_177, %reduce_min3A_181 [1] : vector<256x340xf32> to vector<256xf32>
      %broadcast_in_dim3A_183 = vector.shape_cast %reduce_min3A_182 : vector<256xf32> to vector<256x1xf32>
      %eq3A_184 = vector.broadcast %broadcast_in_dim3A_183 : vector<256x1xf32> to vector<256x340xf32>
      %eq3A_185 = arith.cmpf oeq, %select_n3A_177, %eq3A_184 : vector<256x340xf32>
      %jit3A_186 = arith.constant 3.000000e+07 : f32
      %broadcast_in_dim3A_187 = vector.broadcast %jit3A_186 : f32 to vector<256x340xf32>
      %select_n3A_188 = arith.select %eq3A_185, %select_n3A_178, %broadcast_in_dim3A_187 : vector<256x340xi1>, vector<256x340xf32>
      %reduce_min3A_189 = arith.constant dense<0x7F800000> : vector<256xf32>
      %reduce_min3A_190 = vector.multi_reduction <minimumf>, %select_n3A_188, %reduce_min3A_189 [1] : vector<256x340xf32> to vector<256xf32>
      %broadcast_in_dim3A_191 = vector.shape_cast %reduce_min3A_190 : vector<256xf32> to vector<256x1xf32>
      %eq3A_192 = vector.broadcast %broadcast_in_dim3A_191 : vector<256x1xf32> to vector<256x340xf32>
      %eq3A_193 = arith.cmpf oeq, %select_n3A_178, %eq3A_192 : vector<256x340xf32>
      %select_n3A_194 = arith.select %eq3A_193, %select_n3A_180, %select_n3A_177 : vector<256x340xi1>, vector<256x340xf32>
      %select_n3A_195 = arith.select %eq3A_193, %select_n3A_64, %select_n3A_178 : vector<256x340xi1>, vector<256x340xf32>
      %broadcast_in_dim3A_196 = vector.broadcast %while3A : f32 to vector<256x340xf32>
      %select_n3A_197 = arith.select %eq3A_193, %broadcast_in_dim3A_196, %select_n3A_180 : vector<256x340xi1>, vector<256x340xf32>
      %reduce_min3A_198 = arith.constant dense<0x7F800000> : vector<256xf32>
      %reduce_min3A_199 = vector.multi_reduction <minimumf>, %select_n3A_194, %reduce_min3A_198 [1] : vector<256x340xf32> to vector<256xf32>
      %broadcast_in_dim3A_200 = vector.shape_cast %reduce_min3A_199 : vector<256xf32> to vector<256x1xf32>
      %eq3A_201 = vector.broadcast %broadcast_in_dim3A_200 : vector<256x1xf32> to vector<256x340xf32>
      %eq3A_202 = arith.cmpf oeq, %select_n3A_194, %eq3A_201 : vector<256x340xf32>
      %jit3A_203 = arith.constant 3.000000e+07 : f32
      %broadcast_in_dim3A_204 = vector.broadcast %jit3A_203 : f32 to vector<256x340xf32>
      %select_n3A_205 = arith.select %eq3A_202, %select_n3A_195, %broadcast_in_dim3A_204 : vector<256x340xi1>, vector<256x340xf32>
      %reduce_min3A_206 = arith.constant dense<0x7F800000> : vector<256xf32>
      %reduce_min3A_207 = vector.multi_reduction <minimumf>, %select_n3A_205, %reduce_min3A_206 [1] : vector<256x340xf32> to vector<256xf32>
      %broadcast_in_dim3A_208 = vector.shape_cast %reduce_min3A_207 : vector<256xf32> to vector<256x1xf32>
      %eq3A_209 = vector.broadcast %broadcast_in_dim3A_208 : vector<256x1xf32> to vector<256x340xf32>
      %eq3A_210 = arith.cmpf oeq, %select_n3A_195, %eq3A_209 : vector<256x340xf32>
      %select_n3A_211 = arith.select %eq3A_210, %select_n3A_197, %select_n3A_194 : vector<256x340xi1>, vector<256x340xf32>
      %select_n3A_212 = arith.select %eq3A_210, %select_n3A_64, %select_n3A_195 : vector<256x340xi1>, vector<256x340xf32>
      %broadcast_in_dim3A_213 = vector.broadcast %while3A : f32 to vector<256x340xf32>
      %select_n3A_214 = arith.select %eq3A_210, %broadcast_in_dim3A_213, %select_n3A_197 : vector<256x340xi1>, vector<256x340xf32>
      %reduce_min3A_215 = arith.constant dense<0x7F800000> : vector<256xf32>
      %reduce_min3A_216 = vector.multi_reduction <minimumf>, %select_n3A_211, %reduce_min3A_215 [1] : vector<256x340xf32> to vector<256xf32>
      %broadcast_in_dim3A_217 = vector.shape_cast %reduce_min3A_216 : vector<256xf32> to vector<256x1xf32>
      %eq3A_218 = vector.broadcast %broadcast_in_dim3A_217 : vector<256x1xf32> to vector<256x340xf32>
      %eq3A_219 = arith.cmpf oeq, %select_n3A_211, %eq3A_218 : vector<256x340xf32>
      %jit3A_220 = arith.constant 3.000000e+07 : f32
      %broadcast_in_dim3A_221 = vector.broadcast %jit3A_220 : f32 to vector<256x340xf32>
      %select_n3A_222 = arith.select %eq3A_219, %select_n3A_212, %broadcast_in_dim3A_221 : vector<256x340xi1>, vector<256x340xf32>
      %reduce_min3A_223 = arith.constant dense<0x7F800000> : vector<256xf32>
      %reduce_min3A_224 = vector.multi_reduction <minimumf>, %select_n3A_222, %reduce_min3A_223 [1] : vector<256x340xf32> to vector<256xf32>
      %broadcast_in_dim3A_225 = vector.shape_cast %reduce_min3A_224 : vector<256xf32> to vector<256x1xf32>
      %eq3A_226 = vector.broadcast %broadcast_in_dim3A_225 : vector<256x1xf32> to vector<256x340xf32>
      %eq3A_227 = arith.cmpf oeq, %select_n3A_212, %eq3A_226 : vector<256x340xf32>
      %select_n3A_228 = arith.select %eq3A_227, %select_n3A_214, %select_n3A_211 : vector<256x340xi1>, vector<256x340xf32>
      %select_n3A_229 = arith.select %eq3A_227, %select_n3A_64, %select_n3A_212 : vector<256x340xi1>, vector<256x340xf32>
      %broadcast_in_dim3A_230 = vector.broadcast %while3A : f32 to vector<256x340xf32>
      %select_n3A_231 = arith.select %eq3A_227, %broadcast_in_dim3A_230, %select_n3A_214 : vector<256x340xi1>, vector<256x340xf32>
      %reduce_min3A_232 = arith.constant dense<0x7F800000> : vector<256xf32>
      %reduce_min3A_233 = vector.multi_reduction <minimumf>, %select_n3A_228, %reduce_min3A_232 [1] : vector<256x340xf32> to vector<256xf32>
      %broadcast_in_dim3A_234 = vector.shape_cast %reduce_min3A_233 : vector<256xf32> to vector<256x1xf32>
      %eq3A_235 = vector.broadcast %broadcast_in_dim3A_234 : vector<256x1xf32> to vector<256x340xf32>
      %eq3A_236 = arith.cmpf oeq, %select_n3A_228, %eq3A_235 : vector<256x340xf32>
      %jit3A_237 = arith.constant 3.000000e+07 : f32
      %broadcast_in_dim3A_238 = vector.broadcast %jit3A_237 : f32 to vector<256x340xf32>
      %select_n3A_239 = arith.select %eq3A_236, %select_n3A_229, %broadcast_in_dim3A_238 : vector<256x340xi1>, vector<256x340xf32>
      %reduce_min3A_240 = arith.constant dense<0x7F800000> : vector<256xf32>
      %reduce_min3A_241 = vector.multi_reduction <minimumf>, %select_n3A_239, %reduce_min3A_240 [1] : vector<256x340xf32> to vector<256xf32>
      %broadcast_in_dim3A_242 = vector.shape_cast %reduce_min3A_241 : vector<256xf32> to vector<256x1xf32>
      %eq3A_243 = vector.broadcast %broadcast_in_dim3A_242 : vector<256x1xf32> to vector<256x340xf32>
      %eq3A_244 = arith.cmpf oeq, %select_n3A_229, %eq3A_243 : vector<256x340xf32>
      %select_n3A_245 = arith.select %eq3A_244, %select_n3A_231, %select_n3A_228 : vector<256x340xi1>, vector<256x340xf32>
      %select_n3A_246 = arith.select %eq3A_244, %select_n3A_64, %select_n3A_229 : vector<256x340xi1>, vector<256x340xf32>
      %broadcast_in_dim3A_247 = vector.broadcast %while3A : f32 to vector<256x340xf32>
      %select_n3A_248 = arith.select %eq3A_244, %broadcast_in_dim3A_247, %select_n3A_231 : vector<256x340xi1>, vector<256x340xf32>
      %reduce_min3A_249 = arith.constant dense<0x7F800000> : vector<256xf32>
      %reduce_min3A_250 = vector.multi_reduction <minimumf>, %select_n3A_245, %reduce_min3A_249 [1] : vector<256x340xf32> to vector<256xf32>
      %broadcast_in_dim3A_251 = vector.shape_cast %reduce_min3A_250 : vector<256xf32> to vector<256x1xf32>
      %eq3A_252 = vector.broadcast %broadcast_in_dim3A_251 : vector<256x1xf32> to vector<256x340xf32>
      %eq3A_253 = arith.cmpf oeq, %select_n3A_245, %eq3A_252 : vector<256x340xf32>
      %jit3A_254 = arith.constant 3.000000e+07 : f32
      %broadcast_in_dim3A_255 = vector.broadcast %jit3A_254 : f32 to vector<256x340xf32>
      %select_n3A_256 = arith.select %eq3A_253, %select_n3A_246, %broadcast_in_dim3A_255 : vector<256x340xi1>, vector<256x340xf32>
      %reduce_min3A_257 = arith.constant dense<0x7F800000> : vector<256xf32>
      %reduce_min3A_258 = vector.multi_reduction <minimumf>, %select_n3A_256, %reduce_min3A_257 [1] : vector<256x340xf32> to vector<256xf32>
      %broadcast_in_dim3A_259 = vector.shape_cast %reduce_min3A_258 : vector<256xf32> to vector<256x1xf32>
      %eq3A_260 = vector.broadcast %broadcast_in_dim3A_259 : vector<256x1xf32> to vector<256x340xf32>
      %eq3A_261 = arith.cmpf oeq, %select_n3A_246, %eq3A_260 : vector<256x340xf32>
      %select_n3A_262 = arith.select %eq3A_261, %select_n3A_248, %select_n3A_245 : vector<256x340xi1>, vector<256x340xf32>
      %select_n3A_263 = arith.select %eq3A_261, %select_n3A_64, %select_n3A_246 : vector<256x340xi1>, vector<256x340xf32>
      %broadcast_in_dim3A_264 = vector.broadcast %while3A : f32 to vector<256x340xf32>
      %select_n3A_265 = arith.select %eq3A_261, %broadcast_in_dim3A_264, %select_n3A_248 : vector<256x340xi1>, vector<256x340xf32>
      %reduce_min3A_266 = arith.constant dense<0x7F800000> : vector<256xf32>
      %reduce_min3A_267 = vector.multi_reduction <minimumf>, %select_n3A_262, %reduce_min3A_266 [1] : vector<256x340xf32> to vector<256xf32>
      %broadcast_in_dim3A_268 = vector.shape_cast %reduce_min3A_267 : vector<256xf32> to vector<256x1xf32>
      %eq3A_269 = vector.broadcast %broadcast_in_dim3A_268 : vector<256x1xf32> to vector<256x340xf32>
      %eq3A_270 = arith.cmpf oeq, %select_n3A_262, %eq3A_269 : vector<256x340xf32>
      %jit3A_271 = arith.constant 3.000000e+07 : f32
      %broadcast_in_dim3A_272 = vector.broadcast %jit3A_271 : f32 to vector<256x340xf32>
      %select_n3A_273 = arith.select %eq3A_270, %select_n3A_263, %broadcast_in_dim3A_272 : vector<256x340xi1>, vector<256x340xf32>
      %reduce_min3A_274 = arith.constant dense<0x7F800000> : vector<256xf32>
      %reduce_min3A_275 = vector.multi_reduction <minimumf>, %select_n3A_273, %reduce_min3A_274 [1] : vector<256x340xf32> to vector<256xf32>
      %broadcast_in_dim3A_276 = vector.shape_cast %reduce_min3A_275 : vector<256xf32> to vector<256x1xf32>
      %eq3A_277 = vector.broadcast %broadcast_in_dim3A_276 : vector<256x1xf32> to vector<256x340xf32>
      %eq3A_278 = arith.cmpf oeq, %select_n3A_263, %eq3A_277 : vector<256x340xf32>
      %select_n3A_279 = arith.select %eq3A_278, %select_n3A_265, %select_n3A_262 : vector<256x340xi1>, vector<256x340xf32>
      %select_n3A_280 = arith.select %eq3A_278, %select_n3A_64, %select_n3A_263 : vector<256x340xi1>, vector<256x340xf32>
      %broadcast_in_dim3A_281 = vector.broadcast %while3A : f32 to vector<256x340xf32>
      %select_n3A_282 = arith.select %eq3A_278, %broadcast_in_dim3A_281, %select_n3A_265 : vector<256x340xi1>, vector<256x340xf32>
      %reduce_min3A_283 = arith.constant dense<0x7F800000> : vector<256xf32>
      %reduce_min3A_284 = vector.multi_reduction <minimumf>, %select_n3A_279, %reduce_min3A_283 [1] : vector<256x340xf32> to vector<256xf32>
      %broadcast_in_dim3A_285 = vector.shape_cast %reduce_min3A_284 : vector<256xf32> to vector<256x1xf32>
      %eq3A_286 = vector.broadcast %broadcast_in_dim3A_285 : vector<256x1xf32> to vector<256x340xf32>
      %eq3A_287 = arith.cmpf oeq, %select_n3A_279, %eq3A_286 : vector<256x340xf32>
      %jit3A_288 = arith.constant 3.000000e+07 : f32
      %broadcast_in_dim3A_289 = vector.broadcast %jit3A_288 : f32 to vector<256x340xf32>
      %select_n3A_290 = arith.select %eq3A_287, %select_n3A_280, %broadcast_in_dim3A_289 : vector<256x340xi1>, vector<256x340xf32>
      %reduce_min3A_291 = arith.constant dense<0x7F800000> : vector<256xf32>
      %reduce_min3A_292 = vector.multi_reduction <minimumf>, %select_n3A_290, %reduce_min3A_291 [1] : vector<256x340xf32> to vector<256xf32>
      %broadcast_in_dim3A_293 = vector.shape_cast %reduce_min3A_292 : vector<256xf32> to vector<256x1xf32>
      %eq3A_294 = vector.broadcast %broadcast_in_dim3A_293 : vector<256x1xf32> to vector<256x340xf32>
      %eq3A_295 = arith.cmpf oeq, %select_n3A_280, %eq3A_294 : vector<256x340xf32>
      %select_n3A_296 = arith.select %eq3A_295, %select_n3A_282, %select_n3A_279 : vector<256x340xi1>, vector<256x340xf32>
      %select_n3A_297 = arith.select %eq3A_295, %select_n3A_64, %select_n3A_280 : vector<256x340xi1>, vector<256x340xf32>
      %broadcast_in_dim3A_298 = vector.broadcast %while3A : f32 to vector<256x340xf32>
      %select_n3A_299 = arith.select %eq3A_295, %broadcast_in_dim3A_298, %select_n3A_282 : vector<256x340xi1>, vector<256x340xf32>
      %reduce_min3A_300 = arith.constant dense<0x7F800000> : vector<256xf32>
      %reduce_min3A_301 = vector.multi_reduction <minimumf>, %select_n3A_296, %reduce_min3A_300 [1] : vector<256x340xf32> to vector<256xf32>
      %broadcast_in_dim3A_302 = vector.shape_cast %reduce_min3A_301 : vector<256xf32> to vector<256x1xf32>
      %eq3A_303 = vector.broadcast %broadcast_in_dim3A_302 : vector<256x1xf32> to vector<256x340xf32>
      %eq3A_304 = arith.cmpf oeq, %select_n3A_296, %eq3A_303 : vector<256x340xf32>
      %jit3A_305 = arith.constant 3.000000e+07 : f32
      %broadcast_in_dim3A_306 = vector.broadcast %jit3A_305 : f32 to vector<256x340xf32>
      %select_n3A_307 = arith.select %eq3A_304, %select_n3A_297, %broadcast_in_dim3A_306 : vector<256x340xi1>, vector<256x340xf32>
      %reduce_min3A_308 = arith.constant dense<0x7F800000> : vector<256xf32>
      %reduce_min3A_309 = vector.multi_reduction <minimumf>, %select_n3A_307, %reduce_min3A_308 [1] : vector<256x340xf32> to vector<256xf32>
      %broadcast_in_dim3A_310 = vector.shape_cast %reduce_min3A_309 : vector<256xf32> to vector<256x1xf32>
      %eq3A_311 = vector.broadcast %broadcast_in_dim3A_310 : vector<256x1xf32> to vector<256x340xf32>
      %eq3A_312 = arith.cmpf oeq, %select_n3A_297, %eq3A_311 : vector<256x340xf32>
      %select_n3A_313 = arith.select %eq3A_312, %select_n3A_299, %select_n3A_296 : vector<256x340xi1>, vector<256x340xf32>
      %select_n3A_314 = arith.select %eq3A_312, %select_n3A_64, %select_n3A_297 : vector<256x340xi1>, vector<256x340xf32>
      %broadcast_in_dim3A_315 = vector.broadcast %while3A : f32 to vector<256x340xf32>
      %select_n3A_316 = arith.select %eq3A_312, %broadcast_in_dim3A_315, %select_n3A_299 : vector<256x340xi1>, vector<256x340xf32>
      %reduce_min3A_317 = arith.constant dense<0x7F800000> : vector<256xf32>
      %reduce_min3A_318 = vector.multi_reduction <minimumf>, %select_n3A_313, %reduce_min3A_317 [1] : vector<256x340xf32> to vector<256xf32>
      %broadcast_in_dim3A_319 = vector.shape_cast %reduce_min3A_318 : vector<256xf32> to vector<256x1xf32>
      %eq3A_320 = vector.broadcast %broadcast_in_dim3A_319 : vector<256x1xf32> to vector<256x340xf32>
      %eq3A_321 = arith.cmpf oeq, %select_n3A_313, %eq3A_320 : vector<256x340xf32>
      %jit3A_322 = arith.constant 3.000000e+07 : f32
      %broadcast_in_dim3A_323 = vector.broadcast %jit3A_322 : f32 to vector<256x340xf32>
      %select_n3A_324 = arith.select %eq3A_321, %select_n3A_314, %broadcast_in_dim3A_323 : vector<256x340xi1>, vector<256x340xf32>
      %reduce_min3A_325 = arith.constant dense<0x7F800000> : vector<256xf32>
      %reduce_min3A_326 = vector.multi_reduction <minimumf>, %select_n3A_324, %reduce_min3A_325 [1] : vector<256x340xf32> to vector<256xf32>
      %broadcast_in_dim3A_327 = vector.shape_cast %reduce_min3A_326 : vector<256xf32> to vector<256x1xf32>
      %eq3A_328 = vector.broadcast %broadcast_in_dim3A_327 : vector<256x1xf32> to vector<256x340xf32>
      %eq3A_329 = arith.cmpf oeq, %select_n3A_314, %eq3A_328 : vector<256x340xf32>
      %select_n3A_330 = arith.select %eq3A_329, %select_n3A_316, %select_n3A_313 : vector<256x340xi1>, vector<256x340xf32>
      %select_n3A_331 = arith.select %eq3A_329, %select_n3A_64, %select_n3A_314 : vector<256x340xi1>, vector<256x340xf32>
      %broadcast_in_dim3A_332 = vector.broadcast %while3A : f32 to vector<256x340xf32>
      %select_n3A_333 = arith.select %eq3A_329, %broadcast_in_dim3A_332, %select_n3A_316 : vector<256x340xi1>, vector<256x340xf32>
      %reduce_min3A_334 = arith.constant dense<0x7F800000> : vector<256xf32>
      %reduce_min3A_335 = vector.multi_reduction <minimumf>, %select_n3A_330, %reduce_min3A_334 [1] : vector<256x340xf32> to vector<256xf32>
      %broadcast_in_dim3A_336 = vector.shape_cast %reduce_min3A_335 : vector<256xf32> to vector<256x1xf32>
      %eq3A_337 = vector.broadcast %broadcast_in_dim3A_336 : vector<256x1xf32> to vector<256x340xf32>
      %eq3A_338 = arith.cmpf oeq, %select_n3A_330, %eq3A_337 : vector<256x340xf32>
      %jit3A_339 = arith.constant 3.000000e+07 : f32
      %broadcast_in_dim3A_340 = vector.broadcast %jit3A_339 : f32 to vector<256x340xf32>
      %select_n3A_341 = arith.select %eq3A_338, %select_n3A_331, %broadcast_in_dim3A_340 : vector<256x340xi1>, vector<256x340xf32>
      %reduce_min3A_342 = arith.constant dense<0x7F800000> : vector<256xf32>
      %reduce_min3A_343 = vector.multi_reduction <minimumf>, %select_n3A_341, %reduce_min3A_342 [1] : vector<256x340xf32> to vector<256xf32>
      %broadcast_in_dim3A_344 = vector.shape_cast %reduce_min3A_343 : vector<256xf32> to vector<256x1xf32>
      %eq3A_345 = vector.broadcast %broadcast_in_dim3A_344 : vector<256x1xf32> to vector<256x340xf32>
      %eq3A_346 = arith.cmpf oeq, %select_n3A_331, %eq3A_345 : vector<256x340xf32>
      %select_n3A_347 = arith.select %eq3A_346, %select_n3A_333, %select_n3A_330 : vector<256x340xi1>, vector<256x340xf32>
      %select_n3A_348 = arith.select %eq3A_346, %select_n3A_64, %select_n3A_331 : vector<256x340xi1>, vector<256x340xf32>
      %broadcast_in_dim3A_349 = vector.broadcast %while3A : f32 to vector<256x340xf32>
      %select_n3A_350 = arith.select %eq3A_346, %broadcast_in_dim3A_349, %select_n3A_333 : vector<256x340xi1>, vector<256x340xf32>
      %reduce_min3A_351 = arith.constant dense<0x7F800000> : vector<256xf32>
      %reduce_min3A_352 = vector.multi_reduction <minimumf>, %select_n3A_347, %reduce_min3A_351 [1] : vector<256x340xf32> to vector<256xf32>
      %broadcast_in_dim3A_353 = vector.shape_cast %reduce_min3A_352 : vector<256xf32> to vector<256x1xf32>
      %eq3A_354 = vector.broadcast %broadcast_in_dim3A_353 : vector<256x1xf32> to vector<256x340xf32>
      %eq3A_355 = arith.cmpf oeq, %select_n3A_347, %eq3A_354 : vector<256x340xf32>
      %jit3A_356 = arith.constant 3.000000e+07 : f32
      %broadcast_in_dim3A_357 = vector.broadcast %jit3A_356 : f32 to vector<256x340xf32>
      %select_n3A_358 = arith.select %eq3A_355, %select_n3A_348, %broadcast_in_dim3A_357 : vector<256x340xi1>, vector<256x340xf32>
      %reduce_min3A_359 = arith.constant dense<0x7F800000> : vector<256xf32>
      %reduce_min3A_360 = vector.multi_reduction <minimumf>, %select_n3A_358, %reduce_min3A_359 [1] : vector<256x340xf32> to vector<256xf32>
      %broadcast_in_dim3A_361 = vector.shape_cast %reduce_min3A_360 : vector<256xf32> to vector<256x1xf32>
      %eq3A_362 = vector.broadcast %broadcast_in_dim3A_361 : vector<256x1xf32> to vector<256x340xf32>
      %eq3A_363 = arith.cmpf oeq, %select_n3A_348, %eq3A_362 : vector<256x340xf32>
      %select_n3A_364 = arith.select %eq3A_363, %select_n3A_350, %select_n3A_347 : vector<256x340xi1>, vector<256x340xf32>
      %select_n3A_365 = arith.select %eq3A_363, %select_n3A_64, %select_n3A_348 : vector<256x340xi1>, vector<256x340xf32>
      %broadcast_in_dim3A_366 = vector.broadcast %while3A : f32 to vector<256x340xf32>
      %select_n3A_367 = arith.select %eq3A_363, %broadcast_in_dim3A_366, %select_n3A_350 : vector<256x340xi1>, vector<256x340xf32>
      %reduce_min3A_368 = arith.constant dense<0x7F800000> : vector<256xf32>
      %reduce_min3A_369 = vector.multi_reduction <minimumf>, %select_n3A_364, %reduce_min3A_368 [1] : vector<256x340xf32> to vector<256xf32>
      %broadcast_in_dim3A_370 = vector.shape_cast %reduce_min3A_369 : vector<256xf32> to vector<256x1xf32>
      %eq3A_371 = vector.broadcast %broadcast_in_dim3A_370 : vector<256x1xf32> to vector<256x340xf32>
      %eq3A_372 = arith.cmpf oeq, %select_n3A_364, %eq3A_371 : vector<256x340xf32>
      %jit3A_373 = arith.constant 3.000000e+07 : f32
      %broadcast_in_dim3A_374 = vector.broadcast %jit3A_373 : f32 to vector<256x340xf32>
      %select_n3A_375 = arith.select %eq3A_372, %select_n3A_365, %broadcast_in_dim3A_374 : vector<256x340xi1>, vector<256x340xf32>
      %reduce_min3A_376 = arith.constant dense<0x7F800000> : vector<256xf32>
      %reduce_min3A_377 = vector.multi_reduction <minimumf>, %select_n3A_375, %reduce_min3A_376 [1] : vector<256x340xf32> to vector<256xf32>
      %broadcast_in_dim3A_378 = vector.shape_cast %reduce_min3A_377 : vector<256xf32> to vector<256x1xf32>
      %eq3A_379 = vector.broadcast %broadcast_in_dim3A_378 : vector<256x1xf32> to vector<256x340xf32>
      %eq3A_380 = arith.cmpf oeq, %select_n3A_365, %eq3A_379 : vector<256x340xf32>
      %select_n3A_381 = arith.select %eq3A_380, %select_n3A_367, %select_n3A_364 : vector<256x340xi1>, vector<256x340xf32>
      %select_n3A_382 = arith.select %eq3A_380, %select_n3A_64, %select_n3A_365 : vector<256x340xi1>, vector<256x340xf32>
      %broadcast_in_dim3A_383 = vector.broadcast %while3A : f32 to vector<256x340xf32>
      %select_n3A_384 = arith.select %eq3A_380, %broadcast_in_dim3A_383, %select_n3A_367 : vector<256x340xi1>, vector<256x340xf32>
      %reduce_min3A_385 = arith.constant dense<0x7F800000> : vector<256xf32>
      %reduce_min3A_386 = vector.multi_reduction <minimumf>, %select_n3A_381, %reduce_min3A_385 [1] : vector<256x340xf32> to vector<256xf32>
      %broadcast_in_dim3A_387 = vector.shape_cast %reduce_min3A_386 : vector<256xf32> to vector<256x1xf32>
      %eq3A_388 = vector.broadcast %broadcast_in_dim3A_387 : vector<256x1xf32> to vector<256x340xf32>
      %eq3A_389 = arith.cmpf oeq, %select_n3A_381, %eq3A_388 : vector<256x340xf32>
      %jit3A_390 = arith.constant 3.000000e+07 : f32
      %broadcast_in_dim3A_391 = vector.broadcast %jit3A_390 : f32 to vector<256x340xf32>
      %select_n3A_392 = arith.select %eq3A_389, %select_n3A_382, %broadcast_in_dim3A_391 : vector<256x340xi1>, vector<256x340xf32>
      %reduce_min3A_393 = arith.constant dense<0x7F800000> : vector<256xf32>
      %reduce_min3A_394 = vector.multi_reduction <minimumf>, %select_n3A_392, %reduce_min3A_393 [1] : vector<256x340xf32> to vector<256xf32>
      %broadcast_in_dim3A_395 = vector.shape_cast %reduce_min3A_394 : vector<256xf32> to vector<256x1xf32>
      %eq3A_396 = vector.broadcast %broadcast_in_dim3A_395 : vector<256x1xf32> to vector<256x340xf32>
      %eq3A_397 = arith.cmpf oeq, %select_n3A_382, %eq3A_396 : vector<256x340xf32>
      %select_n3A_398 = arith.select %eq3A_397, %select_n3A_384, %select_n3A_381 : vector<256x340xi1>, vector<256x340xf32>
      %select_n3A_399 = arith.select %eq3A_397, %select_n3A_64, %select_n3A_382 : vector<256x340xi1>, vector<256x340xf32>
      %broadcast_in_dim3A_400 = vector.broadcast %while3A : f32 to vector<256x340xf32>
      %select_n3A_401 = arith.select %eq3A_397, %broadcast_in_dim3A_400, %select_n3A_384 : vector<256x340xi1>, vector<256x340xf32>
      %concatenate3A_402 = tpu.concatenate %broadcast_in_dim3A_66, %broadcast_in_dim3A_81, %broadcast_in_dim3A_98, %broadcast_in_dim3A_115, %broadcast_in_dim3A_132, %broadcast_in_dim3A_149, %broadcast_in_dim3A_166, %broadcast_in_dim3A_183, %broadcast_in_dim3A_200, %broadcast_in_dim3A_217, %broadcast_in_dim3A_234, %broadcast_in_dim3A_251, %broadcast_in_dim3A_268, %broadcast_in_dim3A_285, %broadcast_in_dim3A_302, %broadcast_in_dim3A_319, %broadcast_in_dim3A_336, %broadcast_in_dim3A_353, %broadcast_in_dim3A_370, %broadcast_in_dim3A_387 in 1 : vector<256x1xf32>, vector<256x1xf32>, vector<256x1xf32>, vector<256x1xf32>, vector<256x1xf32>, vector<256x1xf32>, vector<256x1xf32>, vector<256x1xf32>, vector<256x1xf32>, vector<256x1xf32>, vector<256x1xf32>, vector<256x1xf32>, vector<256x1xf32>, vector<256x1xf32>, vector<256x1xf32>, vector<256x1xf32>, vector<256x1xf32>, vector<256x1xf32>, vector<256x1xf32>, vector<256x1xf32> -> vector<256x20xf32>
      %concatenate3A_403 = tpu.concatenate %broadcast_in_dim3A_72, %broadcast_in_dim3A_89, %broadcast_in_dim3A_106, %broadcast_in_dim3A_123, %broadcast_in_dim3A_140, %broadcast_in_dim3A_157, %broadcast_in_dim3A_174, %broadcast_in_dim3A_191, %broadcast_in_dim3A_208, %broadcast_in_dim3A_225, %broadcast_in_dim3A_242, %broadcast_in_dim3A_259, %broadcast_in_dim3A_276, %broadcast_in_dim3A_293, %broadcast_in_dim3A_310, %broadcast_in_dim3A_327, %broadcast_in_dim3A_344, %broadcast_in_dim3A_361, %broadcast_in_dim3A_378, %broadcast_in_dim3A_395 in 1 : vector<256x1xf32>, vector<256x1xf32>, vector<256x1xf32>, vector<256x1xf32>, vector<256x1xf32>, vector<256x1xf32>, vector<256x1xf32>, vector<256x1xf32>, vector<256x1xf32>, vector<256x1xf32>, vector<256x1xf32>, vector<256x1xf32>, vector<256x1xf32>, vector<256x1xf32>, vector<256x1xf32>, vector<256x1xf32>, vector<256x1xf32>, vector<256x1xf32>, vector<256x1xf32>, vector<256x1xf32> -> vector<256x20xf32>
      scf.yield %concatenate3A_402, %concatenate3A_403 : vector<256x20xf32>, vector<256x20xf32>
    }
    %while3A_25 = arith.constant 1 : i32
    %while3A_26:2 = scf.for %while3A_30 = %while3A_22 to %while3A_18 step %while3A_25 iter_args(%while3A_31 = %while3A_24#0, %while3A_32 = %while3A_24#1) -> (vector<256x20xf32>, vector<256x20xf32>)  : i32 {
      %mul3A = arith.constant 640 : i32
      %mul3A_33 = arith.muli %while3A_30, %mul3A : i32
      %add3A = arith.addi %get3A_12, %mul3A_33 : i32
      %multiple_of3A = tpu.assume_multiple %add3A, 128 : i32
      %get3A_34 = arith.index_cast %multiple_of3A : i32 to index
      %get3A_35 = arith.constant 0 : index
      %get3A_36 = vector.load %arg7[%get3A_34, %get3A_35] : memref<8832x64xf32, #tpu.memory_space<vmem>>, vector<640x64xf32>
      %get3A_37 = arith.constant 0 : index
      %get3A_38 = arith.index_cast %multiple_of3A : i32 to index
      %get3A_39 = vector.load %arg8[%get3A_37, %get3A_38] : memref<1x8832xf32, #tpu.memory_space<vmem>>, vector<1x640xf32>
      %dot_general3A = arith.constant dense<0.000000e+00> : vector<256x640xf32>
      %dot_general3A_40 = tpu.matmul %get3A_1, %get3A_36, %dot_general3A {dimension_numbers = #tpu.dot_dimension_numbers<[1], [1], [0], [0], [0, 0, 1, 0], [], []>, transpose_lhs_hint = false} : vector<256x64xf32>, vector<640x64xf32>, vector<256x640xf32> -> vector<256x640xf32>
      %add3A_41 = vector.broadcast %get3A_4 : vector<256x1xf32> to vector<256x640xf32>
      %add3A_42 = vector.broadcast %get3A_39 : vector<1x640xf32> to vector<256x640xf32>
      %add3A_43 = arith.addf %add3A_41, %add3A_42 : vector<256x640xf32>
      %mul3A_44 = arith.constant 2.000000e+00 : f32
      %mul3A_45 = vector.broadcast %mul3A_44 : f32 to vector<256x640xf32>
      %mul3A_46 = arith.mulf %mul3A_45, %dot_general3A_40 : vector<256x640xf32>
      %sub3A = arith.subf %add3A_43, %mul3A_46 : vector<256x640xf32>
      %iota3A_47 = tpu.iota {dimensions = array<i32: 1>} : vector<256x640xi32>
      %add3A_48 = vector.broadcast %multiple_of3A : i32 to vector<256x640xi32>
      %add3A_49 = arith.addi %iota3A_47, %add3A_48 : vector<256x640xi32>
      %ge3A = vector.broadcast %get3A_7 : vector<256x1xi32> to vector<256x640xi32>
      %ge3A_50 = arith.cmpi sge, %add3A_49, %ge3A : vector<256x640xi32>
      %lt3A = vector.broadcast %get3A_10 : vector<256x1xi32> to vector<256x640xi32>
      %lt3A_51 = arith.cmpi slt, %add3A_49, %lt3A : vector<256x640xi32>
      %and3A = arith.andi %ge3A_50, %lt3A_51 : vector<256x640xi1>
      %broadcast_in_dim3A_52 = vector.broadcast %while3A : f32 to vector<256x640xf32>
      %select_n3A = arith.select %and3A, %sub3A, %broadcast_in_dim3A_52 : vector<256x640xi1>, vector<256x640xf32>
      %convert_element_type3A_53 = arith.sitofp %add3A_49 : vector<256x640xi32> to vector<256x640xf32>
      %broadcast_in_dim3A_54 = vector.broadcast %while3A : f32 to vector<256x20xf32>
      %concatenate3A = tpu.concatenate %select_n3A, %while3A_31, %broadcast_in_dim3A_54 in 1 : vector<256x640xf32>, vector<256x20xf32>, vector<256x20xf32> -> vector<256x680xf32>
      %broadcast_in_dim3A_55 = arith.constant 3.000000e+07 : f32
      %broadcast_in_dim3A_56 = vector.broadcast %broadcast_in_dim3A_55 : f32 to vector<256x20xf32>
      %concatenate3A_57 = tpu.concatenate %convert_element_type3A_53, %while3A_32, %broadcast_in_dim3A_56 in 1 : vector<256x640xf32>, vector<256x20xf32>, vector<256x20xf32> -> vector<256x680xf32>
      %slice3A = vector.extract_strided_slice %concatenate3A {offsets = [0, 0], sizes = [256, 340], strides = [1, 1]} : vector<256x680xf32> to vector<256x340xf32>
      %slice3A_58 = vector.extract_strided_slice %concatenate3A {offsets = [0, 340], sizes = [256, 340], strides = [1, 1]} : vector<256x680xf32> to vector<256x340xf32>
      %slice3A_59 = vector.extract_strided_slice %concatenate3A_57 {offsets = [0, 0], sizes = [256, 340], strides = [1, 1]} : vector<256x680xf32> to vector<256x340xf32>
      %slice3A_60 = vector.extract_strided_slice %concatenate3A_57 {offsets = [0, 340], sizes = [256, 340], strides = [1, 1]} : vector<256x680xf32> to vector<256x340xf32>
      %le3A = arith.cmpf ole, %slice3A, %slice3A_58 : vector<256x340xf32>
      %select_n3A_61 = arith.select %le3A, %slice3A, %slice3A_58 : vector<256x340xi1>, vector<256x340xf32>
      %select_n3A_62 = arith.select %le3A, %slice3A_59, %slice3A_60 : vector<256x340xi1>, vector<256x340xf32>
      %select_n3A_63 = arith.select %le3A, %slice3A_58, %slice3A : vector<256x340xi1>, vector<256x340xf32>
      %select_n3A_64 = arith.select %le3A, %slice3A_60, %slice3A_59 : vector<256x340xi1>, vector<256x340xf32>
      %reduce_min3A = arith.constant dense<0x7F800000> : vector<256xf32>
      %reduce_min3A_65 = vector.multi_reduction <minimumf>, %select_n3A_61, %reduce_min3A [1] : vector<256x340xf32> to vector<256xf32>
      %broadcast_in_dim3A_66 = vector.shape_cast %reduce_min3A_65 : vector<256xf32> to vector<256x1xf32>
      %eq3A = vector.broadcast %broadcast_in_dim3A_66 : vector<256x1xf32> to vector<256x340xf32>
      %eq3A_67 = arith.cmpf oeq, %select_n3A_61, %eq3A : vector<256x340xf32>
      %jit3A = arith.constant 3.000000e+07 : f32
      %broadcast_in_dim3A_68 = vector.broadcast %jit3A : f32 to vector<256x340xf32>
      %select_n3A_69 = arith.select %eq3A_67, %select_n3A_62, %broadcast_in_dim3A_68 : vector<256x340xi1>, vector<256x340xf32>
      %reduce_min3A_70 = arith.constant dense<0x7F800000> : vector<256xf32>
      %reduce_min3A_71 = vector.multi_reduction <minimumf>, %select_n3A_69, %reduce_min3A_70 [1] : vector<256x340xf32> to vector<256xf32>
      %broadcast_in_dim3A_72 = vector.shape_cast %reduce_min3A_71 : vector<256xf32> to vector<256x1xf32>
      %eq3A_73 = vector.broadcast %broadcast_in_dim3A_72 : vector<256x1xf32> to vector<256x340xf32>
      %eq3A_74 = arith.cmpf oeq, %select_n3A_62, %eq3A_73 : vector<256x340xf32>
      %select_n3A_75 = arith.select %eq3A_74, %select_n3A_63, %select_n3A_61 : vector<256x340xi1>, vector<256x340xf32>
      %select_n3A_76 = arith.select %eq3A_74, %select_n3A_64, %select_n3A_62 : vector<256x340xi1>, vector<256x340xf32>
      %broadcast_in_dim3A_77 = vector.broadcast %while3A : f32 to vector<256x340xf32>
      %select_n3A_78 = arith.select %eq3A_74, %broadcast_in_dim3A_77, %select_n3A_63 : vector<256x340xi1>, vector<256x340xf32>
      %reduce_min3A_79 = arith.constant dense<0x7F800000> : vector<256xf32>
      %reduce_min3A_80 = vector.multi_reduction <minimumf>, %select_n3A_75, %reduce_min3A_79 [1] : vector<256x340xf32> to vector<256xf32>
      %broadcast_in_dim3A_81 = vector.shape_cast %reduce_min3A_80 : vector<256xf32> to vector<256x1xf32>
      %eq3A_82 = vector.broadcast %broadcast_in_dim3A_81 : vector<256x1xf32> to vector<256x340xf32>
      %eq3A_83 = arith.cmpf oeq, %select_n3A_75, %eq3A_82 : vector<256x340xf32>
      %jit3A_84 = arith.constant 3.000000e+07 : f32
      %broadcast_in_dim3A_85 = vector.broadcast %jit3A_84 : f32 to vector<256x340xf32>
      %select_n3A_86 = arith.select %eq3A_83, %select_n3A_76, %broadcast_in_dim3A_85 : vector<256x340xi1>, vector<256x340xf32>
      %reduce_min3A_87 = arith.constant dense<0x7F800000> : vector<256xf32>
      %reduce_min3A_88 = vector.multi_reduction <minimumf>, %select_n3A_86, %reduce_min3A_87 [1] : vector<256x340xf32> to vector<256xf32>
      %broadcast_in_dim3A_89 = vector.shape_cast %reduce_min3A_88 : vector<256xf32> to vector<256x1xf32>
      %eq3A_90 = vector.broadcast %broadcast_in_dim3A_89 : vector<256x1xf32> to vector<256x340xf32>
      %eq3A_91 = arith.cmpf oeq, %select_n3A_76, %eq3A_90 : vector<256x340xf32>
      %select_n3A_92 = arith.select %eq3A_91, %select_n3A_78, %select_n3A_75 : vector<256x340xi1>, vector<256x340xf32>
      %select_n3A_93 = arith.select %eq3A_91, %select_n3A_64, %select_n3A_76 : vector<256x340xi1>, vector<256x340xf32>
      %broadcast_in_dim3A_94 = vector.broadcast %while3A : f32 to vector<256x340xf32>
      %select_n3A_95 = arith.select %eq3A_91, %broadcast_in_dim3A_94, %select_n3A_78 : vector<256x340xi1>, vector<256x340xf32>
      %reduce_min3A_96 = arith.constant dense<0x7F800000> : vector<256xf32>
      %reduce_min3A_97 = vector.multi_reduction <minimumf>, %select_n3A_92, %reduce_min3A_96 [1] : vector<256x340xf32> to vector<256xf32>
      %broadcast_in_dim3A_98 = vector.shape_cast %reduce_min3A_97 : vector<256xf32> to vector<256x1xf32>
      %eq3A_99 = vector.broadcast %broadcast_in_dim3A_98 : vector<256x1xf32> to vector<256x340xf32>
      %eq3A_100 = arith.cmpf oeq, %select_n3A_92, %eq3A_99 : vector<256x340xf32>
      %jit3A_101 = arith.constant 3.000000e+07 : f32
      %broadcast_in_dim3A_102 = vector.broadcast %jit3A_101 : f32 to vector<256x340xf32>
      %select_n3A_103 = arith.select %eq3A_100, %select_n3A_93, %broadcast_in_dim3A_102 : vector<256x340xi1>, vector<256x340xf32>
      %reduce_min3A_104 = arith.constant dense<0x7F800000> : vector<256xf32>
      %reduce_min3A_105 = vector.multi_reduction <minimumf>, %select_n3A_103, %reduce_min3A_104 [1] : vector<256x340xf32> to vector<256xf32>
      %broadcast_in_dim3A_106 = vector.shape_cast %reduce_min3A_105 : vector<256xf32> to vector<256x1xf32>
      %eq3A_107 = vector.broadcast %broadcast_in_dim3A_106 : vector<256x1xf32> to vector<256x340xf32>
      %eq3A_108 = arith.cmpf oeq, %select_n3A_93, %eq3A_107 : vector<256x340xf32>
      %select_n3A_109 = arith.select %eq3A_108, %select_n3A_95, %select_n3A_92 : vector<256x340xi1>, vector<256x340xf32>
      %select_n3A_110 = arith.select %eq3A_108, %select_n3A_64, %select_n3A_93 : vector<256x340xi1>, vector<256x340xf32>
      %broadcast_in_dim3A_111 = vector.broadcast %while3A : f32 to vector<256x340xf32>
      %select_n3A_112 = arith.select %eq3A_108, %broadcast_in_dim3A_111, %select_n3A_95 : vector<256x340xi1>, vector<256x340xf32>
      %reduce_min3A_113 = arith.constant dense<0x7F800000> : vector<256xf32>
      %reduce_min3A_114 = vector.multi_reduction <minimumf>, %select_n3A_109, %reduce_min3A_113 [1] : vector<256x340xf32> to vector<256xf32>
      %broadcast_in_dim3A_115 = vector.shape_cast %reduce_min3A_114 : vector<256xf32> to vector<256x1xf32>
      %eq3A_116 = vector.broadcast %broadcast_in_dim3A_115 : vector<256x1xf32> to vector<256x340xf32>
      %eq3A_117 = arith.cmpf oeq, %select_n3A_109, %eq3A_116 : vector<256x340xf32>
      %jit3A_118 = arith.constant 3.000000e+07 : f32
      %broadcast_in_dim3A_119 = vector.broadcast %jit3A_118 : f32 to vector<256x340xf32>
      %select_n3A_120 = arith.select %eq3A_117, %select_n3A_110, %broadcast_in_dim3A_119 : vector<256x340xi1>, vector<256x340xf32>
      %reduce_min3A_121 = arith.constant dense<0x7F800000> : vector<256xf32>
      %reduce_min3A_122 = vector.multi_reduction <minimumf>, %select_n3A_120, %reduce_min3A_121 [1] : vector<256x340xf32> to vector<256xf32>
      %broadcast_in_dim3A_123 = vector.shape_cast %reduce_min3A_122 : vector<256xf32> to vector<256x1xf32>
      %eq3A_124 = vector.broadcast %broadcast_in_dim3A_123 : vector<256x1xf32> to vector<256x340xf32>
      %eq3A_125 = arith.cmpf oeq, %select_n3A_110, %eq3A_124 : vector<256x340xf32>
      %select_n3A_126 = arith.select %eq3A_125, %select_n3A_112, %select_n3A_109 : vector<256x340xi1>, vector<256x340xf32>
      %select_n3A_127 = arith.select %eq3A_125, %select_n3A_64, %select_n3A_110 : vector<256x340xi1>, vector<256x340xf32>
      %broadcast_in_dim3A_128 = vector.broadcast %while3A : f32 to vector<256x340xf32>
      %select_n3A_129 = arith.select %eq3A_125, %broadcast_in_dim3A_128, %select_n3A_112 : vector<256x340xi1>, vector<256x340xf32>
      %reduce_min3A_130 = arith.constant dense<0x7F800000> : vector<256xf32>
      %reduce_min3A_131 = vector.multi_reduction <minimumf>, %select_n3A_126, %reduce_min3A_130 [1] : vector<256x340xf32> to vector<256xf32>
      %broadcast_in_dim3A_132 = vector.shape_cast %reduce_min3A_131 : vector<256xf32> to vector<256x1xf32>
      %eq3A_133 = vector.broadcast %broadcast_in_dim3A_132 : vector<256x1xf32> to vector<256x340xf32>
      %eq3A_134 = arith.cmpf oeq, %select_n3A_126, %eq3A_133 : vector<256x340xf32>
      %jit3A_135 = arith.constant 3.000000e+07 : f32
      %broadcast_in_dim3A_136 = vector.broadcast %jit3A_135 : f32 to vector<256x340xf32>
      %select_n3A_137 = arith.select %eq3A_134, %select_n3A_127, %broadcast_in_dim3A_136 : vector<256x340xi1>, vector<256x340xf32>
      %reduce_min3A_138 = arith.constant dense<0x7F800000> : vector<256xf32>
      %reduce_min3A_139 = vector.multi_reduction <minimumf>, %select_n3A_137, %reduce_min3A_138 [1] : vector<256x340xf32> to vector<256xf32>
      %broadcast_in_dim3A_140 = vector.shape_cast %reduce_min3A_139 : vector<256xf32> to vector<256x1xf32>
      %eq3A_141 = vector.broadcast %broadcast_in_dim3A_140 : vector<256x1xf32> to vector<256x340xf32>
      %eq3A_142 = arith.cmpf oeq, %select_n3A_127, %eq3A_141 : vector<256x340xf32>
      %select_n3A_143 = arith.select %eq3A_142, %select_n3A_129, %select_n3A_126 : vector<256x340xi1>, vector<256x340xf32>
      %select_n3A_144 = arith.select %eq3A_142, %select_n3A_64, %select_n3A_127 : vector<256x340xi1>, vector<256x340xf32>
      %broadcast_in_dim3A_145 = vector.broadcast %while3A : f32 to vector<256x340xf32>
      %select_n3A_146 = arith.select %eq3A_142, %broadcast_in_dim3A_145, %select_n3A_129 : vector<256x340xi1>, vector<256x340xf32>
      %reduce_min3A_147 = arith.constant dense<0x7F800000> : vector<256xf32>
      %reduce_min3A_148 = vector.multi_reduction <minimumf>, %select_n3A_143, %reduce_min3A_147 [1] : vector<256x340xf32> to vector<256xf32>
      %broadcast_in_dim3A_149 = vector.shape_cast %reduce_min3A_148 : vector<256xf32> to vector<256x1xf32>
      %eq3A_150 = vector.broadcast %broadcast_in_dim3A_149 : vector<256x1xf32> to vector<256x340xf32>
      %eq3A_151 = arith.cmpf oeq, %select_n3A_143, %eq3A_150 : vector<256x340xf32>
      %jit3A_152 = arith.constant 3.000000e+07 : f32
      %broadcast_in_dim3A_153 = vector.broadcast %jit3A_152 : f32 to vector<256x340xf32>
      %select_n3A_154 = arith.select %eq3A_151, %select_n3A_144, %broadcast_in_dim3A_153 : vector<256x340xi1>, vector<256x340xf32>
      %reduce_min3A_155 = arith.constant dense<0x7F800000> : vector<256xf32>
      %reduce_min3A_156 = vector.multi_reduction <minimumf>, %select_n3A_154, %reduce_min3A_155 [1] : vector<256x340xf32> to vector<256xf32>
      %broadcast_in_dim3A_157 = vector.shape_cast %reduce_min3A_156 : vector<256xf32> to vector<256x1xf32>
      %eq3A_158 = vector.broadcast %broadcast_in_dim3A_157 : vector<256x1xf32> to vector<256x340xf32>
      %eq3A_159 = arith.cmpf oeq, %select_n3A_144, %eq3A_158 : vector<256x340xf32>
      %select_n3A_160 = arith.select %eq3A_159, %select_n3A_146, %select_n3A_143 : vector<256x340xi1>, vector<256x340xf32>
      %select_n3A_161 = arith.select %eq3A_159, %select_n3A_64, %select_n3A_144 : vector<256x340xi1>, vector<256x340xf32>
      %broadcast_in_dim3A_162 = vector.broadcast %while3A : f32 to vector<256x340xf32>
      %select_n3A_163 = arith.select %eq3A_159, %broadcast_in_dim3A_162, %select_n3A_146 : vector<256x340xi1>, vector<256x340xf32>
      %reduce_min3A_164 = arith.constant dense<0x7F800000> : vector<256xf32>
      %reduce_min3A_165 = vector.multi_reduction <minimumf>, %select_n3A_160, %reduce_min3A_164 [1] : vector<256x340xf32> to vector<256xf32>
      %broadcast_in_dim3A_166 = vector.shape_cast %reduce_min3A_165 : vector<256xf32> to vector<256x1xf32>
      %eq3A_167 = vector.broadcast %broadcast_in_dim3A_166 : vector<256x1xf32> to vector<256x340xf32>
      %eq3A_168 = arith.cmpf oeq, %select_n3A_160, %eq3A_167 : vector<256x340xf32>
      %jit3A_169 = arith.constant 3.000000e+07 : f32
      %broadcast_in_dim3A_170 = vector.broadcast %jit3A_169 : f32 to vector<256x340xf32>
      %select_n3A_171 = arith.select %eq3A_168, %select_n3A_161, %broadcast_in_dim3A_170 : vector<256x340xi1>, vector<256x340xf32>
      %reduce_min3A_172 = arith.constant dense<0x7F800000> : vector<256xf32>
      %reduce_min3A_173 = vector.multi_reduction <minimumf>, %select_n3A_171, %reduce_min3A_172 [1] : vector<256x340xf32> to vector<256xf32>
      %broadcast_in_dim3A_174 = vector.shape_cast %reduce_min3A_173 : vector<256xf32> to vector<256x1xf32>
      %eq3A_175 = vector.broadcast %broadcast_in_dim3A_174 : vector<256x1xf32> to vector<256x340xf32>
      %eq3A_176 = arith.cmpf oeq, %select_n3A_161, %eq3A_175 : vector<256x340xf32>
      %select_n3A_177 = arith.select %eq3A_176, %select_n3A_163, %select_n3A_160 : vector<256x340xi1>, vector<256x340xf32>
      %select_n3A_178 = arith.select %eq3A_176, %select_n3A_64, %select_n3A_161 : vector<256x340xi1>, vector<256x340xf32>
      %broadcast_in_dim3A_179 = vector.broadcast %while3A : f32 to vector<256x340xf32>
      %select_n3A_180 = arith.select %eq3A_176, %broadcast_in_dim3A_179, %select_n3A_163 : vector<256x340xi1>, vector<256x340xf32>
      %reduce_min3A_181 = arith.constant dense<0x7F800000> : vector<256xf32>
      %reduce_min3A_182 = vector.multi_reduction <minimumf>, %select_n3A_177, %reduce_min3A_181 [1] : vector<256x340xf32> to vector<256xf32>
      %broadcast_in_dim3A_183 = vector.shape_cast %reduce_min3A_182 : vector<256xf32> to vector<256x1xf32>
      %eq3A_184 = vector.broadcast %broadcast_in_dim3A_183 : vector<256x1xf32> to vector<256x340xf32>
      %eq3A_185 = arith.cmpf oeq, %select_n3A_177, %eq3A_184 : vector<256x340xf32>
      %jit3A_186 = arith.constant 3.000000e+07 : f32
      %broadcast_in_dim3A_187 = vector.broadcast %jit3A_186 : f32 to vector<256x340xf32>
      %select_n3A_188 = arith.select %eq3A_185, %select_n3A_178, %broadcast_in_dim3A_187 : vector<256x340xi1>, vector<256x340xf32>
      %reduce_min3A_189 = arith.constant dense<0x7F800000> : vector<256xf32>
      %reduce_min3A_190 = vector.multi_reduction <minimumf>, %select_n3A_188, %reduce_min3A_189 [1] : vector<256x340xf32> to vector<256xf32>
      %broadcast_in_dim3A_191 = vector.shape_cast %reduce_min3A_190 : vector<256xf32> to vector<256x1xf32>
      %eq3A_192 = vector.broadcast %broadcast_in_dim3A_191 : vector<256x1xf32> to vector<256x340xf32>
      %eq3A_193 = arith.cmpf oeq, %select_n3A_178, %eq3A_192 : vector<256x340xf32>
      %select_n3A_194 = arith.select %eq3A_193, %select_n3A_180, %select_n3A_177 : vector<256x340xi1>, vector<256x340xf32>
      %select_n3A_195 = arith.select %eq3A_193, %select_n3A_64, %select_n3A_178 : vector<256x340xi1>, vector<256x340xf32>
      %broadcast_in_dim3A_196 = vector.broadcast %while3A : f32 to vector<256x340xf32>
      %select_n3A_197 = arith.select %eq3A_193, %broadcast_in_dim3A_196, %select_n3A_180 : vector<256x340xi1>, vector<256x340xf32>
      %reduce_min3A_198 = arith.constant dense<0x7F800000> : vector<256xf32>
      %reduce_min3A_199 = vector.multi_reduction <minimumf>, %select_n3A_194, %reduce_min3A_198 [1] : vector<256x340xf32> to vector<256xf32>
      %broadcast_in_dim3A_200 = vector.shape_cast %reduce_min3A_199 : vector<256xf32> to vector<256x1xf32>
      %eq3A_201 = vector.broadcast %broadcast_in_dim3A_200 : vector<256x1xf32> to vector<256x340xf32>
      %eq3A_202 = arith.cmpf oeq, %select_n3A_194, %eq3A_201 : vector<256x340xf32>
      %jit3A_203 = arith.constant 3.000000e+07 : f32
      %broadcast_in_dim3A_204 = vector.broadcast %jit3A_203 : f32 to vector<256x340xf32>
      %select_n3A_205 = arith.select %eq3A_202, %select_n3A_195, %broadcast_in_dim3A_204 : vector<256x340xi1>, vector<256x340xf32>
      %reduce_min3A_206 = arith.constant dense<0x7F800000> : vector<256xf32>
      %reduce_min3A_207 = vector.multi_reduction <minimumf>, %select_n3A_205, %reduce_min3A_206 [1] : vector<256x340xf32> to vector<256xf32>
      %broadcast_in_dim3A_208 = vector.shape_cast %reduce_min3A_207 : vector<256xf32> to vector<256x1xf32>
      %eq3A_209 = vector.broadcast %broadcast_in_dim3A_208 : vector<256x1xf32> to vector<256x340xf32>
      %eq3A_210 = arith.cmpf oeq, %select_n3A_195, %eq3A_209 : vector<256x340xf32>
      %select_n3A_211 = arith.select %eq3A_210, %select_n3A_197, %select_n3A_194 : vector<256x340xi1>, vector<256x340xf32>
      %select_n3A_212 = arith.select %eq3A_210, %select_n3A_64, %select_n3A_195 : vector<256x340xi1>, vector<256x340xf32>
      %broadcast_in_dim3A_213 = vector.broadcast %while3A : f32 to vector<256x340xf32>
      %select_n3A_214 = arith.select %eq3A_210, %broadcast_in_dim3A_213, %select_n3A_197 : vector<256x340xi1>, vector<256x340xf32>
      %reduce_min3A_215 = arith.constant dense<0x7F800000> : vector<256xf32>
      %reduce_min3A_216 = vector.multi_reduction <minimumf>, %select_n3A_211, %reduce_min3A_215 [1] : vector<256x340xf32> to vector<256xf32>
      %broadcast_in_dim3A_217 = vector.shape_cast %reduce_min3A_216 : vector<256xf32> to vector<256x1xf32>
      %eq3A_218 = vector.broadcast %broadcast_in_dim3A_217 : vector<256x1xf32> to vector<256x340xf32>
      %eq3A_219 = arith.cmpf oeq, %select_n3A_211, %eq3A_218 : vector<256x340xf32>
      %jit3A_220 = arith.constant 3.000000e+07 : f32
      %broadcast_in_dim3A_221 = vector.broadcast %jit3A_220 : f32 to vector<256x340xf32>
      %select_n3A_222 = arith.select %eq3A_219, %select_n3A_212, %broadcast_in_dim3A_221 : vector<256x340xi1>, vector<256x340xf32>
      %reduce_min3A_223 = arith.constant dense<0x7F800000> : vector<256xf32>
      %reduce_min3A_224 = vector.multi_reduction <minimumf>, %select_n3A_222, %reduce_min3A_223 [1] : vector<256x340xf32> to vector<256xf32>
      %broadcast_in_dim3A_225 = vector.shape_cast %reduce_min3A_224 : vector<256xf32> to vector<256x1xf32>
      %eq3A_226 = vector.broadcast %broadcast_in_dim3A_225 : vector<256x1xf32> to vector<256x340xf32>
      %eq3A_227 = arith.cmpf oeq, %select_n3A_212, %eq3A_226 : vector<256x340xf32>
      %select_n3A_228 = arith.select %eq3A_227, %select_n3A_214, %select_n3A_211 : vector<256x340xi1>, vector<256x340xf32>
      %select_n3A_229 = arith.select %eq3A_227, %select_n3A_64, %select_n3A_212 : vector<256x340xi1>, vector<256x340xf32>
      %broadcast_in_dim3A_230 = vector.broadcast %while3A : f32 to vector<256x340xf32>
      %select_n3A_231 = arith.select %eq3A_227, %broadcast_in_dim3A_230, %select_n3A_214 : vector<256x340xi1>, vector<256x340xf32>
      %reduce_min3A_232 = arith.constant dense<0x7F800000> : vector<256xf32>
      %reduce_min3A_233 = vector.multi_reduction <minimumf>, %select_n3A_228, %reduce_min3A_232 [1] : vector<256x340xf32> to vector<256xf32>
      %broadcast_in_dim3A_234 = vector.shape_cast %reduce_min3A_233 : vector<256xf32> to vector<256x1xf32>
      %eq3A_235 = vector.broadcast %broadcast_in_dim3A_234 : vector<256x1xf32> to vector<256x340xf32>
      %eq3A_236 = arith.cmpf oeq, %select_n3A_228, %eq3A_235 : vector<256x340xf32>
      %jit3A_237 = arith.constant 3.000000e+07 : f32
      %broadcast_in_dim3A_238 = vector.broadcast %jit3A_237 : f32 to vector<256x340xf32>
      %select_n3A_239 = arith.select %eq3A_236, %select_n3A_229, %broadcast_in_dim3A_238 : vector<256x340xi1>, vector<256x340xf32>
      %reduce_min3A_240 = arith.constant dense<0x7F800000> : vector<256xf32>
      %reduce_min3A_241 = vector.multi_reduction <minimumf>, %select_n3A_239, %reduce_min3A_240 [1] : vector<256x340xf32> to vector<256xf32>
      %broadcast_in_dim3A_242 = vector.shape_cast %reduce_min3A_241 : vector<256xf32> to vector<256x1xf32>
      %eq3A_243 = vector.broadcast %broadcast_in_dim3A_242 : vector<256x1xf32> to vector<256x340xf32>
      %eq3A_244 = arith.cmpf oeq, %select_n3A_229, %eq3A_243 : vector<256x340xf32>
      %select_n3A_245 = arith.select %eq3A_244, %select_n3A_231, %select_n3A_228 : vector<256x340xi1>, vector<256x340xf32>
      %select_n3A_246 = arith.select %eq3A_244, %select_n3A_64, %select_n3A_229 : vector<256x340xi1>, vector<256x340xf32>
      %broadcast_in_dim3A_247 = vector.broadcast %while3A : f32 to vector<256x340xf32>
      %select_n3A_248 = arith.select %eq3A_244, %broadcast_in_dim3A_247, %select_n3A_231 : vector<256x340xi1>, vector<256x340xf32>
      %reduce_min3A_249 = arith.constant dense<0x7F800000> : vector<256xf32>
      %reduce_min3A_250 = vector.multi_reduction <minimumf>, %select_n3A_245, %reduce_min3A_249 [1] : vector<256x340xf32> to vector<256xf32>
      %broadcast_in_dim3A_251 = vector.shape_cast %reduce_min3A_250 : vector<256xf32> to vector<256x1xf32>
      %eq3A_252 = vector.broadcast %broadcast_in_dim3A_251 : vector<256x1xf32> to vector<256x340xf32>
      %eq3A_253 = arith.cmpf oeq, %select_n3A_245, %eq3A_252 : vector<256x340xf32>
      %jit3A_254 = arith.constant 3.000000e+07 : f32
      %broadcast_in_dim3A_255 = vector.broadcast %jit3A_254 : f32 to vector<256x340xf32>
      %select_n3A_256 = arith.select %eq3A_253, %select_n3A_246, %broadcast_in_dim3A_255 : vector<256x340xi1>, vector<256x340xf32>
      %reduce_min3A_257 = arith.constant dense<0x7F800000> : vector<256xf32>
      %reduce_min3A_258 = vector.multi_reduction <minimumf>, %select_n3A_256, %reduce_min3A_257 [1] : vector<256x340xf32> to vector<256xf32>
      %broadcast_in_dim3A_259 = vector.shape_cast %reduce_min3A_258 : vector<256xf32> to vector<256x1xf32>
      %eq3A_260 = vector.broadcast %broadcast_in_dim3A_259 : vector<256x1xf32> to vector<256x340xf32>
      %eq3A_261 = arith.cmpf oeq, %select_n3A_246, %eq3A_260 : vector<256x340xf32>
      %select_n3A_262 = arith.select %eq3A_261, %select_n3A_248, %select_n3A_245 : vector<256x340xi1>, vector<256x340xf32>
      %select_n3A_263 = arith.select %eq3A_261, %select_n3A_64, %select_n3A_246 : vector<256x340xi1>, vector<256x340xf32>
      %broadcast_in_dim3A_264 = vector.broadcast %while3A : f32 to vector<256x340xf32>
      %select_n3A_265 = arith.select %eq3A_261, %broadcast_in_dim3A_264, %select_n3A_248 : vector<256x340xi1>, vector<256x340xf32>
      %reduce_min3A_266 = arith.constant dense<0x7F800000> : vector<256xf32>
      %reduce_min3A_267 = vector.multi_reduction <minimumf>, %select_n3A_262, %reduce_min3A_266 [1] : vector<256x340xf32> to vector<256xf32>
      %broadcast_in_dim3A_268 = vector.shape_cast %reduce_min3A_267 : vector<256xf32> to vector<256x1xf32>
      %eq3A_269 = vector.broadcast %broadcast_in_dim3A_268 : vector<256x1xf32> to vector<256x340xf32>
      %eq3A_270 = arith.cmpf oeq, %select_n3A_262, %eq3A_269 : vector<256x340xf32>
      %jit3A_271 = arith.constant 3.000000e+07 : f32
      %broadcast_in_dim3A_272 = vector.broadcast %jit3A_271 : f32 to vector<256x340xf32>
      %select_n3A_273 = arith.select %eq3A_270, %select_n3A_263, %broadcast_in_dim3A_272 : vector<256x340xi1>, vector<256x340xf32>
      %reduce_min3A_274 = arith.constant dense<0x7F800000> : vector<256xf32>
      %reduce_min3A_275 = vector.multi_reduction <minimumf>, %select_n3A_273, %reduce_min3A_274 [1] : vector<256x340xf32> to vector<256xf32>
      %broadcast_in_dim3A_276 = vector.shape_cast %reduce_min3A_275 : vector<256xf32> to vector<256x1xf32>
      %eq3A_277 = vector.broadcast %broadcast_in_dim3A_276 : vector<256x1xf32> to vector<256x340xf32>
      %eq3A_278 = arith.cmpf oeq, %select_n3A_263, %eq3A_277 : vector<256x340xf32>
      %select_n3A_279 = arith.select %eq3A_278, %select_n3A_265, %select_n3A_262 : vector<256x340xi1>, vector<256x340xf32>
      %select_n3A_280 = arith.select %eq3A_278, %select_n3A_64, %select_n3A_263 : vector<256x340xi1>, vector<256x340xf32>
      %broadcast_in_dim3A_281 = vector.broadcast %while3A : f32 to vector<256x340xf32>
      %select_n3A_282 = arith.select %eq3A_278, %broadcast_in_dim3A_281, %select_n3A_265 : vector<256x340xi1>, vector<256x340xf32>
      %reduce_min3A_283 = arith.constant dense<0x7F800000> : vector<256xf32>
      %reduce_min3A_284 = vector.multi_reduction <minimumf>, %select_n3A_279, %reduce_min3A_283 [1] : vector<256x340xf32> to vector<256xf32>
      %broadcast_in_dim3A_285 = vector.shape_cast %reduce_min3A_284 : vector<256xf32> to vector<256x1xf32>
      %eq3A_286 = vector.broadcast %broadcast_in_dim3A_285 : vector<256x1xf32> to vector<256x340xf32>
      %eq3A_287 = arith.cmpf oeq, %select_n3A_279, %eq3A_286 : vector<256x340xf32>
      %jit3A_288 = arith.constant 3.000000e+07 : f32
      %broadcast_in_dim3A_289 = vector.broadcast %jit3A_288 : f32 to vector<256x340xf32>
      %select_n3A_290 = arith.select %eq3A_287, %select_n3A_280, %broadcast_in_dim3A_289 : vector<256x340xi1>, vector<256x340xf32>
      %reduce_min3A_291 = arith.constant dense<0x7F800000> : vector<256xf32>
      %reduce_min3A_292 = vector.multi_reduction <minimumf>, %select_n3A_290, %reduce_min3A_291 [1] : vector<256x340xf32> to vector<256xf32>
      %broadcast_in_dim3A_293 = vector.shape_cast %reduce_min3A_292 : vector<256xf32> to vector<256x1xf32>
      %eq3A_294 = vector.broadcast %broadcast_in_dim3A_293 : vector<256x1xf32> to vector<256x340xf32>
      %eq3A_295 = arith.cmpf oeq, %select_n3A_280, %eq3A_294 : vector<256x340xf32>
      %select_n3A_296 = arith.select %eq3A_295, %select_n3A_282, %select_n3A_279 : vector<256x340xi1>, vector<256x340xf32>
      %select_n3A_297 = arith.select %eq3A_295, %select_n3A_64, %select_n3A_280 : vector<256x340xi1>, vector<256x340xf32>
      %broadcast_in_dim3A_298 = vector.broadcast %while3A : f32 to vector<256x340xf32>
      %select_n3A_299 = arith.select %eq3A_295, %broadcast_in_dim3A_298, %select_n3A_282 : vector<256x340xi1>, vector<256x340xf32>
      %reduce_min3A_300 = arith.constant dense<0x7F800000> : vector<256xf32>
      %reduce_min3A_301 = vector.multi_reduction <minimumf>, %select_n3A_296, %reduce_min3A_300 [1] : vector<256x340xf32> to vector<256xf32>
      %broadcast_in_dim3A_302 = vector.shape_cast %reduce_min3A_301 : vector<256xf32> to vector<256x1xf32>
      %eq3A_303 = vector.broadcast %broadcast_in_dim3A_302 : vector<256x1xf32> to vector<256x340xf32>
      %eq3A_304 = arith.cmpf oeq, %select_n3A_296, %eq3A_303 : vector<256x340xf32>
      %jit3A_305 = arith.constant 3.000000e+07 : f32
      %broadcast_in_dim3A_306 = vector.broadcast %jit3A_305 : f32 to vector<256x340xf32>
      %select_n3A_307 = arith.select %eq3A_304, %select_n3A_297, %broadcast_in_dim3A_306 : vector<256x340xi1>, vector<256x340xf32>
      %reduce_min3A_308 = arith.constant dense<0x7F800000> : vector<256xf32>
      %reduce_min3A_309 = vector.multi_reduction <minimumf>, %select_n3A_307, %reduce_min3A_308 [1] : vector<256x340xf32> to vector<256xf32>
      %broadcast_in_dim3A_310 = vector.shape_cast %reduce_min3A_309 : vector<256xf32> to vector<256x1xf32>
      %eq3A_311 = vector.broadcast %broadcast_in_dim3A_310 : vector<256x1xf32> to vector<256x340xf32>
      %eq3A_312 = arith.cmpf oeq, %select_n3A_297, %eq3A_311 : vector<256x340xf32>
      %select_n3A_313 = arith.select %eq3A_312, %select_n3A_299, %select_n3A_296 : vector<256x340xi1>, vector<256x340xf32>
      %select_n3A_314 = arith.select %eq3A_312, %select_n3A_64, %select_n3A_297 : vector<256x340xi1>, vector<256x340xf32>
      %broadcast_in_dim3A_315 = vector.broadcast %while3A : f32 to vector<256x340xf32>
      %select_n3A_316 = arith.select %eq3A_312, %broadcast_in_dim3A_315, %select_n3A_299 : vector<256x340xi1>, vector<256x340xf32>
      %reduce_min3A_317 = arith.constant dense<0x7F800000> : vector<256xf32>
      %reduce_min3A_318 = vector.multi_reduction <minimumf>, %select_n3A_313, %reduce_min3A_317 [1] : vector<256x340xf32> to vector<256xf32>
      %broadcast_in_dim3A_319 = vector.shape_cast %reduce_min3A_318 : vector<256xf32> to vector<256x1xf32>
      %eq3A_320 = vector.broadcast %broadcast_in_dim3A_319 : vector<256x1xf32> to vector<256x340xf32>
      %eq3A_321 = arith.cmpf oeq, %select_n3A_313, %eq3A_320 : vector<256x340xf32>
      %jit3A_322 = arith.constant 3.000000e+07 : f32
      %broadcast_in_dim3A_323 = vector.broadcast %jit3A_322 : f32 to vector<256x340xf32>
      %select_n3A_324 = arith.select %eq3A_321, %select_n3A_314, %broadcast_in_dim3A_323 : vector<256x340xi1>, vector<256x340xf32>
      %reduce_min3A_325 = arith.constant dense<0x7F800000> : vector<256xf32>
      %reduce_min3A_326 = vector.multi_reduction <minimumf>, %select_n3A_324, %reduce_min3A_325 [1] : vector<256x340xf32> to vector<256xf32>
      %broadcast_in_dim3A_327 = vector.shape_cast %reduce_min3A_326 : vector<256xf32> to vector<256x1xf32>
      %eq3A_328 = vector.broadcast %broadcast_in_dim3A_327 : vector<256x1xf32> to vector<256x340xf32>
      %eq3A_329 = arith.cmpf oeq, %select_n3A_314, %eq3A_328 : vector<256x340xf32>
      %select_n3A_330 = arith.select %eq3A_329, %select_n3A_316, %select_n3A_313 : vector<256x340xi1>, vector<256x340xf32>
      %select_n3A_331 = arith.select %eq3A_329, %select_n3A_64, %select_n3A_314 : vector<256x340xi1>, vector<256x340xf32>
      %broadcast_in_dim3A_332 = vector.broadcast %while3A : f32 to vector<256x340xf32>
      %select_n3A_333 = arith.select %eq3A_329, %broadcast_in_dim3A_332, %select_n3A_316 : vector<256x340xi1>, vector<256x340xf32>
      %reduce_min3A_334 = arith.constant dense<0x7F800000> : vector<256xf32>
      %reduce_min3A_335 = vector.multi_reduction <minimumf>, %select_n3A_330, %reduce_min3A_334 [1] : vector<256x340xf32> to vector<256xf32>
      %broadcast_in_dim3A_336 = vector.shape_cast %reduce_min3A_335 : vector<256xf32> to vector<256x1xf32>
      %eq3A_337 = vector.broadcast %broadcast_in_dim3A_336 : vector<256x1xf32> to vector<256x340xf32>
      %eq3A_338 = arith.cmpf oeq, %select_n3A_330, %eq3A_337 : vector<256x340xf32>
      %jit3A_339 = arith.constant 3.000000e+07 : f32
      %broadcast_in_dim3A_340 = vector.broadcast %jit3A_339 : f32 to vector<256x340xf32>
      %select_n3A_341 = arith.select %eq3A_338, %select_n3A_331, %broadcast_in_dim3A_340 : vector<256x340xi1>, vector<256x340xf32>
      %reduce_min3A_342 = arith.constant dense<0x7F800000> : vector<256xf32>
      %reduce_min3A_343 = vector.multi_reduction <minimumf>, %select_n3A_341, %reduce_min3A_342 [1] : vector<256x340xf32> to vector<256xf32>
      %broadcast_in_dim3A_344 = vector.shape_cast %reduce_min3A_343 : vector<256xf32> to vector<256x1xf32>
      %eq3A_345 = vector.broadcast %broadcast_in_dim3A_344 : vector<256x1xf32> to vector<256x340xf32>
      %eq3A_346 = arith.cmpf oeq, %select_n3A_331, %eq3A_345 : vector<256x340xf32>
      %select_n3A_347 = arith.select %eq3A_346, %select_n3A_333, %select_n3A_330 : vector<256x340xi1>, vector<256x340xf32>
      %select_n3A_348 = arith.select %eq3A_346, %select_n3A_64, %select_n3A_331 : vector<256x340xi1>, vector<256x340xf32>
      %broadcast_in_dim3A_349 = vector.broadcast %while3A : f32 to vector<256x340xf32>
      %select_n3A_350 = arith.select %eq3A_346, %broadcast_in_dim3A_349, %select_n3A_333 : vector<256x340xi1>, vector<256x340xf32>
      %reduce_min3A_351 = arith.constant dense<0x7F800000> : vector<256xf32>
      %reduce_min3A_352 = vector.multi_reduction <minimumf>, %select_n3A_347, %reduce_min3A_351 [1] : vector<256x340xf32> to vector<256xf32>
      %broadcast_in_dim3A_353 = vector.shape_cast %reduce_min3A_352 : vector<256xf32> to vector<256x1xf32>
      %eq3A_354 = vector.broadcast %broadcast_in_dim3A_353 : vector<256x1xf32> to vector<256x340xf32>
      %eq3A_355 = arith.cmpf oeq, %select_n3A_347, %eq3A_354 : vector<256x340xf32>
      %jit3A_356 = arith.constant 3.000000e+07 : f32
      %broadcast_in_dim3A_357 = vector.broadcast %jit3A_356 : f32 to vector<256x340xf32>
      %select_n3A_358 = arith.select %eq3A_355, %select_n3A_348, %broadcast_in_dim3A_357 : vector<256x340xi1>, vector<256x340xf32>
      %reduce_min3A_359 = arith.constant dense<0x7F800000> : vector<256xf32>
      %reduce_min3A_360 = vector.multi_reduction <minimumf>, %select_n3A_358, %reduce_min3A_359 [1] : vector<256x340xf32> to vector<256xf32>
      %broadcast_in_dim3A_361 = vector.shape_cast %reduce_min3A_360 : vector<256xf32> to vector<256x1xf32>
      %eq3A_362 = vector.broadcast %broadcast_in_dim3A_361 : vector<256x1xf32> to vector<256x340xf32>
      %eq3A_363 = arith.cmpf oeq, %select_n3A_348, %eq3A_362 : vector<256x340xf32>
      %select_n3A_364 = arith.select %eq3A_363, %select_n3A_350, %select_n3A_347 : vector<256x340xi1>, vector<256x340xf32>
      %select_n3A_365 = arith.select %eq3A_363, %select_n3A_64, %select_n3A_348 : vector<256x340xi1>, vector<256x340xf32>
      %broadcast_in_dim3A_366 = vector.broadcast %while3A : f32 to vector<256x340xf32>
      %select_n3A_367 = arith.select %eq3A_363, %broadcast_in_dim3A_366, %select_n3A_350 : vector<256x340xi1>, vector<256x340xf32>
      %reduce_min3A_368 = arith.constant dense<0x7F800000> : vector<256xf32>
      %reduce_min3A_369 = vector.multi_reduction <minimumf>, %select_n3A_364, %reduce_min3A_368 [1] : vector<256x340xf32> to vector<256xf32>
      %broadcast_in_dim3A_370 = vector.shape_cast %reduce_min3A_369 : vector<256xf32> to vector<256x1xf32>
      %eq3A_371 = vector.broadcast %broadcast_in_dim3A_370 : vector<256x1xf32> to vector<256x340xf32>
      %eq3A_372 = arith.cmpf oeq, %select_n3A_364, %eq3A_371 : vector<256x340xf32>
      %jit3A_373 = arith.constant 3.000000e+07 : f32
      %broadcast_in_dim3A_374 = vector.broadcast %jit3A_373 : f32 to vector<256x340xf32>
      %select_n3A_375 = arith.select %eq3A_372, %select_n3A_365, %broadcast_in_dim3A_374 : vector<256x340xi1>, vector<256x340xf32>
      %reduce_min3A_376 = arith.constant dense<0x7F800000> : vector<256xf32>
      %reduce_min3A_377 = vector.multi_reduction <minimumf>, %select_n3A_375, %reduce_min3A_376 [1] : vector<256x340xf32> to vector<256xf32>
      %broadcast_in_dim3A_378 = vector.shape_cast %reduce_min3A_377 : vector<256xf32> to vector<256x1xf32>
      %eq3A_379 = vector.broadcast %broadcast_in_dim3A_378 : vector<256x1xf32> to vector<256x340xf32>
      %eq3A_380 = arith.cmpf oeq, %select_n3A_365, %eq3A_379 : vector<256x340xf32>
      %select_n3A_381 = arith.select %eq3A_380, %select_n3A_367, %select_n3A_364 : vector<256x340xi1>, vector<256x340xf32>
      %select_n3A_382 = arith.select %eq3A_380, %select_n3A_64, %select_n3A_365 : vector<256x340xi1>, vector<256x340xf32>
      %broadcast_in_dim3A_383 = vector.broadcast %while3A : f32 to vector<256x340xf32>
      %select_n3A_384 = arith.select %eq3A_380, %broadcast_in_dim3A_383, %select_n3A_367 : vector<256x340xi1>, vector<256x340xf32>
      %reduce_min3A_385 = arith.constant dense<0x7F800000> : vector<256xf32>
      %reduce_min3A_386 = vector.multi_reduction <minimumf>, %select_n3A_381, %reduce_min3A_385 [1] : vector<256x340xf32> to vector<256xf32>
      %broadcast_in_dim3A_387 = vector.shape_cast %reduce_min3A_386 : vector<256xf32> to vector<256x1xf32>
      %eq3A_388 = vector.broadcast %broadcast_in_dim3A_387 : vector<256x1xf32> to vector<256x340xf32>
      %eq3A_389 = arith.cmpf oeq, %select_n3A_381, %eq3A_388 : vector<256x340xf32>
      %jit3A_390 = arith.constant 3.000000e+07 : f32
      %broadcast_in_dim3A_391 = vector.broadcast %jit3A_390 : f32 to vector<256x340xf32>
      %select_n3A_392 = arith.select %eq3A_389, %select_n3A_382, %broadcast_in_dim3A_391 : vector<256x340xi1>, vector<256x340xf32>
      %reduce_min3A_393 = arith.constant dense<0x7F800000> : vector<256xf32>
      %reduce_min3A_394 = vector.multi_reduction <minimumf>, %select_n3A_392, %reduce_min3A_393 [1] : vector<256x340xf32> to vector<256xf32>
      %broadcast_in_dim3A_395 = vector.shape_cast %reduce_min3A_394 : vector<256xf32> to vector<256x1xf32>
      %eq3A_396 = vector.broadcast %broadcast_in_dim3A_395 : vector<256x1xf32> to vector<256x340xf32>
      %eq3A_397 = arith.cmpf oeq, %select_n3A_382, %eq3A_396 : vector<256x340xf32>
      %select_n3A_398 = arith.select %eq3A_397, %select_n3A_384, %select_n3A_381 : vector<256x340xi1>, vector<256x340xf32>
      %select_n3A_399 = arith.select %eq3A_397, %select_n3A_64, %select_n3A_382 : vector<256x340xi1>, vector<256x340xf32>
      %broadcast_in_dim3A_400 = vector.broadcast %while3A : f32 to vector<256x340xf32>
      %select_n3A_401 = arith.select %eq3A_397, %broadcast_in_dim3A_400, %select_n3A_384 : vector<256x340xi1>, vector<256x340xf32>
      %concatenate3A_402 = tpu.concatenate %broadcast_in_dim3A_66, %broadcast_in_dim3A_81, %broadcast_in_dim3A_98, %broadcast_in_dim3A_115, %broadcast_in_dim3A_132, %broadcast_in_dim3A_149, %broadcast_in_dim3A_166, %broadcast_in_dim3A_183, %broadcast_in_dim3A_200, %broadcast_in_dim3A_217, %broadcast_in_dim3A_234, %broadcast_in_dim3A_251, %broadcast_in_dim3A_268, %broadcast_in_dim3A_285, %broadcast_in_dim3A_302, %broadcast_in_dim3A_319, %broadcast_in_dim3A_336, %broadcast_in_dim3A_353, %broadcast_in_dim3A_370, %broadcast_in_dim3A_387 in 1 : vector<256x1xf32>, vector<256x1xf32>, vector<256x1xf32>, vector<256x1xf32>, vector<256x1xf32>, vector<256x1xf32>, vector<256x1xf32>, vector<256x1xf32>, vector<256x1xf32>, vector<256x1xf32>, vector<256x1xf32>, vector<256x1xf32>, vector<256x1xf32>, vector<256x1xf32>, vector<256x1xf32>, vector<256x1xf32>, vector<256x1xf32>, vector<256x1xf32>, vector<256x1xf32>, vector<256x1xf32> -> vector<256x20xf32>
      %concatenate3A_403 = tpu.concatenate %broadcast_in_dim3A_72, %broadcast_in_dim3A_89, %broadcast_in_dim3A_106, %broadcast_in_dim3A_123, %broadcast_in_dim3A_140, %broadcast_in_dim3A_157, %broadcast_in_dim3A_174, %broadcast_in_dim3A_191, %broadcast_in_dim3A_208, %broadcast_in_dim3A_225, %broadcast_in_dim3A_242, %broadcast_in_dim3A_259, %broadcast_in_dim3A_276, %broadcast_in_dim3A_293, %broadcast_in_dim3A_310, %broadcast_in_dim3A_327, %broadcast_in_dim3A_344, %broadcast_in_dim3A_361, %broadcast_in_dim3A_378, %broadcast_in_dim3A_395 in 1 : vector<256x1xf32>, vector<256x1xf32>, vector<256x1xf32>, vector<256x1xf32>, vector<256x1xf32>, vector<256x1xf32>, vector<256x1xf32>, vector<256x1xf32>, vector<256x1xf32>, vector<256x1xf32>, vector<256x1xf32>, vector<256x1xf32>, vector<256x1xf32>, vector<256x1xf32>, vector<256x1xf32>, vector<256x1xf32>, vector<256x1xf32>, vector<256x1xf32>, vector<256x1xf32>, vector<256x1xf32> -> vector<256x20xf32>
      scf.yield %concatenate3A_402, %concatenate3A_403 : vector<256x20xf32>, vector<256x20xf32>
    }
    %convert_element_type3A_27 = arith.fptosi %while3A_26#1 : vector<256x20xf32> to vector<256x20xi32>
    %swap3A = arith.constant 0 : index
    %swap3A_28 = arith.constant 0 : index
    %swap3A_29 = vector.load %arg9[%swap3A, %swap3A_28] : memref<256x20xi32, #tpu.memory_space<vmem>>, vector<256x20xi32>
    tpu.vector_store %arg9[%swap3A, %swap3A_28], %convert_element_type3A_27 {strides = array<i32>} : memref<256x20xi32, #tpu.memory_space<vmem>>, vector<256x20xi32>,
    return
  }
  func.func @transform_0(%arg0: i32, %arg1: memref<16xi32, #tpu.memory_space<smem>>, %arg2: memref<16xi32, #tpu.memory_space<smem>>) -> (i32, i32) {
    %c0_i32 = arith.constant 0 : i32
    %c0_i32_0 = arith.constant 0 : i32
    return %arg0, %c0_i32 : i32, i32
  }
  func.func @transform_1(%arg0: i32, %arg1: memref<16xi32, #tpu.memory_space<smem>>, %arg2: memref<16xi32, #tpu.memory_space<smem>>) -> (i32, i32) {
    %c0_i32 = arith.constant 0 : i32
    %c0_i32_0 = arith.constant 0 : i32
    return %arg0, %c0_i32 : i32, i32
  }
  func.func @transform_2(%arg0: i32, %arg1: memref<16xi32, #tpu.memory_space<smem>>, %arg2: memref<16xi32, #tpu.memory_space<smem>>) -> (i32, i32) {
    %c0_i32 = arith.constant 0 : i32
    %c0_i32_0 = arith.constant 0 : i32
    return %arg0, %c0_i32 : i32, i32
  }
  func.func @transform_3(%arg0: i32, %arg1: memref<16xi32, #tpu.memory_space<smem>>, %arg2: memref<16xi32, #tpu.memory_space<smem>>) -> (i32, i32) {
    %c0_i32 = arith.constant 0 : i32
    %c0_i32_0 = arith.constant 0 : i32
    return %arg0, %c0_i32 : i32, i32
  }
  func.func @transform_4(%arg0: i32, %arg1: memref<16xi32, #tpu.memory_space<smem>>, %arg2: memref<16xi32, #tpu.memory_space<smem>>) -> (i32, i32) {
    %c0_i32 = arith.constant 0 : i32
    %c0_i32_0 = arith.constant 0 : i32
    %c0_i32_1 = arith.constant 0 : i32
    return %c0_i32, %c0_i32_0 : i32, i32
  }
  func.func @transform_5(%arg0: i32, %arg1: memref<16xi32, #tpu.memory_space<smem>>, %arg2: memref<16xi32, #tpu.memory_space<smem>>) -> (i32, i32) {
    %c0_i32 = arith.constant 0 : i32
    %c0_i32_0 = arith.constant 0 : i32
    %c0_i32_1 = arith.constant 0 : i32
    return %c0_i32, %c0_i32_0 : i32, i32
  }
  func.func @transform_6(%arg0: i32, %arg1: memref<16xi32, #tpu.memory_space<smem>>, %arg2: memref<16xi32, #tpu.memory_space<smem>>) -> (i32, i32) {
    %c0_i32 = arith.constant 0 : i32
    %c0_i32_0 = arith.constant 0 : i32
    return %arg0, %c0_i32 : i32, i32
  }
}

module attributes {stable_mosaic.version = 14 : i64} {
  func.func @_final_body(%arg0: i32, %arg1: memref<20x128x128xf32, #tpu.memory_space<vmem>>, %arg2: memref<128x128xf32, #tpu.memory_space<vmem>>, %arg3: memref<128x64xf32, #tpu.memory_space<vmem>>, %arg4: memref<128x1xi32, #tpu.memory_space<vmem>>, %arg5: memref<64x128xf32, #tpu.memory_space<vmem>>, %arg6: memref<128x128xf32, #tpu.memory_space<vmem>>, %arg7: memref<1x128xf32, #tpu.memory_space<vmem>>, %arg8: memref<8x128xf32, #tpu.memory_space<vmem>>) attributes {dimension_semantics = [#tpu.dimension_semantics<arbitrary>], iteration_bounds = array<i64: 32>, scalar_prefetch = 0 : i64, scratch_operands = 0 : i64, tpu.core_type = #tpu.core_type<tc>, window_params = [{transform_indices = @transform_0, window_bounds = array<i64: 20, 128, 128>}, {transform_indices = @transform_1, window_bounds = array<i64: 128, 128>}, {transform_indices = @transform_2, window_bounds = array<i64: 128, 64>}, {transform_indices = @transform_3, window_bounds = array<i64: 128, 1>}, {pipeline_mode = #tpu.pipeline_mode<synchronous>, transform_indices = @transform_4, window_bounds = array<i64: 64, 128>}, {pipeline_mode = #tpu.pipeline_mode<synchronous>, transform_indices = @transform_5, window_bounds = array<i64: 128, 128>}, {pipeline_mode = #tpu.pipeline_mode<synchronous>, transform_indices = @transform_6, window_bounds = array<i64: 1, 128>}, {pipeline_mode = #tpu.pipeline_mode<synchronous>, transform_indices = @transform_7, window_bounds = array<i64: 8, 128>}]} {
    %get3A = arith.constant 0 : index
    %get3A_0 = arith.constant 0 : index
    %get3A_1 = arith.constant 0 : index
    %get3A_2 = vector.load %arg1[%get3A, %get3A_0, %get3A_1] : memref<20x128x128xf32, #tpu.memory_space<vmem>>, vector<1x128x128xf32>
    %get3A_3 = vector.shape_cast %get3A_2 : vector<1x128x128xf32> to vector<128x128xf32>
    %get3A_4 = arith.constant 1 : index
    %get3A_5 = arith.constant 0 : index
    %get3A_6 = arith.constant 0 : index
    %get3A_7 = vector.load %arg1[%get3A_4, %get3A_5, %get3A_6] : memref<20x128x128xf32, #tpu.memory_space<vmem>>, vector<1x128x128xf32>
    %get3A_8 = vector.shape_cast %get3A_7 : vector<1x128x128xf32> to vector<128x128xf32>
    %max3A = arith.maximumf %get3A_3, %get3A_8 : vector<128x128xf32>
    %get3A_9 = arith.constant 2 : index
    %get3A_10 = arith.constant 0 : index
    %get3A_11 = arith.constant 0 : index
    %get3A_12 = vector.load %arg1[%get3A_9, %get3A_10, %get3A_11] : memref<20x128x128xf32, #tpu.memory_space<vmem>>, vector<1x128x128xf32>
    %get3A_13 = vector.shape_cast %get3A_12 : vector<1x128x128xf32> to vector<128x128xf32>
    %max3A_14 = arith.maximumf %max3A, %get3A_13 : vector<128x128xf32>
    %get3A_15 = arith.constant 3 : index
    %get3A_16 = arith.constant 0 : index
    %get3A_17 = arith.constant 0 : index
    %get3A_18 = vector.load %arg1[%get3A_15, %get3A_16, %get3A_17] : memref<20x128x128xf32, #tpu.memory_space<vmem>>, vector<1x128x128xf32>
    %get3A_19 = vector.shape_cast %get3A_18 : vector<1x128x128xf32> to vector<128x128xf32>
    %max3A_20 = arith.maximumf %max3A_14, %get3A_19 : vector<128x128xf32>
    %get3A_21 = arith.constant 4 : index
    %get3A_22 = arith.constant 0 : index
    %get3A_23 = arith.constant 0 : index
    %get3A_24 = vector.load %arg1[%get3A_21, %get3A_22, %get3A_23] : memref<20x128x128xf32, #tpu.memory_space<vmem>>, vector<1x128x128xf32>
    %get3A_25 = vector.shape_cast %get3A_24 : vector<1x128x128xf32> to vector<128x128xf32>
    %max3A_26 = arith.maximumf %max3A_20, %get3A_25 : vector<128x128xf32>
    %get3A_27 = arith.constant 5 : index
    %get3A_28 = arith.constant 0 : index
    %get3A_29 = arith.constant 0 : index
    %get3A_30 = vector.load %arg1[%get3A_27, %get3A_28, %get3A_29] : memref<20x128x128xf32, #tpu.memory_space<vmem>>, vector<1x128x128xf32>
    %get3A_31 = vector.shape_cast %get3A_30 : vector<1x128x128xf32> to vector<128x128xf32>
    %max3A_32 = arith.maximumf %max3A_26, %get3A_31 : vector<128x128xf32>
    %get3A_33 = arith.constant 6 : index
    %get3A_34 = arith.constant 0 : index
    %get3A_35 = arith.constant 0 : index
    %get3A_36 = vector.load %arg1[%get3A_33, %get3A_34, %get3A_35] : memref<20x128x128xf32, #tpu.memory_space<vmem>>, vector<1x128x128xf32>
    %get3A_37 = vector.shape_cast %get3A_36 : vector<1x128x128xf32> to vector<128x128xf32>
    %max3A_38 = arith.maximumf %max3A_32, %get3A_37 : vector<128x128xf32>
    %get3A_39 = arith.constant 7 : index
    %get3A_40 = arith.constant 0 : index
    %get3A_41 = arith.constant 0 : index
    %get3A_42 = vector.load %arg1[%get3A_39, %get3A_40, %get3A_41] : memref<20x128x128xf32, #tpu.memory_space<vmem>>, vector<1x128x128xf32>
    %get3A_43 = vector.shape_cast %get3A_42 : vector<1x128x128xf32> to vector<128x128xf32>
    %max3A_44 = arith.maximumf %max3A_38, %get3A_43 : vector<128x128xf32>
    %get3A_45 = arith.constant 8 : index
    %get3A_46 = arith.constant 0 : index
    %get3A_47 = arith.constant 0 : index
    %get3A_48 = vector.load %arg1[%get3A_45, %get3A_46, %get3A_47] : memref<20x128x128xf32, #tpu.memory_space<vmem>>, vector<1x128x128xf32>
    %get3A_49 = vector.shape_cast %get3A_48 : vector<1x128x128xf32> to vector<128x128xf32>
    %max3A_50 = arith.maximumf %max3A_44, %get3A_49 : vector<128x128xf32>
    %get3A_51 = arith.constant 9 : index
    %get3A_52 = arith.constant 0 : index
    %get3A_53 = arith.constant 0 : index
    %get3A_54 = vector.load %arg1[%get3A_51, %get3A_52, %get3A_53] : memref<20x128x128xf32, #tpu.memory_space<vmem>>, vector<1x128x128xf32>
    %get3A_55 = vector.shape_cast %get3A_54 : vector<1x128x128xf32> to vector<128x128xf32>
    %max3A_56 = arith.maximumf %max3A_50, %get3A_55 : vector<128x128xf32>
    %get3A_57 = arith.constant 10 : index
    %get3A_58 = arith.constant 0 : index
    %get3A_59 = arith.constant 0 : index
    %get3A_60 = vector.load %arg1[%get3A_57, %get3A_58, %get3A_59] : memref<20x128x128xf32, #tpu.memory_space<vmem>>, vector<1x128x128xf32>
    %get3A_61 = vector.shape_cast %get3A_60 : vector<1x128x128xf32> to vector<128x128xf32>
    %max3A_62 = arith.maximumf %max3A_56, %get3A_61 : vector<128x128xf32>
    %get3A_63 = arith.constant 11 : index
    %get3A_64 = arith.constant 0 : index
    %get3A_65 = arith.constant 0 : index
    %get3A_66 = vector.load %arg1[%get3A_63, %get3A_64, %get3A_65] : memref<20x128x128xf32, #tpu.memory_space<vmem>>, vector<1x128x128xf32>
    %get3A_67 = vector.shape_cast %get3A_66 : vector<1x128x128xf32> to vector<128x128xf32>
    %max3A_68 = arith.maximumf %max3A_62, %get3A_67 : vector<128x128xf32>
    %get3A_69 = arith.constant 12 : index
    %get3A_70 = arith.constant 0 : index
    %get3A_71 = arith.constant 0 : index
    %get3A_72 = vector.load %arg1[%get3A_69, %get3A_70, %get3A_71] : memref<20x128x128xf32, #tpu.memory_space<vmem>>, vector<1x128x128xf32>
    %get3A_73 = vector.shape_cast %get3A_72 : vector<1x128x128xf32> to vector<128x128xf32>
    %max3A_74 = arith.maximumf %max3A_68, %get3A_73 : vector<128x128xf32>
    %get3A_75 = arith.constant 13 : index
    %get3A_76 = arith.constant 0 : index
    %get3A_77 = arith.constant 0 : index
    %get3A_78 = vector.load %arg1[%get3A_75, %get3A_76, %get3A_77] : memref<20x128x128xf32, #tpu.memory_space<vmem>>, vector<1x128x128xf32>
    %get3A_79 = vector.shape_cast %get3A_78 : vector<1x128x128xf32> to vector<128x128xf32>
    %max3A_80 = arith.maximumf %max3A_74, %get3A_79 : vector<128x128xf32>
    %get3A_81 = arith.constant 14 : index
    %get3A_82 = arith.constant 0 : index
    %get3A_83 = arith.constant 0 : index
    %get3A_84 = vector.load %arg1[%get3A_81, %get3A_82, %get3A_83] : memref<20x128x128xf32, #tpu.memory_space<vmem>>, vector<1x128x128xf32>
    %get3A_85 = vector.shape_cast %get3A_84 : vector<1x128x128xf32> to vector<128x128xf32>
    %max3A_86 = arith.maximumf %max3A_80, %get3A_85 : vector<128x128xf32>
    %get3A_87 = arith.constant 15 : index
    %get3A_88 = arith.constant 0 : index
    %get3A_89 = arith.constant 0 : index
    %get3A_90 = vector.load %arg1[%get3A_87, %get3A_88, %get3A_89] : memref<20x128x128xf32, #tpu.memory_space<vmem>>, vector<1x128x128xf32>
    %get3A_91 = vector.shape_cast %get3A_90 : vector<1x128x128xf32> to vector<128x128xf32>
    %max3A_92 = arith.maximumf %max3A_86, %get3A_91 : vector<128x128xf32>
    %get3A_93 = arith.constant 16 : index
    %get3A_94 = arith.constant 0 : index
    %get3A_95 = arith.constant 0 : index
    %get3A_96 = vector.load %arg1[%get3A_93, %get3A_94, %get3A_95] : memref<20x128x128xf32, #tpu.memory_space<vmem>>, vector<1x128x128xf32>
    %get3A_97 = vector.shape_cast %get3A_96 : vector<1x128x128xf32> to vector<128x128xf32>
    %max3A_98 = arith.maximumf %max3A_92, %get3A_97 : vector<128x128xf32>
    %get3A_99 = arith.constant 17 : index
    %get3A_100 = arith.constant 0 : index
    %get3A_101 = arith.constant 0 : index
    %get3A_102 = vector.load %arg1[%get3A_99, %get3A_100, %get3A_101] : memref<20x128x128xf32, #tpu.memory_space<vmem>>, vector<1x128x128xf32>
    %get3A_103 = vector.shape_cast %get3A_102 : vector<1x128x128xf32> to vector<128x128xf32>
    %max3A_104 = arith.maximumf %max3A_98, %get3A_103 : vector<128x128xf32>
    %get3A_105 = arith.constant 18 : index
    %get3A_106 = arith.constant 0 : index
    %get3A_107 = arith.constant 0 : index
    %get3A_108 = vector.load %arg1[%get3A_105, %get3A_106, %get3A_107] : memref<20x128x128xf32, #tpu.memory_space<vmem>>, vector<1x128x128xf32>
    %get3A_109 = vector.shape_cast %get3A_108 : vector<1x128x128xf32> to vector<128x128xf32>
    %max3A_110 = arith.maximumf %max3A_104, %get3A_109 : vector<128x128xf32>
    %get3A_111 = arith.constant 19 : index
    %get3A_112 = arith.constant 0 : index
    %get3A_113 = arith.constant 0 : index
    %get3A_114 = vector.load %arg1[%get3A_111, %get3A_112, %get3A_113] : memref<20x128x128xf32, #tpu.memory_space<vmem>>, vector<1x128x128xf32>
    %get3A_115 = vector.shape_cast %get3A_114 : vector<1x128x128xf32> to vector<128x128xf32>
    %max3A_116 = arith.maximumf %max3A_110, %get3A_115 : vector<128x128xf32>
    %get3A_117 = arith.constant 0 : index
    %get3A_118 = arith.constant 0 : index
    %get3A_119 = vector.load %arg2[%get3A_117, %get3A_118] : memref<128x128xf32, #tpu.memory_space<vmem>>, vector<128x128xf32>
    %add3A = arith.addf %get3A_119, %max3A_116 : vector<128x128xf32>
    %get3A_120 = arith.constant 0 : index
    %get3A_121 = arith.constant 0 : index
    %get3A_122 = vector.load %arg3[%get3A_120, %get3A_121] : memref<128x64xf32, #tpu.memory_space<vmem>>, vector<128x64xf32>
    %get3A_123 = arith.constant 0 : index
    %get3A_124 = arith.constant 0 : index
    %get3A_125 = vector.load %arg5[%get3A_123, %get3A_124] : memref<64x128xf32, #tpu.memory_space<vmem>>, vector<64x128xf32>
    %dot_general3A = arith.constant dense<0.000000e+00> : vector<128x128xf32>
    %dot_general3A_126 = tpu.matmul %get3A_122, %get3A_125, %dot_general3A {dimension_numbers = #tpu.dot_dimension_numbers<[1], [0], [0], [1], [0, 0, 1, 1], [], []>, transpose_lhs_hint = false} : vector<128x64xf32>, vector<64x128xf32>, vector<128x128xf32> -> vector<128x128xf32>
    %get3A_127 = arith.constant 0 : index
    %get3A_128 = arith.constant 0 : index
    %get3A_129 = vector.load %arg6[%get3A_127, %get3A_128] : memref<128x128xf32, #tpu.memory_space<vmem>>, vector<128x128xf32>
    %dot_general3A_130 = arith.constant dense<0.000000e+00> : vector<128x128xf32>
    %dot_general3A_131 = tpu.matmul %add3A, %get3A_129, %dot_general3A_130 {dimension_numbers = #tpu.dot_dimension_numbers<[1], [0], [0], [1], [0, 0, 1, 1], [], []>, transpose_lhs_hint = false} : vector<128x128xf32>, vector<128x128xf32>, vector<128x128xf32> -> vector<128x128xf32>
    %add3A_132 = arith.addf %dot_general3A_126, %dot_general3A_131 : vector<128x128xf32>
    %get3A_133 = arith.constant 0 : index
    %get3A_134 = arith.constant 0 : index
    %get3A_135 = vector.load %arg7[%get3A_133, %get3A_134] : memref<1x128xf32, #tpu.memory_space<vmem>>, vector<1x128xf32>
    %add3A_136 = vector.broadcast %get3A_135 : vector<1x128xf32> to vector<128x128xf32>
    %add3A_137 = arith.addf %add3A_132, %add3A_136 : vector<128x128xf32>
    %eq3A = arith.constant 0 : i32
    %eq3A_138 = arith.cmpi eq, %arg0, %eq3A : i32
    %convert_element_type3A = arith.extui %eq3A_138 : i1 to i32
    %cond3A = arith.constant 0xFF800000 : f32
    %cond3A_139 = arith.constant 0 : i32
    %cond3A_140 = arith.cmpi ne, %convert_element_type3A, %cond3A_139 : i32
    scf.if %cond3A_140 {
      %broadcast_in_dim3A_234 = vector.broadcast %cond3A : f32 to vector<8x128xf32>
      %swap3A_235 = arith.constant 0 : index
      %swap3A_236 = arith.constant 0 : index
      %swap3A_237 = vector.load %arg8[%swap3A_235, %swap3A_236] : memref<8x128xf32, #tpu.memory_space<vmem>>, vector<8x128xf32>
      tpu.vector_store %arg8[%swap3A_235, %swap3A_236], %broadcast_in_dim3A_234 {strides = array<i32>} : memref<8x128xf32, #tpu.memory_space<vmem>>, vector<8x128xf32>,
    } else {
    }
    %get3A_141 = arith.constant 0 : index
    %get3A_142 = arith.constant 0 : index
    %get3A_143 = vector.load %arg4[%get3A_141, %get3A_142] : memref<128x1xi32, #tpu.memory_space<vmem>>, vector<128x1xi32>
    %eq3A_144 = arith.constant 0 : i32
    %eq3A_145 = vector.broadcast %eq3A_144 : i32 to vector<128x1xi32>
    %eq3A_146 = arith.cmpi eq, %get3A_143, %eq3A_145 : vector<128x1xi32>
    %jit3A = arith.constant 0xFF800000 : f32
    %broadcast_in_dim3A = vector.shape_cast %eq3A_146 : vector<128x1xi1> to vector<128x1xi1>
    %broadcast_in_dim3A_147 = vector.broadcast %broadcast_in_dim3A : vector<128x1xi1> to vector<128x128xi1>
    %broadcast_in_dim3A_148 = vector.broadcast %jit3A : f32 to vector<128x128xf32>
    %select_n3A = arith.select %broadcast_in_dim3A_147, %add3A_137, %broadcast_in_dim3A_148 : vector<128x128xi1>, vector<128x128xf32>
    %reduce_max3A = arith.constant dense<0xFF800000> : vector<128xf32>
    %reduce_max3A_149 = vector.multi_reduction <maximumf>, %select_n3A, %reduce_max3A [0] : vector<128x128xf32> to vector<128xf32>
    %broadcast_in_dim3A_150 = vector.shape_cast %reduce_max3A_149 : vector<128xf32> to vector<1x128xf32>
    %eq3A_151 = arith.constant 1 : i32
    %eq3A_152 = vector.broadcast %eq3A_151 : i32 to vector<128x1xi32>
    %eq3A_153 = arith.cmpi eq, %get3A_143, %eq3A_152 : vector<128x1xi32>
    %jit3A_154 = arith.constant 0xFF800000 : f32
    %broadcast_in_dim3A_155 = vector.shape_cast %eq3A_153 : vector<128x1xi1> to vector<128x1xi1>
    %broadcast_in_dim3A_156 = vector.broadcast %broadcast_in_dim3A_155 : vector<128x1xi1> to vector<128x128xi1>
    %broadcast_in_dim3A_157 = vector.broadcast %jit3A_154 : f32 to vector<128x128xf32>
    %select_n3A_158 = arith.select %broadcast_in_dim3A_156, %add3A_137, %broadcast_in_dim3A_157 : vector<128x128xi1>, vector<128x128xf32>
    %reduce_max3A_159 = arith.constant dense<0xFF800000> : vector<128xf32>
    %reduce_max3A_160 = vector.multi_reduction <maximumf>, %select_n3A_158, %reduce_max3A_159 [0] : vector<128x128xf32> to vector<128xf32>
    %broadcast_in_dim3A_161 = vector.shape_cast %reduce_max3A_160 : vector<128xf32> to vector<1x128xf32>
    %eq3A_162 = arith.constant 2 : i32
    %eq3A_163 = vector.broadcast %eq3A_162 : i32 to vector<128x1xi32>
    %eq3A_164 = arith.cmpi eq, %get3A_143, %eq3A_163 : vector<128x1xi32>
    %jit3A_165 = arith.constant 0xFF800000 : f32
    %broadcast_in_dim3A_166 = vector.shape_cast %eq3A_164 : vector<128x1xi1> to vector<128x1xi1>
    %broadcast_in_dim3A_167 = vector.broadcast %broadcast_in_dim3A_166 : vector<128x1xi1> to vector<128x128xi1>
    %broadcast_in_dim3A_168 = vector.broadcast %jit3A_165 : f32 to vector<128x128xf32>
    %select_n3A_169 = arith.select %broadcast_in_dim3A_167, %add3A_137, %broadcast_in_dim3A_168 : vector<128x128xi1>, vector<128x128xf32>
    %reduce_max3A_170 = arith.constant dense<0xFF800000> : vector<128xf32>
    %reduce_max3A_171 = vector.multi_reduction <maximumf>, %select_n3A_169, %reduce_max3A_170 [0] : vector<128x128xf32> to vector<128xf32>
    %broadcast_in_dim3A_172 = vector.shape_cast %reduce_max3A_171 : vector<128xf32> to vector<1x128xf32>
    %eq3A_173 = arith.constant 3 : i32
    %eq3A_174 = vector.broadcast %eq3A_173 : i32 to vector<128x1xi32>
    %eq3A_175 = arith.cmpi eq, %get3A_143, %eq3A_174 : vector<128x1xi32>
    %jit3A_176 = arith.constant 0xFF800000 : f32
    %broadcast_in_dim3A_177 = vector.shape_cast %eq3A_175 : vector<128x1xi1> to vector<128x1xi1>
    %broadcast_in_dim3A_178 = vector.broadcast %broadcast_in_dim3A_177 : vector<128x1xi1> to vector<128x128xi1>
    %broadcast_in_dim3A_179 = vector.broadcast %jit3A_176 : f32 to vector<128x128xf32>
    %select_n3A_180 = arith.select %broadcast_in_dim3A_178, %add3A_137, %broadcast_in_dim3A_179 : vector<128x128xi1>, vector<128x128xf32>
    %reduce_max3A_181 = arith.constant dense<0xFF800000> : vector<128xf32>
    %reduce_max3A_182 = vector.multi_reduction <maximumf>, %select_n3A_180, %reduce_max3A_181 [0] : vector<128x128xf32> to vector<128xf32>
    %broadcast_in_dim3A_183 = vector.shape_cast %reduce_max3A_182 : vector<128xf32> to vector<1x128xf32>
    %eq3A_184 = arith.constant 4 : i32
    %eq3A_185 = vector.broadcast %eq3A_184 : i32 to vector<128x1xi32>
    %eq3A_186 = arith.cmpi eq, %get3A_143, %eq3A_185 : vector<128x1xi32>
    %jit3A_187 = arith.constant 0xFF800000 : f32
    %broadcast_in_dim3A_188 = vector.shape_cast %eq3A_186 : vector<128x1xi1> to vector<128x1xi1>
    %broadcast_in_dim3A_189 = vector.broadcast %broadcast_in_dim3A_188 : vector<128x1xi1> to vector<128x128xi1>
    %broadcast_in_dim3A_190 = vector.broadcast %jit3A_187 : f32 to vector<128x128xf32>
    %select_n3A_191 = arith.select %broadcast_in_dim3A_189, %add3A_137, %broadcast_in_dim3A_190 : vector<128x128xi1>, vector<128x128xf32>
    %reduce_max3A_192 = arith.constant dense<0xFF800000> : vector<128xf32>
    %reduce_max3A_193 = vector.multi_reduction <maximumf>, %select_n3A_191, %reduce_max3A_192 [0] : vector<128x128xf32> to vector<128xf32>
    %broadcast_in_dim3A_194 = vector.shape_cast %reduce_max3A_193 : vector<128xf32> to vector<1x128xf32>
    %eq3A_195 = arith.constant 5 : i32
    %eq3A_196 = vector.broadcast %eq3A_195 : i32 to vector<128x1xi32>
    %eq3A_197 = arith.cmpi eq, %get3A_143, %eq3A_196 : vector<128x1xi32>
    %jit3A_198 = arith.constant 0xFF800000 : f32
    %broadcast_in_dim3A_199 = vector.shape_cast %eq3A_197 : vector<128x1xi1> to vector<128x1xi1>
    %broadcast_in_dim3A_200 = vector.broadcast %broadcast_in_dim3A_199 : vector<128x1xi1> to vector<128x128xi1>
    %broadcast_in_dim3A_201 = vector.broadcast %jit3A_198 : f32 to vector<128x128xf32>
    %select_n3A_202 = arith.select %broadcast_in_dim3A_200, %add3A_137, %broadcast_in_dim3A_201 : vector<128x128xi1>, vector<128x128xf32>
    %reduce_max3A_203 = arith.constant dense<0xFF800000> : vector<128xf32>
    %reduce_max3A_204 = vector.multi_reduction <maximumf>, %select_n3A_202, %reduce_max3A_203 [0] : vector<128x128xf32> to vector<128xf32>
    %broadcast_in_dim3A_205 = vector.shape_cast %reduce_max3A_204 : vector<128xf32> to vector<1x128xf32>
    %eq3A_206 = arith.constant 6 : i32
    %eq3A_207 = vector.broadcast %eq3A_206 : i32 to vector<128x1xi32>
    %eq3A_208 = arith.cmpi eq, %get3A_143, %eq3A_207 : vector<128x1xi32>
    %jit3A_209 = arith.constant 0xFF800000 : f32
    %broadcast_in_dim3A_210 = vector.shape_cast %eq3A_208 : vector<128x1xi1> to vector<128x1xi1>
    %broadcast_in_dim3A_211 = vector.broadcast %broadcast_in_dim3A_210 : vector<128x1xi1> to vector<128x128xi1>
    %broadcast_in_dim3A_212 = vector.broadcast %jit3A_209 : f32 to vector<128x128xf32>
    %select_n3A_213 = arith.select %broadcast_in_dim3A_211, %add3A_137, %broadcast_in_dim3A_212 : vector<128x128xi1>, vector<128x128xf32>
    %reduce_max3A_214 = arith.constant dense<0xFF800000> : vector<128xf32>
    %reduce_max3A_215 = vector.multi_reduction <maximumf>, %select_n3A_213, %reduce_max3A_214 [0] : vector<128x128xf32> to vector<128xf32>
    %broadcast_in_dim3A_216 = vector.shape_cast %reduce_max3A_215 : vector<128xf32> to vector<1x128xf32>
    %eq3A_217 = arith.constant 7 : i32
    %eq3A_218 = vector.broadcast %eq3A_217 : i32 to vector<128x1xi32>
    %eq3A_219 = arith.cmpi eq, %get3A_143, %eq3A_218 : vector<128x1xi32>
    %jit3A_220 = arith.constant 0xFF800000 : f32
    %broadcast_in_dim3A_221 = vector.shape_cast %eq3A_219 : vector<128x1xi1> to vector<128x1xi1>
    %broadcast_in_dim3A_222 = vector.broadcast %broadcast_in_dim3A_221 : vector<128x1xi1> to vector<128x128xi1>
    %broadcast_in_dim3A_223 = vector.broadcast %jit3A_220 : f32 to vector<128x128xf32>
    %select_n3A_224 = arith.select %broadcast_in_dim3A_222, %add3A_137, %broadcast_in_dim3A_223 : vector<128x128xi1>, vector<128x128xf32>
    %reduce_max3A_225 = arith.constant dense<0xFF800000> : vector<128xf32>
    %reduce_max3A_226 = vector.multi_reduction <maximumf>, %select_n3A_224, %reduce_max3A_225 [0] : vector<128x128xf32> to vector<128xf32>
    %broadcast_in_dim3A_227 = vector.shape_cast %reduce_max3A_226 : vector<128xf32> to vector<1x128xf32>
    %get3A_228 = arith.constant 0 : index
    %get3A_229 = arith.constant 0 : index
    %get3A_230 = vector.load %arg8[%get3A_228, %get3A_229] : memref<8x128xf32, #tpu.memory_space<vmem>>, vector<8x128xf32>
    %concatenate3A = tpu.concatenate %broadcast_in_dim3A_150, %broadcast_in_dim3A_161, %broadcast_in_dim3A_172, %broadcast_in_dim3A_183, %broadcast_in_dim3A_194, %broadcast_in_dim3A_205, %broadcast_in_dim3A_216, %broadcast_in_dim3A_227 in 0 : vector<1x128xf32>, vector<1x128xf32>, vector<1x128xf32>, vector<1x128xf32>, vector<1x128xf32>, vector<1x128xf32>, vector<1x128xf32>, vector<1x128xf32> -> vector<8x128xf32>
    %max3A_231 = arith.maximumf %get3A_230, %concatenate3A : vector<8x128xf32>
    %swap3A = arith.constant 0 : index
    %swap3A_232 = arith.constant 0 : index
    %swap3A_233 = vector.load %arg8[%swap3A, %swap3A_232] : memref<8x128xf32, #tpu.memory_space<vmem>>, vector<8x128xf32>
    tpu.vector_store %arg8[%swap3A, %swap3A_232], %max3A_231 {strides = array<i32>} : memref<8x128xf32, #tpu.memory_space<vmem>>, vector<8x128xf32>,
    return
  }
  func.func @transform_0(%arg0: i32) -> (i32, i32, i32) {
    %c0_i32 = arith.constant 0 : i32
    %c0_i32_0 = arith.constant 0 : i32
    %c0_i32_1 = arith.constant 0 : i32
    return %c0_i32, %arg0, %c0_i32_0 : i32, i32, i32
  }
  func.func @transform_1(%arg0: i32) -> (i32, i32) {
    %c0_i32 = arith.constant 0 : i32
    %c0_i32_0 = arith.constant 0 : i32
    return %arg0, %c0_i32 : i32, i32
  }
  func.func @transform_2(%arg0: i32) -> (i32, i32) {
    %c0_i32 = arith.constant 0 : i32
    %c0_i32_0 = arith.constant 0 : i32
    return %arg0, %c0_i32 : i32, i32
  }
  func.func @transform_3(%arg0: i32) -> (i32, i32) {
    %c0_i32 = arith.constant 0 : i32
    %c0_i32_0 = arith.constant 0 : i32
    return %arg0, %c0_i32 : i32, i32
  }
  func.func @transform_4(%arg0: i32) -> (i32, i32) {
    %c0_i32 = arith.constant 0 : i32
    %c0_i32_0 = arith.constant 0 : i32
    %c0_i32_1 = arith.constant 0 : i32
    return %c0_i32, %c0_i32_0 : i32, i32
  }
  func.func @transform_5(%arg0: i32) -> (i32, i32) {
    %c0_i32 = arith.constant 0 : i32
    %c0_i32_0 = arith.constant 0 : i32
    %c0_i32_1 = arith.constant 0 : i32
    return %c0_i32, %c0_i32_0 : i32, i32
  }
  func.func @transform_6(%arg0: i32) -> (i32, i32) {
    %c0_i32 = arith.constant 0 : i32
    %c0_i32_0 = arith.constant 0 : i32
    %c0_i32_1 = arith.constant 0 : i32
    return %c0_i32, %c0_i32_0 : i32, i32
  }
  func.func @transform_7(%arg0: i32) -> (i32, i32) {
    %c0_i32 = arith.constant 0 : i32
    %c0_i32_0 = arith.constant 0 : i32
    %c0_i32_1 = arith.constant 0 : i32
    return %c0_i32, %c0_i32_0 : i32, i32
  }
}

</mosaic_0001>

<sc_bundles>
// kernel: kernel.14.cloned.1.call-start
scs
__scs_entry_jumppad:
0x0: {  	(pc) =	sbr.rel $0x88, $3  }
0x1: {  	(tag) =	ssettag $0x0;
	lr =	simm.s32 $0x1  }
0x2: {  	[smem:$0x3F97] =	sst lr;
	_ =	strace $0xD0000000  }
0x3: {  	_ = 	snop  }
0x4: {  	_ = 	snop  }
0x5: {  	_ = 	snop  }
0x6: {  	_ = 	snop  }
0x7: {  	_ = 	snop  }
__scs_overlays_trampoline_lowered:
0x8: {  	[smem:$0x3FA6] =	sst s0  }
0x9: {  	[smem:$0x3FA7] =	sst s1  }
0xa: {  	[smem:$0x3FA8] =	sst s2  }
0xb: {  	[smem:$0x3FA9] =	sst s3  }
0xc: {  	[smem:$0x3FAA] =	sst s4  }
0xd: {  	[smem:$0x3FAB] =	sst s5  }
0xe: {  	[smem:$0x3FAC] =	sst s6  }
0xf: {  	[smem:$0x3FAD] =	sst s7  }
0x10: {  	[smem:$0x3FAE] =	sst s8  }
0x11: {  	[smem:$0x3FAF] =	sst s9;
	s0 =	simm.s32 @!p0 $0x0  }
0x12: {  	s1 =	sld [smem:$0x3F95];
	s0 =	simm.s32 @p0 $0x1  }
0x13: {  	[smem:$0x3FB0] =	sst s0;
	s0 =	simm.s32 @!p1 $0x0  }
0x14: {  	s2 =	sld [smem:$0x3F94];
	s0 =	simm.s32 @p1 $0x1  }
0x15: {  	[smem:$0x3FB1] =	sst s0;
	s0 =	simm.s32 @!p2 $0x0  }
0x16: {  	s3 =	sld [smem:$0x3FDB];
	s0 =	simm.s32 @p2 $0x1  }
0x17: {  	s4 =	simm.s32 $0x1BF5;
	[smem:$0x3FB3] =	sst s0  }
0x18: {  	s0 =	sld [smem:$0x3F96];
	_ =	swait.ge [sflag:s4], $0x0  }
0x19: {  	s7 =	sld [smem:$0x3F97]  }
0x1a: {  	s8 =	sadd.s32 $0xFFFFE003, lr  }
0x1b: {  	s9 =	sadd.s32 $0xFFFFFEF7, lr;
	s5 =	simm.s32 $0xFFFFFFFF;
	p2 =	slt.u32 s8, $0xFFFFF086  }
0x1c: {  	p1 =	slt.u32 s9, $0xF7A;
	s5 =	simm.s32 @!p2 $0x0  }
0x1d: {  	s5 =	simm.s32 @p1 $0x1;
	p0 =	seq.s32 s7, s2  }
0x1e: {  	s7 =	smul.u32 @!p0 $0xF7A, s2;
	p2 =	seq.s32 @!p0 s5, $0x0  }
0x1f: {  	s9 =	smul.u32 $0xF7A, s1;
	s8 =	simm.s32 @!p0 $0x1BF5;
	p2 =	por !p2, p0  }
0x20: {  	[sflag:s8] =	ssyncset.s32 @!p0 $0xFFFFF086;
	s6 =	sadd.s32 @!p0 s3, s7;
	s7 =	simm.s32 @!p0 $0x108  }
0x21: {  	s3 =	sadd.s32 s3, s9;
	s6 =	sadd.s32 @!p0 $0x88, s6;
	s7 =	simm.s32 @p2 $0x1082  }
0x22: {  	[simem:s7], [sflag:s8] =	dma.local @!p0 [hbm:s6], $0xF7A  }
0x23: {  	s9 =	sor.u32 $0xD0000000, s2;
	s6 =	simm.s32 $0x108;
	_ =	swait.ge @!p0 [sflag:s8], $0x0  }
0x24: {  	s3 =	sadd.s32 $0x88, s3;
	s6 =	simm.s32 @!p1 $0x1082;
	[sflag:s4] =	ssyncset.s32 $0xFFFFF086  }
0x25: {  	[simem:s6], [sflag:s4] =	dma.local [hbm:s3], $0xF7A  }
0x26: {  	[smem:$0x3F97] =	sst s1;
	(tag) =	ssettag s2;
	_ =	strace s9  }
0x27: {  	s1 =	sld [smem:$0x3FA7]  }
0x28: {  	s2 =	sld [smem:$0x3FA8]  }
0x29: {  	s4 =	sld [smem:$0x3FAA]  }
0x2a: {  	p0 =	seq.s32 s5, $0x0;
	s5 =	sld [smem:$0x3FAB]  }
0x2b: {  	s6 =	sld [smem:$0x3FAC]  }
0x2c: {  	s7 =	sld [smem:$0x3FAD]  }
0x2d: {  	s3 =	simm.s32 $0x108;
	s8 =	sld [smem:$0x3FAE]  }
0x2e: {  	s3 =	simm.s32 @!p0 $0x1082;
	s9 =	sld [smem:$0x3FAF]  }
0x2f: {  	lr =	sadd.s32 s0, s3;
	s0 =	sld [smem:$0x3FA6]  }
0x30: {  	s3 =	sld [smem:$0x3FA9]  }
0x31: {  	[smem:$0x3FB2] =	sst s10  }
0x32: {  	s10 =	sld [smem:$0x3FB0];
	_ =	sdelay $0x3  }
0x33: {  	p0 =	seq.s32 s10, $0x1;
	s10 =	sld [smem:$0x3FB2];
	_ =	sdelay $0x3  }
0x34: {  	[smem:$0x3FB2] =	sst s10  }
0x35: {  	s10 =	sld [smem:$0x3FB1];
	_ =	sdelay $0x3  }
0x36: {  	p1 =	seq.s32 s10, $0x1;
	s10 =	sld [smem:$0x3FB2];
	_ =	sdelay $0x3  }
0x37: {  	[smem:$0x3FB2] =	sst s10  }
0x38: {  	s10 =	sld [smem:$0x3FB3]  }
0x39: {  	_ = 	snop;
	(pc) =	sbr.ind lr, $3  }
0x3a: {  	_ = 	snop  }
0x3b: {  	_ = 	snop  }
0x3c: {  	p2 =	seq.s32 s10, $0x1;
	s10 =	sld [smem:$0x3FB2]  }
0x3d: {  	_ =	shalt  }
0x3e: {  	_ =	shalt  }
0x3f: {  	_ =	shalt  }
0x40: {  	_ =	shalt  }
0x41: {  	_ =	shalt  }
0x42: {  	_ =	shalt  }
0x43: {  	_ =	shalt  }
0x44: {  	_ =	shalt  }
0x45: {  	_ =	shalt  }
0x46: {  	_ =	shalt  }
0x47: {  	_ =	shalt  }
0x48: {  	_ =	shalt  }
0x49: {  	_ =	shalt  }
0x4a: {  	_ =	shalt  }
0x4b: {  	_ =	shalt  }
0x4c: {  	_ =	shalt  }
0x4d: {  	_ =	shalt  }
0x4e: {  	_ =	shalt  }
0x4f: {  	_ =	shalt  }
0x50: {  	_ =	shalt  }
0x51: {  	_ =	shalt  }
0x52: {  	_ =	shalt  }
0x53: {  	_ =	shalt  }
0x54: {  	_ =	shalt  }
0x55: {  	_ =	shalt  }
0x56: {  	_ =	shalt  }
0x57: {  	_ =	shalt  }
0x58: {  	_ =	shalt  }
0x59: {  	_ =	shalt  }
0x5a: {  	_ =	shalt  }
0x5b: {  	_ =	shalt  }
0x5c: {  	_ =	shalt  }
0x5d: {  	_ =	shalt  }
0x5e: {  	_ =	shalt  }
0x5f: {  	_ =	shalt  }
0x60: {  	_ =	shalt  }
0x61: {  	_ =	shalt  }
0x62: {  	_ =	shalt  }
0x63: {  	_ =	shalt  }
0x64: {  	_ =	shalt  }
0x65: {  	_ =	shalt  }
0x66: {  	_ =	shalt  }
0x67: {  	_ =	shalt  }
0x68: {  	_ =	shalt  }
0x69: {  	_ =	shalt  }
0x6a: {  	_ =	shalt  }
0x6b: {  	_ =	shalt  }
0x6c: {  	_ =	shalt  }
0x6d: {  	_ =	shalt  }
0x6e: {  	_ =	shalt  }
0x6f: {  	_ =	shalt  }
0x70: {  	_ =	shalt  }
0x71: {  	_ =	shalt  }
0x72: {  	_ =	shalt  }
0x73: {  	_ =	shalt  }
0x74: {  	_ =	shalt  }
0x75: {  	_ =	shalt  }
0x76: {  	_ =	shalt  }
0x77: {  	_ =	shalt  }
0x78: {  	_ =	shalt  }
0x79: {  	_ =	shalt  }
0x7a: {  	_ =	shalt  }
0x7b: {  	_ =	shalt  }
0x7c: {  	_ =	shalt  }
0x7d: {  	_ =	shalt  }
0x7e: {  	_ =	shalt  }
0x7f: {  	_ =	shalt  }
0x80: {  	_ =	shalt  }
0x81: {  	_ =	shalt  }
0x82: {  	_ =	shalt  }
0x83: {  	_ =	shalt  }
0x84: {  	_ =	shalt  }
0x85: {  	_ =	shalt  }
0x86: {  	_ =	shalt  }
0x87: {  	_ =	shalt  }
.Lfunc_end0:
.L_simem_size_0:
called_computation_lowered:
.L_overlay_start_0:
0x88: {  	s2 =	sld [smem:$0x3FD9]  }
0x89: {  	s3 =	sld [smem:$0x3FFE];
	_ =	sdelay $0x1  }
0x8a: {  	s1 =	srdreg.scid  }
0x8b: {  	s0 =	sand.u32 $0x1, s1  }
0x8c: {  	s17 =	sshll.u32 s0, $0xA;
	s2 =	sadd.s32 s3, s2  }
0x8d: {  	s2 =	sadd.s32 s2, s17  }
0x8e: {  	[smem:$0x3FBE] =	sst s2  }
0x8f: {  	_ = 	snop  }
0x90: {  	(tm) =	ssettm $0x1  }
0x91: {  	s18 =	sld [smem:$0x3FFB];
	_ =	sdelay $0x3  }
0x92: {  	_ =	strace s18  }
0x93: {  	s2 =	sld [smem:$0x3FFC];
	_ =	sdelay $0x3  }
0x94: {  	_ =	strace s2  }
0x95: {  	s2 =	sld [smem:$0x3FFD];
	_ =	sdelay $0x3  }
0x96: {  	_ =	strace s2  }
0x97: {  	_ =	strace $0x8FFFFFFF  }
0x98: {  	s19 =	sld [smem:$0x3FDB];
	_ =	sdelay $0x1  }
0x99: {  	s20 =	simm.s32 $_scs_section_size  }
0x9a: {  	s4 =	simm.s32 $_size__tile_overlayer_lowered;
	s5 =	simm.s32 $_tile_overlayer_lowered  }
0x9b: {  	s6 =	simm.s32 $0x1BFF;
	s21 =	sshll.u32 s5, $0x1;
	s3 =	sadd.s32 s20, s19  }
0x9c: {  	s22 =	simm.s32 $0x0;
	s4 =	sshll.u32 s4, $0x1;
	s5 =	sadd.s32 s21, s3  }
0x9d: {  	[timem:s22], [sflag:s6] =	dma.local [hbm:s5], s4  }
0x9e: {  	_ =	swait.ge [sflag:s6], s4  }
0x9f: {  	s4 =	ssub.s32 $0x0, s4;
	[sflag:s6] =	ssyncset.done $0x0  }
0xa0: {  	[sflag:s6] =	ssyncadd.s32 s4;
	_ =	sdelay $0x1  }
0xa1: {  	s23 =	simm.s32 $0x1B8B  }
0xa2: {  	_ =	swait.ge [sflag:s23], $0x1  }
0xa3: {  	[sflag:s23] =	ssyncset.done $0x0  }
0xa4: {  	[sflag:s23] =	ssyncadd.s32 $0xFFFFFFFF  }
0xa5: {  	s4 =	sld [smem:$0x0]  }
0xa6: {  	s5 =	sand.u32 $0xFFFFFFFE, s1  }
0xa7: {  	p0 =	sne.s32 s1, s5  }
0xa8: {  	s5 =	sshll.u32 @p0 s5, $0xE  }
0xa9: {  	s5 =	sadd.s32 @p0 $0x11B8D, s5;
	s6 =	sshll.u32 @p0 s4, $0x11  }
0xaa: {  	s5 =	sor.u32 @p0 s6, s5  }
0xab: {  	[sflag:s5] =	ssyncadd.remote.s32 @p0 $0x1;
	_ =	sdelay $0x1  }
0xac: {  	s5 =	simm.s32 @p0 $0x1B8D  }
0xad: {  	_ =	swait.eq @p0 [sflag:s5], $0x1  }
0xae: {  	[sflag:s5] =	ssyncadd.s32 @p0 $0xFFFFFFFF  }
0xaf: {  	s6 =	sshll.u32 @!p0 s1, $0xE  }
0xb0: {  	s6 =	sor.u32 @!p0 $0x4000, s6;
	s5 =	simm.s32 @!p0 $0x1B8D  }
0xb1: {  	s4 =	sshll.u32 @!p0 s4, $0x11;
	s6 =	sadd.s32 @!p0 $0x11B8D, s6;
	_ =	swait.eq @!p0 [sflag:s5], $0x1  }
0xb2: {  	s4 =	sor.u32 @!p0 s4, s6;
	[sflag:s5] =	ssyncadd.s32 @!p0 $0xFFFFFFFF  }
0xb3: {  	s25 =	simm.s32 $0x1B8E;
	s24 =	sld [smem:$0x3FFE];
	[sflag:s4] =	ssyncadd.remote.s32 @!p0 $0x1  }
0xb4: {  	s26 =	simm.s32 $execute0_lowered;
	[smem:$0x3FD2] =	sst s25  }
0xb5: {  	s5 =	sshll.u32 s26, $0x1;
	_ =	strace $0x80000049;
	[dreg:$0x1] =	wrdreg $0xFFFFFFFF  }
0xb6: {  	s28 =	simm.s32 $_size_execute0_lowered;
	s3 =	sadd.s32 s3, s5;
	[dreg:$0x0] =	wrdreg $0x0  }
0xb7: {  	s5 =	sshll.u32 s28, $0x1;
	[dreg:$0x2] =	wrdreg s3  }
0xb8: {  	[dreg:$0x3] =	wrdreg s5  }
0xb9: {  	[dreg:$0x4] =	wrdreg $0xC0  }
0xba: {  	_ =	task [dreg:s22], $0x5FFFF  }
0xbb: {  	[dreg:$0x1] =	wrdreg $0xFFFFFFFF  }
0xbc: {  	[dreg:$0x0] =	wrdreg $0x60  }
0xbd: {  	[dreg:$0x2] =	wrdreg s24  }
0xbe: {  	[dreg:$0x3] =	wrdreg $0x9  }
0xbf: {  	_ =	task.clear_ibuf [dreg:s22], $0x4FFFF;
	_ =	strace $0x90000049  }
0xc0: {  	s29 =	simm.s32 $0x9;
	_ =	strace $0x8000004B  }
0xc1: {  	_ =	swait.ge [sflag:s29], $0x1  }
0xc2: {  	[sflag:s29] =	ssyncadd.s32 $0xFFFFFFFF  }
0xc3: {  	_ =	strace $0x9000004B  }
0xc4: {  	_ =	sfence  }
0xc5: {  	s30 =	sld [smem:$0x0];
	_ =	sdelay $0x2  }
0xc6: {  	s31 =	sshll.u32 s1, $0xD;
	s1 =	sshrl.u32 s1, $0x2  }
0xc7: {  	s4 =	sand.u32 $0x4000, s31;
	s1 =	sadd.s32 s1, s30  }
0xc8: {  	s0 =	sor.u32 s4, s0;
	s1 =	sshll.u32 s1, $0x11  }
0xc9: {  	s0 =	sor.u32 s1, s0  }
0xca: {  	s0 =	sadd.s32 $0x8F2B, s0  }
0xcb: {  	[sflag:s0] =	ssyncadd.remote.s32 $0x1  }
0xcc: {  	_ =	sfence.sel $0xFFFF  }
0xcd: {  	[dreg:$0x0] =	wrdreg $0xFFFFFFFF;
	(pc) =	sbr.abs _section_cstart, $3  }
0xce: {  	[dreg:$0x1] =	wrdreg $0xFFFFFFFF  }
0xcf: {  	_ =	task.clear_ibuf [dreg:s22], $0x2FFFF;
	_ =	strace $0x9FFFFFFF  }
0xd0: {  	(tm) =	ssettm $0x7FFFFFFF  }
0xd1: {  	_ =	shalt  }
tec
execute0_lowered:
.L_overlay_start_1:
0x0: {  	(tag) =	ssettag $0x1  }
0x1: {  	s1 =	srdreg.scid  }
0x2: {  	s0 =	stileid.u32;
	s3 =	rddreg [dreg:$0x0]  }
0x3: {  	s2 =	simm.s32 $0x0;
	s9 =	simm.s32 $0xA00;
	s10 =	simm.s32 $0x4A00  }
0x4: {  	s11 =	simm.s32 $0x8A00;
	s12 =	simm.s32 $0xCA00;
	s13 =	simm.s32 $0x10A00  }
0x5: {  	s14 =	simm.s32 $0x1;
	s15 =	simm.s32 $0x0;
	s4 =	sand.u32 $0x1, s1  }
0x6: {  	s5 =	sshll.u32 s0, $0x1;
	s1 =	rddreg [dreg:$0x1];
	s6 =	smul.u32 $0x14000, s0  }
0x7: {  	s5 =	sor.u32 s4, s5;
	s7 =	ssub.s32 $0x2, s4;
	s4 =	smul.u32 $0xA000, s4  }
0x8: {  	[smem:$0x7FF] =	sst s2;
	s5 =	smul.u32 $0xA00, s5;
	s8 =	sshrl.u32 s7, $0x1  }
0x9: {  	_ =	strace $0x8000004A;
	s6 =	sadd.s32 s6, s3;
	s7 =	ssub.s32 s7, s8  }
0xa: {  	s6 =	sadd.s32 s4, s6;
	s8 =	simm.s32 $0x80;
	s5 =	sshrl.u32 s5, $0x3  }
0xb: {  	s6 =	sadd.s32 $0x169600, s6;
	s5 =	sadd.s32 s5, s3;
	s3 =	sadd.s32 $0x4E00, s3  }
0xc: {  	s4 =	sadd.s32 $0x164E00, s5;
	s5 =	smax.u32 s7, $0x1;
	s7 =	simm.s32 $0x2  }
.LBB2_1:
0xd: {  	[tilespmem:s2], [sflag:$0x2] =	stream.linear.gather [hbm4b:s4+s2], $0xA00, $0x38;
	[tilespmem:$0x14A00] =	vst v63  }
0xe: {  	_ =	swait.ge [sflag:s7], $0xA00  }
0xf: {  	[sflag:s7] =	ssyncset.done $0x0  }
0x10: {  	s16 =	simm.s32 $0x0;
	[sflag:s7] =	ssyncadd.s32 $0xFFFFF600  }
0x11: {  	[tilespmem:s9], [sflag:$0x1] =	stream.indirect.gather [hbm4b:s3+s8], $0x80, s16, s8, $0xb8;
	[tilespmem:$0x14A00] =	vst v63  }
0x12: {  	s23 =	simm.s32 $0x80  }
0x13: {  	[tilespmem:s10], [sflag:$0x1] =	stream.indirect.gather [hbm4b:s3+s8], $0x80, s23, s8, $0xb8;
	[tilespmem:$0x14A00] =	vst v63  }
0x14: {  	s24 =	simm.s32 $0x100  }
0x15: {  	[tilespmem:s11], [sflag:$0x1] =	stream.indirect.gather [hbm4b:s3+s8], $0x80, s24, s8, $0xb8;
	[tilespmem:$0x14A00] =	vst v63  }
0x16: {  	s25 =	simm.s32 $0x180  }
0x17: {  	[tilespmem:s12], [sflag:$0x1] =	stream.indirect.gather [hbm4b:s3+s8], $0x80, s25, s8, $0xb8;
	[tilespmem:$0x14A00] =	vst v63  }
0x18: {  	s26 =	simm.s32 $0x200  }
0x19: {  	[tilespmem:s13], [sflag:$0x1] =	stream.indirect.gather [hbm4b:s3+s8], $0x80, s26, s8, $0xb8;
	[tilespmem:$0x14A00] =	vst v63  }
0x1a: {  	_ =	swait.ge [sflag:s14], $0x4000  }
0x1b: {  	[sflag:s14] =	ssyncset.done $0x0  }
0x1c: {  	[sflag:s14] =	ssyncadd.s32 $0xFFFFC000  }
0x1d: {  	_ =	swait.ge [sflag:s14], $0x4000  }
0x1e: {  	[sflag:s14] =	ssyncset.done $0x0  }
0x1f: {  	[sflag:s14] =	ssyncadd.s32 $0xFFFFC000  }
0x20: {  	_ =	swait.ge [sflag:s14], $0x4000  }
0x21: {  	[sflag:s14] =	ssyncset.done $0x0  }
0x22: {  	[sflag:s14] =	ssyncadd.s32 $0xFFFFC000  }
0x23: {  	_ =	swait.ge [sflag:s14], $0x4000  }
0x24: {  	[sflag:s14] =	ssyncset.done $0x0  }
0x25: {  	[sflag:s14] =	ssyncadd.s32 $0xFFFFC000  }
0x26: {  	_ =	swait.ge [sflag:s14], $0x4000  }
0x27: {  	[sflag:s14] =	ssyncset.done $0x0  }
0x28: {  	s28 =	sadd.s32 $0xFFFFE000, s6;
	[sflag:s14] =	ssyncadd.s32 $0xFFFFC000  }
0x29: {  	[hbm4b:s28+s2] =	stream.linear.scatter [tilespmem:s9], [sflag:$0x2], $0x4000, $0x38;
	[tilespmem:$0x14A00] =	vst v63  }
0x2a: {  	_ =	swait.ge [sflag:s7], $0x4000  }
0x2b: {  	[sflag:s7] =	ssyncset.done $0x0  }
0x2c: {  	s29 =	sadd.s32 $0xFFFFE800, s6;
	[sflag:s7] =	ssyncadd.s32 $0xFFFFC000  }
0x2d: {  	[hbm4b:s29+s2] =	stream.linear.scatter [tilespmem:s10], [sflag:$0x2], $0x4000, $0x38;
	[tilespmem:$0x14A00] =	vst v63  }
0x2e: {  	_ =	swait.ge [sflag:s7], $0x4000  }
0x2f: {  	[sflag:s7] =	ssyncset.done $0x0  }
0x30: {  	s30 =	sadd.s32 $0xFFFFF000, s6;
	[sflag:s7] =	ssyncadd.s32 $0xFFFFC000  }
0x31: {  	[hbm4b:s30+s2] =	stream.linear.scatter [tilespmem:s11], [sflag:$0x2], $0x4000, $0x38;
	[tilespmem:$0x14A00] =	vst v63  }
0x32: {  	_ =	swait.ge [sflag:s7], $0x4000  }
0x33: {  	[sflag:s7] =	ssyncset.done $0x0  }
0x34: {  	s31 =	sadd.s32 $0xFFFFF800, s6;
	[sflag:s7] =	ssyncadd.s32 $0xFFFFC000  }
0x35: {  	[hbm4b:s31+s2] =	stream.linear.scatter [tilespmem:s12], [sflag:$0x2], $0x4000, $0x38;
	[tilespmem:$0x14A00] =	vst v63  }
0x36: {  	_ =	swait.ge [sflag:s7], $0x4000  }
0x37: {  	[sflag:s7] =	ssyncset.done $0x0  }
0x38: {  	[sflag:s7] =	ssyncadd.s32 $0xFFFFC000  }
0x39: {  	[hbm4b:s6+s2] =	stream.linear.scatter [tilespmem:s13], [sflag:$0x2], $0x4000, $0x38;
	[tilespmem:$0x14A00] =	vst v63  }
0x3a: {  	s17 =	simm.s32 $0xA00;
	_ =	swait.ge [sflag:s7], $0x4000  }
0x3b: {  	s19 =	simm.s32 $0x1400;
	s16 =	sadd.s32 $0x2800, s6;
	[sflag:s7] =	ssyncset.done $0x0  }
.LBB2_2:
0x3c: {  	s20 =	sshra.s32 s17, $0x2  }
0x3d: {  	[sflag:s7] =	ssyncadd.s32 $0xFFFFC000;
	s17 =	smov.u32 s19;
	s18 =	sadd.s32 $0xA00, s19  }
0x3e: {  	[tilespmem:s9], [sflag:$0x1] =	stream.indirect.gather [hbm4b:s3+s8], $0x80, s20, s8, $0xb8;
	[tilespmem:$0x14A00] =	vst v63  }
0x3f: {  	p0 =	sne.s32 s19, $0x1E00;
	s19 =	sadd.s32 $0x80, s20  }
0x40: {  	[tilespmem:s10], [sflag:$0x1] =	stream.indirect.gather [hbm4b:s3+s8], $0x80, s19, s8, $0xb8;
	[tilespmem:$0x14A00] =	vst v63  }
0x41: {  	s19 =	sadd.s32 $0x100, s20  }
0x42: {  	[tilespmem:s11], [sflag:$0x1] =	stream.indirect.gather [hbm4b:s3+s8], $0x80, s19, s8, $0xb8;
	[tilespmem:$0x14A00] =	vst v63  }
0x43: {  	s19 =	sadd.s32 $0x180, s20  }
0x44: {  	[tilespmem:s12], [sflag:$0x1] =	stream.indirect.gather [hbm4b:s3+s8], $0x80, s19, s8, $0xb8;
	[tilespmem:$0x14A00] =	vst v63  }
0x45: {  	s19 =	sadd.s32 $0x200, s20  }
0x46: {  	[tilespmem:s13], [sflag:$0x1] =	stream.indirect.gather [hbm4b:s3+s8], $0x80, s19, s8, $0xb8;
	[tilespmem:$0x14A00] =	vst v63  }
0x47: {  	_ =	swait.ge [sflag:s14], $0x4000  }
0x48: {  	[sflag:s14] =	ssyncset.done $0x0  }
0x49: {  	[sflag:s14] =	ssyncadd.s32 $0xFFFFC000  }
0x4a: {  	_ =	swait.ge [sflag:s14], $0x4000  }
0x4b: {  	[sflag:s14] =	ssyncset.done $0x0  }
0x4c: {  	[sflag:s14] =	ssyncadd.s32 $0xFFFFC000  }
0x4d: {  	_ =	swait.ge [sflag:s14], $0x4000  }
0x4e: {  	[sflag:s14] =	ssyncset.done $0x0  }
0x4f: {  	[sflag:s14] =	ssyncadd.s32 $0xFFFFC000  }
0x50: {  	_ =	swait.ge [sflag:s14], $0x4000  }
0x51: {  	[sflag:s14] =	ssyncset.done $0x0  }
0x52: {  	[sflag:s14] =	ssyncadd.s32 $0xFFFFC000  }
0x53: {  	_ =	swait.ge [sflag:s14], $0x4000  }
0x54: {  	[sflag:s14] =	ssyncset.done $0x0  }
0x55: {  	s19 =	sadd.s32 $0xFFFFE000, s16;
	[sflag:s14] =	ssyncadd.s32 $0xFFFFC000  }
0x56: {  	[hbm4b:s19+s2] =	stream.linear.scatter [tilespmem:s9], [sflag:$0x2], $0x4000, $0x38;
	[tilespmem:$0x14A00] =	vst v63  }
0x57: {  	_ =	swait.ge [sflag:s7], $0x4000  }
0x58: {  	[sflag:s7] =	ssyncset.done $0x0  }
0x59: {  	s19 =	sadd.s32 $0xFFFFE800, s16;
	[sflag:s7] =	ssyncadd.s32 $0xFFFFC000  }
0x5a: {  	[hbm4b:s19+s2] =	stream.linear.scatter [tilespmem:s10], [sflag:$0x2], $0x4000, $0x38;
	[tilespmem:$0x14A00] =	vst v63  }
0x5b: {  	_ =	swait.ge [sflag:s7], $0x4000  }
0x5c: {  	[sflag:s7] =	ssyncset.done $0x0  }
0x5d: {  	s19 =	sadd.s32 $0xFFFFF000, s16;
	[sflag:s7] =	ssyncadd.s32 $0xFFFFC000  }
0x5e: {  	[hbm4b:s19+s2] =	stream.linear.scatter [tilespmem:s11], [sflag:$0x2], $0x4000, $0x38;
	[tilespmem:$0x14A00] =	vst v63  }
0x5f: {  	_ =	swait.ge [sflag:s7], $0x4000  }
0x60: {  	[sflag:s7] =	ssyncset.done $0x0  }
0x61: {  	s19 =	sadd.s32 $0xFFFFF800, s16;
	[sflag:s7] =	ssyncadd.s32 $0xFFFFC000  }
0x62: {  	[hbm4b:s19+s2] =	stream.linear.scatter [tilespmem:s12], [sflag:$0x2], $0x4000, $0x38;
	[tilespmem:$0x14A00] =	vst v63  }
0x63: {  	_ =	swait.ge [sflag:s7], $0x4000  }
.Ltmp0:
0x64: {  	[sflag:s7] =	ssyncset.done $0x0;
	(pc) =	sbr.rel @p0 .LBB2_2-.Ltmp0, $4  }
0x65: {  	[sflag:s7] =	ssyncadd.s32 $0xFFFFC000  }
0x66: {  	[hbm4b:s16+s2] =	stream.linear.scatter [tilespmem:s13], [sflag:$0x2], $0x4000, $0x38;
	[tilespmem:$0x14A00] =	vst v63  }
0x67: {  	_ =	swait.ge [sflag:s7], $0x4000  }
0x68: {  	s19 =	smov.u32 s18;
	s16 =	sadd.s32 $0x2800, s16;
	[sflag:s7] =	ssyncset.done $0x0  }
0x69: {  	s17 =	sshra.s32 s17, $0x2;
	[sflag:s7] =	ssyncadd.s32 $0xFFFFC000  }
0x6a: {  	[tilespmem:s9], [sflag:$0x1] =	stream.indirect.gather [hbm4b:s3+s8], $0x80, s17, s8, $0xb8;
	[tilespmem:$0x14A00] =	vst v63  }
0x6b: {  	s18 =	sadd.s32 $0x80, s17  }
0x6c: {  	[tilespmem:s10], [sflag:$0x1] =	stream.indirect.gather [hbm4b:s3+s8], $0x80, s18, s8, $0xb8;
	[tilespmem:$0x14A00] =	vst v63  }
0x6d: {  	s25 =	sadd.s32 $0x100, s17  }
0x6e: {  	[tilespmem:s11], [sflag:$0x1] =	stream.indirect.gather [hbm4b:s3+s8], $0x80, s25, s8, $0xb8;
	[tilespmem:$0x14A00] =	vst v63  }
0x6f: {  	s26 =	sadd.s32 $0x180, s17  }
0x70: {  	[tilespmem:s12], [sflag:$0x1] =	stream.indirect.gather [hbm4b:s3+s8], $0x80, s26, s8, $0xb8;
	[tilespmem:$0x14A00] =	vst v63  }
0x71: {  	s17 =	sadd.s32 $0x200, s17  }
0x72: {  	[tilespmem:s13], [sflag:$0x1] =	stream.indirect.gather [hbm4b:s3+s8], $0x80, s17, s8, $0xb8;
	[tilespmem:$0x14A00] =	vst v63  }
0x73: {  	_ =	swait.ge [sflag:s14], $0x4000  }
0x74: {  	[sflag:s14] =	ssyncset.done $0x0  }
0x75: {  	[sflag:s14] =	ssyncadd.s32 $0xFFFFC000  }
0x76: {  	_ =	swait.ge [sflag:s14], $0x4000  }
0x77: {  	[sflag:s14] =	ssyncset.done $0x0  }
0x78: {  	[sflag:s14] =	ssyncadd.s32 $0xFFFFC000  }
0x79: {  	_ =	swait.ge [sflag:s14], $0x4000  }
0x7a: {  	[sflag:s14] =	ssyncset.done $0x0  }
0x7b: {  	[sflag:s14] =	ssyncadd.s32 $0xFFFFC000  }
0x7c: {  	_ =	swait.ge [sflag:s14], $0x4000  }
0x7d: {  	[sflag:s14] =	ssyncset.done $0x0  }
0x7e: {  	[sflag:s14] =	ssyncadd.s32 $0xFFFFC000  }
0x7f: {  	_ =	swait.ge [sflag:s14], $0x4000  }
0x80: {  	[sflag:s14] =	ssyncset.done $0x0  }
0x81: {  	s28 =	sadd.s32 $0xFFFFE000, s16;
	[sflag:s14] =	ssyncadd.s32 $0xFFFFC000  }
0x82: {  	[hbm4b:s28+s2] =	stream.linear.scatter [tilespmem:s9], [sflag:$0x2], $0x4000, $0x38;
	[tilespmem:$0x14A00] =	vst v63  }
0x83: {  	_ =	swait.ge [sflag:s7], $0x4000  }
0x84: {  	[sflag:s7] =	ssyncset.done $0x0  }
0x85: {  	s29 =	sadd.s32 $0xFFFFE800, s16;
	[sflag:s7] =	ssyncadd.s32 $0xFFFFC000  }
0x86: {  	[hbm4b:s29+s2] =	stream.linear.scatter [tilespmem:s10], [sflag:$0x2], $0x4000, $0x38;
	[tilespmem:$0x14A00] =	vst v63  }
0x87: {  	_ =	swait.ge [sflag:s7], $0x4000  }
0x88: {  	[sflag:s7] =	ssyncset.done $0x0  }
0x89: {  	s30 =	sadd.s32 $0xFFFFF000, s16;
	[sflag:s7] =	ssyncadd.s32 $0xFFFFC000  }
0x8a: {  	[hbm4b:s30+s2] =	stream.linear.scatter [tilespmem:s11], [sflag:$0x2], $0x4000, $0x38;
	[tilespmem:$0x14A00] =	vst v63  }
0x8b: {  	_ =	swait.ge [sflag:s7], $0x4000  }
0x8c: {  	[sflag:s7] =	ssyncset.done $0x0  }
0x8d: {  	s31 =	sadd.s32 $0xFFFFF800, s16;
	[sflag:s7] =	ssyncadd.s32 $0xFFFFC000  }
0x8e: {  	[hbm4b:s31+s2] =	stream.linear.scatter [tilespmem:s12], [sflag:$0x2], $0x4000, $0x38;
	[tilespmem:$0x14A00] =	vst v63  }
0x8f: {  	s15 =	sadd.s32 $0x1, s15;
	_ =	swait.ge [sflag:s7], $0x4000  }
0x90: {  	p0 =	sne.s32 s15, s5;
	[sflag:s7] =	ssyncset.done $0x0  }
.Ltmp1:
0x91: {  	[sflag:s7] =	ssyncadd.s32 $0xFFFFC000;
	(pc) =	sbr.rel @p0 .LBB2_1-.Ltmp1, $4  }
0x92: {  	[hbm4b:s16+s2] =	stream.linear.scatter [tilespmem:s13], [sflag:$0x2], $0x4000, $0x38;
	[tilespmem:$0x14A00] =	vst v63  }
0x93: {  	_ =	swait.ge [sflag:s7], $0x4000  }
0x94: {  	[sflag:s7] =	ssyncset.done $0x0  }
0x95: {  	[sflag:s7] =	ssyncadd.s32 $0xFFFFC000  }
0x96: {  	_ =	sfence.sel $0x180000  }
0x97: {  	[bflag:$0x0] =	sbarrier.arrive $0xFFFF  }
0x98: {  	p0 =	sne.s32 s0, $0x0;
	_ =	strace $0x9000004A  }
0x99: {  	s0 =	sadd.s32 @!p0 $0x100000, s1;
	[bflag:$0x2] =	sbarrier.arrive $0xFFFF  }
0x9a: {  	[sflag:s0] =	ssyncadd.tile.s32 @!p0 $0x1;
	_ =	shalt  }
.Lfunc_end2:
_tile_overlayer_lowered:
.L_overlay_start_2:
0x9b: {  	(tag) =	ssettag $0x2  }
0x9c: {  	s0 =	rddreg [dreg:$0x0];
	s2 =	stileid.u32  }
0x9d: {  	s1 =	rddreg [dreg:$0x1];
	p0 =	sne.s32 s2, $0x0  }
0x9e: {  	s3 =	rddreg [dreg:$0x2];
	[bflag:$0x3] =	sbarrier.arrive $0xFFFF;
	s2 =	simm.s32 @!p0 $0x1C02  }
0x9f: {  	[timem:s3], [sflag:s2] =	dma.local @!p0 [hbm:s0], s1  }
0xa0: {  	s0 =	simm.s32 @!p0 $0x2  }
0xa1: {  	_ =	swait.ge @!p0 [sflag:s0], s1  }
0xa2: {  	s1 =	ssub.s32 @!p0 $0x0, s1;
	[sflag:s0] =	ssyncset.done @!p0 $0x0  }
0xa3: {  	[sflag:s0] =	ssyncadd.s32 @!p0 s1  }
0xa4: {  	[bflag:$0x3] =	sbarrier.arrive $0xFFFF  }
0xa5: {  	_ =	shalt  }

// kernel: kernel.17.cloned.1.call-start
scs
__scs_entry_jumppad:
0x0: {  	(pc) =	sbr.rel $0x88, $3  }
0x1: {  	(tag) =	ssettag $0x0;
	lr =	simm.s32 $0x1  }
0x2: {  	[smem:$0x3F97] =	sst lr;
	_ =	strace $0xD0000000  }
0x3: {  	_ = 	snop  }
0x4: {  	_ = 	snop  }
0x5: {  	_ = 	snop  }
0x6: {  	_ = 	snop  }
0x7: {  	_ = 	snop  }
__scs_overlays_trampoline_lowered:
0x8: {  	[smem:$0x3FA6] =	sst s0  }
0x9: {  	[smem:$0x3FA7] =	sst s1  }
0xa: {  	[smem:$0x3FA8] =	sst s2  }
0xb: {  	[smem:$0x3FA9] =	sst s3  }
0xc: {  	[smem:$0x3FAA] =	sst s4  }
0xd: {  	[smem:$0x3FAB] =	sst s5  }
0xe: {  	[smem:$0x3FAC] =	sst s6  }
0xf: {  	[smem:$0x3FAD] =	sst s7  }
0x10: {  	[smem:$0x3FAE] =	sst s8  }
0x11: {  	[smem:$0x3FAF] =	sst s9;
	s0 =	simm.s32 @!p0 $0x0  }
0x12: {  	s1 =	sld [smem:$0x3F95];
	s0 =	simm.s32 @p0 $0x1  }
0x13: {  	[smem:$0x3FB0] =	sst s0;
	s0 =	simm.s32 @!p1 $0x0  }
0x14: {  	s2 =	sld [smem:$0x3F94];
	s0 =	simm.s32 @p1 $0x1  }
0x15: {  	[smem:$0x3FB1] =	sst s0;
	s0 =	simm.s32 @!p2 $0x0  }
0x16: {  	s3 =	sld [smem:$0x3FDB];
	s0 =	simm.s32 @p2 $0x1  }
0x17: {  	s4 =	simm.s32 $0x1BF5;
	[smem:$0x3FB3] =	sst s0  }
0x18: {  	s0 =	sld [smem:$0x3F96];
	_ =	swait.ge [sflag:s4], $0x0  }
0x19: {  	s7 =	sld [smem:$0x3F97]  }
0x1a: {  	s8 =	sadd.s32 $0xFFFFE003, lr  }
0x1b: {  	s9 =	sadd.s32 $0xFFFFFEF7, lr;
	s5 =	simm.s32 $0xFFFFFFFF;
	p2 =	slt.u32 s8, $0xFFFFF086  }
0x1c: {  	p1 =	slt.u32 s9, $0xF7A;
	s5 =	simm.s32 @!p2 $0x0  }
0x1d: {  	s5 =	simm.s32 @p1 $0x1;
	p0 =	seq.s32 s7, s2  }
0x1e: {  	s7 =	smul.u32 @!p0 $0xF7A, s2;
	p2 =	seq.s32 @!p0 s5, $0x0  }
0x1f: {  	s9 =	smul.u32 $0xF7A, s1;
	s8 =	simm.s32 @!p0 $0x1BF5;
	p2 =	por !p2, p0  }
0x20: {  	[sflag:s8] =	ssyncset.s32 @!p0 $0xFFFFF086;
	s6 =	sadd.s32 @!p0 s3, s7;
	s7 =	simm.s32 @!p0 $0x108  }
0x21: {  	s3 =	sadd.s32 s3, s9;
	s6 =	sadd.s32 @!p0 $0x88, s6;
	s7 =	simm.s32 @p2 $0x1082  }
0x22: {  	[simem:s7], [sflag:s8] =	dma.local @!p0 [hbm:s6], $0xF7A  }
0x23: {  	s9 =	sor.u32 $0xD0000000, s2;
	s6 =	simm.s32 $0x108;
	_ =	swait.ge @!p0 [sflag:s8], $0x0  }
0x24: {  	s3 =	sadd.s32 $0x88, s3;
	s6 =	simm.s32 @!p1 $0x1082;
	[sflag:s4] =	ssyncset.s32 $0xFFFFF086  }
0x25: {  	[simem:s6], [sflag:s4] =	dma.local [hbm:s3], $0xF7A  }
0x26: {  	[smem:$0x3F97] =	sst s1;
	(tag) =	ssettag s2;
	_ =	strace s9  }
0x27: {  	s1 =	sld [smem:$0x3FA7]  }
0x28: {  	s2 =	sld [smem:$0x3FA8]  }
0x29: {  	s4 =	sld [smem:$0x3FAA]  }
0x2a: {  	p0 =	seq.s32 s5, $0x0;
	s5 =	sld [smem:$0x3FAB]  }
0x2b: {  	s6 =	sld [smem:$0x3FAC]  }
0x2c: {  	s7 =	sld [smem:$0x3FAD]  }
0x2d: {  	s3 =	simm.s32 $0x108;
	s8 =	sld [smem:$0x3FAE]  }
0x2e: {  	s3 =	simm.s32 @!p0 $0x1082;
	s9 =	sld [smem:$0x3FAF]  }
0x2f: {  	lr =	sadd.s32 s0, s3;
	s0 =	sld [smem:$0x3FA6]  }
0x30: {  	s3 =	sld [smem:$0x3FA9]  }
0x31: {  	[smem:$0x3FB2] =	sst s10  }
0x32: {  	s10 =	sld [smem:$0x3FB0];
	_ =	sdelay $0x3  }
0x33: {  	p0 =	seq.s32 s10, $0x1;
	s10 =	sld [smem:$0x3FB2];
	_ =	sdelay $0x3  }
0x34: {  	[smem:$0x3FB2] =	sst s10  }
0x35: {  	s10 =	sld [smem:$0x3FB1];
	_ =	sdelay $0x3  }
0x36: {  	p1 =	seq.s32 s10, $0x1;
	s10 =	sld [smem:$0x3FB2];
	_ =	sdelay $0x3  }
0x37: {  	[smem:$0x3FB2] =	sst s10  }
0x38: {  	s10 =	sld [smem:$0x3FB3]  }
0x39: {  	_ = 	snop;
	(pc) =	sbr.ind lr, $3  }
0x3a: {  	_ = 	snop  }
0x3b: {  	_ = 	snop  }
0x3c: {  	p2 =	seq.s32 s10, $0x1;
	s10 =	sld [smem:$0x3FB2]  }
0x3d: {  	_ =	shalt  }
0x3e: {  	_ =	shalt  }
0x3f: {  	_ =	shalt  }
0x40: {  	_ =	shalt  }
0x41: {  	_ =	shalt  }
0x42: {  	_ =	shalt  }
0x43: {  	_ =	shalt  }
0x44: {  	_ =	shalt  }
0x45: {  	_ =	shalt  }
0x46: {  	_ =	shalt  }
0x47: {  	_ =	shalt  }
0x48: {  	_ =	shalt  }
0x49: {  	_ =	shalt  }
0x4a: {  	_ =	shalt  }
0x4b: {  	_ =	shalt  }
0x4c: {  	_ =	shalt  }
0x4d: {  	_ =	shalt  }
0x4e: {  	_ =	shalt  }
0x4f: {  	_ =	shalt  }
0x50: {  	_ =	shalt  }
0x51: {  	_ =	shalt  }
0x52: {  	_ =	shalt  }
0x53: {  	_ =	shalt  }
0x54: {  	_ =	shalt  }
0x55: {  	_ =	shalt  }
0x56: {  	_ =	shalt  }
0x57: {  	_ =	shalt  }
0x58: {  	_ =	shalt  }
0x59: {  	_ =	shalt  }
0x5a: {  	_ =	shalt  }
0x5b: {  	_ =	shalt  }
0x5c: {  	_ =	shalt  }
0x5d: {  	_ =	shalt  }
0x5e: {  	_ =	shalt  }
0x5f: {  	_ =	shalt  }
0x60: {  	_ =	shalt  }
0x61: {  	_ =	shalt  }
0x62: {  	_ =	shalt  }
0x63: {  	_ =	shalt  }
0x64: {  	_ =	shalt  }
0x65: {  	_ =	shalt  }
0x66: {  	_ =	shalt  }
0x67: {  	_ =	shalt  }
0x68: {  	_ =	shalt  }
0x69: {  	_ =	shalt  }
0x6a: {  	_ =	shalt  }
0x6b: {  	_ =	shalt  }
0x6c: {  	_ =	shalt  }
0x6d: {  	_ =	shalt  }
0x6e: {  	_ =	shalt  }
0x6f: {  	_ =	shalt  }
0x70: {  	_ =	shalt  }
0x71: {  	_ =	shalt  }
0x72: {  	_ =	shalt  }
0x73: {  	_ =	shalt  }
0x74: {  	_ =	shalt  }
0x75: {  	_ =	shalt  }
0x76: {  	_ =	shalt  }
0x77: {  	_ =	shalt  }
0x78: {  	_ =	shalt  }
0x79: {  	_ =	shalt  }
0x7a: {  	_ =	shalt  }
0x7b: {  	_ =	shalt  }
0x7c: {  	_ =	shalt  }
0x7d: {  	_ =	shalt  }
0x7e: {  	_ =	shalt  }
0x7f: {  	_ =	shalt  }
0x80: {  	_ =	shalt  }
0x81: {  	_ =	shalt  }
0x82: {  	_ =	shalt  }
0x83: {  	_ =	shalt  }
0x84: {  	_ =	shalt  }
0x85: {  	_ =	shalt  }
0x86: {  	_ =	shalt  }
0x87: {  	_ =	shalt  }
.Lfunc_end0:
.L_simem_size_0:
called_computation.1_lowered:
.L_overlay_start_0:
0x88: {  	s2 =	sld [smem:$0x3FD9]  }
0x89: {  	s3 =	sld [smem:$0x3FFE];
	_ =	sdelay $0x1  }
0x8a: {  	s1 =	srdreg.scid  }
0x8b: {  	s0 =	sand.u32 $0x1, s1  }
0x8c: {  	s16 =	sshll.u32 s0, $0xA;
	s2 =	sadd.s32 s3, s2  }
0x8d: {  	s2 =	sadd.s32 s2, s16  }
0x8e: {  	[smem:$0x3FBE] =	sst s2  }
0x8f: {  	_ = 	snop  }
0x90: {  	(tm) =	ssettm $0x1  }
0x91: {  	s17 =	sld [smem:$0x3FFB];
	_ =	sdelay $0x3  }
0x92: {  	_ =	strace s17  }
0x93: {  	s2 =	sld [smem:$0x3FFC];
	_ =	sdelay $0x3  }
0x94: {  	_ =	strace s2  }
0x95: {  	s2 =	sld [smem:$0x3FFD];
	_ =	sdelay $0x3  }
0x96: {  	_ =	strace s2  }
0x97: {  	_ =	strace $0x8FFFFFFF  }
0x98: {  	s18 =	sld [smem:$0x3FDB];
	_ =	sdelay $0x1  }
0x99: {  	s19 =	simm.s32 $_scs_section_size  }
0x9a: {  	s4 =	simm.s32 $_size__tile_overlayer_lowered;
	s5 =	simm.s32 $_tile_overlayer_lowered  }
0x9b: {  	s22 =	simm.s32 $0x1BFF;
	s21 =	sshll.u32 s5, $0x1;
	s2 =	sadd.s32 s19, s18  }
0x9c: {  	s6 =	simm.s32 $0x0;
	s20 =	sshll.u32 s4, $0x1;
	s4 =	sadd.s32 s21, s2  }
0x9d: {  	[timem:s6], [sflag:s22] =	dma.local [hbm:s4], s20  }
0x9e: {  	_ =	swait.ge [sflag:s22], s20  }
0x9f: {  	s3 =	ssub.s32 $0x0, s20;
	[sflag:s22] =	ssyncset.done $0x0  }
0xa0: {  	[sflag:s22] =	ssyncadd.s32 s3;
	_ =	sdelay $0x1  }
0xa1: {  	s23 =	simm.s32 $0x1B8B  }
0xa2: {  	_ =	swait.ge [sflag:s23], $0x1  }
0xa3: {  	[sflag:s23] =	ssyncset.done $0x0  }
0xa4: {  	s25 =	simm.s32 $0x1B8E;
	s24 =	sld [smem:$0x3FFE];
	[sflag:s23] =	ssyncadd.s32 $0xFFFFFFFF  }
0xa5: {  	s26 =	simm.s32 $execute0_lowered;
	[smem:$0x3FD2] =	sst s25  }
0xa6: {  	s4 =	sshll.u32 s26, $0x1;
	_ =	strace $0x80000046;
	[dreg:$0x1] =	wrdreg $0xFFFFFFFF  }
0xa7: {  	s28 =	simm.s32 $_size_execute0_lowered;
	s2 =	sadd.s32 s2, s4;
	[dreg:$0x0] =	wrdreg $0x0  }
0xa8: {  	s4 =	sshll.u32 s28, $0x1;
	[dreg:$0x2] =	wrdreg s2  }
0xa9: {  	[dreg:$0x3] =	wrdreg s4  }
0xaa: {  	[dreg:$0x4] =	wrdreg $0xC0  }
0xab: {  	_ =	task [dreg:s6], $0x5FFFF  }
0xac: {  	[dreg:$0x1] =	wrdreg $0xFFFFFFFF  }
0xad: {  	[dreg:$0x0] =	wrdreg $0x60  }
0xae: {  	[dreg:$0x2] =	wrdreg s24  }
0xaf: {  	[dreg:$0x3] =	wrdreg $0xA  }
0xb0: {  	_ =	task.clear_ibuf [dreg:s6], $0x4FFFF;
	_ =	strace $0x90000046  }
0xb1: {  	s29 =	simm.s32 $0xA;
	_ =	strace $0x80000048  }
0xb2: {  	_ =	swait.ge [sflag:s29], $0x1  }
0xb3: {  	[sflag:s29] =	ssyncadd.s32 $0xFFFFFFFF  }
0xb4: {  	_ =	strace $0x90000048  }
0xb5: {  	_ =	sfence  }
0xb6: {  	s30 =	sld [smem:$0x0];
	_ =	sdelay $0x2  }
0xb7: {  	s31 =	sshll.u32 s1, $0xD;
	s1 =	sshrl.u32 s1, $0x2  }
0xb8: {  	s3 =	sand.u32 $0x4000, s31;
	s1 =	sadd.s32 s1, s30  }
0xb9: {  	s0 =	sor.u32 s3, s0;
	s1 =	sshll.u32 s1, $0x11  }
0xba: {  	s0 =	sor.u32 s1, s0  }
0xbb: {  	s0 =	sadd.s32 $0x8F2B, s0  }
0xbc: {  	[sflag:s0] =	ssyncadd.remote.s32 $0x1  }
0xbd: {  	_ =	sfence.sel $0xFFFF  }
0xbe: {  	[dreg:$0x0] =	wrdreg $0xFFFFFFFF;
	(pc) =	sbr.abs _section_cstart, $3  }
0xbf: {  	[dreg:$0x1] =	wrdreg $0xFFFFFFFF  }
0xc0: {  	_ =	task.clear_ibuf [dreg:s6], $0x2FFFF;
	_ =	strace $0x9FFFFFFF  }
0xc1: {  	(tm) =	ssettm $0x7FFFFFFF  }
tec
execute0_lowered:
.L_overlay_start_1:
0x0: {  	(tag) =	ssettag $0x1  }
0x1: {  	s1 =	srdreg.scid  }
0x2: {  	s0 =	stileid.u32;
	s3 =	rddreg [dreg:$0x0]  }
0x3: {  	s2 =	simm.s32 $0x0;
	s9 =	simm.s32 $0xA00;
	s10 =	simm.s32 $0x4A00  }
0x4: {  	s11 =	simm.s32 $0x8A00;
	s12 =	simm.s32 $0xCA00;
	s13 =	simm.s32 $0x10A00  }
0x5: {  	s14 =	simm.s32 $0x1;
	s15 =	simm.s32 $0x0;
	s4 =	sand.u32 $0x1, s1  }
0x6: {  	s5 =	sshll.u32 s0, $0x1;
	s1 =	rddreg [dreg:$0x1];
	s6 =	smul.u32 $0x14000, s0  }
0x7: {  	s5 =	sor.u32 s4, s5;
	s7 =	ssub.s32 $0x2, s4;
	s4 =	smul.u32 $0xA000, s4  }
0x8: {  	[smem:$0x7FF] =	sst s2;
	s5 =	smul.u32 $0xA00, s5;
	s8 =	sshrl.u32 s7, $0x1  }
0x9: {  	_ =	strace $0x80000047;
	s6 =	sadd.s32 s6, s3;
	s7 =	ssub.s32 s7, s8  }
0xa: {  	s6 =	sadd.s32 s4, s6;
	s8 =	simm.s32 $0x80;
	s5 =	sshrl.u32 s5, $0x3  }
0xb: {  	s6 =	sadd.s32 $0x26E00, s6;
	s5 =	sadd.s32 s5, s3;
	s3 =	sadd.s32 $0x4E00, s3  }
0xc: {  	s4 =	sadd.s32 $0x2600, s5;
	s5 =	smax.u32 s7, $0x1;
	s7 =	simm.s32 $0x2  }
.LBB2_1:
0xd: {  	[tilespmem:s2], [sflag:$0x2] =	stream.linear.gather [hbm4b:s4+s2], $0xA00, $0x38;
	[tilespmem:$0x14A00] =	vst v63  }
0xe: {  	_ =	swait.ge [sflag:s7], $0xA00  }
0xf: {  	[sflag:s7] =	ssyncset.done $0x0  }
0x10: {  	s16 =	simm.s32 $0x0;
	[sflag:s7] =	ssyncadd.s32 $0xFFFFF600  }
0x11: {  	[tilespmem:s9], [sflag:$0x1] =	stream.indirect.gather [hbm4b:s3+s8], $0x80, s16, s8, $0xb8;
	[tilespmem:$0x14A00] =	vst v63  }
0x12: {  	s23 =	simm.s32 $0x80  }
0x13: {  	[tilespmem:s10], [sflag:$0x1] =	stream.indirect.gather [hbm4b:s3+s8], $0x80, s23, s8, $0xb8;
	[tilespmem:$0x14A00] =	vst v63  }
0x14: {  	s24 =	simm.s32 $0x100  }
0x15: {  	[tilespmem:s11], [sflag:$0x1] =	stream.indirect.gather [hbm4b:s3+s8], $0x80, s24, s8, $0xb8;
	[tilespmem:$0x14A00] =	vst v63  }
0x16: {  	s25 =	simm.s32 $0x180  }
0x17: {  	[tilespmem:s12], [sflag:$0x1] =	stream.indirect.gather [hbm4b:s3+s8], $0x80, s25, s8, $0xb8;
	[tilespmem:$0x14A00] =	vst v63  }
0x18: {  	s26 =	simm.s32 $0x200  }
0x19: {  	[tilespmem:s13], [sflag:$0x1] =	stream.indirect.gather [hbm4b:s3+s8], $0x80, s26, s8, $0xb8;
	[tilespmem:$0x14A00] =	vst v63  }
0x1a: {  	_ =	swait.ge [sflag:s14], $0x4000  }
0x1b: {  	[sflag:s14] =	ssyncset.done $0x0  }
0x1c: {  	[sflag:s14] =	ssyncadd.s32 $0xFFFFC000  }
0x1d: {  	_ =	swait.ge [sflag:s14], $0x4000  }
0x1e: {  	[sflag:s14] =	ssyncset.done $0x0  }
0x1f: {  	[sflag:s14] =	ssyncadd.s32 $0xFFFFC000  }
0x20: {  	_ =	swait.ge [sflag:s14], $0x4000  }
0x21: {  	[sflag:s14] =	ssyncset.done $0x0  }
0x22: {  	[sflag:s14] =	ssyncadd.s32 $0xFFFFC000  }
0x23: {  	_ =	swait.ge [sflag:s14], $0x4000  }
0x24: {  	[sflag:s14] =	ssyncset.done $0x0  }
0x25: {  	[sflag:s14] =	ssyncadd.s32 $0xFFFFC000  }
0x26: {  	_ =	swait.ge [sflag:s14], $0x4000  }
0x27: {  	[sflag:s14] =	ssyncset.done $0x0  }
0x28: {  	s28 =	sadd.s32 $0xFFFFE000, s6;
	[sflag:s14] =	ssyncadd.s32 $0xFFFFC000  }
0x29: {  	[hbm4b:s28+s2] =	stream.linear.scatter [tilespmem:s9], [sflag:$0x2], $0x4000, $0x38;
	[tilespmem:$0x14A00] =	vst v63  }
0x2a: {  	_ =	swait.ge [sflag:s7], $0x4000  }
0x2b: {  	[sflag:s7] =	ssyncset.done $0x0  }
0x2c: {  	s29 =	sadd.s32 $0xFFFFE800, s6;
	[sflag:s7] =	ssyncadd.s32 $0xFFFFC000  }
0x2d: {  	[hbm4b:s29+s2] =	stream.linear.scatter [tilespmem:s10], [sflag:$0x2], $0x4000, $0x38;
	[tilespmem:$0x14A00] =	vst v63  }
0x2e: {  	_ =	swait.ge [sflag:s7], $0x4000  }
0x2f: {  	[sflag:s7] =	ssyncset.done $0x0  }
0x30: {  	s30 =	sadd.s32 $0xFFFFF000, s6;
	[sflag:s7] =	ssyncadd.s32 $0xFFFFC000  }
0x31: {  	[hbm4b:s30+s2] =	stream.linear.scatter [tilespmem:s11], [sflag:$0x2], $0x4000, $0x38;
	[tilespmem:$0x14A00] =	vst v63  }
0x32: {  	_ =	swait.ge [sflag:s7], $0x4000  }
0x33: {  	[sflag:s7] =	ssyncset.done $0x0  }
0x34: {  	s31 =	sadd.s32 $0xFFFFF800, s6;
	[sflag:s7] =	ssyncadd.s32 $0xFFFFC000  }
0x35: {  	[hbm4b:s31+s2] =	stream.linear.scatter [tilespmem:s12], [sflag:$0x2], $0x4000, $0x38;
	[tilespmem:$0x14A00] =	vst v63  }
0x36: {  	_ =	swait.ge [sflag:s7], $0x4000  }
0x37: {  	[sflag:s7] =	ssyncset.done $0x0  }
0x38: {  	[sflag:s7] =	ssyncadd.s32 $0xFFFFC000  }
0x39: {  	[hbm4b:s6+s2] =	stream.linear.scatter [tilespmem:s13], [sflag:$0x2], $0x4000, $0x38;
	[tilespmem:$0x14A00] =	vst v63  }
0x3a: {  	s17 =	simm.s32 $0xA00;
	_ =	swait.ge [sflag:s7], $0x4000  }
0x3b: {  	s19 =	simm.s32 $0x1400;
	s16 =	sadd.s32 $0x2800, s6;
	[sflag:s7] =	ssyncset.done $0x0  }
.LBB2_2:
0x3c: {  	s20 =	sshra.s32 s17, $0x2  }
0x3d: {  	[sflag:s7] =	ssyncadd.s32 $0xFFFFC000;
	s17 =	smov.u32 s19;
	s18 =	sadd.s32 $0xA00, s19  }
0x3e: {  	[tilespmem:s9], [sflag:$0x1] =	stream.indirect.gather [hbm4b:s3+s8], $0x80, s20, s8, $0xb8;
	[tilespmem:$0x14A00] =	vst v63  }
0x3f: {  	p0 =	sne.s32 s19, $0x1E00;
	s19 =	sadd.s32 $0x80, s20  }
0x40: {  	[tilespmem:s10], [sflag:$0x1] =	stream.indirect.gather [hbm4b:s3+s8], $0x80, s19, s8, $0xb8;
	[tilespmem:$0x14A00] =	vst v63  }
0x41: {  	s19 =	sadd.s32 $0x100, s20  }
0x42: {  	[tilespmem:s11], [sflag:$0x1] =	stream.indirect.gather [hbm4b:s3+s8], $0x80, s19, s8, $0xb8;
	[tilespmem:$0x14A00] =	vst v63  }
0x43: {  	s19 =	sadd.s32 $0x180, s20  }
0x44: {  	[tilespmem:s12], [sflag:$0x1] =	stream.indirect.gather [hbm4b:s3+s8], $0x80, s19, s8, $0xb8;
	[tilespmem:$0x14A00] =	vst v63  }
0x45: {  	s19 =	sadd.s32 $0x200, s20  }
0x46: {  	[tilespmem:s13], [sflag:$0x1] =	stream.indirect.gather [hbm4b:s3+s8], $0x80, s19, s8, $0xb8;
	[tilespmem:$0x14A00] =	vst v63  }
0x47: {  	_ =	swait.ge [sflag:s14], $0x4000  }
0x48: {  	[sflag:s14] =	ssyncset.done $0x0  }
0x49: {  	[sflag:s14] =	ssyncadd.s32 $0xFFFFC000  }
0x4a: {  	_ =	swait.ge [sflag:s14], $0x4000  }
0x4b: {  	[sflag:s14] =	ssyncset.done $0x0  }
0x4c: {  	[sflag:s14] =	ssyncadd.s32 $0xFFFFC000  }
0x4d: {  	_ =	swait.ge [sflag:s14], $0x4000  }
0x4e: {  	[sflag:s14] =	ssyncset.done $0x0  }
0x4f: {  	[sflag:s14] =	ssyncadd.s32 $0xFFFFC000  }
0x50: {  	_ =	swait.ge [sflag:s14], $0x4000  }
0x51: {  	[sflag:s14] =	ssyncset.done $0x0  }
0x52: {  	[sflag:s14] =	ssyncadd.s32 $0xFFFFC000  }
0x53: {  	_ =	swait.ge [sflag:s14], $0x4000  }
0x54: {  	[sflag:s14] =	ssyncset.done $0x0  }
0x55: {  	s19 =	sadd.s32 $0xFFFFE000, s16;
	[sflag:s14] =	ssyncadd.s32 $0xFFFFC000  }
0x56: {  	[hbm4b:s19+s2] =	stream.linear.scatter [tilespmem:s9], [sflag:$0x2], $0x4000, $0x38;
	[tilespmem:$0x14A00] =	vst v63  }
0x57: {  	_ =	swait.ge [sflag:s7], $0x4000  }
0x58: {  	[sflag:s7] =	ssyncset.done $0x0  }
0x59: {  	s19 =	sadd.s32 $0xFFFFE800, s16;
	[sflag:s7] =	ssyncadd.s32 $0xFFFFC000  }
0x5a: {  	[hbm4b:s19+s2] =	stream.linear.scatter [tilespmem:s10], [sflag:$0x2], $0x4000, $0x38;
	[tilespmem:$0x14A00] =	vst v63  }
0x5b: {  	_ =	swait.ge [sflag:s7], $0x4000  }
0x5c: {  	[sflag:s7] =	ssyncset.done $0x0  }
0x5d: {  	s19 =	sadd.s32 $0xFFFFF000, s16;
	[sflag:s7] =	ssyncadd.s32 $0xFFFFC000  }
0x5e: {  	[hbm4b:s19+s2] =	stream.linear.scatter [tilespmem:s11], [sflag:$0x2], $0x4000, $0x38;
	[tilespmem:$0x14A00] =	vst v63  }
0x5f: {  	_ =	swait.ge [sflag:s7], $0x4000  }
0x60: {  	[sflag:s7] =	ssyncset.done $0x0  }
0x61: {  	s19 =	sadd.s32 $0xFFFFF800, s16;
	[sflag:s7] =	ssyncadd.s32 $0xFFFFC000  }
0x62: {  	[hbm4b:s19+s2] =	stream.linear.scatter [tilespmem:s12], [sflag:$0x2], $0x4000, $0x38;
	[tilespmem:$0x14A00] =	vst v63  }
0x63: {  	_ =	swait.ge [sflag:s7], $0x4000  }
.Ltmp0:
0x64: {  	[sflag:s7] =	ssyncset.done $0x0;
	(pc) =	sbr.rel @p0 .LBB2_2-.Ltmp0, $4  }
0x65: {  	[sflag:s7] =	ssyncadd.s32 $0xFFFFC000  }
0x66: {  	[hbm4b:s16+s2] =	stream.linear.scatter [tilespmem:s13], [sflag:$0x2], $0x4000, $0x38;
	[tilespmem:$0x14A00] =	vst v63  }
0x67: {  	_ =	swait.ge [sflag:s7], $0x4000  }
0x68: {  	s19 =	smov.u32 s18;
	s16 =	sadd.s32 $0x2800, s16;
	[sflag:s7] =	ssyncset.done $0x0  }
0x69: {  	s17 =	sshra.s32 s17, $0x2;
	[sflag:s7] =	ssyncadd.s32 $0xFFFFC000  }
0x6a: {  	[tilespmem:s9], [sflag:$0x1] =	stream.indirect.gather [hbm4b:s3+s8], $0x80, s17, s8, $0xb8;
	[tilespmem:$0x14A00] =	vst v63  }
0x6b: {  	s18 =	sadd.s32 $0x80, s17  }
0x6c: {  	[tilespmem:s10], [sflag:$0x1] =	stream.indirect.gather [hbm4b:s3+s8], $0x80, s18, s8, $0xb8;
	[tilespmem:$0x14A00] =	vst v63  }
0x6d: {  	s25 =	sadd.s32 $0x100, s17  }
0x6e: {  	[tilespmem:s11], [sflag:$0x1] =	stream.indirect.gather [hbm4b:s3+s8], $0x80, s25, s8, $0xb8;
	[tilespmem:$0x14A00] =	vst v63  }
0x6f: {  	s26 =	sadd.s32 $0x180, s17  }
0x70: {  	[tilespmem:s12], [sflag:$0x1] =	stream.indirect.gather [hbm4b:s3+s8], $0x80, s26, s8, $0xb8;
	[tilespmem:$0x14A00] =	vst v63  }
0x71: {  	s17 =	sadd.s32 $0x200, s17  }
0x72: {  	[tilespmem:s13], [sflag:$0x1] =	stream.indirect.gather [hbm4b:s3+s8], $0x80, s17, s8, $0xb8;
	[tilespmem:$0x14A00] =	vst v63  }
0x73: {  	_ =	swait.ge [sflag:s14], $0x4000  }
0x74: {  	[sflag:s14] =	ssyncset.done $0x0  }
0x75: {  	[sflag:s14] =	ssyncadd.s32 $0xFFFFC000  }
0x76: {  	_ =	swait.ge [sflag:s14], $0x4000  }
0x77: {  	[sflag:s14] =	ssyncset.done $0x0  }
0x78: {  	[sflag:s14] =	ssyncadd.s32 $0xFFFFC000  }
0x79: {  	_ =	swait.ge [sflag:s14], $0x4000  }
0x7a: {  	[sflag:s14] =	ssyncset.done $0x0  }
0x7b: {  	[sflag:s14] =	ssyncadd.s32 $0xFFFFC000  }
0x7c: {  	_ =	swait.ge [sflag:s14], $0x4000  }
0x7d: {  	[sflag:s14] =	ssyncset.done $0x0  }
0x7e: {  	[sflag:s14] =	ssyncadd.s32 $0xFFFFC000  }
0x7f: {  	_ =	swait.ge [sflag:s14], $0x4000  }
0x80: {  	[sflag:s14] =	ssyncset.done $0x0  }
0x81: {  	s28 =	sadd.s32 $0xFFFFE000, s16;
	[sflag:s14] =	ssyncadd.s32 $0xFFFFC000  }
0x82: {  	[hbm4b:s28+s2] =	stream.linear.scatter [tilespmem:s9], [sflag:$0x2], $0x4000, $0x38;
	[tilespmem:$0x14A00] =	vst v63  }
0x83: {  	_ =	swait.ge [sflag:s7], $0x4000  }
0x84: {  	[sflag:s7] =	ssyncset.done $0x0  }
0x85: {  	s29 =	sadd.s32 $0xFFFFE800, s16;
	[sflag:s7] =	ssyncadd.s32 $0xFFFFC000  }
0x86: {  	[hbm4b:s29+s2] =	stream.linear.scatter [tilespmem:s10], [sflag:$0x2], $0x4000, $0x38;
	[tilespmem:$0x14A00] =	vst v63  }
0x87: {  	_ =	swait.ge [sflag:s7], $0x4000  }
0x88: {  	[sflag:s7] =	ssyncset.done $0x0  }
0x89: {  	s30 =	sadd.s32 $0xFFFFF000, s16;
	[sflag:s7] =	ssyncadd.s32 $0xFFFFC000  }
0x8a: {  	[hbm4b:s30+s2] =	stream.linear.scatter [tilespmem:s11], [sflag:$0x2], $0x4000, $0x38;
	[tilespmem:$0x14A00] =	vst v63  }
0x8b: {  	_ =	swait.ge [sflag:s7], $0x4000  }
0x8c: {  	[sflag:s7] =	ssyncset.done $0x0  }
0x8d: {  	s31 =	sadd.s32 $0xFFFFF800, s16;
	[sflag:s7] =	ssyncadd.s32 $0xFFFFC000  }
0x8e: {  	[hbm4b:s31+s2] =	stream.linear.scatter [tilespmem:s12], [sflag:$0x2], $0x4000, $0x38;
	[tilespmem:$0x14A00] =	vst v63  }
0x8f: {  	s15 =	sadd.s32 $0x1, s15;
	_ =	swait.ge [sflag:s7], $0x4000  }
0x90: {  	p0 =	sne.s32 s15, s5;
	[sflag:s7] =	ssyncset.done $0x0  }
.Ltmp1:
0x91: {  	[sflag:s7] =	ssyncadd.s32 $0xFFFFC000;
	(pc) =	sbr.rel @p0 .LBB2_1-.Ltmp1, $4  }
0x92: {  	[hbm4b:s16+s2] =	stream.linear.scatter [tilespmem:s13], [sflag:$0x2], $0x4000, $0x38;
	[tilespmem:$0x14A00] =	vst v63  }
0x93: {  	_ =	swait.ge [sflag:s7], $0x4000  }
0x94: {  	[sflag:s7] =	ssyncset.done $0x0  }
0x95: {  	[sflag:s7] =	ssyncadd.s32 $0xFFFFC000  }
0x96: {  	_ =	sfence.sel $0x180000  }
0x97: {  	[bflag:$0x0] =	sbarrier.arrive $0xFFFF  }
0x98: {  	p0 =	sne.s32 s0, $0x0;
	_ =	strace $0x90000047  }
0x99: {  	s0 =	sadd.s32 @!p0 $0x100000, s1;
	[bflag:$0x2] =	sbarrier.arrive $0xFFFF  }
0x9a: {  	[sflag:s0] =	ssyncadd.tile.s32 @!p0 $0x1;
	_ =	shalt  }
.Lfunc_end2:
_tile_overlayer_lowered:
.L_overlay_start_2:
0x9b: {  	(tag) =	ssettag $0x2  }
0x9c: {  	s0 =	rddreg [dreg:$0x0];
	s2 =	stileid.u32  }
0x9d: {  	s1 =	rddreg [dreg:$0x1];
	p0 =	sne.s32 s2, $0x0  }
0x9e: {  	s3 =	rddreg [dreg:$0x2];
	[bflag:$0x3] =	sbarrier.arrive $0xFFFF;
	s2 =	simm.s32 @!p0 $0x1C02  }
0x9f: {  	[timem:s3], [sflag:s2] =	dma.local @!p0 [hbm:s0], s1  }
0xa0: {  	s0 =	simm.s32 @!p0 $0x2  }
0xa1: {  	_ =	swait.ge @!p0 [sflag:s0], s1  }
0xa2: {  	s1 =	ssub.s32 @!p0 $0x0, s1;
	[sflag:s0] =	ssyncset.done @!p0 $0x0  }
0xa3: {  	[sflag:s0] =	ssyncadd.s32 @!p0 s1  }
0xa4: {  	[bflag:$0x3] =	sbarrier.arrive $0xFFFF  }
0xa5: {  	_ =	shalt  }

// kernel: kernel.20.cloned.1.call-start
scs
__scs_entry_jumppad:
0x0: {  	(pc) =	sbr.rel $0x88, $3  }
0x1: {  	(tag) =	ssettag $0x0;
	lr =	simm.s32 $0x1  }
0x2: {  	[smem:$0x3F97] =	sst lr;
	_ =	strace $0xD0000000  }
0x3: {  	_ = 	snop  }
0x4: {  	_ = 	snop  }
0x5: {  	_ = 	snop  }
0x6: {  	_ = 	snop  }
0x7: {  	_ = 	snop  }
__scs_overlays_trampoline_lowered:
0x8: {  	[smem:$0x3FA6] =	sst s0  }
0x9: {  	[smem:$0x3FA7] =	sst s1  }
0xa: {  	[smem:$0x3FA8] =	sst s2  }
0xb: {  	[smem:$0x3FA9] =	sst s3  }
0xc: {  	[smem:$0x3FAA] =	sst s4  }
0xd: {  	[smem:$0x3FAB] =	sst s5  }
0xe: {  	[smem:$0x3FAC] =	sst s6  }
0xf: {  	[smem:$0x3FAD] =	sst s7  }
0x10: {  	[smem:$0x3FAE] =	sst s8  }
0x11: {  	[smem:$0x3FAF] =	sst s9;
	s0 =	simm.s32 @!p0 $0x0  }
0x12: {  	s1 =	sld [smem:$0x3F95];
	s0 =	simm.s32 @p0 $0x1  }
0x13: {  	[smem:$0x3FB0] =	sst s0;
	s0 =	simm.s32 @!p1 $0x0  }
0x14: {  	s2 =	sld [smem:$0x3F94];
	s0 =	simm.s32 @p1 $0x1  }
0x15: {  	[smem:$0x3FB1] =	sst s0;
	s0 =	simm.s32 @!p2 $0x0  }
0x16: {  	s3 =	sld [smem:$0x3FDB];
	s0 =	simm.s32 @p2 $0x1  }
0x17: {  	s4 =	simm.s32 $0x1BF5;
	[smem:$0x3FB3] =	sst s0  }
0x18: {  	s0 =	sld [smem:$0x3F96];
	_ =	swait.ge [sflag:s4], $0x0  }
0x19: {  	s7 =	sld [smem:$0x3F97]  }
0x1a: {  	s8 =	sadd.s32 $0xFFFFE003, lr  }
0x1b: {  	s9 =	sadd.s32 $0xFFFFFEF7, lr;
	s5 =	simm.s32 $0xFFFFFFFF;
	p2 =	slt.u32 s8, $0xFFFFF086  }
0x1c: {  	p1 =	slt.u32 s9, $0xF7A;
	s5 =	simm.s32 @!p2 $0x0  }
0x1d: {  	s5 =	simm.s32 @p1 $0x1;
	p0 =	seq.s32 s7, s2  }
0x1e: {  	s7 =	smul.u32 @!p0 $0xF7A, s2;
	p2 =	seq.s32 @!p0 s5, $0x0  }
0x1f: {  	s9 =	smul.u32 $0xF7A, s1;
	s8 =	simm.s32 @!p0 $0x1BF5;
	p2 =	por !p2, p0  }
0x20: {  	[sflag:s8] =	ssyncset.s32 @!p0 $0xFFFFF086;
	s6 =	sadd.s32 @!p0 s3, s7;
	s7 =	simm.s32 @!p0 $0x108  }
0x21: {  	s3 =	sadd.s32 s3, s9;
	s6 =	sadd.s32 @!p0 $0x88, s6;
	s7 =	simm.s32 @p2 $0x1082  }
0x22: {  	[simem:s7], [sflag:s8] =	dma.local @!p0 [hbm:s6], $0xF7A  }
0x23: {  	s9 =	sor.u32 $0xD0000000, s2;
	s6 =	simm.s32 $0x108;
	_ =	swait.ge @!p0 [sflag:s8], $0x0  }
0x24: {  	s3 =	sadd.s32 $0x88, s3;
	s6 =	simm.s32 @!p1 $0x1082;
	[sflag:s4] =	ssyncset.s32 $0xFFFFF086  }
0x25: {  	[simem:s6], [sflag:s4] =	dma.local [hbm:s3], $0xF7A  }
0x26: {  	[smem:$0x3F97] =	sst s1;
	(tag) =	ssettag s2;
	_ =	strace s9  }
0x27: {  	s1 =	sld [smem:$0x3FA7]  }
0x28: {  	s2 =	sld [smem:$0x3FA8]  }
0x29: {  	s4 =	sld [smem:$0x3FAA]  }
0x2a: {  	p0 =	seq.s32 s5, $0x0;
	s5 =	sld [smem:$0x3FAB]  }
0x2b: {  	s6 =	sld [smem:$0x3FAC]  }
0x2c: {  	s7 =	sld [smem:$0x3FAD]  }
0x2d: {  	s3 =	simm.s32 $0x108;
	s8 =	sld [smem:$0x3FAE]  }
0x2e: {  	s3 =	simm.s32 @!p0 $0x1082;
	s9 =	sld [smem:$0x3FAF]  }
0x2f: {  	lr =	sadd.s32 s0, s3;
	s0 =	sld [smem:$0x3FA6]  }
0x30: {  	s3 =	sld [smem:$0x3FA9]  }
0x31: {  	[smem:$0x3FB2] =	sst s10  }
0x32: {  	s10 =	sld [smem:$0x3FB0];
	_ =	sdelay $0x3  }
0x33: {  	p0 =	seq.s32 s10, $0x1;
	s10 =	sld [smem:$0x3FB2];
	_ =	sdelay $0x3  }
0x34: {  	[smem:$0x3FB2] =	sst s10  }
0x35: {  	s10 =	sld [smem:$0x3FB1];
	_ =	sdelay $0x3  }
0x36: {  	p1 =	seq.s32 s10, $0x1;
	s10 =	sld [smem:$0x3FB2];
	_ =	sdelay $0x3  }
0x37: {  	[smem:$0x3FB2] =	sst s10  }
0x38: {  	s10 =	sld [smem:$0x3FB3]  }
0x39: {  	_ = 	snop;
	(pc) =	sbr.ind lr, $3  }
0x3a: {  	_ = 	snop  }
0x3b: {  	_ = 	snop  }
0x3c: {  	p2 =	seq.s32 s10, $0x1;
	s10 =	sld [smem:$0x3FB2]  }
0x3d: {  	_ =	shalt  }
0x3e: {  	_ =	shalt  }
0x3f: {  	_ =	shalt  }
0x40: {  	_ =	shalt  }
0x41: {  	_ =	shalt  }
0x42: {  	_ =	shalt  }
0x43: {  	_ =	shalt  }
0x44: {  	_ =	shalt  }
0x45: {  	_ =	shalt  }
0x46: {  	_ =	shalt  }
0x47: {  	_ =	shalt  }
0x48: {  	_ =	shalt  }
0x49: {  	_ =	shalt  }
0x4a: {  	_ =	shalt  }
0x4b: {  	_ =	shalt  }
0x4c: {  	_ =	shalt  }
0x4d: {  	_ =	shalt  }
0x4e: {  	_ =	shalt  }
0x4f: {  	_ =	shalt  }
0x50: {  	_ =	shalt  }
0x51: {  	_ =	shalt  }
0x52: {  	_ =	shalt  }
0x53: {  	_ =	shalt  }
0x54: {  	_ =	shalt  }
0x55: {  	_ =	shalt  }
0x56: {  	_ =	shalt  }
0x57: {  	_ =	shalt  }
0x58: {  	_ =	shalt  }
0x59: {  	_ =	shalt  }
0x5a: {  	_ =	shalt  }
0x5b: {  	_ =	shalt  }
0x5c: {  	_ =	shalt  }
0x5d: {  	_ =	shalt  }
0x5e: {  	_ =	shalt  }
0x5f: {  	_ =	shalt  }
0x60: {  	_ =	shalt  }
0x61: {  	_ =	shalt  }
0x62: {  	_ =	shalt  }
0x63: {  	_ =	shalt  }
0x64: {  	_ =	shalt  }
0x65: {  	_ =	shalt  }
0x66: {  	_ =	shalt  }
0x67: {  	_ =	shalt  }
0x68: {  	_ =	shalt  }
0x69: {  	_ =	shalt  }
0x6a: {  	_ =	shalt  }
0x6b: {  	_ =	shalt  }
0x6c: {  	_ =	shalt  }
0x6d: {  	_ =	shalt  }
0x6e: {  	_ =	shalt  }
0x6f: {  	_ =	shalt  }
0x70: {  	_ =	shalt  }
0x71: {  	_ =	shalt  }
0x72: {  	_ =	shalt  }
0x73: {  	_ =	shalt  }
0x74: {  	_ =	shalt  }
0x75: {  	_ =	shalt  }
0x76: {  	_ =	shalt  }
0x77: {  	_ =	shalt  }
0x78: {  	_ =	shalt  }
0x79: {  	_ =	shalt  }
0x7a: {  	_ =	shalt  }
0x7b: {  	_ =	shalt  }
0x7c: {  	_ =	shalt  }
0x7d: {  	_ =	shalt  }
0x7e: {  	_ =	shalt  }
0x7f: {  	_ =	shalt  }
0x80: {  	_ =	shalt  }
0x81: {  	_ =	shalt  }
0x82: {  	_ =	shalt  }
0x83: {  	_ =	shalt  }
0x84: {  	_ =	shalt  }
0x85: {  	_ =	shalt  }
0x86: {  	_ =	shalt  }
0x87: {  	_ =	shalt  }
.Lfunc_end0:
.L_simem_size_0:
called_computation.2_lowered:
.L_overlay_start_0:
0x88: {  	s2 =	sld [smem:$0x3FD9]  }
0x89: {  	s3 =	sld [smem:$0x3FFE];
	_ =	sdelay $0x1  }
0x8a: {  	s1 =	srdreg.scid  }
0x8b: {  	s0 =	sand.u32 $0x1, s1  }
0x8c: {  	s17 =	sshll.u32 s0, $0xA;
	s2 =	sadd.s32 s3, s2  }
0x8d: {  	s2 =	sadd.s32 s2, s17  }
0x8e: {  	[smem:$0x3FBE] =	sst s2  }
0x8f: {  	_ = 	snop  }
0x90: {  	(tm) =	ssettm $0x1  }
0x91: {  	s18 =	sld [smem:$0x3FFB];
	_ =	sdelay $0x3  }
0x92: {  	_ =	strace s18  }
0x93: {  	s2 =	sld [smem:$0x3FFC];
	_ =	sdelay $0x3  }
0x94: {  	_ =	strace s2  }
0x95: {  	s2 =	sld [smem:$0x3FFD];
	_ =	sdelay $0x3  }
0x96: {  	_ =	strace s2  }
0x97: {  	_ =	strace $0x8FFFFFFF  }
0x98: {  	s19 =	sld [smem:$0x3FDB];
	_ =	sdelay $0x1  }
0x99: {  	s20 =	simm.s32 $_scs_section_size  }
0x9a: {  	s4 =	simm.s32 $_size__tile_overlayer_lowered;
	s5 =	simm.s32 $_tile_overlayer_lowered  }
0x9b: {  	s6 =	simm.s32 $0x1BFF;
	s21 =	sshll.u32 s5, $0x1;
	s3 =	sadd.s32 s20, s19  }
0x9c: {  	s22 =	simm.s32 $0x0;
	s4 =	sshll.u32 s4, $0x1;
	s5 =	sadd.s32 s21, s3  }
0x9d: {  	[timem:s22], [sflag:s6] =	dma.local [hbm:s5], s4  }
0x9e: {  	_ =	swait.ge [sflag:s6], s4  }
0x9f: {  	s4 =	ssub.s32 $0x0, s4;
	[sflag:s6] =	ssyncset.done $0x0  }
0xa0: {  	[sflag:s6] =	ssyncadd.s32 s4;
	_ =	sdelay $0x1  }
0xa1: {  	s23 =	simm.s32 $0x1B8B  }
0xa2: {  	_ =	swait.ge [sflag:s23], $0x1  }
0xa3: {  	[sflag:s23] =	ssyncset.done $0x0  }
0xa4: {  	[sflag:s23] =	ssyncadd.s32 $0xFFFFFFFF  }
0xa5: {  	s4 =	sld [smem:$0x0]  }
0xa6: {  	s5 =	sand.u32 $0xFFFFFFFE, s1  }
0xa7: {  	p0 =	sne.s32 s1, s5  }
0xa8: {  	s5 =	sshll.u32 @p0 s5, $0xE  }
0xa9: {  	s5 =	sadd.s32 @p0 $0x11B8D, s5;
	s6 =	sshll.u32 @p0 s4, $0x11  }
0xaa: {  	s5 =	sor.u32 @p0 s6, s5  }
0xab: {  	[sflag:s5] =	ssyncadd.remote.s32 @p0 $0x1;
	_ =	sdelay $0x1  }
0xac: {  	s5 =	simm.s32 @p0 $0x1B8D  }
0xad: {  	_ =	swait.eq @p0 [sflag:s5], $0x1  }
0xae: {  	[sflag:s5] =	ssyncadd.s32 @p0 $0xFFFFFFFF  }
0xaf: {  	s6 =	sshll.u32 @!p0 s1, $0xE  }
0xb0: {  	s6 =	sor.u32 @!p0 $0x4000, s6;
	s5 =	simm.s32 @!p0 $0x1B8D  }
0xb1: {  	s4 =	sshll.u32 @!p0 s4, $0x11;
	s6 =	sadd.s32 @!p0 $0x11B8D, s6;
	_ =	swait.eq @!p0 [sflag:s5], $0x1  }
0xb2: {  	s4 =	sor.u32 @!p0 s4, s6;
	[sflag:s5] =	ssyncadd.s32 @!p0 $0xFFFFFFFF  }
0xb3: {  	s25 =	simm.s32 $0x1B8E;
	s24 =	sld [smem:$0x3FFE];
	[sflag:s4] =	ssyncadd.remote.s32 @!p0 $0x1  }
0xb4: {  	s26 =	simm.s32 $execute0_lowered;
	[smem:$0x3FD2] =	sst s25  }
0xb5: {  	s5 =	sshll.u32 s26, $0x1;
	_ =	strace $0x8000004F;
	[dreg:$0x1] =	wrdreg $0xFFFFFFFF  }
0xb6: {  	s28 =	simm.s32 $_size_execute0_lowered;
	s3 =	sadd.s32 s3, s5;
	[dreg:$0x0] =	wrdreg $0x0  }
0xb7: {  	s5 =	sshll.u32 s28, $0x1;
	[dreg:$0x2] =	wrdreg s3  }
0xb8: {  	[dreg:$0x3] =	wrdreg s5  }
0xb9: {  	[dreg:$0x4] =	wrdreg $0xC0  }
0xba: {  	_ =	task [dreg:s22], $0x5FFFF  }
0xbb: {  	[dreg:$0x1] =	wrdreg $0xFFFFFFFF  }
0xbc: {  	[dreg:$0x0] =	wrdreg $0x60  }
0xbd: {  	[dreg:$0x2] =	wrdreg s24  }
0xbe: {  	[dreg:$0x3] =	wrdreg $0x9  }
0xbf: {  	_ =	task.clear_ibuf [dreg:s22], $0x4FFFF;
	_ =	strace $0x9000004F  }
0xc0: {  	s29 =	simm.s32 $0x9;
	_ =	strace $0x80000051  }
0xc1: {  	_ =	swait.ge [sflag:s29], $0x1  }
0xc2: {  	[sflag:s29] =	ssyncadd.s32 $0xFFFFFFFF  }
0xc3: {  	_ =	strace $0x90000051  }
0xc4: {  	_ =	sfence  }
0xc5: {  	s30 =	sld [smem:$0x0];
	_ =	sdelay $0x2  }
0xc6: {  	s31 =	sshll.u32 s1, $0xD;
	s1 =	sshrl.u32 s1, $0x2  }
0xc7: {  	s4 =	sand.u32 $0x4000, s31;
	s1 =	sadd.s32 s1, s30  }
0xc8: {  	s0 =	sor.u32 s4, s0;
	s1 =	sshll.u32 s1, $0x11  }
0xc9: {  	s0 =	sor.u32 s1, s0  }
0xca: {  	s0 =	sadd.s32 $0x8F2B, s0  }
0xcb: {  	[sflag:s0] =	ssyncadd.remote.s32 $0x1  }
0xcc: {  	_ =	sfence.sel $0xFFFF  }
0xcd: {  	[dreg:$0x0] =	wrdreg $0xFFFFFFFF;
	(pc) =	sbr.abs _section_cstart, $3  }
0xce: {  	[dreg:$0x1] =	wrdreg $0xFFFFFFFF  }
0xcf: {  	_ =	task.clear_ibuf [dreg:s22], $0x2FFFF;
	_ =	strace $0x9FFFFFFF  }
0xd0: {  	(tm) =	ssettm $0x7FFFFFFF  }
0xd1: {  	_ =	shalt  }
tec
execute0_lowered:
.L_overlay_start_1:
0x0: {  	(tag) =	ssettag $0x1  }
0x1: {  	s1 =	srdreg.scid  }
0x2: {  	s0 =	stileid.u32;
	s3 =	rddreg [dreg:$0x0]  }
0x3: {  	s2 =	simm.s32 $0x0;
	s9 =	simm.s32 $0xA00;
	s10 =	simm.s32 $0x4A00  }
0x4: {  	s11 =	simm.s32 $0x8A00;
	s12 =	simm.s32 $0xCA00;
	s13 =	simm.s32 $0x10A00  }
0x5: {  	s14 =	simm.s32 $0x1;
	s15 =	simm.s32 $0x0;
	s4 =	sand.u32 $0x1, s1  }
0x6: {  	s5 =	sshll.u32 s0, $0x1;
	s1 =	rddreg [dreg:$0x1];
	s6 =	smul.u32 $0x14000, s0  }
0x7: {  	s5 =	sor.u32 s4, s5;
	s7 =	ssub.s32 $0x2, s4;
	s4 =	smul.u32 $0xA000, s4  }
0x8: {  	[smem:$0x7FF] =	sst s2;
	s5 =	smul.u32 $0xA00, s5;
	s8 =	sshrl.u32 s7, $0x1  }
0x9: {  	_ =	strace $0x80000050;
	s6 =	sadd.s32 s6, s3;
	s7 =	ssub.s32 s7, s8  }
0xa: {  	s6 =	sadd.s32 s4, s6;
	s8 =	simm.s32 $0x80;
	s5 =	sshrl.u32 s5, $0x3  }
0xb: {  	s6 =	sadd.s32 $0x179600, s6;
	s5 =	sadd.s32 s5, s3;
	s3 =	sadd.s32 $0x14E00, s3  }
0xc: {  	s4 =	sadd.s32 $0x174E00, s5;
	s5 =	smax.u32 s7, $0x1;
	s7 =	simm.s32 $0x2  }
.LBB2_1:
0xd: {  	[tilespmem:s2], [sflag:$0x2] =	stream.linear.gather [hbm4b:s4+s2], $0xA00, $0x38;
	[tilespmem:$0x14A00] =	vst v63  }
0xe: {  	_ =	swait.ge [sflag:s7], $0xA00  }
0xf: {  	[sflag:s7] =	ssyncset.done $0x0  }
0x10: {  	s16 =	simm.s32 $0x0;
	[sflag:s7] =	ssyncadd.s32 $0xFFFFF600  }
0x11: {  	[tilespmem:s9], [sflag:$0x1] =	stream.indirect.gather [hbm4b:s3+s8], $0x80, s16, s8, $0xb8;
	[tilespmem:$0x14A00] =	vst v63  }
0x12: {  	s23 =	simm.s32 $0x80  }
0x13: {  	[tilespmem:s10], [sflag:$0x1] =	stream.indirect.gather [hbm4b:s3+s8], $0x80, s23, s8, $0xb8;
	[tilespmem:$0x14A00] =	vst v63  }
0x14: {  	s24 =	simm.s32 $0x100  }
0x15: {  	[tilespmem:s11], [sflag:$0x1] =	stream.indirect.gather [hbm4b:s3+s8], $0x80, s24, s8, $0xb8;
	[tilespmem:$0x14A00] =	vst v63  }
0x16: {  	s25 =	simm.s32 $0x180  }
0x17: {  	[tilespmem:s12], [sflag:$0x1] =	stream.indirect.gather [hbm4b:s3+s8], $0x80, s25, s8, $0xb8;
	[tilespmem:$0x14A00] =	vst v63  }
0x18: {  	s26 =	simm.s32 $0x200  }
0x19: {  	[tilespmem:s13], [sflag:$0x1] =	stream.indirect.gather [hbm4b:s3+s8], $0x80, s26, s8, $0xb8;
	[tilespmem:$0x14A00] =	vst v63  }
0x1a: {  	_ =	swait.ge [sflag:s14], $0x4000  }
0x1b: {  	[sflag:s14] =	ssyncset.done $0x0  }
0x1c: {  	[sflag:s14] =	ssyncadd.s32 $0xFFFFC000  }
0x1d: {  	_ =	swait.ge [sflag:s14], $0x4000  }
0x1e: {  	[sflag:s14] =	ssyncset.done $0x0  }
0x1f: {  	[sflag:s14] =	ssyncadd.s32 $0xFFFFC000  }
0x20: {  	_ =	swait.ge [sflag:s14], $0x4000  }
0x21: {  	[sflag:s14] =	ssyncset.done $0x0  }
0x22: {  	[sflag:s14] =	ssyncadd.s32 $0xFFFFC000  }
0x23: {  	_ =	swait.ge [sflag:s14], $0x4000  }
0x24: {  	[sflag:s14] =	ssyncset.done $0x0  }
0x25: {  	[sflag:s14] =	ssyncadd.s32 $0xFFFFC000  }
0x26: {  	_ =	swait.ge [sflag:s14], $0x4000  }
0x27: {  	[sflag:s14] =	ssyncset.done $0x0  }
0x28: {  	s28 =	sadd.s32 $0xFFFFE000, s6;
	[sflag:s14] =	ssyncadd.s32 $0xFFFFC000  }
0x29: {  	[hbm4b:s28+s2] =	stream.linear.scatter [tilespmem:s9], [sflag:$0x2], $0x4000, $0x38;
	[tilespmem:$0x14A00] =	vst v63  }
0x2a: {  	_ =	swait.ge [sflag:s7], $0x4000  }
0x2b: {  	[sflag:s7] =	ssyncset.done $0x0  }
0x2c: {  	s29 =	sadd.s32 $0xFFFFE800, s6;
	[sflag:s7] =	ssyncadd.s32 $0xFFFFC000  }
0x2d: {  	[hbm4b:s29+s2] =	stream.linear.scatter [tilespmem:s10], [sflag:$0x2], $0x4000, $0x38;
	[tilespmem:$0x14A00] =	vst v63  }
0x2e: {  	_ =	swait.ge [sflag:s7], $0x4000  }
0x2f: {  	[sflag:s7] =	ssyncset.done $0x0  }
0x30: {  	s30 =	sadd.s32 $0xFFFFF000, s6;
	[sflag:s7] =	ssyncadd.s32 $0xFFFFC000  }
0x31: {  	[hbm4b:s30+s2] =	stream.linear.scatter [tilespmem:s11], [sflag:$0x2], $0x4000, $0x38;
	[tilespmem:$0x14A00] =	vst v63  }
0x32: {  	_ =	swait.ge [sflag:s7], $0x4000  }
0x33: {  	[sflag:s7] =	ssyncset.done $0x0  }
0x34: {  	s31 =	sadd.s32 $0xFFFFF800, s6;
	[sflag:s7] =	ssyncadd.s32 $0xFFFFC000  }
0x35: {  	[hbm4b:s31+s2] =	stream.linear.scatter [tilespmem:s12], [sflag:$0x2], $0x4000, $0x38;
	[tilespmem:$0x14A00] =	vst v63  }
0x36: {  	_ =	swait.ge [sflag:s7], $0x4000  }
0x37: {  	[sflag:s7] =	ssyncset.done $0x0  }
0x38: {  	[sflag:s7] =	ssyncadd.s32 $0xFFFFC000  }
0x39: {  	[hbm4b:s6+s2] =	stream.linear.scatter [tilespmem:s13], [sflag:$0x2], $0x4000, $0x38;
	[tilespmem:$0x14A00] =	vst v63  }
0x3a: {  	s17 =	simm.s32 $0xA00;
	_ =	swait.ge [sflag:s7], $0x4000  }
0x3b: {  	s19 =	simm.s32 $0x1400;
	s16 =	sadd.s32 $0x2800, s6;
	[sflag:s7] =	ssyncset.done $0x0  }
.LBB2_2:
0x3c: {  	s20 =	sshra.s32 s17, $0x2  }
0x3d: {  	[sflag:s7] =	ssyncadd.s32 $0xFFFFC000;
	s17 =	smov.u32 s19;
	s18 =	sadd.s32 $0xA00, s19  }
0x3e: {  	[tilespmem:s9], [sflag:$0x1] =	stream.indirect.gather [hbm4b:s3+s8], $0x80, s20, s8, $0xb8;
	[tilespmem:$0x14A00] =	vst v63  }
0x3f: {  	p0 =	sne.s32 s19, $0x1E00;
	s19 =	sadd.s32 $0x80, s20  }
0x40: {  	[tilespmem:s10], [sflag:$0x1] =	stream.indirect.gather [hbm4b:s3+s8], $0x80, s19, s8, $0xb8;
	[tilespmem:$0x14A00] =	vst v63  }
0x41: {  	s19 =	sadd.s32 $0x100, s20  }
0x42: {  	[tilespmem:s11], [sflag:$0x1] =	stream.indirect.gather [hbm4b:s3+s8], $0x80, s19, s8, $0xb8;
	[tilespmem:$0x14A00] =	vst v63  }
0x43: {  	s19 =	sadd.s32 $0x180, s20  }
0x44: {  	[tilespmem:s12], [sflag:$0x1] =	stream.indirect.gather [hbm4b:s3+s8], $0x80, s19, s8, $0xb8;
	[tilespmem:$0x14A00] =	vst v63  }
0x45: {  	s19 =	sadd.s32 $0x200, s20  }
0x46: {  	[tilespmem:s13], [sflag:$0x1] =	stream.indirect.gather [hbm4b:s3+s8], $0x80, s19, s8, $0xb8;
	[tilespmem:$0x14A00] =	vst v63  }
0x47: {  	_ =	swait.ge [sflag:s14], $0x4000  }
0x48: {  	[sflag:s14] =	ssyncset.done $0x0  }
0x49: {  	[sflag:s14] =	ssyncadd.s32 $0xFFFFC000  }
0x4a: {  	_ =	swait.ge [sflag:s14], $0x4000  }
0x4b: {  	[sflag:s14] =	ssyncset.done $0x0  }
0x4c: {  	[sflag:s14] =	ssyncadd.s32 $0xFFFFC000  }
0x4d: {  	_ =	swait.ge [sflag:s14], $0x4000  }
0x4e: {  	[sflag:s14] =	ssyncset.done $0x0  }
0x4f: {  	[sflag:s14] =	ssyncadd.s32 $0xFFFFC000  }
0x50: {  	_ =	swait.ge [sflag:s14], $0x4000  }
0x51: {  	[sflag:s14] =	ssyncset.done $0x0  }
0x52: {  	[sflag:s14] =	ssyncadd.s32 $0xFFFFC000  }
0x53: {  	_ =	swait.ge [sflag:s14], $0x4000  }
0x54: {  	[sflag:s14] =	ssyncset.done $0x0  }
0x55: {  	s19 =	sadd.s32 $0xFFFFE000, s16;
	[sflag:s14] =	ssyncadd.s32 $0xFFFFC000  }
0x56: {  	[hbm4b:s19+s2] =	stream.linear.scatter [tilespmem:s9], [sflag:$0x2], $0x4000, $0x38;
	[tilespmem:$0x14A00] =	vst v63  }
0x57: {  	_ =	swait.ge [sflag:s7], $0x4000  }
0x58: {  	[sflag:s7] =	ssyncset.done $0x0  }
0x59: {  	s19 =	sadd.s32 $0xFFFFE800, s16;
	[sflag:s7] =	ssyncadd.s32 $0xFFFFC000  }
0x5a: {  	[hbm4b:s19+s2] =	stream.linear.scatter [tilespmem:s10], [sflag:$0x2], $0x4000, $0x38;
	[tilespmem:$0x14A00] =	vst v63  }
0x5b: {  	_ =	swait.ge [sflag:s7], $0x4000  }
0x5c: {  	[sflag:s7] =	ssyncset.done $0x0  }
0x5d: {  	s19 =	sadd.s32 $0xFFFFF000, s16;
	[sflag:s7] =	ssyncadd.s32 $0xFFFFC000  }
0x5e: {  	[hbm4b:s19+s2] =	stream.linear.scatter [tilespmem:s11], [sflag:$0x2], $0x4000, $0x38;
	[tilespmem:$0x14A00] =	vst v63  }
0x5f: {  	_ =	swait.ge [sflag:s7], $0x4000  }
0x60: {  	[sflag:s7] =	ssyncset.done $0x0  }
0x61: {  	s19 =	sadd.s32 $0xFFFFF800, s16;
	[sflag:s7] =	ssyncadd.s32 $0xFFFFC000  }
0x62: {  	[hbm4b:s19+s2] =	stream.linear.scatter [tilespmem:s12], [sflag:$0x2], $0x4000, $0x38;
	[tilespmem:$0x14A00] =	vst v63  }
0x63: {  	_ =	swait.ge [sflag:s7], $0x4000  }
.Ltmp0:
0x64: {  	[sflag:s7] =	ssyncset.done $0x0;
	(pc) =	sbr.rel @p0 .LBB2_2-.Ltmp0, $4  }
0x65: {  	[sflag:s7] =	ssyncadd.s32 $0xFFFFC000  }
0x66: {  	[hbm4b:s16+s2] =	stream.linear.scatter [tilespmem:s13], [sflag:$0x2], $0x4000, $0x38;
	[tilespmem:$0x14A00] =	vst v63  }
0x67: {  	_ =	swait.ge [sflag:s7], $0x4000  }
0x68: {  	s19 =	smov.u32 s18;
	s16 =	sadd.s32 $0x2800, s16;
	[sflag:s7] =	ssyncset.done $0x0  }
0x69: {  	s17 =	sshra.s32 s17, $0x2;
	[sflag:s7] =	ssyncadd.s32 $0xFFFFC000  }
0x6a: {  	[tilespmem:s9], [sflag:$0x1] =	stream.indirect.gather [hbm4b:s3+s8], $0x80, s17, s8, $0xb8;
	[tilespmem:$0x14A00] =	vst v63  }
0x6b: {  	s18 =	sadd.s32 $0x80, s17  }
0x6c: {  	[tilespmem:s10], [sflag:$0x1] =	stream.indirect.gather [hbm4b:s3+s8], $0x80, s18, s8, $0xb8;
	[tilespmem:$0x14A00] =	vst v63  }
0x6d: {  	s25 =	sadd.s32 $0x100, s17  }
0x6e: {  	[tilespmem:s11], [sflag:$0x1] =	stream.indirect.gather [hbm4b:s3+s8], $0x80, s25, s8, $0xb8;
	[tilespmem:$0x14A00] =	vst v63  }
0x6f: {  	s26 =	sadd.s32 $0x180, s17  }
0x70: {  	[tilespmem:s12], [sflag:$0x1] =	stream.indirect.gather [hbm4b:s3+s8], $0x80, s26, s8, $0xb8;
	[tilespmem:$0x14A00] =	vst v63  }
0x71: {  	s17 =	sadd.s32 $0x200, s17  }
0x72: {  	[tilespmem:s13], [sflag:$0x1] =	stream.indirect.gather [hbm4b:s3+s8], $0x80, s17, s8, $0xb8;
	[tilespmem:$0x14A00] =	vst v63  }
0x73: {  	_ =	swait.ge [sflag:s14], $0x4000  }
0x74: {  	[sflag:s14] =	ssyncset.done $0x0  }
0x75: {  	[sflag:s14] =	ssyncadd.s32 $0xFFFFC000  }
0x76: {  	_ =	swait.ge [sflag:s14], $0x4000  }
0x77: {  	[sflag:s14] =	ssyncset.done $0x0  }
0x78: {  	[sflag:s14] =	ssyncadd.s32 $0xFFFFC000  }
0x79: {  	_ =	swait.ge [sflag:s14], $0x4000  }
0x7a: {  	[sflag:s14] =	ssyncset.done $0x0  }
0x7b: {  	[sflag:s14] =	ssyncadd.s32 $0xFFFFC000  }
0x7c: {  	_ =	swait.ge [sflag:s14], $0x4000  }
0x7d: {  	[sflag:s14] =	ssyncset.done $0x0  }
0x7e: {  	[sflag:s14] =	ssyncadd.s32 $0xFFFFC000  }
0x7f: {  	_ =	swait.ge [sflag:s14], $0x4000  }
0x80: {  	[sflag:s14] =	ssyncset.done $0x0  }
0x81: {  	s28 =	sadd.s32 $0xFFFFE000, s16;
	[sflag:s14] =	ssyncadd.s32 $0xFFFFC000  }
0x82: {  	[hbm4b:s28+s2] =	stream.linear.scatter [tilespmem:s9], [sflag:$0x2], $0x4000, $0x38;
	[tilespmem:$0x14A00] =	vst v63  }
0x83: {  	_ =	swait.ge [sflag:s7], $0x4000  }
0x84: {  	[sflag:s7] =	ssyncset.done $0x0  }
0x85: {  	s29 =	sadd.s32 $0xFFFFE800, s16;
	[sflag:s7] =	ssyncadd.s32 $0xFFFFC000  }
0x86: {  	[hbm4b:s29+s2] =	stream.linear.scatter [tilespmem:s10], [sflag:$0x2], $0x4000, $0x38;
	[tilespmem:$0x14A00] =	vst v63  }
0x87: {  	_ =	swait.ge [sflag:s7], $0x4000  }
0x88: {  	[sflag:s7] =	ssyncset.done $0x0  }
0x89: {  	s30 =	sadd.s32 $0xFFFFF000, s16;
	[sflag:s7] =	ssyncadd.s32 $0xFFFFC000  }
0x8a: {  	[hbm4b:s30+s2] =	stream.linear.scatter [tilespmem:s11], [sflag:$0x2], $0x4000, $0x38;
	[tilespmem:$0x14A00] =	vst v63  }
0x8b: {  	_ =	swait.ge [sflag:s7], $0x4000  }
0x8c: {  	[sflag:s7] =	ssyncset.done $0x0  }
0x8d: {  	s31 =	sadd.s32 $0xFFFFF800, s16;
	[sflag:s7] =	ssyncadd.s32 $0xFFFFC000  }
0x8e: {  	[hbm4b:s31+s2] =	stream.linear.scatter [tilespmem:s12], [sflag:$0x2], $0x4000, $0x38;
	[tilespmem:$0x14A00] =	vst v63  }
0x8f: {  	s15 =	sadd.s32 $0x1, s15;
	_ =	swait.ge [sflag:s7], $0x4000  }
0x90: {  	p0 =	sne.s32 s15, s5;
	[sflag:s7] =	ssyncset.done $0x0  }
.Ltmp1:
0x91: {  	[sflag:s7] =	ssyncadd.s32 $0xFFFFC000;
	(pc) =	sbr.rel @p0 .LBB2_1-.Ltmp1, $4  }
0x92: {  	[hbm4b:s16+s2] =	stream.linear.scatter [tilespmem:s13], [sflag:$0x2], $0x4000, $0x38;
	[tilespmem:$0x14A00] =	vst v63  }
0x93: {  	_ =	swait.ge [sflag:s7], $0x4000  }
0x94: {  	[sflag:s7] =	ssyncset.done $0x0  }
0x95: {  	[sflag:s7] =	ssyncadd.s32 $0xFFFFC000  }
0x96: {  	_ =	sfence.sel $0x180000  }
0x97: {  	[bflag:$0x0] =	sbarrier.arrive $0xFFFF  }
0x98: {  	p0 =	sne.s32 s0, $0x0;
	_ =	strace $0x90000050  }
0x99: {  	s0 =	sadd.s32 @!p0 $0x100000, s1;
	[bflag:$0x2] =	sbarrier.arrive $0xFFFF  }
0x9a: {  	[sflag:s0] =	ssyncadd.tile.s32 @!p0 $0x1;
	_ =	shalt  }
.Lfunc_end2:
_tile_overlayer_lowered:
.L_overlay_start_2:
0x9b: {  	(tag) =	ssettag $0x2  }
0x9c: {  	s0 =	rddreg [dreg:$0x0];
	s2 =	stileid.u32  }
0x9d: {  	s1 =	rddreg [dreg:$0x1];
	p0 =	sne.s32 s2, $0x0  }
0x9e: {  	s3 =	rddreg [dreg:$0x2];
	[bflag:$0x3] =	sbarrier.arrive $0xFFFF;
	s2 =	simm.s32 @!p0 $0x1C02  }
0x9f: {  	[timem:s3], [sflag:s2] =	dma.local @!p0 [hbm:s0], s1  }
0xa0: {  	s0 =	simm.s32 @!p0 $0x2  }
0xa1: {  	_ =	swait.ge @!p0 [sflag:s0], s1  }
0xa2: {  	s1 =	ssub.s32 @!p0 $0x0, s1;
	[sflag:s0] =	ssyncset.done @!p0 $0x0  }
0xa3: {  	[sflag:s0] =	ssyncadd.s32 @!p0 s1  }
0xa4: {  	[bflag:$0x3] =	sbarrier.arrive $0xFFFF  }
0xa5: {  	_ =	shalt  }

// kernel: kernel.23.cloned.1.call-start
scs
__scs_entry_jumppad:
0x0: {  	(pc) =	sbr.rel $0x88, $3  }
0x1: {  	(tag) =	ssettag $0x0;
	lr =	simm.s32 $0x1  }
0x2: {  	[smem:$0x3F97] =	sst lr;
	_ =	strace $0xD0000000  }
0x3: {  	_ = 	snop  }
0x4: {  	_ = 	snop  }
0x5: {  	_ = 	snop  }
0x6: {  	_ = 	snop  }
0x7: {  	_ = 	snop  }
__scs_overlays_trampoline_lowered:
0x8: {  	[smem:$0x3FA6] =	sst s0  }
0x9: {  	[smem:$0x3FA7] =	sst s1  }
0xa: {  	[smem:$0x3FA8] =	sst s2  }
0xb: {  	[smem:$0x3FA9] =	sst s3  }
0xc: {  	[smem:$0x3FAA] =	sst s4  }
0xd: {  	[smem:$0x3FAB] =	sst s5  }
0xe: {  	[smem:$0x3FAC] =	sst s6  }
0xf: {  	[smem:$0x3FAD] =	sst s7  }
0x10: {  	[smem:$0x3FAE] =	sst s8  }
0x11: {  	[smem:$0x3FAF] =	sst s9;
	s0 =	simm.s32 @!p0 $0x0  }
0x12: {  	s1 =	sld [smem:$0x3F95];
	s0 =	simm.s32 @p0 $0x1  }
0x13: {  	[smem:$0x3FB0] =	sst s0;
	s0 =	simm.s32 @!p1 $0x0  }
0x14: {  	s2 =	sld [smem:$0x3F94];
	s0 =	simm.s32 @p1 $0x1  }
0x15: {  	[smem:$0x3FB1] =	sst s0;
	s0 =	simm.s32 @!p2 $0x0  }
0x16: {  	s3 =	sld [smem:$0x3FDB];
	s0 =	simm.s32 @p2 $0x1  }
0x17: {  	s4 =	simm.s32 $0x1BF5;
	[smem:$0x3FB3] =	sst s0  }
0x18: {  	s0 =	sld [smem:$0x3F96];
	_ =	swait.ge [sflag:s4], $0x0  }
0x19: {  	s7 =	sld [smem:$0x3F97]  }
0x1a: {  	s8 =	sadd.s32 $0xFFFFE003, lr  }
0x1b: {  	s9 =	sadd.s32 $0xFFFFFEF7, lr;
	s5 =	simm.s32 $0xFFFFFFFF;
	p2 =	slt.u32 s8, $0xFFFFF086  }
0x1c: {  	p1 =	slt.u32 s9, $0xF7A;
	s5 =	simm.s32 @!p2 $0x0  }
0x1d: {  	s5 =	simm.s32 @p1 $0x1;
	p0 =	seq.s32 s7, s2  }
0x1e: {  	s7 =	smul.u32 @!p0 $0xF7A, s2;
	p2 =	seq.s32 @!p0 s5, $0x0  }
0x1f: {  	s9 =	smul.u32 $0xF7A, s1;
	s8 =	simm.s32 @!p0 $0x1BF5;
	p2 =	por !p2, p0  }
0x20: {  	[sflag:s8] =	ssyncset.s32 @!p0 $0xFFFFF086;
	s6 =	sadd.s32 @!p0 s3, s7;
	s7 =	simm.s32 @!p0 $0x108  }
0x21: {  	s3 =	sadd.s32 s3, s9;
	s6 =	sadd.s32 @!p0 $0x88, s6;
	s7 =	simm.s32 @p2 $0x1082  }
0x22: {  	[simem:s7], [sflag:s8] =	dma.local @!p0 [hbm:s6], $0xF7A  }
0x23: {  	s9 =	sor.u32 $0xD0000000, s2;
	s6 =	simm.s32 $0x108;
	_ =	swait.ge @!p0 [sflag:s8], $0x0  }
0x24: {  	s3 =	sadd.s32 $0x88, s3;
	s6 =	simm.s32 @!p1 $0x1082;
	[sflag:s4] =	ssyncset.s32 $0xFFFFF086  }
0x25: {  	[simem:s6], [sflag:s4] =	dma.local [hbm:s3], $0xF7A  }
0x26: {  	[smem:$0x3F97] =	sst s1;
	(tag) =	ssettag s2;
	_ =	strace s9  }
0x27: {  	s1 =	sld [smem:$0x3FA7]  }
0x28: {  	s2 =	sld [smem:$0x3FA8]  }
0x29: {  	s4 =	sld [smem:$0x3FAA]  }
0x2a: {  	p0 =	seq.s32 s5, $0x0;
	s5 =	sld [smem:$0x3FAB]  }
0x2b: {  	s6 =	sld [smem:$0x3FAC]  }
0x2c: {  	s7 =	sld [smem:$0x3FAD]  }
0x2d: {  	s3 =	simm.s32 $0x108;
	s8 =	sld [smem:$0x3FAE]  }
0x2e: {  	s3 =	simm.s32 @!p0 $0x1082;
	s9 =	sld [smem:$0x3FAF]  }
0x2f: {  	lr =	sadd.s32 s0, s3;
	s0 =	sld [smem:$0x3FA6]  }
0x30: {  	s3 =	sld [smem:$0x3FA9]  }
0x31: {  	[smem:$0x3FB2] =	sst s10  }
0x32: {  	s10 =	sld [smem:$0x3FB0];
	_ =	sdelay $0x3  }
0x33: {  	p0 =	seq.s32 s10, $0x1;
	s10 =	sld [smem:$0x3FB2];
	_ =	sdelay $0x3  }
0x34: {  	[smem:$0x3FB2] =	sst s10  }
0x35: {  	s10 =	sld [smem:$0x3FB1];
	_ =	sdelay $0x3  }
0x36: {  	p1 =	seq.s32 s10, $0x1;
	s10 =	sld [smem:$0x3FB2];
	_ =	sdelay $0x3  }
0x37: {  	[smem:$0x3FB2] =	sst s10  }
0x38: {  	s10 =	sld [smem:$0x3FB3]  }
0x39: {  	_ = 	snop;
	(pc) =	sbr.ind lr, $3  }
0x3a: {  	_ = 	snop  }
0x3b: {  	_ = 	snop  }
0x3c: {  	p2 =	seq.s32 s10, $0x1;
	s10 =	sld [smem:$0x3FB2]  }
0x3d: {  	_ =	shalt  }
0x3e: {  	_ =	shalt  }
0x3f: {  	_ =	shalt  }
0x40: {  	_ =	shalt  }
0x41: {  	_ =	shalt  }
0x42: {  	_ =	shalt  }
0x43: {  	_ =	shalt  }
0x44: {  	_ =	shalt  }
0x45: {  	_ =	shalt  }
0x46: {  	_ =	shalt  }
0x47: {  	_ =	shalt  }
0x48: {  	_ =	shalt  }
0x49: {  	_ =	shalt  }
0x4a: {  	_ =	shalt  }
0x4b: {  	_ =	shalt  }
0x4c: {  	_ =	shalt  }
0x4d: {  	_ =	shalt  }
0x4e: {  	_ =	shalt  }
0x4f: {  	_ =	shalt  }
0x50: {  	_ =	shalt  }
0x51: {  	_ =	shalt  }
0x52: {  	_ =	shalt  }
0x53: {  	_ =	shalt  }
0x54: {  	_ =	shalt  }
0x55: {  	_ =	shalt  }
0x56: {  	_ =	shalt  }
0x57: {  	_ =	shalt  }
0x58: {  	_ =	shalt  }
0x59: {  	_ =	shalt  }
0x5a: {  	_ =	shalt  }
0x5b: {  	_ =	shalt  }
0x5c: {  	_ =	shalt  }
0x5d: {  	_ =	shalt  }
0x5e: {  	_ =	shalt  }
0x5f: {  	_ =	shalt  }
0x60: {  	_ =	shalt  }
0x61: {  	_ =	shalt  }
0x62: {  	_ =	shalt  }
0x63: {  	_ =	shalt  }
0x64: {  	_ =	shalt  }
0x65: {  	_ =	shalt  }
0x66: {  	_ =	shalt  }
0x67: {  	_ =	shalt  }
0x68: {  	_ =	shalt  }
0x69: {  	_ =	shalt  }
0x6a: {  	_ =	shalt  }
0x6b: {  	_ =	shalt  }
0x6c: {  	_ =	shalt  }
0x6d: {  	_ =	shalt  }
0x6e: {  	_ =	shalt  }
0x6f: {  	_ =	shalt  }
0x70: {  	_ =	shalt  }
0x71: {  	_ =	shalt  }
0x72: {  	_ =	shalt  }
0x73: {  	_ =	shalt  }
0x74: {  	_ =	shalt  }
0x75: {  	_ =	shalt  }
0x76: {  	_ =	shalt  }
0x77: {  	_ =	shalt  }
0x78: {  	_ =	shalt  }
0x79: {  	_ =	shalt  }
0x7a: {  	_ =	shalt  }
0x7b: {  	_ =	shalt  }
0x7c: {  	_ =	shalt  }
0x7d: {  	_ =	shalt  }
0x7e: {  	_ =	shalt  }
0x7f: {  	_ =	shalt  }
0x80: {  	_ =	shalt  }
0x81: {  	_ =	shalt  }
0x82: {  	_ =	shalt  }
0x83: {  	_ =	shalt  }
0x84: {  	_ =	shalt  }
0x85: {  	_ =	shalt  }
0x86: {  	_ =	shalt  }
0x87: {  	_ =	shalt  }
.Lfunc_end0:
.L_simem_size_0:
called_computation.3_lowered:
.L_overlay_start_0:
0x88: {  	s2 =	sld [smem:$0x3FD9]  }
0x89: {  	s3 =	sld [smem:$0x3FFE];
	_ =	sdelay $0x1  }
0x8a: {  	s1 =	srdreg.scid  }
0x8b: {  	s0 =	sand.u32 $0x1, s1  }
0x8c: {  	s16 =	sshll.u32 s0, $0xA;
	s2 =	sadd.s32 s3, s2  }
0x8d: {  	s2 =	sadd.s32 s2, s16  }
0x8e: {  	[smem:$0x3FBE] =	sst s2  }
0x8f: {  	_ = 	snop  }
0x90: {  	(tm) =	ssettm $0x1  }
0x91: {  	s17 =	sld [smem:$0x3FFB];
	_ =	sdelay $0x3  }
0x92: {  	_ =	strace s17  }
0x93: {  	s2 =	sld [smem:$0x3FFC];
	_ =	sdelay $0x3  }
0x94: {  	_ =	strace s2  }
0x95: {  	s2 =	sld [smem:$0x3FFD];
	_ =	sdelay $0x3  }
0x96: {  	_ =	strace s2  }
0x97: {  	_ =	strace $0x8FFFFFFF  }
0x98: {  	s18 =	sld [smem:$0x3FDB];
	_ =	sdelay $0x1  }
0x99: {  	s19 =	simm.s32 $_scs_section_size  }
0x9a: {  	s4 =	simm.s32 $_size__tile_overlayer_lowered;
	s5 =	simm.s32 $_tile_overlayer_lowered  }
0x9b: {  	s22 =	simm.s32 $0x1BFF;
	s21 =	sshll.u32 s5, $0x1;
	s2 =	sadd.s32 s19, s18  }
0x9c: {  	s6 =	simm.s32 $0x0;
	s20 =	sshll.u32 s4, $0x1;
	s4 =	sadd.s32 s21, s2  }
0x9d: {  	[timem:s6], [sflag:s22] =	dma.local [hbm:s4], s20  }
0x9e: {  	_ =	swait.ge [sflag:s22], s20  }
0x9f: {  	s3 =	ssub.s32 $0x0, s20;
	[sflag:s22] =	ssyncset.done $0x0  }
0xa0: {  	[sflag:s22] =	ssyncadd.s32 s3;
	_ =	sdelay $0x1  }
0xa1: {  	s23 =	simm.s32 $0x1B8B  }
0xa2: {  	_ =	swait.ge [sflag:s23], $0x1  }
0xa3: {  	[sflag:s23] =	ssyncset.done $0x0  }
0xa4: {  	s25 =	simm.s32 $0x1B8E;
	s24 =	sld [smem:$0x3FFE];
	[sflag:s23] =	ssyncadd.s32 $0xFFFFFFFF  }
0xa5: {  	s26 =	simm.s32 $execute0_lowered;
	[smem:$0x3FD2] =	sst s25  }
0xa6: {  	s4 =	sshll.u32 s26, $0x1;
	_ =	strace $0x8000004C;
	[dreg:$0x1] =	wrdreg $0xFFFFFFFF  }
0xa7: {  	s28 =	simm.s32 $_size_execute0_lowered;
	s2 =	sadd.s32 s2, s4;
	[dreg:$0x0] =	wrdreg $0x0  }
0xa8: {  	s4 =	sshll.u32 s28, $0x1;
	[dreg:$0x2] =	wrdreg s2  }
0xa9: {  	[dreg:$0x3] =	wrdreg s4  }
0xaa: {  	[dreg:$0x4] =	wrdreg $0xC0  }
0xab: {  	_ =	task [dreg:s6], $0x5FFFF  }
0xac: {  	[dreg:$0x1] =	wrdreg $0xFFFFFFFF  }
0xad: {  	[dreg:$0x0] =	wrdreg $0x60  }
0xae: {  	[dreg:$0x2] =	wrdreg s24  }
0xaf: {  	[dreg:$0x3] =	wrdreg $0xA  }
0xb0: {  	_ =	task.clear_ibuf [dreg:s6], $0x4FFFF;
	_ =	strace $0x9000004C  }
0xb1: {  	s29 =	simm.s32 $0xA;
	_ =	strace $0x8000004E  }
0xb2: {  	_ =	swait.ge [sflag:s29], $0x1  }
0xb3: {  	[sflag:s29] =	ssyncadd.s32 $0xFFFFFFFF  }
0xb4: {  	_ =	strace $0x9000004E  }
0xb5: {  	_ =	sfence  }
0xb6: {  	s30 =	sld [smem:$0x0];
	_ =	sdelay $0x2  }
0xb7: {  	s31 =	sshll.u32 s1, $0xD;
	s1 =	sshrl.u32 s1, $0x2  }
0xb8: {  	s3 =	sand.u32 $0x4000, s31;
	s1 =	sadd.s32 s1, s30  }
0xb9: {  	s0 =	sor.u32 s3, s0;
	s1 =	sshll.u32 s1, $0x11  }
0xba: {  	s0 =	sor.u32 s1, s0  }
0xbb: {  	s0 =	sadd.s32 $0x8F2B, s0  }
0xbc: {  	[sflag:s0] =	ssyncadd.remote.s32 $0x1  }
0xbd: {  	_ =	sfence.sel $0xFFFF  }
0xbe: {  	[dreg:$0x0] =	wrdreg $0xFFFFFFFF;
	(pc) =	sbr.abs _section_cstart, $3  }
0xbf: {  	[dreg:$0x1] =	wrdreg $0xFFFFFFFF  }
0xc0: {  	_ =	task.clear_ibuf [dreg:s6], $0x2FFFF;
	_ =	strace $0x9FFFFFFF  }
0xc1: {  	(tm) =	ssettm $0x7FFFFFFF  }
tec
execute0_lowered:
.L_overlay_start_1:
0x0: {  	(tag) =	ssettag $0x1  }
0x1: {  	s1 =	srdreg.scid  }
0x2: {  	s0 =	stileid.u32;
	s3 =	rddreg [dreg:$0x0]  }
0x3: {  	s2 =	simm.s32 $0x0;
	s9 =	simm.s32 $0xA00;
	s10 =	simm.s32 $0x4A00  }
0x4: {  	s11 =	simm.s32 $0x8A00;
	s12 =	simm.s32 $0xCA00;
	s13 =	simm.s32 $0x10A00  }
0x5: {  	s14 =	simm.s32 $0x1;
	s15 =	simm.s32 $0x0;
	s4 =	sand.u32 $0x1, s1  }
0x6: {  	s5 =	sshll.u32 s0, $0x1;
	s1 =	rddreg [dreg:$0x1];
	s6 =	smul.u32 $0x14000, s0  }
0x7: {  	s5 =	sor.u32 s4, s5;
	s7 =	ssub.s32 $0x2, s4;
	s4 =	smul.u32 $0xA000, s4  }
0x8: {  	[smem:$0x7FF] =	sst s2;
	s5 =	smul.u32 $0xA00, s5;
	s8 =	sshrl.u32 s7, $0x1  }
0x9: {  	_ =	strace $0x8000004D;
	s6 =	sadd.s32 s6, s3;
	s7 =	ssub.s32 s7, s8  }
0xa: {  	s6 =	sadd.s32 s4, s6;
	s8 =	simm.s32 $0x80;
	s5 =	sshrl.u32 s5, $0x3  }
0xb: {  	s6 =	sadd.s32 $0x36E00, s6;
	s5 =	sadd.s32 s5, s3;
	s3 =	sadd.s32 $0x14E00, s3  }
0xc: {  	s4 =	sadd.s32 $0x12600, s5;
	s5 =	smax.u32 s7, $0x1;
	s7 =	simm.s32 $0x2  }
.LBB2_1:
0xd: {  	[tilespmem:s2], [sflag:$0x2] =	stream.linear.gather [hbm4b:s4+s2], $0xA00, $0x38;
	[tilespmem:$0x14A00] =	vst v63  }
0xe: {  	_ =	swait.ge [sflag:s7], $0xA00  }
0xf: {  	[sflag:s7] =	ssyncset.done $0x0  }
0x10: {  	s16 =	simm.s32 $0x0;
	[sflag:s7] =	ssyncadd.s32 $0xFFFFF600  }
0x11: {  	[tilespmem:s9], [sflag:$0x1] =	stream.indirect.gather [hbm4b:s3+s8], $0x80, s16, s8, $0xb8;
	[tilespmem:$0x14A00] =	vst v63  }
0x12: {  	s23 =	simm.s32 $0x80  }
0x13: {  	[tilespmem:s10], [sflag:$0x1] =	stream.indirect.gather [hbm4b:s3+s8], $0x80, s23, s8, $0xb8;
	[tilespmem:$0x14A00] =	vst v63  }
0x14: {  	s24 =	simm.s32 $0x100  }
0x15: {  	[tilespmem:s11], [sflag:$0x1] =	stream.indirect.gather [hbm4b:s3+s8], $0x80, s24, s8, $0xb8;
	[tilespmem:$0x14A00] =	vst v63  }
0x16: {  	s25 =	simm.s32 $0x180  }
0x17: {  	[tilespmem:s12], [sflag:$0x1] =	stream.indirect.gather [hbm4b:s3+s8], $0x80, s25, s8, $0xb8;
	[tilespmem:$0x14A00] =	vst v63  }
0x18: {  	s26 =	simm.s32 $0x200  }
0x19: {  	[tilespmem:s13], [sflag:$0x1] =	stream.indirect.gather [hbm4b:s3+s8], $0x80, s26, s8, $0xb8;
	[tilespmem:$0x14A00] =	vst v63  }
0x1a: {  	_ =	swait.ge [sflag:s14], $0x4000  }
0x1b: {  	[sflag:s14] =	ssyncset.done $0x0  }
0x1c: {  	[sflag:s14] =	ssyncadd.s32 $0xFFFFC000  }
0x1d: {  	_ =	swait.ge [sflag:s14], $0x4000  }
0x1e: {  	[sflag:s14] =	ssyncset.done $0x0  }
0x1f: {  	[sflag:s14] =	ssyncadd.s32 $0xFFFFC000  }
0x20: {  	_ =	swait.ge [sflag:s14], $0x4000  }
0x21: {  	[sflag:s14] =	ssyncset.done $0x0  }
0x22: {  	[sflag:s14] =	ssyncadd.s32 $0xFFFFC000  }
0x23: {  	_ =	swait.ge [sflag:s14], $0x4000  }
0x24: {  	[sflag:s14] =	ssyncset.done $0x0  }
0x25: {  	[sflag:s14] =	ssyncadd.s32 $0xFFFFC000  }
0x26: {  	_ =	swait.ge [sflag:s14], $0x4000  }
0x27: {  	[sflag:s14] =	ssyncset.done $0x0  }
0x28: {  	s28 =	sadd.s32 $0xFFFFE000, s6;
	[sflag:s14] =	ssyncadd.s32 $0xFFFFC000  }
0x29: {  	[hbm4b:s28+s2] =	stream.linear.scatter [tilespmem:s9], [sflag:$0x2], $0x4000, $0x38;
	[tilespmem:$0x14A00] =	vst v63  }
0x2a: {  	_ =	swait.ge [sflag:s7], $0x4000  }
0x2b: {  	[sflag:s7] =	ssyncset.done $0x0  }
0x2c: {  	s29 =	sadd.s32 $0xFFFFE800, s6;
	[sflag:s7] =	ssyncadd.s32 $0xFFFFC000  }
0x2d: {  	[hbm4b:s29+s2] =	stream.linear.scatter [tilespmem:s10], [sflag:$0x2], $0x4000, $0x38;
	[tilespmem:$0x14A00] =	vst v63  }
0x2e: {  	_ =	swait.ge [sflag:s7], $0x4000  }
0x2f: {  	[sflag:s7] =	ssyncset.done $0x0  }
0x30: {  	s30 =	sadd.s32 $0xFFFFF000, s6;
	[sflag:s7] =	ssyncadd.s32 $0xFFFFC000  }
0x31: {  	[hbm4b:s30+s2] =	stream.linear.scatter [tilespmem:s11], [sflag:$0x2], $0x4000, $0x38;
	[tilespmem:$0x14A00] =	vst v63  }
0x32: {  	_ =	swait.ge [sflag:s7], $0x4000  }
0x33: {  	[sflag:s7] =	ssyncset.done $0x0  }
0x34: {  	s31 =	sadd.s32 $0xFFFFF800, s6;
	[sflag:s7] =	ssyncadd.s32 $0xFFFFC000  }
0x35: {  	[hbm4b:s31+s2] =	stream.linear.scatter [tilespmem:s12], [sflag:$0x2], $0x4000, $0x38;
	[tilespmem:$0x14A00] =	vst v63  }
0x36: {  	_ =	swait.ge [sflag:s7], $0x4000  }
0x37: {  	[sflag:s7] =	ssyncset.done $0x0  }
0x38: {  	[sflag:s7] =	ssyncadd.s32 $0xFFFFC000  }
0x39: {  	[hbm4b:s6+s2] =	stream.linear.scatter [tilespmem:s13], [sflag:$0x2], $0x4000, $0x38;
	[tilespmem:$0x14A00] =	vst v63  }
0x3a: {  	s17 =	simm.s32 $0xA00;
	_ =	swait.ge [sflag:s7], $0x4000  }
0x3b: {  	s19 =	simm.s32 $0x1400;
	s16 =	sadd.s32 $0x2800, s6;
	[sflag:s7] =	ssyncset.done $0x0  }
.LBB2_2:
0x3c: {  	s20 =	sshra.s32 s17, $0x2  }
0x3d: {  	[sflag:s7] =	ssyncadd.s32 $0xFFFFC000;
	s17 =	smov.u32 s19;
	s18 =	sadd.s32 $0xA00, s19  }
0x3e: {  	[tilespmem:s9], [sflag:$0x1] =	stream.indirect.gather [hbm4b:s3+s8], $0x80, s20, s8, $0xb8;
	[tilespmem:$0x14A00] =	vst v63  }
0x3f: {  	p0 =	sne.s32 s19, $0x1E00;
	s19 =	sadd.s32 $0x80, s20  }
0x40: {  	[tilespmem:s10], [sflag:$0x1] =	stream.indirect.gather [hbm4b:s3+s8], $0x80, s19, s8, $0xb8;
	[tilespmem:$0x14A00] =	vst v63  }
0x41: {  	s19 =	sadd.s32 $0x100, s20  }
0x42: {  	[tilespmem:s11], [sflag:$0x1] =	stream.indirect.gather [hbm4b:s3+s8], $0x80, s19, s8, $0xb8;
	[tilespmem:$0x14A00] =	vst v63  }
0x43: {  	s19 =	sadd.s32 $0x180, s20  }
0x44: {  	[tilespmem:s12], [sflag:$0x1] =	stream.indirect.gather [hbm4b:s3+s8], $0x80, s19, s8, $0xb8;
	[tilespmem:$0x14A00] =	vst v63  }
0x45: {  	s19 =	sadd.s32 $0x200, s20  }
0x46: {  	[tilespmem:s13], [sflag:$0x1] =	stream.indirect.gather [hbm4b:s3+s8], $0x80, s19, s8, $0xb8;
	[tilespmem:$0x14A00] =	vst v63  }
0x47: {  	_ =	swait.ge [sflag:s14], $0x4000  }
0x48: {  	[sflag:s14] =	ssyncset.done $0x0  }
0x49: {  	[sflag:s14] =	ssyncadd.s32 $0xFFFFC000  }
0x4a: {  	_ =	swait.ge [sflag:s14], $0x4000  }
0x4b: {  	[sflag:s14] =	ssyncset.done $0x0  }
0x4c: {  	[sflag:s14] =	ssyncadd.s32 $0xFFFFC000  }
0x4d: {  	_ =	swait.ge [sflag:s14], $0x4000  }
0x4e: {  	[sflag:s14] =	ssyncset.done $0x0  }
0x4f: {  	[sflag:s14] =	ssyncadd.s32 $0xFFFFC000  }
0x50: {  	_ =	swait.ge [sflag:s14], $0x4000  }
0x51: {  	[sflag:s14] =	ssyncset.done $0x0  }
0x52: {  	[sflag:s14] =	ssyncadd.s32 $0xFFFFC000  }
0x53: {  	_ =	swait.ge [sflag:s14], $0x4000  }
0x54: {  	[sflag:s14] =	ssyncset.done $0x0  }
0x55: {  	s19 =	sadd.s32 $0xFFFFE000, s16;
	[sflag:s14] =	ssyncadd.s32 $0xFFFFC000  }
0x56: {  	[hbm4b:s19+s2] =	stream.linear.scatter [tilespmem:s9], [sflag:$0x2], $0x4000, $0x38;
	[tilespmem:$0x14A00] =	vst v63  }
0x57: {  	_ =	swait.ge [sflag:s7], $0x4000  }
0x58: {  	[sflag:s7] =	ssyncset.done $0x0  }
0x59: {  	s19 =	sadd.s32 $0xFFFFE800, s16;
	[sflag:s7] =	ssyncadd.s32 $0xFFFFC000  }
0x5a: {  	[hbm4b:s19+s2] =	stream.linear.scatter [tilespmem:s10], [sflag:$0x2], $0x4000, $0x38;
	[tilespmem:$0x14A00] =	vst v63  }
0x5b: {  	_ =	swait.ge [sflag:s7], $0x4000  }
0x5c: {  	[sflag:s7] =	ssyncset.done $0x0  }
0x5d: {  	s19 =	sadd.s32 $0xFFFFF000, s16;
	[sflag:s7] =	ssyncadd.s32 $0xFFFFC000  }
0x5e: {  	[hbm4b:s19+s2] =	stream.linear.scatter [tilespmem:s11], [sflag:$0x2], $0x4000, $0x38;
	[tilespmem:$0x14A00] =	vst v63  }
0x5f: {  	_ =	swait.ge [sflag:s7], $0x4000  }
0x60: {  	[sflag:s7] =	ssyncset.done $0x0  }
0x61: {  	s19 =	sadd.s32 $0xFFFFF800, s16;
	[sflag:s7] =	ssyncadd.s32 $0xFFFFC000  }
0x62: {  	[hbm4b:s19+s2] =	stream.linear.scatter [tilespmem:s12], [sflag:$0x2], $0x4000, $0x38;
	[tilespmem:$0x14A00] =	vst v63  }
0x63: {  	_ =	swait.ge [sflag:s7], $0x4000  }
.Ltmp0:
0x64: {  	[sflag:s7] =	ssyncset.done $0x0;
	(pc) =	sbr.rel @p0 .LBB2_2-.Ltmp0, $4  }
0x65: {  	[sflag:s7] =	ssyncadd.s32 $0xFFFFC000  }
0x66: {  	[hbm4b:s16+s2] =	stream.linear.scatter [tilespmem:s13], [sflag:$0x2], $0x4000, $0x38;
	[tilespmem:$0x14A00] =	vst v63  }
0x67: {  	_ =	swait.ge [sflag:s7], $0x4000  }
0x68: {  	s19 =	smov.u32 s18;
	s16 =	sadd.s32 $0x2800, s16;
	[sflag:s7] =	ssyncset.done $0x0  }
0x69: {  	s17 =	sshra.s32 s17, $0x2;
	[sflag:s7] =	ssyncadd.s32 $0xFFFFC000  }
0x6a: {  	[tilespmem:s9], [sflag:$0x1] =	stream.indirect.gather [hbm4b:s3+s8], $0x80, s17, s8, $0xb8;
	[tilespmem:$0x14A00] =	vst v63  }
0x6b: {  	s18 =	sadd.s32 $0x80, s17  }
0x6c: {  	[tilespmem:s10], [sflag:$0x1] =	stream.indirect.gather [hbm4b:s3+s8], $0x80, s18, s8, $0xb8;
	[tilespmem:$0x14A00] =	vst v63  }
0x6d: {  	s25 =	sadd.s32 $0x100, s17  }
0x6e: {  	[tilespmem:s11], [sflag:$0x1] =	stream.indirect.gather [hbm4b:s3+s8], $0x80, s25, s8, $0xb8;
	[tilespmem:$0x14A00] =	vst v63  }
0x6f: {  	s26 =	sadd.s32 $0x180, s17  }
0x70: {  	[tilespmem:s12], [sflag:$0x1] =	stream.indirect.gather [hbm4b:s3+s8], $0x80, s26, s8, $0xb8;
	[tilespmem:$0x14A00] =	vst v63  }
0x71: {  	s17 =	sadd.s32 $0x200, s17  }
0x72: {  	[tilespmem:s13], [sflag:$0x1] =	stream.indirect.gather [hbm4b:s3+s8], $0x80, s17, s8, $0xb8;
	[tilespmem:$0x14A00] =	vst v63  }
0x73: {  	_ =	swait.ge [sflag:s14], $0x4000  }
0x74: {  	[sflag:s14] =	ssyncset.done $0x0  }
0x75: {  	[sflag:s14] =	ssyncadd.s32 $0xFFFFC000  }
0x76: {  	_ =	swait.ge [sflag:s14], $0x4000  }
0x77: {  	[sflag:s14] =	ssyncset.done $0x0  }
0x78: {  	[sflag:s14] =	ssyncadd.s32 $0xFFFFC000  }
0x79: {  	_ =	swait.ge [sflag:s14], $0x4000  }
0x7a: {  	[sflag:s14] =	ssyncset.done $0x0  }
0x7b: {  	[sflag:s14] =	ssyncadd.s32 $0xFFFFC000  }
0x7c: {  	_ =	swait.ge [sflag:s14], $0x4000  }
0x7d: {  	[sflag:s14] =	ssyncset.done $0x0  }
0x7e: {  	[sflag:s14] =	ssyncadd.s32 $0xFFFFC000  }
0x7f: {  	_ =	swait.ge [sflag:s14], $0x4000  }
0x80: {  	[sflag:s14] =	ssyncset.done $0x0  }
0x81: {  	s28 =	sadd.s32 $0xFFFFE000, s16;
	[sflag:s14] =	ssyncadd.s32 $0xFFFFC000  }
0x82: {  	[hbm4b:s28+s2] =	stream.linear.scatter [tilespmem:s9], [sflag:$0x2], $0x4000, $0x38;
	[tilespmem:$0x14A00] =	vst v63  }
0x83: {  	_ =	swait.ge [sflag:s7], $0x4000  }
0x84: {  	[sflag:s7] =	ssyncset.done $0x0  }
0x85: {  	s29 =	sadd.s32 $0xFFFFE800, s16;
	[sflag:s7] =	ssyncadd.s32 $0xFFFFC000  }
0x86: {  	[hbm4b:s29+s2] =	stream.linear.scatter [tilespmem:s10], [sflag:$0x2], $0x4000, $0x38;
	[tilespmem:$0x14A00] =	vst v63  }
0x87: {  	_ =	swait.ge [sflag:s7], $0x4000  }
0x88: {  	[sflag:s7] =	ssyncset.done $0x0  }
0x89: {  	s30 =	sadd.s32 $0xFFFFF000, s16;
	[sflag:s7] =	ssyncadd.s32 $0xFFFFC000  }
0x8a: {  	[hbm4b:s30+s2] =	stream.linear.scatter [tilespmem:s11], [sflag:$0x2], $0x4000, $0x38;
	[tilespmem:$0x14A00] =	vst v63  }
0x8b: {  	_ =	swait.ge [sflag:s7], $0x4000  }
0x8c: {  	[sflag:s7] =	ssyncset.done $0x0  }
0x8d: {  	s31 =	sadd.s32 $0xFFFFF800, s16;
	[sflag:s7] =	ssyncadd.s32 $0xFFFFC000  }
0x8e: {  	[hbm4b:s31+s2] =	stream.linear.scatter [tilespmem:s12], [sflag:$0x2], $0x4000, $0x38;
	[tilespmem:$0x14A00] =	vst v63  }
0x8f: {  	s15 =	sadd.s32 $0x1, s15;
	_ =	swait.ge [sflag:s7], $0x4000  }
0x90: {  	p0 =	sne.s32 s15, s5;
	[sflag:s7] =	ssyncset.done $0x0  }
.Ltmp1:
0x91: {  	[sflag:s7] =	ssyncadd.s32 $0xFFFFC000;
	(pc) =	sbr.rel @p0 .LBB2_1-.Ltmp1, $4  }
0x92: {  	[hbm4b:s16+s2] =	stream.linear.scatter [tilespmem:s13], [sflag:$0x2], $0x4000, $0x38;
	[tilespmem:$0x14A00] =	vst v63  }
0x93: {  	_ =	swait.ge [sflag:s7], $0x4000  }
0x94: {  	[sflag:s7] =	ssyncset.done $0x0  }
0x95: {  	[sflag:s7] =	ssyncadd.s32 $0xFFFFC000  }
0x96: {  	_ =	sfence.sel $0x180000  }
0x97: {  	[bflag:$0x0] =	sbarrier.arrive $0xFFFF  }
0x98: {  	p0 =	sne.s32 s0, $0x0;
	_ =	strace $0x9000004D  }
0x99: {  	s0 =	sadd.s32 @!p0 $0x100000, s1;
	[bflag:$0x2] =	sbarrier.arrive $0xFFFF  }
0x9a: {  	[sflag:s0] =	ssyncadd.tile.s32 @!p0 $0x1;
	_ =	shalt  }
.Lfunc_end2:
_tile_overlayer_lowered:
.L_overlay_start_2:
0x9b: {  	(tag) =	ssettag $0x2  }
0x9c: {  	s0 =	rddreg [dreg:$0x0];
	s2 =	stileid.u32  }
0x9d: {  	s1 =	rddreg [dreg:$0x1];
	p0 =	sne.s32 s2, $0x0  }
0x9e: {  	s3 =	rddreg [dreg:$0x2];
	[bflag:$0x3] =	sbarrier.arrive $0xFFFF;
	s2 =	simm.s32 @!p0 $0x1C02  }
0x9f: {  	[timem:s3], [sflag:s2] =	dma.local @!p0 [hbm:s0], s1  }
0xa0: {  	s0 =	simm.s32 @!p0 $0x2  }
0xa1: {  	_ =	swait.ge @!p0 [sflag:s0], s1  }
0xa2: {  	s1 =	ssub.s32 @!p0 $0x0, s1;
	[sflag:s0] =	ssyncset.done @!p0 $0x0  }
0xa3: {  	[sflag:s0] =	ssyncadd.s32 @!p0 s1  }
0xa4: {  	[bflag:$0x3] =	sbarrier.arrive $0xFFFF  }
0xa5: {  	_ =	shalt  }

</sc_bundles>
